<compile_context>
chip_gen: v7x
topology: tpu7x:2x2x1
jax: 0.10.2.dev20260603
libtpu: 0.0.44.dev20260713+nightly
codegen_flags: <defaults>
</compile_context>

<pallas_src>
import functools

import jax
import jax.numpy as jnp
from jax import lax
from jax.experimental import pallas as pl
from jax.experimental.pallas import tpu as pltpu
from jax.experimental.pallas import tpu_sc as plsc

LB = 128
DET_COLS = 6400


@functools.lru_cache(maxsize=None)
def _make_detile(V, D):
    n_steps = (V + DET_COLS - 1) // DET_COLS

    def body(x_ref, o_ref):
        eye = (
            lax.broadcasted_iota(jnp.int32, (D, D), 0)
            == lax.broadcasted_iota(jnp.int32, (D, D), 1)
        ).astype(jnp.float32)
        t = lax.dot_general(
            x_ref[...],
            eye,
            (((0,), (0,)), ((), ())),
            precision=lax.Precision.HIGHEST,
        ).reshape(DET_COLS // 2, 2, D)
        o_ref[:, 0:D] = t[:, 0, :]
        o_ref[:, D : 2 * D] = t[:, 1, :]

    return pl.pallas_call(
        body,
        grid=(n_steps,),
        in_specs=[pl.BlockSpec((D, DET_COLS), lambda i: (0, i))],
        out_specs=pl.BlockSpec((DET_COLS // 2, 2 * D), lambda i: (i, 0)),
        out_shape=jax.ShapeDtypeStruct((V // 2, 2 * D), jnp.float32),
        compiler_params=pltpu.CompilerParams(
            dimension_semantics=("arbitrary",)
        ),
    )


@functools.lru_cache(maxsize=None)
def _make_gather(Bt, H, D):
    info = plsc.get_sparse_core_info()
    NC, NS = info.num_cores, info.num_subcores
    NW = NC * NS
    assert Bt % LB == 0 and Bt // LB == NW and D % 8 == 0 and H % 2 == 0
    JG = D // 8
    TILE_F = 8 * LB
    D2 = 2 * D
    mesh = plsc.VectorSubcoreMesh(core_axis_name="c", subcore_axis_name="s")

    @functools.partial(
        pl.kernel,
        mesh=mesh,
        out_type=jax.ShapeDtypeStruct((H, JG, NW, TILE_F), jnp.float32),
        scratch_types=[
            pltpu.VMEM((H, LB), jnp.int32),
            pltpu.VMEM((H, LB), jnp.int32),
            pltpu.VMEM((2, LB), jnp.int32),
            pltpu.VMEM((2, LB, D2), jnp.float32),
            pltpu.VMEM((2, JG * TILE_F), jnp.float32),
            pltpu.SemaphoreType.DMA((2,)),
            pltpu.SemaphoreType.DMA((2,)),
        ],
        compiler_params=pltpu.CompilerParams(
            use_tc_tiling_on_sc=False, needs_layout_passes=False
        ),
    )
    def gather_kernel(
        idxT_hbm, table_hbm, out_hbm, idx_v, pair_v, cur_v, rows_v, tiles_v, gsem, wsem
    ):
        wid = lax.axis_index("s") * NC + lax.axis_index("c")
        iota = lax.iota(jnp.int32, 16)

        pltpu.sync_copy(idxT_hbm.at[:, pl.ds(wid * LB, LB)], idx_v)

        def mkpair(h, carry):
            for k in range(LB // 16):
                pair_v[h, pl.ds(16 * k, 16)] = idx_v[h, pl.ds(16 * k, 16)] >> 1
            return carry

        lax.fori_loop(0, H, mkpair, 0)

        def gather_start(h, p):
            pltpu.async_copy(table_hbm.at[pair_v.at[h]], rows_v.at[p], gsem.at[p])

        def gather_wait(p):
            pltpu.make_async_copy(
                table_hbm.at[pair_v.at[0]], rows_v.at[p], gsem.at[p]
            ).wait()

        def write_start(h, p):
            for jg in range(JG):
                pltpu.async_copy(
                    tiles_v.at[p, pl.ds(jg * TILE_F, TILE_F)],
                    out_hbm.at[h, jg, wid],
                    wsem.at[p],
                )

        def write_wait(p):
            for jg in range(JG):
                pltpu.make_async_copy(
                    tiles_v.at[p, pl.ds(jg * TILE_F, TILE_F)],
                    out_hbm.at[0, jg, wid],
                    wsem.at[p],
                ).wait()

        def transpose(p):
            base = []
            for k in range(LB // 16):
                par = cur_v[p, pl.ds(16 * k, 16)] & 1
                base.append(par * D)
            blv = [iota + 16 * k for k in range(LB // 16)]

            def col8(c0, carry):
                for dc in range(8):
                    c = c0 * 8 + dc
                    off = (c // 8) * TILE_F + (c % 8) * LB
                    for k in range(LB // 16):
                        v = plsc.load_gather(
                            rows_v.at[p], [blv[k], base[k] + c]
                        )
                        tiles_v[p, pl.ds(off + 16 * k, 16)] = v
                return carry

            lax.fori_loop(0, D // 8, col8, 0)

        gather_start(0, 0)
        gather_start(1, 1)

        def step(h, carry):
            for p in (0, 1):
                hh = h + p
                gather_wait(p)
                pltpu.sync_copy(
                    idxT_hbm.at[hh, pl.ds(wid * LB, LB)], cur_v.at[p]
                )

                @pl.when(hh >= 2)
                def _():
                    write_wait(p)

                transpose(p)
                write_start(hh, p)

                @pl.when(hh + 2 < H)
                def _():
                    gather_start(hh + 2, p)

            return carry

        lax.fori_loop(0, H // 2, lambda o, c: step(o * 2, c), 0)
        write_wait(0)
        write_wait(1)

    return gather_kernel


def kernel(input, emb):
    Bt, H = input.shape
    V, D = emb.shape
    table2 = _make_detile(V, D)(emb.T)
    idxT = input.T.astype(jnp.int32)
    outT = _make_gather(Bt, H, D)(idxT, table2)
    return (
        outT.reshape(H, D // 8, Bt // LB, 8, LB)
        .transpose(2, 4, 0, 1, 3)
        .reshape(Bt, H, D)
    )

# --- scband reference (transcript-rebuilt; emitter-appended) ---
"""Pipeline reference for scband-embedding-9698036154930 (READ-ONLY COPY).

The authoritative reference and input builder live on the scoring server;
editing this copy changes nothing except your own understanding.
"""

import jax, jax.numpy as jnp
import numpy as np

VOCAB = 1000000
EMBED_DIM = 64
BATCH = 4096
HIST = 50

def setup_inputs(seed: int = 0) -> dict:
    key = jax.random.key(seed)
    k1, k2 = jax.random.split(key)
    inp = jax.random.randint(k1, (BATCH, HIST), 0, VOCAB, dtype=jnp.int64 if jax.config.jax_enable_x64 else jnp.int32)
    emb = jax.random.normal(k2, (VOCAB, EMBED_DIM), dtype=jnp.float32) * 0.02
    return {"input": inp, "emb": emb}

def reference(input, emb):
    # F.embedding(input, emb) -> gather rows of emb by input ids
    # scalar is None and all_gather is False in this configuration
    output = jnp.take(emb, input, axis=0)
    return output

if __name__ == "__main__":
    import jax
    _d = setup_inputs()
    print(jax.jit(kernel)(*tuple(_d.values())))

</pallas_src>

<mosaic_0001>
#map = affine_map<(d0, d1) -> (0, 0)>
#map1 = affine_map<(d0, d1) -> (0, 0, 0, 0)>
module attributes {stable_mosaic.version = 14 : i64} {
  func.func @gather_kernel(%arg0: i32, %arg1: i32, %arg2: memref<50x4096xi32, #tpu.memory_space<hbm>>, %arg3: memref<500000x128xf32, #tpu.memory_space<hbm>>, %arg4: memref<50x8x32x1024xf32, #tpu.memory_space<hbm>>, %arg5: memref<50x128xi32, #tpu.memory_space<vmem>>, %arg6: memref<50x128xi32, #tpu.memory_space<vmem>>, %arg7: memref<2x128xi32, #tpu.memory_space<vmem>>, %arg8: memref<2x128x128xf32, #tpu.memory_space<vmem>>, %arg9: memref<2x8192xf32, #tpu.memory_space<vmem>>, %arg10: memref<2x!tpu.dma_semaphore, #tpu.memory_space<semaphore_mem>>, %arg11: memref<2x!tpu.dma_semaphore, #tpu.memory_space<semaphore_mem>>) attributes {dimension_semantics = [#tpu.dimension_semantics<core_parallel>, #tpu.dimension_semantics<subcore_parallel>], iteration_bounds = array<i64: 2, 16>, scalar_prefetch = 0 : i64, scratch_operands = 7 : i64, tpu.core_type = #tpu.core_type<sc_vector_subcore>, window_params = [{transform_indices = #map}, {transform_indices = #map}, {transform_indices = #map1}]} {
    %mul3A = arith.constant 2 : i32
    %mul3A_0 = arith.muli %arg1, %mul3A : i32
    %add3A = arith.addi %mul3A_0, %arg0 : i32
    %iota3A = tpu.iota {dimensions = array<i32: 0>} : vector<16xi32>
    %mul3A_1 = arith.constant 128 : i32
    %mul3A_2 = arith.muli %add3A, %mul3A_1 : i32
    "tpu.region"() ({
      %run_scoped3A = tpu.sem_alloc : memref<!tpu.dma_semaphore, #tpu.memory_space<semaphore_mem>>
      %dma_start3A_330 = arith.constant 0 : i32
      %dma_start3A_331 = tpu.memref_slice %arg2[%dma_start3A_330, %mul3A_2] : memref<50x4096xi32, #tpu.memory_space<hbm>> -> memref<50x128xi32, #tpu.memory_space<hbm>>
      %dma_start3A_332 = arith.constant 0 : i32
      %dma_start3A_333 = tpu.memref_slice %arg2[%dma_start3A_332, %mul3A_2] : memref<50x4096xi32, #tpu.memory_space<hbm>> -> memref<50x128xi32, #tpu.memory_space<hbm>>
      tpu.enqueue_dma source(%dma_start3A_333 : memref<50x128xi32, #tpu.memory_space<hbm>>) target(%arg5 : memref<50x128xi32, #tpu.memory_space<vmem>>) target_semaphore(%run_scoped3A : memref<!tpu.dma_semaphore, #tpu.memory_space<semaphore_mem>>)
      %dma_wait3A_334 = arith.constant 0 : i32
      %dma_wait3A_335 = tpu.memref_slice %arg2[%dma_wait3A_334, %mul3A_2] : memref<50x4096xi32, #tpu.memory_space<hbm>> -> memref<50x128xi32, #tpu.memory_space<hbm>>
      %dma_wait3A_336 = arith.constant 0 : i32
      %dma_wait3A_337 = tpu.memref_slice %arg2[%dma_wait3A_336, %mul3A_2] : memref<50x4096xi32, #tpu.memory_space<hbm>> -> memref<50x128xi32, #tpu.memory_space<hbm>>
      tpu.wait_dma2 semaphore(%run_scoped3A : memref<!tpu.dma_semaphore, #tpu.memory_space<semaphore_mem>>) src(%dma_wait3A_337 : memref<50x128xi32, #tpu.memory_space<hbm>>) dst(%arg5 : memref<50x128xi32, #tpu.memory_space<vmem>>)
      tpu.yield
    }) : () -> ()
    %scan3A = arith.constant 0 : i32
    %scan3A_3 = arith.constant 0 : i32
    %scan3A_4 = arith.constant 50 : i32
    %scan3A_5 = arith.addi %scan3A_3, %scan3A_4 : i32
    %scan3A_6 = arith.constant 1 : i32
    scf.for %scan3A_330 = %scan3A_3 to %scan3A_5 step %scan3A_6  : i32 {
      %get3A = arith.index_cast %scan3A_330 : i32 to index
      %get3A_331 = arith.constant 0 : index
      %get3A_332 = tpu.vector_load %arg5[%get3A, %get3A_331] {strides = array<i32>} : memref<50x128xi32, #tpu.memory_space<vmem>>, vector<16xi32>,
      %shift_right_arithmetic3A = arith.constant 1 : i32
      %shift_right_arithmetic3A_333 = vector.broadcast %shift_right_arithmetic3A : i32 to vector<16xi32>
      %shift_right_arithmetic3A_334 = arith.shrsi %get3A_332, %shift_right_arithmetic3A_333 : vector<16xi32>
      %swap3A = arith.index_cast %scan3A_330 : i32 to index
      %swap3A_335 = arith.constant 0 : index
      %swap3A_336 = tpu.vector_load %arg6[%swap3A, %swap3A_335] {strides = array<i32>} : memref<50x128xi32, #tpu.memory_space<vmem>>, vector<16xi32>,
      tpu.vector_store %arg6[%swap3A, %swap3A_335], %shift_right_arithmetic3A_334 {strides = array<i32>} : memref<50x128xi32, #tpu.memory_space<vmem>>, vector<16xi32>,
      %get3A_337 = arith.index_cast %scan3A_330 : i32 to index
      %get3A_338 = arith.constant 16 : index
      %get3A_339 = tpu.vector_load %arg5[%get3A_337, %get3A_338] {strides = array<i32>} : memref<50x128xi32, #tpu.memory_space<vmem>>, vector<16xi32>,
      %shift_right_arithmetic3A_340 = arith.constant 1 : i32
      %shift_right_arithmetic3A_341 = vector.broadcast %shift_right_arithmetic3A_340 : i32 to vector<16xi32>
      %shift_right_arithmetic3A_342 = arith.shrsi %get3A_339, %shift_right_arithmetic3A_341 : vector<16xi32>
      %swap3A_343 = arith.index_cast %scan3A_330 : i32 to index
      %swap3A_344 = arith.constant 16 : index
      %swap3A_345 = tpu.vector_load %arg6[%swap3A_343, %swap3A_344] {strides = array<i32>} : memref<50x128xi32, #tpu.memory_space<vmem>>, vector<16xi32>,
      tpu.vector_store %arg6[%swap3A_343, %swap3A_344], %shift_right_arithmetic3A_342 {strides = array<i32>} : memref<50x128xi32, #tpu.memory_space<vmem>>, vector<16xi32>,
      %get3A_346 = arith.index_cast %scan3A_330 : i32 to index
      %get3A_347 = arith.constant 32 : index
      %get3A_348 = tpu.vector_load %arg5[%get3A_346, %get3A_347] {strides = array<i32>} : memref<50x128xi32, #tpu.memory_space<vmem>>, vector<16xi32>,
      %shift_right_arithmetic3A_349 = arith.constant 1 : i32
      %shift_right_arithmetic3A_350 = vector.broadcast %shift_right_arithmetic3A_349 : i32 to vector<16xi32>
      %shift_right_arithmetic3A_351 = arith.shrsi %get3A_348, %shift_right_arithmetic3A_350 : vector<16xi32>
      %swap3A_352 = arith.index_cast %scan3A_330 : i32 to index
      %swap3A_353 = arith.constant 32 : index
      %swap3A_354 = tpu.vector_load %arg6[%swap3A_352, %swap3A_353] {strides = array<i32>} : memref<50x128xi32, #tpu.memory_space<vmem>>, vector<16xi32>,
      tpu.vector_store %arg6[%swap3A_352, %swap3A_353], %shift_right_arithmetic3A_351 {strides = array<i32>} : memref<50x128xi32, #tpu.memory_space<vmem>>, vector<16xi32>,
      %get3A_355 = arith.index_cast %scan3A_330 : i32 to index
      %get3A_356 = arith.constant 48 : index
      %get3A_357 = tpu.vector_load %arg5[%get3A_355, %get3A_356] {strides = array<i32>} : memref<50x128xi32, #tpu.memory_space<vmem>>, vector<16xi32>,
      %shift_right_arithmetic3A_358 = arith.constant 1 : i32
      %shift_right_arithmetic3A_359 = vector.broadcast %shift_right_arithmetic3A_358 : i32 to vector<16xi32>
      %shift_right_arithmetic3A_360 = arith.shrsi %get3A_357, %shift_right_arithmetic3A_359 : vector<16xi32>
      %swap3A_361 = arith.index_cast %scan3A_330 : i32 to index
      %swap3A_362 = arith.constant 48 : index
      %swap3A_363 = tpu.vector_load %arg6[%swap3A_361, %swap3A_362] {strides = array<i32>} : memref<50x128xi32, #tpu.memory_space<vmem>>, vector<16xi32>,
      tpu.vector_store %arg6[%swap3A_361, %swap3A_362], %shift_right_arithmetic3A_360 {strides = array<i32>} : memref<50x128xi32, #tpu.memory_space<vmem>>, vector<16xi32>,
      %get3A_364 = arith.index_cast %scan3A_330 : i32 to index
      %get3A_365 = arith.constant 64 : index
      %get3A_366 = tpu.vector_load %arg5[%get3A_364, %get3A_365] {strides = array<i32>} : memref<50x128xi32, #tpu.memory_space<vmem>>, vector<16xi32>,
      %shift_right_arithmetic3A_367 = arith.constant 1 : i32
      %shift_right_arithmetic3A_368 = vector.broadcast %shift_right_arithmetic3A_367 : i32 to vector<16xi32>
      %shift_right_arithmetic3A_369 = arith.shrsi %get3A_366, %shift_right_arithmetic3A_368 : vector<16xi32>
      %swap3A_370 = arith.index_cast %scan3A_330 : i32 to index
      %swap3A_371 = arith.constant 64 : index
      %swap3A_372 = tpu.vector_load %arg6[%swap3A_370, %swap3A_371] {strides = array<i32>} : memref<50x128xi32, #tpu.memory_space<vmem>>, vector<16xi32>,
      tpu.vector_store %arg6[%swap3A_370, %swap3A_371], %shift_right_arithmetic3A_369 {strides = array<i32>} : memref<50x128xi32, #tpu.memory_space<vmem>>, vector<16xi32>,
      %get3A_373 = arith.index_cast %scan3A_330 : i32 to index
      %get3A_374 = arith.constant 80 : index
      %get3A_375 = tpu.vector_load %arg5[%get3A_373, %get3A_374] {strides = array<i32>} : memref<50x128xi32, #tpu.memory_space<vmem>>, vector<16xi32>,
      %shift_right_arithmetic3A_376 = arith.constant 1 : i32
      %shift_right_arithmetic3A_377 = vector.broadcast %shift_right_arithmetic3A_376 : i32 to vector<16xi32>
      %shift_right_arithmetic3A_378 = arith.shrsi %get3A_375, %shift_right_arithmetic3A_377 : vector<16xi32>
      %swap3A_379 = arith.index_cast %scan3A_330 : i32 to index
      %swap3A_380 = arith.constant 80 : index
      %swap3A_381 = tpu.vector_load %arg6[%swap3A_379, %swap3A_380] {strides = array<i32>} : memref<50x128xi32, #tpu.memory_space<vmem>>, vector<16xi32>,
      tpu.vector_store %arg6[%swap3A_379, %swap3A_380], %shift_right_arithmetic3A_378 {strides = array<i32>} : memref<50x128xi32, #tpu.memory_space<vmem>>, vector<16xi32>,
      %get3A_382 = arith.index_cast %scan3A_330 : i32 to index
      %get3A_383 = arith.constant 96 : index
      %get3A_384 = tpu.vector_load %arg5[%get3A_382, %get3A_383] {strides = array<i32>} : memref<50x128xi32, #tpu.memory_space<vmem>>, vector<16xi32>,
      %shift_right_arithmetic3A_385 = arith.constant 1 : i32
      %shift_right_arithmetic3A_386 = vector.broadcast %shift_right_arithmetic3A_385 : i32 to vector<16xi32>
      %shift_right_arithmetic3A_387 = arith.shrsi %get3A_384, %shift_right_arithmetic3A_386 : vector<16xi32>
      %swap3A_388 = arith.index_cast %scan3A_330 : i32 to index
      %swap3A_389 = arith.constant 96 : index
      %swap3A_390 = tpu.vector_load %arg6[%swap3A_388, %swap3A_389] {strides = array<i32>} : memref<50x128xi32, #tpu.memory_space<vmem>>, vector<16xi32>,
      tpu.vector_store %arg6[%swap3A_388, %swap3A_389], %shift_right_arithmetic3A_387 {strides = array<i32>} : memref<50x128xi32, #tpu.memory_space<vmem>>, vector<16xi32>,
      %get3A_391 = arith.index_cast %scan3A_330 : i32 to index
      %get3A_392 = arith.constant 112 : index
      %get3A_393 = tpu.vector_load %arg5[%get3A_391, %get3A_392] {strides = array<i32>} : memref<50x128xi32, #tpu.memory_space<vmem>>, vector<16xi32>,
      %shift_right_arithmetic3A_394 = arith.constant 1 : i32
      %shift_right_arithmetic3A_395 = vector.broadcast %shift_right_arithmetic3A_394 : i32 to vector<16xi32>
      %shift_right_arithmetic3A_396 = arith.shrsi %get3A_393, %shift_right_arithmetic3A_395 : vector<16xi32>
      %swap3A_397 = arith.index_cast %scan3A_330 : i32 to index
      %swap3A_398 = arith.constant 112 : index
      %swap3A_399 = tpu.vector_load %arg6[%swap3A_397, %swap3A_398] {strides = array<i32>} : memref<50x128xi32, #tpu.memory_space<vmem>>, vector<16xi32>,
      tpu.vector_store %arg6[%swap3A_397, %swap3A_398], %shift_right_arithmetic3A_396 {strides = array<i32>} : memref<50x128xi32, #tpu.memory_space<vmem>>, vector<16xi32>,
    }
    %scan3A_7 = arith.constant 50 : i32
    %dma_start3A = arith.constant 0 : i32
    %dma_start3A_8 = arith.constant 0 : i32
    %dma_start3A_9 = arith.constant 0 : i32
    %dma_start3A_10 = arith.constant 0 : i32
    %dma_start3A_11 = arith.constant 0 : i32
    %dma_start3A_12 = tpu.memref_slice %arg8[%dma_start3A_8, %dma_start3A_10, %dma_start3A_11] : memref<2x128x128xf32, #tpu.memory_space<vmem>> -> memref<1x128x128xf32, #tpu.memory_space<vmem>>
    %dma_start3A_13 = tpu.memref_squeeze %dma_start3A_12 : memref<1x128x128xf32, #tpu.memory_space<vmem>> -> memref<128x128xf32, #tpu.memory_space<vmem>>
    %dma_start3A_14 = arith.constant 0 : i32
    %dma_start3A_15 = tpu.memref_slice %arg6[%dma_start3A, %dma_start3A_14] : memref<50x128xi32, #tpu.memory_space<vmem>> -> memref<1x128xi32, #tpu.memory_space<vmem>>
    %dma_start3A_16 = tpu.memref_squeeze %dma_start3A_15 : memref<1x128xi32, #tpu.memory_space<vmem>> -> memref<128xi32, #tpu.memory_space<vmem>>
    %dma_start3A_17 = arith.constant 0 : i32
    %dma_start3A_18 = arith.constant 0 : i32
    %dma_start3A_19 = tpu.memref_slice %arg3[%dma_start3A_17, %dma_start3A_18] : memref<500000x128xf32, #tpu.memory_space<hbm>> -> memref<500000x128xf32, #tpu.memory_space<hbm>>
    %dma_start3A_20 = tpu.memref_slice %arg10[%dma_start3A_9] : memref<2x!tpu.dma_semaphore, #tpu.memory_space<semaphore_mem>> -> memref<1x!tpu.dma_semaphore, #tpu.memory_space<semaphore_mem>>
    %dma_start3A_21 = tpu.memref_squeeze %dma_start3A_20 : memref<1x!tpu.dma_semaphore, #tpu.memory_space<semaphore_mem>> -> memref<!tpu.dma_semaphore, #tpu.memory_space<semaphore_mem>>
    tpu.enqueue_indirect_dma source(%dma_start3A_19 : memref<500000x128xf32, #tpu.memory_space<hbm>>) target(%dma_start3A_13 : memref<128x128xf32, #tpu.memory_space<vmem>>) offsets(%dma_start3A_16 : memref<128xi32, #tpu.memory_space<vmem>>) semaphore(%dma_start3A_21 : memref<!tpu.dma_semaphore, #tpu.memory_space<semaphore_mem>>)
    %dma_start3A_22 = arith.constant 1 : i32
    %dma_start3A_23 = arith.constant 1 : i32
    %dma_start3A_24 = arith.constant 1 : i32
    %dma_start3A_25 = arith.constant 0 : i32
    %dma_start3A_26 = arith.constant 0 : i32
    %dma_start3A_27 = tpu.memref_slice %arg8[%dma_start3A_23, %dma_start3A_25, %dma_start3A_26] : memref<2x128x128xf32, #tpu.memory_space<vmem>> -> memref<1x128x128xf32, #tpu.memory_space<vmem>>
    %dma_start3A_28 = tpu.memref_squeeze %dma_start3A_27 : memref<1x128x128xf32, #tpu.memory_space<vmem>> -> memref<128x128xf32, #tpu.memory_space<vmem>>
    %dma_start3A_29 = arith.constant 0 : i32
    %dma_start3A_30 = tpu.memref_slice %arg6[%dma_start3A_22, %dma_start3A_29] : memref<50x128xi32, #tpu.memory_space<vmem>> -> memref<1x128xi32, #tpu.memory_space<vmem>>
    %dma_start3A_31 = tpu.memref_squeeze %dma_start3A_30 : memref<1x128xi32, #tpu.memory_space<vmem>> -> memref<128xi32, #tpu.memory_space<vmem>>
    %dma_start3A_32 = arith.constant 0 : i32
    %dma_start3A_33 = arith.constant 0 : i32
    %dma_start3A_34 = tpu.memref_slice %arg3[%dma_start3A_32, %dma_start3A_33] : memref<500000x128xf32, #tpu.memory_space<hbm>> -> memref<500000x128xf32, #tpu.memory_space<hbm>>
    %dma_start3A_35 = tpu.memref_slice %arg10[%dma_start3A_24] : memref<2x!tpu.dma_semaphore, #tpu.memory_space<semaphore_mem>> -> memref<1x!tpu.dma_semaphore, #tpu.memory_space<semaphore_mem>>
    %dma_start3A_36 = tpu.memref_squeeze %dma_start3A_35 : memref<1x!tpu.dma_semaphore, #tpu.memory_space<semaphore_mem>> -> memref<!tpu.dma_semaphore, #tpu.memory_space<semaphore_mem>>
    tpu.enqueue_indirect_dma source(%dma_start3A_34 : memref<500000x128xf32, #tpu.memory_space<hbm>>) target(%dma_start3A_28 : memref<128x128xf32, #tpu.memory_space<vmem>>) offsets(%dma_start3A_31 : memref<128xi32, #tpu.memory_space<vmem>>) semaphore(%dma_start3A_36 : memref<!tpu.dma_semaphore, #tpu.memory_space<semaphore_mem>>)
    %scan3A_37 = arith.constant 0 : i32
    %scan3A_38 = arith.constant 0 : i32
    %scan3A_39 = arith.constant 25 : i32
    %scan3A_40 = arith.addi %scan3A_38, %scan3A_39 : i32
    %scan3A_41 = arith.constant 1 : i32
    scf.for %scan3A_330 = %scan3A_38 to %scan3A_40 step %scan3A_41  : i32 {
      %mul3A_331 = arith.constant 2 : i32
      %mul3A_332 = arith.muli %scan3A_330, %mul3A_331 : i32
      %add3A_333 = arith.constant 0 : i32
      %add3A_334 = arith.addi %mul3A_332, %add3A_333 : i32
      %dma_wait3A_335 = arith.constant 0 : i32
      %dma_wait3A_336 = arith.constant 0 : i32
      %dma_wait3A_337 = arith.constant 0 : i32
      %dma_wait3A_338 = arith.constant 0 : i32
      %dma_wait3A_339 = arith.constant 0 : i32
      %dma_wait3A_340 = tpu.memref_slice %arg8[%dma_wait3A_336, %dma_wait3A_338, %dma_wait3A_339] : memref<2x128x128xf32, #tpu.memory_space<vmem>> -> memref<1x128x128xf32, #tpu.memory_space<vmem>>
      %dma_wait3A_341 = tpu.memref_squeeze %dma_wait3A_340 : memref<1x128x128xf32, #tpu.memory_space<vmem>> -> memref<128x128xf32, #tpu.memory_space<vmem>>
      %dma_wait3A_342 = arith.constant 0 : i32
      %dma_wait3A_343 = tpu.memref_slice %arg6[%dma_wait3A_335, %dma_wait3A_342] : memref<50x128xi32, #tpu.memory_space<vmem>> -> memref<1x128xi32, #tpu.memory_space<vmem>>
      %dma_wait3A_344 = tpu.memref_squeeze %dma_wait3A_343 : memref<1x128xi32, #tpu.memory_space<vmem>> -> memref<128xi32, #tpu.memory_space<vmem>>
      %dma_wait3A_345 = arith.constant 0 : i32
      %dma_wait3A_346 = arith.constant 0 : i32
      %dma_wait3A_347 = tpu.memref_slice %arg3[%dma_wait3A_345, %dma_wait3A_346] : memref<500000x128xf32, #tpu.memory_space<hbm>> -> memref<500000x128xf32, #tpu.memory_space<hbm>>
      %dma_wait3A_348 = tpu.memref_slice %arg10[%dma_wait3A_337] : memref<2x!tpu.dma_semaphore, #tpu.memory_space<semaphore_mem>> -> memref<1x!tpu.dma_semaphore, #tpu.memory_space<semaphore_mem>>
      %dma_wait3A_349 = tpu.memref_squeeze %dma_wait3A_348 : memref<1x!tpu.dma_semaphore, #tpu.memory_space<semaphore_mem>> -> memref<!tpu.dma_semaphore, #tpu.memory_space<semaphore_mem>>
      tpu.wait_indirect_dma semaphore(%dma_wait3A_349 : memref<!tpu.dma_semaphore, #tpu.memory_space<semaphore_mem>>) src(%dma_wait3A_347 : memref<500000x128xf32, #tpu.memory_space<hbm>>) dst(%dma_wait3A_341 : memref<128x128xf32, #tpu.memory_space<vmem>>)
      %mul3A_350 = arith.constant 128 : i32
      %mul3A_351 = arith.muli %add3A, %mul3A_350 : i32
      %run_scoped3A = arith.constant 0 : i32
      "tpu.region"() ({
        %run_scoped3A_882 = tpu.sem_alloc : memref<!tpu.dma_semaphore, #tpu.memory_space<semaphore_mem>>
        %dma_start3A_883 = arith.constant 0 : i32
        %dma_start3A_884 = tpu.memref_slice %arg7[%run_scoped3A, %dma_start3A_883] : memref<2x128xi32, #tpu.memory_space<vmem>> -> memref<1x128xi32, #tpu.memory_space<vmem>>
        %dma_start3A_885 = tpu.memref_squeeze %dma_start3A_884 : memref<1x128xi32, #tpu.memory_space<vmem>> -> memref<128xi32, #tpu.memory_space<vmem>>
        %dma_start3A_886 = tpu.memref_slice %arg2[%add3A_334, %mul3A_351] : memref<50x4096xi32, #tpu.memory_space<hbm>> -> memref<1x128xi32, #tpu.memory_space<hbm>>
        %dma_start3A_887 = tpu.memref_squeeze %dma_start3A_886 : memref<1x128xi32, #tpu.memory_space<hbm>> -> memref<128xi32, #tpu.memory_space<hbm>>
        %dma_start3A_888 = arith.constant 0 : i32
        %dma_start3A_889 = tpu.memref_slice %arg7[%run_scoped3A, %dma_start3A_888] : memref<2x128xi32, #tpu.memory_space<vmem>> -> memref<1x128xi32, #tpu.memory_space<vmem>>
        %dma_start3A_890 = tpu.memref_squeeze %dma_start3A_889 : memref<1x128xi32, #tpu.memory_space<vmem>> -> memref<128xi32, #tpu.memory_space<vmem>>
        %dma_start3A_891 = tpu.memref_slice %arg2[%add3A_334, %mul3A_351] : memref<50x4096xi32, #tpu.memory_space<hbm>> -> memref<1x128xi32, #tpu.memory_space<hbm>>
        %dma_start3A_892 = tpu.memref_squeeze %dma_start3A_891 : memref<1x128xi32, #tpu.memory_space<hbm>> -> memref<128xi32, #tpu.memory_space<hbm>>
        tpu.enqueue_dma source(%dma_start3A_892 : memref<128xi32, #tpu.memory_space<hbm>>) target(%dma_start3A_890 : memref<128xi32, #tpu.memory_space<vmem>>) target_semaphore(%run_scoped3A_882 : memref<!tpu.dma_semaphore, #tpu.memory_space<semaphore_mem>>)
        %dma_wait3A_893 = arith.constant 0 : i32
        %dma_wait3A_894 = tpu.memref_slice %arg7[%run_scoped3A, %dma_wait3A_893] : memref<2x128xi32, #tpu.memory_space<vmem>> -> memref<1x128xi32, #tpu.memory_space<vmem>>
        %dma_wait3A_895 = tpu.memref_squeeze %dma_wait3A_894 : memref<1x128xi32, #tpu.memory_space<vmem>> -> memref<128xi32, #tpu.memory_space<vmem>>
        %dma_wait3A_896 = tpu.memref_slice %arg2[%add3A_334, %mul3A_351] : memref<50x4096xi32, #tpu.memory_space<hbm>> -> memref<1x128xi32, #tpu.memory_space<hbm>>
        %dma_wait3A_897 = tpu.memref_squeeze %dma_wait3A_896 : memref<1x128xi32, #tpu.memory_space<hbm>> -> memref<128xi32, #tpu.memory_space<hbm>>
        %dma_wait3A_898 = arith.constant 0 : i32
        %dma_wait3A_899 = tpu.memref_slice %arg7[%run_scoped3A, %dma_wait3A_898] : memref<2x128xi32, #tpu.memory_space<vmem>> -> memref<1x128xi32, #tpu.memory_space<vmem>>
        %dma_wait3A_900 = tpu.memref_squeeze %dma_wait3A_899 : memref<1x128xi32, #tpu.memory_space<vmem>> -> memref<128xi32, #tpu.memory_space<vmem>>
        %dma_wait3A_901 = tpu.memref_slice %arg2[%add3A_334, %mul3A_351] : memref<50x4096xi32, #tpu.memory_space<hbm>> -> memref<1x128xi32, #tpu.memory_space<hbm>>
        %dma_wait3A_902 = tpu.memref_squeeze %dma_wait3A_901 : memref<1x128xi32, #tpu.memory_space<hbm>> -> memref<128xi32, #tpu.memory_space<hbm>>
        tpu.wait_dma2 semaphore(%run_scoped3A_882 : memref<!tpu.dma_semaphore, #tpu.memory_space<semaphore_mem>>) src(%dma_wait3A_902 : memref<128xi32, #tpu.memory_space<hbm>>) dst(%dma_wait3A_900 : memref<128xi32, #tpu.memory_space<vmem>>)
        tpu.yield
      }) : () -> ()
      %ge3A = arith.constant 2 : i32
      %ge3A_352 = arith.cmpi sge, %add3A_334, %ge3A : i32
      %convert_element_type3A = arith.extui %ge3A_352 : i1 to i32
      %cond3A = arith.constant 0 : i32
      %cond3A_353 = arith.cmpi ne, %convert_element_type3A, %cond3A : i32
      scf.if %cond3A_353 {
        %dma_wait3A_882 = arith.constant 0 : i32
        %dma_wait3A_883 = arith.constant 0 : i32
        %dma_wait3A_884 = arith.constant 0 : i32
        %dma_wait3A_885 = arith.constant 0 : i32
        %dma_wait3A_886 = arith.constant 0 : i32
        %dma_wait3A_887 = tpu.memref_slice %arg9[%dma_wait3A_882, %dma_wait3A_886] : memref<2x8192xf32, #tpu.memory_space<vmem>> -> memref<1x1024xf32, #tpu.memory_space<vmem>>
        %dma_wait3A_888 = tpu.memref_squeeze %dma_wait3A_887 : memref<1x1024xf32, #tpu.memory_space<vmem>> -> memref<1024xf32, #tpu.memory_space<vmem>>
        %dma_wait3A_889 = arith.constant 0 : i32
        %dma_wait3A_890 = tpu.memref_slice %arg4[%dma_wait3A_883, %dma_wait3A_884, %add3A, %dma_wait3A_889] : memref<50x8x32x1024xf32, #tpu.memory_space<hbm>> -> memref<1x1x1x1024xf32, #tpu.memory_space<hbm>>
        %dma_wait3A_891 = tpu.memref_squeeze %dma_wait3A_890 : memref<1x1x1x1024xf32, #tpu.memory_space<hbm>> -> memref<1024xf32, #tpu.memory_space<hbm>>
        %dma_wait3A_892 = tpu.memref_slice %arg11[%dma_wait3A_885] : memref<2x!tpu.dma_semaphore, #tpu.memory_space<semaphore_mem>> -> memref<1x!tpu.dma_semaphore, #tpu.memory_space<semaphore_mem>>
        %dma_wait3A_893 = tpu.memref_squeeze %dma_wait3A_892 : memref<1x!tpu.dma_semaphore, #tpu.memory_space<semaphore_mem>> -> memref<!tpu.dma_semaphore, #tpu.memory_space<semaphore_mem>>
        %dma_wait3A_894 = arith.constant 0 : i32
        %dma_wait3A_895 = tpu.memref_slice %arg4[%dma_wait3A_883, %dma_wait3A_884, %add3A, %dma_wait3A_894] : memref<50x8x32x1024xf32, #tpu.memory_space<hbm>> -> memref<1x1x1x1024xf32, #tpu.memory_space<hbm>>
        %dma_wait3A_896 = tpu.memref_squeeze %dma_wait3A_895 : memref<1x1x1x1024xf32, #tpu.memory_space<hbm>> -> memref<1024xf32, #tpu.memory_space<hbm>>
        %dma_wait3A_897 = arith.constant 0 : i32
        %dma_wait3A_898 = tpu.memref_slice %arg9[%dma_wait3A_882, %dma_wait3A_897] : memref<2x8192xf32, #tpu.memory_space<vmem>> -> memref<1x1024xf32, #tpu.memory_space<vmem>>
        %dma_wait3A_899 = tpu.memref_squeeze %dma_wait3A_898 : memref<1x1024xf32, #tpu.memory_space<vmem>> -> memref<1024xf32, #tpu.memory_space<vmem>>
        tpu.wait_dma2 semaphore(%dma_wait3A_893 : memref<!tpu.dma_semaphore, #tpu.memory_space<semaphore_mem>>) src(%dma_wait3A_899 : memref<1024xf32, #tpu.memory_space<vmem>>) dst(%dma_wait3A_896 : memref<1024xf32, #tpu.memory_space<hbm>>)
        %dma_wait3A_900 = arith.constant 0 : i32
        %dma_wait3A_901 = arith.constant 0 : i32
        %dma_wait3A_902 = arith.constant 1 : i32
        %dma_wait3A_903 = arith.constant 0 : i32
        %dma_wait3A_904 = arith.constant 1024 : i32
        %dma_wait3A_905 = tpu.memref_slice %arg9[%dma_wait3A_900, %dma_wait3A_904] : memref<2x8192xf32, #tpu.memory_space<vmem>> -> memref<1x1024xf32, #tpu.memory_space<vmem>>
        %dma_wait3A_906 = tpu.memref_squeeze %dma_wait3A_905 : memref<1x1024xf32, #tpu.memory_space<vmem>> -> memref<1024xf32, #tpu.memory_space<vmem>>
        %dma_wait3A_907 = arith.constant 0 : i32
        %dma_wait3A_908 = tpu.memref_slice %arg4[%dma_wait3A_901, %dma_wait3A_902, %add3A, %dma_wait3A_907] : memref<50x8x32x1024xf32, #tpu.memory_space<hbm>> -> memref<1x1x1x1024xf32, #tpu.memory_space<hbm>>
        %dma_wait3A_909 = tpu.memref_squeeze %dma_wait3A_908 : memref<1x1x1x1024xf32, #tpu.memory_space<hbm>> -> memref<1024xf32, #tpu.memory_space<hbm>>
        %dma_wait3A_910 = tpu.memref_slice %arg11[%dma_wait3A_903] : memref<2x!tpu.dma_semaphore, #tpu.memory_space<semaphore_mem>> -> memref<1x!tpu.dma_semaphore, #tpu.memory_space<semaphore_mem>>
        %dma_wait3A_911 = tpu.memref_squeeze %dma_wait3A_910 : memref<1x!tpu.dma_semaphore, #tpu.memory_space<semaphore_mem>> -> memref<!tpu.dma_semaphore, #tpu.memory_space<semaphore_mem>>
        %dma_wait3A_912 = arith.constant 0 : i32
        %dma_wait3A_913 = tpu.memref_slice %arg4[%dma_wait3A_901, %dma_wait3A_902, %add3A, %dma_wait3A_912] : memref<50x8x32x1024xf32, #tpu.memory_space<hbm>> -> memref<1x1x1x1024xf32, #tpu.memory_space<hbm>>
        %dma_wait3A_914 = tpu.memref_squeeze %dma_wait3A_913 : memref<1x1x1x1024xf32, #tpu.memory_space<hbm>> -> memref<1024xf32, #tpu.memory_space<hbm>>
        %dma_wait3A_915 = arith.constant 1024 : i32
        %dma_wait3A_916 = tpu.memref_slice %arg9[%dma_wait3A_900, %dma_wait3A_915] : memref<2x8192xf32, #tpu.memory_space<vmem>> -> memref<1x1024xf32, #tpu.memory_space<vmem>>
        %dma_wait3A_917 = tpu.memref_squeeze %dma_wait3A_916 : memref<1x1024xf32, #tpu.memory_space<vmem>> -> memref<1024xf32, #tpu.memory_space<vmem>>
        tpu.wait_dma2 semaphore(%dma_wait3A_911 : memref<!tpu.dma_semaphore, #tpu.memory_space<semaphore_mem>>) src(%dma_wait3A_917 : memref<1024xf32, #tpu.memory_space<vmem>>) dst(%dma_wait3A_914 : memref<1024xf32, #tpu.memory_space<hbm>>)
        %dma_wait3A_918 = arith.constant 0 : i32
        %dma_wait3A_919 = arith.constant 0 : i32
        %dma_wait3A_920 = arith.constant 2 : i32
        %dma_wait3A_921 = arith.constant 0 : i32
        %dma_wait3A_922 = arith.constant 2048 : i32
        %dma_wait3A_923 = tpu.memref_slice %arg9[%dma_wait3A_918, %dma_wait3A_922] : memref<2x8192xf32, #tpu.memory_space<vmem>> -> memref<1x1024xf32, #tpu.memory_space<vmem>>
        %dma_wait3A_924 = tpu.memref_squeeze %dma_wait3A_923 : memref<1x1024xf32, #tpu.memory_space<vmem>> -> memref<1024xf32, #tpu.memory_space<vmem>>
        %dma_wait3A_925 = arith.constant 0 : i32
        %dma_wait3A_926 = tpu.memref_slice %arg4[%dma_wait3A_919, %dma_wait3A_920, %add3A, %dma_wait3A_925] : memref<50x8x32x1024xf32, #tpu.memory_space<hbm>> -> memref<1x1x1x1024xf32, #tpu.memory_space<hbm>>
        %dma_wait3A_927 = tpu.memref_squeeze %dma_wait3A_926 : memref<1x1x1x1024xf32, #tpu.memory_space<hbm>> -> memref<1024xf32, #tpu.memory_space<hbm>>
        %dma_wait3A_928 = tpu.memref_slice %arg11[%dma_wait3A_921] : memref<2x!tpu.dma_semaphore, #tpu.memory_space<semaphore_mem>> -> memref<1x!tpu.dma_semaphore, #tpu.memory_space<semaphore_mem>>
        %dma_wait3A_929 = tpu.memref_squeeze %dma_wait3A_928 : memref<1x!tpu.dma_semaphore, #tpu.memory_space<semaphore_mem>> -> memref<!tpu.dma_semaphore, #tpu.memory_space<semaphore_mem>>
        %dma_wait3A_930 = arith.constant 0 : i32
        %dma_wait3A_931 = tpu.memref_slice %arg4[%dma_wait3A_919, %dma_wait3A_920, %add3A, %dma_wait3A_930] : memref<50x8x32x1024xf32, #tpu.memory_space<hbm>> -> memref<1x1x1x1024xf32, #tpu.memory_space<hbm>>
        %dma_wait3A_932 = tpu.memref_squeeze %dma_wait3A_931 : memref<1x1x1x1024xf32, #tpu.memory_space<hbm>> -> memref<1024xf32, #tpu.memory_space<hbm>>
        %dma_wait3A_933 = arith.constant 2048 : i32
        %dma_wait3A_934 = tpu.memref_slice %arg9[%dma_wait3A_918, %dma_wait3A_933] : memref<2x8192xf32, #tpu.memory_space<vmem>> -> memref<1x1024xf32, #tpu.memory_space<vmem>>
        %dma_wait3A_935 = tpu.memref_squeeze %dma_wait3A_934 : memref<1x1024xf32, #tpu.memory_space<vmem>> -> memref<1024xf32, #tpu.memory_space<vmem>>
        tpu.wait_dma2 semaphore(%dma_wait3A_929 : memref<!tpu.dma_semaphore, #tpu.memory_space<semaphore_mem>>) src(%dma_wait3A_935 : memref<1024xf32, #tpu.memory_space<vmem>>) dst(%dma_wait3A_932 : memref<1024xf32, #tpu.memory_space<hbm>>)
        %dma_wait3A_936 = arith.constant 0 : i32
        %dma_wait3A_937 = arith.constant 0 : i32
        %dma_wait3A_938 = arith.constant 3 : i32
        %dma_wait3A_939 = arith.constant 0 : i32
        %dma_wait3A_940 = arith.constant 3072 : i32
        %dma_wait3A_941 = tpu.memref_slice %arg9[%dma_wait3A_936, %dma_wait3A_940] : memref<2x8192xf32, #tpu.memory_space<vmem>> -> memref<1x1024xf32, #tpu.memory_space<vmem>>
        %dma_wait3A_942 = tpu.memref_squeeze %dma_wait3A_941 : memref<1x1024xf32, #tpu.memory_space<vmem>> -> memref<1024xf32, #tpu.memory_space<vmem>>
        %dma_wait3A_943 = arith.constant 0 : i32
        %dma_wait3A_944 = tpu.memref_slice %arg4[%dma_wait3A_937, %dma_wait3A_938, %add3A, %dma_wait3A_943] : memref<50x8x32x1024xf32, #tpu.memory_space<hbm>> -> memref<1x1x1x1024xf32, #tpu.memory_space<hbm>>
        %dma_wait3A_945 = tpu.memref_squeeze %dma_wait3A_944 : memref<1x1x1x1024xf32, #tpu.memory_space<hbm>> -> memref<1024xf32, #tpu.memory_space<hbm>>
        %dma_wait3A_946 = tpu.memref_slice %arg11[%dma_wait3A_939] : memref<2x!tpu.dma_semaphore, #tpu.memory_space<semaphore_mem>> -> memref<1x!tpu.dma_semaphore, #tpu.memory_space<semaphore_mem>>
        %dma_wait3A_947 = tpu.memref_squeeze %dma_wait3A_946 : memref<1x!tpu.dma_semaphore, #tpu.memory_space<semaphore_mem>> -> memref<!tpu.dma_semaphore, #tpu.memory_space<semaphore_mem>>
        %dma_wait3A_948 = arith.constant 0 : i32
        %dma_wait3A_949 = tpu.memref_slice %arg4[%dma_wait3A_937, %dma_wait3A_938, %add3A, %dma_wait3A_948] : memref<50x8x32x1024xf32, #tpu.memory_space<hbm>> -> memref<1x1x1x1024xf32, #tpu.memory_space<hbm>>
        %dma_wait3A_950 = tpu.memref_squeeze %dma_wait3A_949 : memref<1x1x1x1024xf32, #tpu.memory_space<hbm>> -> memref<1024xf32, #tpu.memory_space<hbm>>
        %dma_wait3A_951 = arith.constant 3072 : i32
        %dma_wait3A_952 = tpu.memref_slice %arg9[%dma_wait3A_936, %dma_wait3A_951] : memref<2x8192xf32, #tpu.memory_space<vmem>> -> memref<1x1024xf32, #tpu.memory_space<vmem>>
        %dma_wait3A_953 = tpu.memref_squeeze %dma_wait3A_952 : memref<1x1024xf32, #tpu.memory_space<vmem>> -> memref<1024xf32, #tpu.memory_space<vmem>>
        tpu.wait_dma2 semaphore(%dma_wait3A_947 : memref<!tpu.dma_semaphore, #tpu.memory_space<semaphore_mem>>) src(%dma_wait3A_953 : memref<1024xf32, #tpu.memory_space<vmem>>) dst(%dma_wait3A_950 : memref<1024xf32, #tpu.memory_space<hbm>>)
        %dma_wait3A_954 = arith.constant 0 : i32
        %dma_wait3A_955 = arith.constant 0 : i32
        %dma_wait3A_956 = arith.constant 4 : i32
        %dma_wait3A_957 = arith.constant 0 : i32
        %dma_wait3A_958 = arith.constant 4096 : i32
        %dma_wait3A_959 = tpu.memref_slice %arg9[%dma_wait3A_954, %dma_wait3A_958] : memref<2x8192xf32, #tpu.memory_space<vmem>> -> memref<1x1024xf32, #tpu.memory_space<vmem>>
        %dma_wait3A_960 = tpu.memref_squeeze %dma_wait3A_959 : memref<1x1024xf32, #tpu.memory_space<vmem>> -> memref<1024xf32, #tpu.memory_space<vmem>>
        %dma_wait3A_961 = arith.constant 0 : i32
        %dma_wait3A_962 = tpu.memref_slice %arg4[%dma_wait3A_955, %dma_wait3A_956, %add3A, %dma_wait3A_961] : memref<50x8x32x1024xf32, #tpu.memory_space<hbm>> -> memref<1x1x1x1024xf32, #tpu.memory_space<hbm>>
        %dma_wait3A_963 = tpu.memref_squeeze %dma_wait3A_962 : memref<1x1x1x1024xf32, #tpu.memory_space<hbm>> -> memref<1024xf32, #tpu.memory_space<hbm>>
        %dma_wait3A_964 = tpu.memref_slice %arg11[%dma_wait3A_957] : memref<2x!tpu.dma_semaphore, #tpu.memory_space<semaphore_mem>> -> memref<1x!tpu.dma_semaphore, #tpu.memory_space<semaphore_mem>>
        %dma_wait3A_965 = tpu.memref_squeeze %dma_wait3A_964 : memref<1x!tpu.dma_semaphore, #tpu.memory_space<semaphore_mem>> -> memref<!tpu.dma_semaphore, #tpu.memory_space<semaphore_mem>>
        %dma_wait3A_966 = arith.constant 0 : i32
        %dma_wait3A_967 = tpu.memref_slice %arg4[%dma_wait3A_955, %dma_wait3A_956, %add3A, %dma_wait3A_966] : memref<50x8x32x1024xf32, #tpu.memory_space<hbm>> -> memref<1x1x1x1024xf32, #tpu.memory_space<hbm>>
        %dma_wait3A_968 = tpu.memref_squeeze %dma_wait3A_967 : memref<1x1x1x1024xf32, #tpu.memory_space<hbm>> -> memref<1024xf32, #tpu.memory_space<hbm>>
        %dma_wait3A_969 = arith.constant 4096 : i32
        %dma_wait3A_970 = tpu.memref_slice %arg9[%dma_wait3A_954, %dma_wait3A_969] : memref<2x8192xf32, #tpu.memory_space<vmem>> -> memref<1x1024xf32, #tpu.memory_space<vmem>>
        %dma_wait3A_971 = tpu.memref_squeeze %dma_wait3A_970 : memref<1x1024xf32, #tpu.memory_space<vmem>> -> memref<1024xf32, #tpu.memory_space<vmem>>
        tpu.wait_dma2 semaphore(%dma_wait3A_965 : memref<!tpu.dma_semaphore, #tpu.memory_space<semaphore_mem>>) src(%dma_wait3A_971 : memref<1024xf32, #tpu.memory_space<vmem>>) dst(%dma_wait3A_968 : memref<1024xf32, #tpu.memory_space<hbm>>)
        %dma_wait3A_972 = arith.constant 0 : i32
        %dma_wait3A_973 = arith.constant 0 : i32
        %dma_wait3A_974 = arith.constant 5 : i32
        %dma_wait3A_975 = arith.constant 0 : i32
        %dma_wait3A_976 = arith.constant 5120 : i32
        %dma_wait3A_977 = tpu.memref_slice %arg9[%dma_wait3A_972, %dma_wait3A_976] : memref<2x8192xf32, #tpu.memory_space<vmem>> -> memref<1x1024xf32, #tpu.memory_space<vmem>>
        %dma_wait3A_978 = tpu.memref_squeeze %dma_wait3A_977 : memref<1x1024xf32, #tpu.memory_space<vmem>> -> memref<1024xf32, #tpu.memory_space<vmem>>
        %dma_wait3A_979 = arith.constant 0 : i32
        %dma_wait3A_980 = tpu.memref_slice %arg4[%dma_wait3A_973, %dma_wait3A_974, %add3A, %dma_wait3A_979] : memref<50x8x32x1024xf32, #tpu.memory_space<hbm>> -> memref<1x1x1x1024xf32, #tpu.memory_space<hbm>>
        %dma_wait3A_981 = tpu.memref_squeeze %dma_wait3A_980 : memref<1x1x1x1024xf32, #tpu.memory_space<hbm>> -> memref<1024xf32, #tpu.memory_space<hbm>>
        %dma_wait3A_982 = tpu.memref_slice %arg11[%dma_wait3A_975] : memref<2x!tpu.dma_semaphore, #tpu.memory_space<semaphore_mem>> -> memref<1x!tpu.dma_semaphore, #tpu.memory_space<semaphore_mem>>
        %dma_wait3A_983 = tpu.memref_squeeze %dma_wait3A_982 : memref<1x!tpu.dma_semaphore, #tpu.memory_space<semaphore_mem>> -> memref<!tpu.dma_semaphore, #tpu.memory_space<semaphore_mem>>
        %dma_wait3A_984 = arith.constant 0 : i32
        %dma_wait3A_985 = tpu.memref_slice %arg4[%dma_wait3A_973, %dma_wait3A_974, %add3A, %dma_wait3A_984] : memref<50x8x32x1024xf32, #tpu.memory_space<hbm>> -> memref<1x1x1x1024xf32, #tpu.memory_space<hbm>>
        %dma_wait3A_986 = tpu.memref_squeeze %dma_wait3A_985 : memref<1x1x1x1024xf32, #tpu.memory_space<hbm>> -> memref<1024xf32, #tpu.memory_space<hbm>>
        %dma_wait3A_987 = arith.constant 5120 : i32
        %dma_wait3A_988 = tpu.memref_slice %arg9[%dma_wait3A_972, %dma_wait3A_987] : memref<2x8192xf32, #tpu.memory_space<vmem>> -> memref<1x1024xf32, #tpu.memory_space<vmem>>
        %dma_wait3A_989 = tpu.memref_squeeze %dma_wait3A_988 : memref<1x1024xf32, #tpu.memory_space<vmem>> -> memref<1024xf32, #tpu.memory_space<vmem>>
        tpu.wait_dma2 semaphore(%dma_wait3A_983 : memref<!tpu.dma_semaphore, #tpu.memory_space<semaphore_mem>>) src(%dma_wait3A_989 : memref<1024xf32, #tpu.memory_space<vmem>>) dst(%dma_wait3A_986 : memref<1024xf32, #tpu.memory_space<hbm>>)
        %dma_wait3A_990 = arith.constant 0 : i32
        %dma_wait3A_991 = arith.constant 0 : i32
        %dma_wait3A_992 = arith.constant 6 : i32
        %dma_wait3A_993 = arith.constant 0 : i32
        %dma_wait3A_994 = arith.constant 6144 : i32
        %dma_wait3A_995 = tpu.memref_slice %arg9[%dma_wait3A_990, %dma_wait3A_994] : memref<2x8192xf32, #tpu.memory_space<vmem>> -> memref<1x1024xf32, #tpu.memory_space<vmem>>
        %dma_wait3A_996 = tpu.memref_squeeze %dma_wait3A_995 : memref<1x1024xf32, #tpu.memory_space<vmem>> -> memref<1024xf32, #tpu.memory_space<vmem>>
        %dma_wait3A_997 = arith.constant 0 : i32
        %dma_wait3A_998 = tpu.memref_slice %arg4[%dma_wait3A_991, %dma_wait3A_992, %add3A, %dma_wait3A_997] : memref<50x8x32x1024xf32, #tpu.memory_space<hbm>> -> memref<1x1x1x1024xf32, #tpu.memory_space<hbm>>
        %dma_wait3A_999 = tpu.memref_squeeze %dma_wait3A_998 : memref<1x1x1x1024xf32, #tpu.memory_space<hbm>> -> memref<1024xf32, #tpu.memory_space<hbm>>
        %dma_wait3A_1000 = tpu.memref_slice %arg11[%dma_wait3A_993] : memref<2x!tpu.dma_semaphore, #tpu.memory_space<semaphore_mem>> -> memref<1x!tpu.dma_semaphore, #tpu.memory_space<semaphore_mem>>
        %dma_wait3A_1001 = tpu.memref_squeeze %dma_wait3A_1000 : memref<1x!tpu.dma_semaphore, #tpu.memory_space<semaphore_mem>> -> memref<!tpu.dma_semaphore, #tpu.memory_space<semaphore_mem>>
        %dma_wait3A_1002 = arith.constant 0 : i32
        %dma_wait3A_1003 = tpu.memref_slice %arg4[%dma_wait3A_991, %dma_wait3A_992, %add3A, %dma_wait3A_1002] : memref<50x8x32x1024xf32, #tpu.memory_space<hbm>> -> memref<1x1x1x1024xf32, #tpu.memory_space<hbm>>
        %dma_wait3A_1004 = tpu.memref_squeeze %dma_wait3A_1003 : memref<1x1x1x1024xf32, #tpu.memory_space<hbm>> -> memref<1024xf32, #tpu.memory_space<hbm>>
        %dma_wait3A_1005 = arith.constant 6144 : i32
        %dma_wait3A_1006 = tpu.memref_slice %arg9[%dma_wait3A_990, %dma_wait3A_1005] : memref<2x8192xf32, #tpu.memory_space<vmem>> -> memref<1x1024xf32, #tpu.memory_space<vmem>>
        %dma_wait3A_1007 = tpu.memref_squeeze %dma_wait3A_1006 : memref<1x1024xf32, #tpu.memory_space<vmem>> -> memref<1024xf32, #tpu.memory_space<vmem>>
        tpu.wait_dma2 semaphore(%dma_wait3A_1001 : memref<!tpu.dma_semaphore, #tpu.memory_space<semaphore_mem>>) src(%dma_wait3A_1007 : memref<1024xf32, #tpu.memory_space<vmem>>) dst(%dma_wait3A_1004 : memref<1024xf32, #tpu.memory_space<hbm>>)
        %dma_wait3A_1008 = arith.constant 0 : i32
        %dma_wait3A_1009 = arith.constant 0 : i32
        %dma_wait3A_1010 = arith.constant 7 : i32
        %dma_wait3A_1011 = arith.constant 0 : i32
        %dma_wait3A_1012 = arith.constant 7168 : i32
        %dma_wait3A_1013 = tpu.memref_slice %arg9[%dma_wait3A_1008, %dma_wait3A_1012] : memref<2x8192xf32, #tpu.memory_space<vmem>> -> memref<1x1024xf32, #tpu.memory_space<vmem>>
        %dma_wait3A_1014 = tpu.memref_squeeze %dma_wait3A_1013 : memref<1x1024xf32, #tpu.memory_space<vmem>> -> memref<1024xf32, #tpu.memory_space<vmem>>
        %dma_wait3A_1015 = arith.constant 0 : i32
        %dma_wait3A_1016 = tpu.memref_slice %arg4[%dma_wait3A_1009, %dma_wait3A_1010, %add3A, %dma_wait3A_1015] : memref<50x8x32x1024xf32, #tpu.memory_space<hbm>> -> memref<1x1x1x1024xf32, #tpu.memory_space<hbm>>
        %dma_wait3A_1017 = tpu.memref_squeeze %dma_wait3A_1016 : memref<1x1x1x1024xf32, #tpu.memory_space<hbm>> -> memref<1024xf32, #tpu.memory_space<hbm>>
        %dma_wait3A_1018 = tpu.memref_slice %arg11[%dma_wait3A_1011] : memref<2x!tpu.dma_semaphore, #tpu.memory_space<semaphore_mem>> -> memref<1x!tpu.dma_semaphore, #tpu.memory_space<semaphore_mem>>
        %dma_wait3A_1019 = tpu.memref_squeeze %dma_wait3A_1018 : memref<1x!tpu.dma_semaphore, #tpu.memory_space<semaphore_mem>> -> memref<!tpu.dma_semaphore, #tpu.memory_space<semaphore_mem>>
        %dma_wait3A_1020 = arith.constant 0 : i32
        %dma_wait3A_1021 = tpu.memref_slice %arg4[%dma_wait3A_1009, %dma_wait3A_1010, %add3A, %dma_wait3A_1020] : memref<50x8x32x1024xf32, #tpu.memory_space<hbm>> -> memref<1x1x1x1024xf32, #tpu.memory_space<hbm>>
        %dma_wait3A_1022 = tpu.memref_squeeze %dma_wait3A_1021 : memref<1x1x1x1024xf32, #tpu.memory_space<hbm>> -> memref<1024xf32, #tpu.memory_space<hbm>>
        %dma_wait3A_1023 = arith.constant 7168 : i32
        %dma_wait3A_1024 = tpu.memref_slice %arg9[%dma_wait3A_1008, %dma_wait3A_1023] : memref<2x8192xf32, #tpu.memory_space<vmem>> -> memref<1x1024xf32, #tpu.memory_space<vmem>>
        %dma_wait3A_1025 = tpu.memref_squeeze %dma_wait3A_1024 : memref<1x1024xf32, #tpu.memory_space<vmem>> -> memref<1024xf32, #tpu.memory_space<vmem>>
        tpu.wait_dma2 semaphore(%dma_wait3A_1019 : memref<!tpu.dma_semaphore, #tpu.memory_space<semaphore_mem>>) src(%dma_wait3A_1025 : memref<1024xf32, #tpu.memory_space<vmem>>) dst(%dma_wait3A_1022 : memref<1024xf32, #tpu.memory_space<hbm>>)
      } else {
      }
      %get3A = arith.constant 0 : i32
      %get3A_354 = arith.index_cast %get3A : i32 to index
      %get3A_355 = arith.constant 0 : index
      %get3A_356 = tpu.vector_load %arg7[%get3A_354, %get3A_355] {strides = array<i32>} : memref<2x128xi32, #tpu.memory_space<vmem>>, vector<16xi32>,
      %and3A = arith.constant 1 : i32
      %and3A_357 = vector.broadcast %and3A : i32 to vector<16xi32>
      %and3A_358 = arith.andi %get3A_356, %and3A_357 : vector<16xi32>
      %mul3A_359 = arith.constant 64 : i32
      %mul3A_360 = vector.broadcast %mul3A_359 : i32 to vector<16xi32>
      %mul3A_361 = arith.muli %and3A_358, %mul3A_360 : vector<16xi32>
      %get3A_362 = arith.constant 0 : i32
      %get3A_363 = arith.index_cast %get3A_362 : i32 to index
      %get3A_364 = arith.constant 16 : index
      %get3A_365 = tpu.vector_load %arg7[%get3A_363, %get3A_364] {strides = array<i32>} : memref<2x128xi32, #tpu.memory_space<vmem>>, vector<16xi32>,
      %and3A_366 = arith.constant 1 : i32
      %and3A_367 = vector.broadcast %and3A_366 : i32 to vector<16xi32>
      %and3A_368 = arith.andi %get3A_365, %and3A_367 : vector<16xi32>
      %mul3A_369 = arith.constant 64 : i32
      %mul3A_370 = vector.broadcast %mul3A_369 : i32 to vector<16xi32>
      %mul3A_371 = arith.muli %and3A_368, %mul3A_370 : vector<16xi32>
      %get3A_372 = arith.constant 0 : i32
      %get3A_373 = arith.index_cast %get3A_372 : i32 to index
      %get3A_374 = arith.constant 32 : index
      %get3A_375 = tpu.vector_load %arg7[%get3A_373, %get3A_374] {strides = array<i32>} : memref<2x128xi32, #tpu.memory_space<vmem>>, vector<16xi32>,
      %and3A_376 = arith.constant 1 : i32
      %and3A_377 = vector.broadcast %and3A_376 : i32 to vector<16xi32>
      %and3A_378 = arith.andi %get3A_375, %and3A_377 : vector<16xi32>
      %mul3A_379 = arith.constant 64 : i32
      %mul3A_380 = vector.broadcast %mul3A_379 : i32 to vector<16xi32>
      %mul3A_381 = arith.muli %and3A_378, %mul3A_380 : vector<16xi32>
      %get3A_382 = arith.constant 0 : i32
      %get3A_383 = arith.index_cast %get3A_382 : i32 to index
      %get3A_384 = arith.constant 48 : index
      %get3A_385 = tpu.vector_load %arg7[%get3A_383, %get3A_384] {strides = array<i32>} : memref<2x128xi32, #tpu.memory_space<vmem>>, vector<16xi32>,
      %and3A_386 = arith.constant 1 : i32
      %and3A_387 = vector.broadcast %and3A_386 : i32 to vector<16xi32>
      %and3A_388 = arith.andi %get3A_385, %and3A_387 : vector<16xi32>
      %mul3A_389 = arith.constant 64 : i32
      %mul3A_390 = vector.broadcast %mul3A_389 : i32 to vector<16xi32>
      %mul3A_391 = arith.muli %and3A_388, %mul3A_390 : vector<16xi32>
      %get3A_392 = arith.constant 0 : i32
      %get3A_393 = arith.index_cast %get3A_392 : i32 to index
      %get3A_394 = arith.constant 64 : index
      %get3A_395 = tpu.vector_load %arg7[%get3A_393, %get3A_394] {strides = array<i32>} : memref<2x128xi32, #tpu.memory_space<vmem>>, vector<16xi32>,
      %and3A_396 = arith.constant 1 : i32
      %and3A_397 = vector.broadcast %and3A_396 : i32 to vector<16xi32>
      %and3A_398 = arith.andi %get3A_395, %and3A_397 : vector<16xi32>
      %mul3A_399 = arith.constant 64 : i32
      %mul3A_400 = vector.broadcast %mul3A_399 : i32 to vector<16xi32>
      %mul3A_401 = arith.muli %and3A_398, %mul3A_400 : vector<16xi32>
      %get3A_402 = arith.constant 0 : i32
      %get3A_403 = arith.index_cast %get3A_402 : i32 to index
      %get3A_404 = arith.constant 80 : index
      %get3A_405 = tpu.vector_load %arg7[%get3A_403, %get3A_404] {strides = array<i32>} : memref<2x128xi32, #tpu.memory_space<vmem>>, vector<16xi32>,
      %and3A_406 = arith.constant 1 : i32
      %and3A_407 = vector.broadcast %and3A_406 : i32 to vector<16xi32>
      %and3A_408 = arith.andi %get3A_405, %and3A_407 : vector<16xi32>
      %mul3A_409 = arith.constant 64 : i32
      %mul3A_410 = vector.broadcast %mul3A_409 : i32 to vector<16xi32>
      %mul3A_411 = arith.muli %and3A_408, %mul3A_410 : vector<16xi32>
      %get3A_412 = arith.constant 0 : i32
      %get3A_413 = arith.index_cast %get3A_412 : i32 to index
      %get3A_414 = arith.constant 96 : index
      %get3A_415 = tpu.vector_load %arg7[%get3A_413, %get3A_414] {strides = array<i32>} : memref<2x128xi32, #tpu.memory_space<vmem>>, vector<16xi32>,
      %and3A_416 = arith.constant 1 : i32
      %and3A_417 = vector.broadcast %and3A_416 : i32 to vector<16xi32>
      %and3A_418 = arith.andi %get3A_415, %and3A_417 : vector<16xi32>
      %mul3A_419 = arith.constant 64 : i32
      %mul3A_420 = vector.broadcast %mul3A_419 : i32 to vector<16xi32>
      %mul3A_421 = arith.muli %and3A_418, %mul3A_420 : vector<16xi32>
      %get3A_422 = arith.constant 0 : i32
      %get3A_423 = arith.index_cast %get3A_422 : i32 to index
      %get3A_424 = arith.constant 112 : index
      %get3A_425 = tpu.vector_load %arg7[%get3A_423, %get3A_424] {strides = array<i32>} : memref<2x128xi32, #tpu.memory_space<vmem>>, vector<16xi32>,
      %and3A_426 = arith.constant 1 : i32
      %and3A_427 = vector.broadcast %and3A_426 : i32 to vector<16xi32>
      %and3A_428 = arith.andi %get3A_425, %and3A_427 : vector<16xi32>
      %mul3A_429 = arith.constant 64 : i32
      %mul3A_430 = vector.broadcast %mul3A_429 : i32 to vector<16xi32>
      %mul3A_431 = arith.muli %and3A_428, %mul3A_430 : vector<16xi32>
      %add3A_432 = arith.constant 0 : i32
      %add3A_433 = vector.broadcast %add3A_432 : i32 to vector<16xi32>
      %add3A_434 = arith.addi %iota3A, %add3A_433 : vector<16xi32>
      %add3A_435 = arith.constant 16 : i32
      %add3A_436 = vector.broadcast %add3A_435 : i32 to vector<16xi32>
      %add3A_437 = arith.addi %iota3A, %add3A_436 : vector<16xi32>
      %add3A_438 = arith.constant 32 : i32
      %add3A_439 = vector.broadcast %add3A_438 : i32 to vector<16xi32>
      %add3A_440 = arith.addi %iota3A, %add3A_439 : vector<16xi32>
      %add3A_441 = arith.constant 48 : i32
      %add3A_442 = vector.broadcast %add3A_441 : i32 to vector<16xi32>
      %add3A_443 = arith.addi %iota3A, %add3A_442 : vector<16xi32>
      %add3A_444 = arith.constant 64 : i32
      %add3A_445 = vector.broadcast %add3A_444 : i32 to vector<16xi32>
      %add3A_446 = arith.addi %iota3A, %add3A_445 : vector<16xi32>
      %add3A_447 = arith.constant 80 : i32
      %add3A_448 = vector.broadcast %add3A_447 : i32 to vector<16xi32>
      %add3A_449 = arith.addi %iota3A, %add3A_448 : vector<16xi32>
      %add3A_450 = arith.constant 96 : i32
      %add3A_451 = vector.broadcast %add3A_450 : i32 to vector<16xi32>
      %add3A_452 = arith.addi %iota3A, %add3A_451 : vector<16xi32>
      %add3A_453 = arith.constant 112 : i32
      %add3A_454 = vector.broadcast %add3A_453 : i32 to vector<16xi32>
      %add3A_455 = arith.addi %iota3A, %add3A_454 : vector<16xi32>
      %scan3A_456 = arith.constant 0 : i32
      %scan3A_457 = arith.constant 0 : i32
      %scan3A_458 = arith.constant 8 : i32
      %scan3A_459 = arith.addi %scan3A_457, %scan3A_458 : i32
      %scan3A_460 = arith.constant 1 : i32
      scf.for %scan3A_882 = %scan3A_457 to %scan3A_459 step %scan3A_460  : i32 {
        %mul3A_883 = arith.constant 8 : i32
        %mul3A_884 = arith.muli %scan3A_882, %mul3A_883 : i32
        %add3A_885 = arith.constant 0 : i32
        %add3A_886 = arith.addi %mul3A_884, %add3A_885 : i32
        %jit3A = arith.constant 8 : i32
        %div3A = arith.divsi %add3A_886, %jit3A : i32
        %sign3A = arith.constant 0 : i32
        %sign3A_887 = arith.cmpi sgt, %add3A_886, %sign3A : i32
        %sign3A_888 = arith.extui %sign3A_887 : i1 to i32
        %sign3A_889 = arith.constant 0 : i32
        %sign3A_890 = arith.cmpi slt, %add3A_886, %sign3A_889 : i32
        %sign3A_891 = arith.extui %sign3A_890 : i1 to i32
        %sign3A_892 = arith.subi %sign3A_888, %sign3A_891 : i32
        %sign3A_893 = arith.constant 0 : i32
        %sign3A_894 = arith.cmpi sgt, %jit3A, %sign3A_893 : i32
        %sign3A_895 = arith.extui %sign3A_894 : i1 to i32
        %sign3A_896 = arith.constant 0 : i32
        %sign3A_897 = arith.cmpi slt, %jit3A, %sign3A_896 : i32
        %sign3A_898 = arith.extui %sign3A_897 : i1 to i32
        %sign3A_899 = arith.subi %sign3A_895, %sign3A_898 : i32
        %ne3A = arith.cmpi ne, %sign3A_892, %sign3A_899 : i32
        %rem3A = arith.remsi %add3A_886, %jit3A : i32
        %ne3A_900 = arith.constant 0 : i32
        %ne3A_901 = arith.cmpi ne, %rem3A, %ne3A_900 : i32
        %and3A_902 = arith.andi %ne3A, %ne3A_901 : i1
        %sub3A = arith.constant 1 : i32
        %sub3A_903 = arith.subi %div3A, %sub3A : i32
        %select_n3A = arith.select %and3A_902, %sub3A_903, %div3A : i32
        %mul3A_904 = arith.constant 1024 : i32
        %mul3A_905 = arith.muli %select_n3A, %mul3A_904 : i32
        %jit3A_906 = arith.constant 8 : i32
        %eq3A = arith.constant 0 : i32
        %eq3A_907 = arith.cmpi eq, %jit3A_906, %eq3A : i32
        %jit3A_908 = arith.constant 1 : i32
        %select_n3A_909 = arith.select %eq3A_907, %jit3A_908, %jit3A_906 : i32
        %rem3A_910 = arith.remsi %add3A_886, %select_n3A_909 : i32
        %ne3A_911 = arith.constant 0 : i32
        %ne3A_912 = arith.cmpi ne, %rem3A_910, %ne3A_911 : i32
        %lt3A_913 = arith.constant 0 : i32
        %lt3A_914 = arith.cmpi slt, %rem3A_910, %lt3A_913 : i32
        %lt3A_915 = arith.constant 0 : i32
        %lt3A_916 = arith.cmpi slt, %select_n3A_909, %lt3A_915 : i32
        %ne3A_917 = arith.xori %lt3A_914, %lt3A_916 : i1
        %and3A_918 = arith.andi %ne3A_917, %ne3A_912 : i1
        %add3A_919 = arith.addi %rem3A_910, %select_n3A_909 : i32
        %select_n3A_920 = arith.select %and3A_918, %add3A_919, %rem3A_910 : i32
        %mul3A_921 = arith.constant 128 : i32
        %mul3A_922 = arith.muli %select_n3A_920, %mul3A_921 : i32
        %add3A_923 = arith.addi %mul3A_905, %mul3A_922 : i32
        %add3A_924 = vector.broadcast %add3A_886 : i32 to vector<16xi32>
        %add3A_925 = arith.addi %mul3A_361, %add3A_924 : vector<16xi32>
        %gather3A = arith.constant 0 : i32
        %gather3A_926 = arith.constant 0 : i32
        %gather3A_927 = arith.constant 0 : i32
        %gather3A_928 = tpu.memref_slice %arg8[%gather3A, %gather3A_926, %gather3A_927] : memref<2x128x128xf32, #tpu.memory_space<vmem>> -> memref<1x128x128xf32, #tpu.memory_space<vmem>>
        %gather3A_929 = tpu.memref_squeeze %gather3A_928 : memref<1x128x128xf32, #tpu.memory_space<vmem>> -> memref<128x128xf32, #tpu.memory_space<vmem>>
        %gather3A_930 = tpu.vector_load_idx %gather3A_929[%add3A_434, %add3A_925] : memref<128x128xf32, #tpu.memory_space<vmem>>[vector<16xi32>, vector<16xi32>], vector<16xf32>,
        %add3A_931 = arith.constant 0 : i32
        %add3A_932 = arith.addi %add3A_923, %add3A_931 : i32
        %swap3A = arith.constant 0 : i32
        %swap3A_933 = arith.index_cast %swap3A : i32 to index
        %swap3A_934 = arith.index_cast %add3A_932 : i32 to index
        %swap3A_935 = tpu.vector_load %arg9[%swap3A_933, %swap3A_934] {strides = array<i32>} : memref<2x8192xf32, #tpu.memory_space<vmem>>, vector<16xf32>,
        tpu.vector_store %arg9[%swap3A_933, %swap3A_934], %gather3A_930 {strides = array<i32>} : memref<2x8192xf32, #tpu.memory_space<vmem>>, vector<16xf32>,
        %add3A_936 = vector.broadcast %add3A_886 : i32 to vector<16xi32>
        %add3A_937 = arith.addi %mul3A_371, %add3A_936 : vector<16xi32>
        %gather3A_938 = arith.constant 0 : i32
        %gather3A_939 = arith.constant 0 : i32
        %gather3A_940 = arith.constant 0 : i32
        %gather3A_941 = tpu.memref_slice %arg8[%gather3A_938, %gather3A_939, %gather3A_940] : memref<2x128x128xf32, #tpu.memory_space<vmem>> -> memref<1x128x128xf32, #tpu.memory_space<vmem>>
        %gather3A_942 = tpu.memref_squeeze %gather3A_941 : memref<1x128x128xf32, #tpu.memory_space<vmem>> -> memref<128x128xf32, #tpu.memory_space<vmem>>
        %gather3A_943 = tpu.vector_load_idx %gather3A_942[%add3A_437, %add3A_937] : memref<128x128xf32, #tpu.memory_space<vmem>>[vector<16xi32>, vector<16xi32>], vector<16xf32>,
        %add3A_944 = arith.constant 16 : i32
        %add3A_945 = arith.addi %add3A_923, %add3A_944 : i32
        %swap3A_946 = arith.constant 0 : i32
        %swap3A_947 = arith.index_cast %swap3A_946 : i32 to index
        %swap3A_948 = arith.index_cast %add3A_945 : i32 to index
        %swap3A_949 = tpu.vector_load %arg9[%swap3A_947, %swap3A_948] {strides = array<i32>} : memref<2x8192xf32, #tpu.memory_space<vmem>>, vector<16xf32>,
        tpu.vector_store %arg9[%swap3A_947, %swap3A_948], %gather3A_943 {strides = array<i32>} : memref<2x8192xf32, #tpu.memory_space<vmem>>, vector<16xf32>,
        %add3A_950 = vector.broadcast %add3A_886 : i32 to vector<16xi32>
        %add3A_951 = arith.addi %mul3A_381, %add3A_950 : vector<16xi32>
        %gather3A_952 = arith.constant 0 : i32
        %gather3A_953 = arith.constant 0 : i32
        %gather3A_954 = arith.constant 0 : i32
        %gather3A_955 = tpu.memref_slice %arg8[%gather3A_952, %gather3A_953, %gather3A_954] : memref<2x128x128xf32, #tpu.memory_space<vmem>> -> memref<1x128x128xf32, #tpu.memory_space<vmem>>
        %gather3A_956 = tpu.memref_squeeze %gather3A_955 : memref<1x128x128xf32, #tpu.memory_space<vmem>> -> memref<128x128xf32, #tpu.memory_space<vmem>>
        %gather3A_957 = tpu.vector_load_idx %gather3A_956[%add3A_440, %add3A_951] : memref<128x128xf32, #tpu.memory_space<vmem>>[vector<16xi32>, vector<16xi32>], vector<16xf32>,
        %add3A_958 = arith.constant 32 : i32
        %add3A_959 = arith.addi %add3A_923, %add3A_958 : i32
        %swap3A_960 = arith.constant 0 : i32
        %swap3A_961 = arith.index_cast %swap3A_960 : i32 to index
        %swap3A_962 = arith.index_cast %add3A_959 : i32 to index
        %swap3A_963 = tpu.vector_load %arg9[%swap3A_961, %swap3A_962] {strides = array<i32>} : memref<2x8192xf32, #tpu.memory_space<vmem>>, vector<16xf32>,
        tpu.vector_store %arg9[%swap3A_961, %swap3A_962], %gather3A_957 {strides = array<i32>} : memref<2x8192xf32, #tpu.memory_space<vmem>>, vector<16xf32>,
        %add3A_964 = vector.broadcast %add3A_886 : i32 to vector<16xi32>
        %add3A_965 = arith.addi %mul3A_391, %add3A_964 : vector<16xi32>
        %gather3A_966 = arith.constant 0 : i32
        %gather3A_967 = arith.constant 0 : i32
        %gather3A_968 = arith.constant 0 : i32
        %gather3A_969 = tpu.memref_slice %arg8[%gather3A_966, %gather3A_967, %gather3A_968] : memref<2x128x128xf32, #tpu.memory_space<vmem>> -> memref<1x128x128xf32, #tpu.memory_space<vmem>>
        %gather3A_970 = tpu.memref_squeeze %gather3A_969 : memref<1x128x128xf32, #tpu.memory_space<vmem>> -> memref<128x128xf32, #tpu.memory_space<vmem>>
        %gather3A_971 = tpu.vector_load_idx %gather3A_970[%add3A_443, %add3A_965] : memref<128x128xf32, #tpu.memory_space<vmem>>[vector<16xi32>, vector<16xi32>], vector<16xf32>,
        %add3A_972 = arith.constant 48 : i32
        %add3A_973 = arith.addi %add3A_923, %add3A_972 : i32
        %swap3A_974 = arith.constant 0 : i32
        %swap3A_975 = arith.index_cast %swap3A_974 : i32 to index
        %swap3A_976 = arith.index_cast %add3A_973 : i32 to index
        %swap3A_977 = tpu.vector_load %arg9[%swap3A_975, %swap3A_976] {strides = array<i32>} : memref<2x8192xf32, #tpu.memory_space<vmem>>, vector<16xf32>,
        tpu.vector_store %arg9[%swap3A_975, %swap3A_976], %gather3A_971 {strides = array<i32>} : memref<2x8192xf32, #tpu.memory_space<vmem>>, vector<16xf32>,
        %add3A_978 = vector.broadcast %add3A_886 : i32 to vector<16xi32>
        %add3A_979 = arith.addi %mul3A_401, %add3A_978 : vector<16xi32>
        %gather3A_980 = arith.constant 0 : i32
        %gather3A_981 = arith.constant 0 : i32
        %gather3A_982 = arith.constant 0 : i32
        %gather3A_983 = tpu.memref_slice %arg8[%gather3A_980, %gather3A_981, %gather3A_982] : memref<2x128x128xf32, #tpu.memory_space<vmem>> -> memref<1x128x128xf32, #tpu.memory_space<vmem>>
        %gather3A_984 = tpu.memref_squeeze %gather3A_983 : memref<1x128x128xf32, #tpu.memory_space<vmem>> -> memref<128x128xf32, #tpu.memory_space<vmem>>
        %gather3A_985 = tpu.vector_load_idx %gather3A_984[%add3A_446, %add3A_979] : memref<128x128xf32, #tpu.memory_space<vmem>>[vector<16xi32>, vector<16xi32>], vector<16xf32>,
        %add3A_986 = arith.constant 64 : i32
        %add3A_987 = arith.addi %add3A_923, %add3A_986 : i32
        %swap3A_988 = arith.constant 0 : i32
        %swap3A_989 = arith.index_cast %swap3A_988 : i32 to index
        %swap3A_990 = arith.index_cast %add3A_987 : i32 to index
        %swap3A_991 = tpu.vector_load %arg9[%swap3A_989, %swap3A_990] {strides = array<i32>} : memref<2x8192xf32, #tpu.memory_space<vmem>>, vector<16xf32>,
        tpu.vector_store %arg9[%swap3A_989, %swap3A_990], %gather3A_985 {strides = array<i32>} : memref<2x8192xf32, #tpu.memory_space<vmem>>, vector<16xf32>,
        %add3A_992 = vector.broadcast %add3A_886 : i32 to vector<16xi32>
        %add3A_993 = arith.addi %mul3A_411, %add3A_992 : vector<16xi32>
        %gather3A_994 = arith.constant 0 : i32
        %gather3A_995 = arith.constant 0 : i32
        %gather3A_996 = arith.constant 0 : i32
        %gather3A_997 = tpu.memref_slice %arg8[%gather3A_994, %gather3A_995, %gather3A_996] : memref<2x128x128xf32, #tpu.memory_space<vmem>> -> memref<1x128x128xf32, #tpu.memory_space<vmem>>
        %gather3A_998 = tpu.memref_squeeze %gather3A_997 : memref<1x128x128xf32, #tpu.memory_space<vmem>> -> memref<128x128xf32, #tpu.memory_space<vmem>>
        %gather3A_999 = tpu.vector_load_idx %gather3A_998[%add3A_449, %add3A_993] : memref<128x128xf32, #tpu.memory_space<vmem>>[vector<16xi32>, vector<16xi32>], vector<16xf32>,
        %add3A_1000 = arith.constant 80 : i32
        %add3A_1001 = arith.addi %add3A_923, %add3A_1000 : i32
        %swap3A_1002 = arith.constant 0 : i32
        %swap3A_1003 = arith.index_cast %swap3A_1002 : i32 to index
        %swap3A_1004 = arith.index_cast %add3A_1001 : i32 to index
        %swap3A_1005 = tpu.vector_load %arg9[%swap3A_1003, %swap3A_1004] {strides = array<i32>} : memref<2x8192xf32, #tpu.memory_space<vmem>>, vector<16xf32>,
        tpu.vector_store %arg9[%swap3A_1003, %swap3A_1004], %gather3A_999 {strides = array<i32>} : memref<2x8192xf32, #tpu.memory_space<vmem>>, vector<16xf32>,
        %add3A_1006 = vector.broadcast %add3A_886 : i32 to vector<16xi32>
        %add3A_1007 = arith.addi %mul3A_421, %add3A_1006 : vector<16xi32>
        %gather3A_1008 = arith.constant 0 : i32
        %gather3A_1009 = arith.constant 0 : i32
        %gather3A_1010 = arith.constant 0 : i32
        %gather3A_1011 = tpu.memref_slice %arg8[%gather3A_1008, %gather3A_1009, %gather3A_1010] : memref<2x128x128xf32, #tpu.memory_space<vmem>> -> memref<1x128x128xf32, #tpu.memory_space<vmem>>
        %gather3A_1012 = tpu.memref_squeeze %gather3A_1011 : memref<1x128x128xf32, #tpu.memory_space<vmem>> -> memref<128x128xf32, #tpu.memory_space<vmem>>
        %gather3A_1013 = tpu.vector_load_idx %gather3A_1012[%add3A_452, %add3A_1007] : memref<128x128xf32, #tpu.memory_space<vmem>>[vector<16xi32>, vector<16xi32>], vector<16xf32>,
        %add3A_1014 = arith.constant 96 : i32
        %add3A_1015 = arith.addi %add3A_923, %add3A_1014 : i32
        %swap3A_1016 = arith.constant 0 : i32
        %swap3A_1017 = arith.index_cast %swap3A_1016 : i32 to index
        %swap3A_1018 = arith.index_cast %add3A_1015 : i32 to index
        %swap3A_1019 = tpu.vector_load %arg9[%swap3A_1017, %swap3A_1018] {strides = array<i32>} : memref<2x8192xf32, #tpu.memory_space<vmem>>, vector<16xf32>,
        tpu.vector_store %arg9[%swap3A_1017, %swap3A_1018], %gather3A_1013 {strides = array<i32>} : memref<2x8192xf32, #tpu.memory_space<vmem>>, vector<16xf32>,
        %add3A_1020 = vector.broadcast %add3A_886 : i32 to vector<16xi32>
        %add3A_1021 = arith.addi %mul3A_431, %add3A_1020 : vector<16xi32>
        %gather3A_1022 = arith.constant 0 : i32
        %gather3A_1023 = arith.constant 0 : i32
        %gather3A_1024 = arith.constant 0 : i32
        %gather3A_1025 = tpu.memref_slice %arg8[%gather3A_1022, %gather3A_1023, %gather3A_1024] : memref<2x128x128xf32, #tpu.memory_space<vmem>> -> memref<1x128x128xf32, #tpu.memory_space<vmem>>
        %gather3A_1026 = tpu.memref_squeeze %gather3A_1025 : memref<1x128x128xf32, #tpu.memory_space<vmem>> -> memref<128x128xf32, #tpu.memory_space<vmem>>
        %gather3A_1027 = tpu.vector_load_idx %gather3A_1026[%add3A_455, %add3A_1021] : memref<128x128xf32, #tpu.memory_space<vmem>>[vector<16xi32>, vector<16xi32>], vector<16xf32>,
        %add3A_1028 = arith.constant 112 : i32
        %add3A_1029 = arith.addi %add3A_923, %add3A_1028 : i32
        %swap3A_1030 = arith.constant 0 : i32
        %swap3A_1031 = arith.index_cast %swap3A_1030 : i32 to index
        %swap3A_1032 = arith.index_cast %add3A_1029 : i32 to index
        %swap3A_1033 = tpu.vector_load %arg9[%swap3A_1031, %swap3A_1032] {strides = array<i32>} : memref<2x8192xf32, #tpu.memory_space<vmem>>, vector<16xf32>,
        tpu.vector_store %arg9[%swap3A_1031, %swap3A_1032], %gather3A_1027 {strides = array<i32>} : memref<2x8192xf32, #tpu.memory_space<vmem>>, vector<16xf32>,
        %mul3A_1034 = arith.constant 8 : i32
        %mul3A_1035 = arith.muli %scan3A_882, %mul3A_1034 : i32
        %add3A_1036 = arith.constant 1 : i32
        %add3A_1037 = arith.addi %mul3A_1035, %add3A_1036 : i32
        %jit3A_1038 = arith.constant 8 : i32
        %div3A_1039 = arith.divsi %add3A_1037, %jit3A_1038 : i32
        %sign3A_1040 = arith.constant 0 : i32
        %sign3A_1041 = arith.cmpi sgt, %add3A_1037, %sign3A_1040 : i32
        %sign3A_1042 = arith.extui %sign3A_1041 : i1 to i32
        %sign3A_1043 = arith.constant 0 : i32
        %sign3A_1044 = arith.cmpi slt, %add3A_1037, %sign3A_1043 : i32
        %sign3A_1045 = arith.extui %sign3A_1044 : i1 to i32
        %sign3A_1046 = arith.subi %sign3A_1042, %sign3A_1045 : i32
        %sign3A_1047 = arith.constant 0 : i32
        %sign3A_1048 = arith.cmpi sgt, %jit3A_1038, %sign3A_1047 : i32
        %sign3A_1049 = arith.extui %sign3A_1048 : i1 to i32
        %sign3A_1050 = arith.constant 0 : i32
        %sign3A_1051 = arith.cmpi slt, %jit3A_1038, %sign3A_1050 : i32
        %sign3A_1052 = arith.extui %sign3A_1051 : i1 to i32
        %sign3A_1053 = arith.subi %sign3A_1049, %sign3A_1052 : i32
        %ne3A_1054 = arith.cmpi ne, %sign3A_1046, %sign3A_1053 : i32
        %rem3A_1055 = arith.remsi %add3A_1037, %jit3A_1038 : i32
        %ne3A_1056 = arith.constant 0 : i32
        %ne3A_1057 = arith.cmpi ne, %rem3A_1055, %ne3A_1056 : i32
        %and3A_1058 = arith.andi %ne3A_1054, %ne3A_1057 : i1
        %sub3A_1059 = arith.constant 1 : i32
        %sub3A_1060 = arith.subi %div3A_1039, %sub3A_1059 : i32
        %select_n3A_1061 = arith.select %and3A_1058, %sub3A_1060, %div3A_1039 : i32
        %mul3A_1062 = arith.constant 1024 : i32
        %mul3A_1063 = arith.muli %select_n3A_1061, %mul3A_1062 : i32
        %jit3A_1064 = arith.constant 8 : i32
        %eq3A_1065 = arith.constant 0 : i32
        %eq3A_1066 = arith.cmpi eq, %jit3A_1064, %eq3A_1065 : i32
        %jit3A_1067 = arith.constant 1 : i32
        %select_n3A_1068 = arith.select %eq3A_1066, %jit3A_1067, %jit3A_1064 : i32
        %rem3A_1069 = arith.remsi %add3A_1037, %select_n3A_1068 : i32
        %ne3A_1070 = arith.constant 0 : i32
        %ne3A_1071 = arith.cmpi ne, %rem3A_1069, %ne3A_1070 : i32
        %lt3A_1072 = arith.constant 0 : i32
        %lt3A_1073 = arith.cmpi slt, %rem3A_1069, %lt3A_1072 : i32
        %lt3A_1074 = arith.constant 0 : i32
        %lt3A_1075 = arith.cmpi slt, %select_n3A_1068, %lt3A_1074 : i32
        %ne3A_1076 = arith.xori %lt3A_1073, %lt3A_1075 : i1
        %and3A_1077 = arith.andi %ne3A_1076, %ne3A_1071 : i1
        %add3A_1078 = arith.addi %rem3A_1069, %select_n3A_1068 : i32
        %select_n3A_1079 = arith.select %and3A_1077, %add3A_1078, %rem3A_1069 : i32
        %mul3A_1080 = arith.constant 128 : i32
        %mul3A_1081 = arith.muli %select_n3A_1079, %mul3A_1080 : i32
        %add3A_1082 = arith.addi %mul3A_1063, %mul3A_1081 : i32
        %add3A_1083 = vector.broadcast %add3A_1037 : i32 to vector<16xi32>
        %add3A_1084 = arith.addi %mul3A_361, %add3A_1083 : vector<16xi32>
        %gather3A_1085 = arith.constant 0 : i32
        %gather3A_1086 = arith.constant 0 : i32
        %gather3A_1087 = arith.constant 0 : i32
        %gather3A_1088 = tpu.memref_slice %arg8[%gather3A_1085, %gather3A_1086, %gather3A_1087] : memref<2x128x128xf32, #tpu.memory_space<vmem>> -> memref<1x128x128xf32, #tpu.memory_space<vmem>>
        %gather3A_1089 = tpu.memref_squeeze %gather3A_1088 : memref<1x128x128xf32, #tpu.memory_space<vmem>> -> memref<128x128xf32, #tpu.memory_space<vmem>>
        %gather3A_1090 = tpu.vector_load_idx %gather3A_1089[%add3A_434, %add3A_1084] : memref<128x128xf32, #tpu.memory_space<vmem>>[vector<16xi32>, vector<16xi32>], vector<16xf32>,
        %add3A_1091 = arith.constant 0 : i32
        %add3A_1092 = arith.addi %add3A_1082, %add3A_1091 : i32
        %swap3A_1093 = arith.constant 0 : i32
        %swap3A_1094 = arith.index_cast %swap3A_1093 : i32 to index
        %swap3A_1095 = arith.index_cast %add3A_1092 : i32 to index
        %swap3A_1096 = tpu.vector_load %arg9[%swap3A_1094, %swap3A_1095] {strides = array<i32>} : memref<2x8192xf32, #tpu.memory_space<vmem>>, vector<16xf32>,
        tpu.vector_store %arg9[%swap3A_1094, %swap3A_1095], %gather3A_1090 {strides = array<i32>} : memref<2x8192xf32, #tpu.memory_space<vmem>>, vector<16xf32>,
        %add3A_1097 = vector.broadcast %add3A_1037 : i32 to vector<16xi32>
        %add3A_1098 = arith.addi %mul3A_371, %add3A_1097 : vector<16xi32>
        %gather3A_1099 = arith.constant 0 : i32
        %gather3A_1100 = arith.constant 0 : i32
        %gather3A_1101 = arith.constant 0 : i32
        %gather3A_1102 = tpu.memref_slice %arg8[%gather3A_1099, %gather3A_1100, %gather3A_1101] : memref<2x128x128xf32, #tpu.memory_space<vmem>> -> memref<1x128x128xf32, #tpu.memory_space<vmem>>
        %gather3A_1103 = tpu.memref_squeeze %gather3A_1102 : memref<1x128x128xf32, #tpu.memory_space<vmem>> -> memref<128x128xf32, #tpu.memory_space<vmem>>
        %gather3A_1104 = tpu.vector_load_idx %gather3A_1103[%add3A_437, %add3A_1098] : memref<128x128xf32, #tpu.memory_space<vmem>>[vector<16xi32>, vector<16xi32>], vector<16xf32>,
        %add3A_1105 = arith.constant 16 : i32
        %add3A_1106 = arith.addi %add3A_1082, %add3A_1105 : i32
        %swap3A_1107 = arith.constant 0 : i32
        %swap3A_1108 = arith.index_cast %swap3A_1107 : i32 to index
        %swap3A_1109 = arith.index_cast %add3A_1106 : i32 to index
        %swap3A_1110 = tpu.vector_load %arg9[%swap3A_1108, %swap3A_1109] {strides = array<i32>} : memref<2x8192xf32, #tpu.memory_space<vmem>>, vector<16xf32>,
        tpu.vector_store %arg9[%swap3A_1108, %swap3A_1109], %gather3A_1104 {strides = array<i32>} : memref<2x8192xf32, #tpu.memory_space<vmem>>, vector<16xf32>,
        %add3A_1111 = vector.broadcast %add3A_1037 : i32 to vector<16xi32>
        %add3A_1112 = arith.addi %mul3A_381, %add3A_1111 : vector<16xi32>
        %gather3A_1113 = arith.constant 0 : i32
        %gather3A_1114 = arith.constant 0 : i32
        %gather3A_1115 = arith.constant 0 : i32
        %gather3A_1116 = tpu.memref_slice %arg8[%gather3A_1113, %gather3A_1114, %gather3A_1115] : memref<2x128x128xf32, #tpu.memory_space<vmem>> -> memref<1x128x128xf32, #tpu.memory_space<vmem>>
        %gather3A_1117 = tpu.memref_squeeze %gather3A_1116 : memref<1x128x128xf32, #tpu.memory_space<vmem>> -> memref<128x128xf32, #tpu.memory_space<vmem>>
        %gather3A_1118 = tpu.vector_load_idx %gather3A_1117[%add3A_440, %add3A_1112] : memref<128x128xf32, #tpu.memory_space<vmem>>[vector<16xi32>, vector<16xi32>], vector<16xf32>,
        %add3A_1119 = arith.constant 32 : i32
        %add3A_1120 = arith.addi %add3A_1082, %add3A_1119 : i32
        %swap3A_1121 = arith.constant 0 : i32
        %swap3A_1122 = arith.index_cast %swap3A_1121 : i32 to index
        %swap3A_1123 = arith.index_cast %add3A_1120 : i32 to index
        %swap3A_1124 = tpu.vector_load %arg9[%swap3A_1122, %swap3A_1123] {strides = array<i32>} : memref<2x8192xf32, #tpu.memory_space<vmem>>, vector<16xf32>,
        tpu.vector_store %arg9[%swap3A_1122, %swap3A_1123], %gather3A_1118 {strides = array<i32>} : memref<2x8192xf32, #tpu.memory_space<vmem>>, vector<16xf32>,
        %add3A_1125 = vector.broadcast %add3A_1037 : i32 to vector<16xi32>
        %add3A_1126 = arith.addi %mul3A_391, %add3A_1125 : vector<16xi32>
        %gather3A_1127 = arith.constant 0 : i32
        %gather3A_1128 = arith.constant 0 : i32
        %gather3A_1129 = arith.constant 0 : i32
        %gather3A_1130 = tpu.memref_slice %arg8[%gather3A_1127, %gather3A_1128, %gather3A_1129] : memref<2x128x128xf32, #tpu.memory_space<vmem>> -> memref<1x128x128xf32, #tpu.memory_space<vmem>>
        %gather3A_1131 = tpu.memref_squeeze %gather3A_1130 : memref<1x128x128xf32, #tpu.memory_space<vmem>> -> memref<128x128xf32, #tpu.memory_space<vmem>>
        %gather3A_1132 = tpu.vector_load_idx %gather3A_1131[%add3A_443, %add3A_1126] : memref<128x128xf32, #tpu.memory_space<vmem>>[vector<16xi32>, vector<16xi32>], vector<16xf32>,
        %add3A_1133 = arith.constant 48 : i32
        %add3A_1134 = arith.addi %add3A_1082, %add3A_1133 : i32
        %swap3A_1135 = arith.constant 0 : i32
        %swap3A_1136 = arith.index_cast %swap3A_1135 : i32 to index
        %swap3A_1137 = arith.index_cast %add3A_1134 : i32 to index
        %swap3A_1138 = tpu.vector_load %arg9[%swap3A_1136, %swap3A_1137] {strides = array<i32>} : memref<2x8192xf32, #tpu.memory_space<vmem>>, vector<16xf32>,
        tpu.vector_store %arg9[%swap3A_1136, %swap3A_1137], %gather3A_1132 {strides = array<i32>} : memref<2x8192xf32, #tpu.memory_space<vmem>>, vector<16xf32>,
        %add3A_1139 = vector.broadcast %add3A_1037 : i32 to vector<16xi32>
        %add3A_1140 = arith.addi %mul3A_401, %add3A_1139 : vector<16xi32>
        %gather3A_1141 = arith.constant 0 : i32
        %gather3A_1142 = arith.constant 0 : i32
        %gather3A_1143 = arith.constant 0 : i32
        %gather3A_1144 = tpu.memref_slice %arg8[%gather3A_1141, %gather3A_1142, %gather3A_1143] : memref<2x128x128xf32, #tpu.memory_space<vmem>> -> memref<1x128x128xf32, #tpu.memory_space<vmem>>
        %gather3A_1145 = tpu.memref_squeeze %gather3A_1144 : memref<1x128x128xf32, #tpu.memory_space<vmem>> -> memref<128x128xf32, #tpu.memory_space<vmem>>
        %gather3A_1146 = tpu.vector_load_idx %gather3A_1145[%add3A_446, %add3A_1140] : memref<128x128xf32, #tpu.memory_space<vmem>>[vector<16xi32>, vector<16xi32>], vector<16xf32>,
        %add3A_1147 = arith.constant 64 : i32
        %add3A_1148 = arith.addi %add3A_1082, %add3A_1147 : i32
        %swap3A_1149 = arith.constant 0 : i32
        %swap3A_1150 = arith.index_cast %swap3A_1149 : i32 to index
        %swap3A_1151 = arith.index_cast %add3A_1148 : i32 to index
        %swap3A_1152 = tpu.vector_load %arg9[%swap3A_1150, %swap3A_1151] {strides = array<i32>} : memref<2x8192xf32, #tpu.memory_space<vmem>>, vector<16xf32>,
        tpu.vector_store %arg9[%swap3A_1150, %swap3A_1151], %gather3A_1146 {strides = array<i32>} : memref<2x8192xf32, #tpu.memory_space<vmem>>, vector<16xf32>,
        %add3A_1153 = vector.broadcast %add3A_1037 : i32 to vector<16xi32>
        %add3A_1154 = arith.addi %mul3A_411, %add3A_1153 : vector<16xi32>
        %gather3A_1155 = arith.constant 0 : i32
        %gather3A_1156 = arith.constant 0 : i32
        %gather3A_1157 = arith.constant 0 : i32
        %gather3A_1158 = tpu.memref_slice %arg8[%gather3A_1155, %gather3A_1156, %gather3A_1157] : memref<2x128x128xf32, #tpu.memory_space<vmem>> -> memref<1x128x128xf32, #tpu.memory_space<vmem>>
        %gather3A_1159 = tpu.memref_squeeze %gather3A_1158 : memref<1x128x128xf32, #tpu.memory_space<vmem>> -> memref<128x128xf32, #tpu.memory_space<vmem>>
        %gather3A_1160 = tpu.vector_load_idx %gather3A_1159[%add3A_449, %add3A_1154] : memref<128x128xf32, #tpu.memory_space<vmem>>[vector<16xi32>, vector<16xi32>], vector<16xf32>,
        %add3A_1161 = arith.constant 80 : i32
        %add3A_1162 = arith.addi %add3A_1082, %add3A_1161 : i32
        %swap3A_1163 = arith.constant 0 : i32
        %swap3A_1164 = arith.index_cast %swap3A_1163 : i32 to index
        %swap3A_1165 = arith.index_cast %add3A_1162 : i32 to index
        %swap3A_1166 = tpu.vector_load %arg9[%swap3A_1164, %swap3A_1165] {strides = array<i32>} : memref<2x8192xf32, #tpu.memory_space<vmem>>, vector<16xf32>,
        tpu.vector_store %arg9[%swap3A_1164, %swap3A_1165], %gather3A_1160 {strides = array<i32>} : memref<2x8192xf32, #tpu.memory_space<vmem>>, vector<16xf32>,
        %add3A_1167 = vector.broadcast %add3A_1037 : i32 to vector<16xi32>
        %add3A_1168 = arith.addi %mul3A_421, %add3A_1167 : vector<16xi32>
        %gather3A_1169 = arith.constant 0 : i32
        %gather3A_1170 = arith.constant 0 : i32
        %gather3A_1171 = arith.constant 0 : i32
        %gather3A_1172 = tpu.memref_slice %arg8[%gather3A_1169, %gather3A_1170, %gather3A_1171] : memref<2x128x128xf32, #tpu.memory_space<vmem>> -> memref<1x128x128xf32, #tpu.memory_space<vmem>>
        %gather3A_1173 = tpu.memref_squeeze %gather3A_1172 : memref<1x128x128xf32, #tpu.memory_space<vmem>> -> memref<128x128xf32, #tpu.memory_space<vmem>>
        %gather3A_1174 = tpu.vector_load_idx %gather3A_1173[%add3A_452, %add3A_1168] : memref<128x128xf32, #tpu.memory_space<vmem>>[vector<16xi32>, vector<16xi32>], vector<16xf32>,
        %add3A_1175 = arith.constant 96 : i32
        %add3A_1176 = arith.addi %add3A_1082, %add3A_1175 : i32
        %swap3A_1177 = arith.constant 0 : i32
        %swap3A_1178 = arith.index_cast %swap3A_1177 : i32 to index
        %swap3A_1179 = arith.index_cast %add3A_1176 : i32 to index
        %swap3A_1180 = tpu.vector_load %arg9[%swap3A_1178, %swap3A_1179] {strides = array<i32>} : memref<2x8192xf32, #tpu.memory_space<vmem>>, vector<16xf32>,
        tpu.vector_store %arg9[%swap3A_1178, %swap3A_1179], %gather3A_1174 {strides = array<i32>} : memref<2x8192xf32, #tpu.memory_space<vmem>>, vector<16xf32>,
        %add3A_1181 = vector.broadcast %add3A_1037 : i32 to vector<16xi32>
        %add3A_1182 = arith.addi %mul3A_431, %add3A_1181 : vector<16xi32>
        %gather3A_1183 = arith.constant 0 : i32
        %gather3A_1184 = arith.constant 0 : i32
        %gather3A_1185 = arith.constant 0 : i32
        %gather3A_1186 = tpu.memref_slice %arg8[%gather3A_1183, %gather3A_1184, %gather3A_1185] : memref<2x128x128xf32, #tpu.memory_space<vmem>> -> memref<1x128x128xf32, #tpu.memory_space<vmem>>
        %gather3A_1187 = tpu.memref_squeeze %gather3A_1186 : memref<1x128x128xf32, #tpu.memory_space<vmem>> -> memref<128x128xf32, #tpu.memory_space<vmem>>
        %gather3A_1188 = tpu.vector_load_idx %gather3A_1187[%add3A_455, %add3A_1182] : memref<128x128xf32, #tpu.memory_space<vmem>>[vector<16xi32>, vector<16xi32>], vector<16xf32>,
        %add3A_1189 = arith.constant 112 : i32
        %add3A_1190 = arith.addi %add3A_1082, %add3A_1189 : i32
        %swap3A_1191 = arith.constant 0 : i32
        %swap3A_1192 = arith.index_cast %swap3A_1191 : i32 to index
        %swap3A_1193 = arith.index_cast %add3A_1190 : i32 to index
        %swap3A_1194 = tpu.vector_load %arg9[%swap3A_1192, %swap3A_1193] {strides = array<i32>} : memref<2x8192xf32, #tpu.memory_space<vmem>>, vector<16xf32>,
        tpu.vector_store %arg9[%swap3A_1192, %swap3A_1193], %gather3A_1188 {strides = array<i32>} : memref<2x8192xf32, #tpu.memory_space<vmem>>, vector<16xf32>,
        %mul3A_1195 = arith.constant 8 : i32
        %mul3A_1196 = arith.muli %scan3A_882, %mul3A_1195 : i32
        %add3A_1197 = arith.constant 2 : i32
        %add3A_1198 = arith.addi %mul3A_1196, %add3A_1197 : i32
        %jit3A_1199 = arith.constant 8 : i32
        %div3A_1200 = arith.divsi %add3A_1198, %jit3A_1199 : i32
        %sign3A_1201 = arith.constant 0 : i32
        %sign3A_1202 = arith.cmpi sgt, %add3A_1198, %sign3A_1201 : i32
        %sign3A_1203 = arith.extui %sign3A_1202 : i1 to i32
        %sign3A_1204 = arith.constant 0 : i32
        %sign3A_1205 = arith.cmpi slt, %add3A_1198, %sign3A_1204 : i32
        %sign3A_1206 = arith.extui %sign3A_1205 : i1 to i32
        %sign3A_1207 = arith.subi %sign3A_1203, %sign3A_1206 : i32
        %sign3A_1208 = arith.constant 0 : i32
        %sign3A_1209 = arith.cmpi sgt, %jit3A_1199, %sign3A_1208 : i32
        %sign3A_1210 = arith.extui %sign3A_1209 : i1 to i32
        %sign3A_1211 = arith.constant 0 : i32
        %sign3A_1212 = arith.cmpi slt, %jit3A_1199, %sign3A_1211 : i32
        %sign3A_1213 = arith.extui %sign3A_1212 : i1 to i32
        %sign3A_1214 = arith.subi %sign3A_1210, %sign3A_1213 : i32
        %ne3A_1215 = arith.cmpi ne, %sign3A_1207, %sign3A_1214 : i32
        %rem3A_1216 = arith.remsi %add3A_1198, %jit3A_1199 : i32
        %ne3A_1217 = arith.constant 0 : i32
        %ne3A_1218 = arith.cmpi ne, %rem3A_1216, %ne3A_1217 : i32
        %and3A_1219 = arith.andi %ne3A_1215, %ne3A_1218 : i1
        %sub3A_1220 = arith.constant 1 : i32
        %sub3A_1221 = arith.subi %div3A_1200, %sub3A_1220 : i32
        %select_n3A_1222 = arith.select %and3A_1219, %sub3A_1221, %div3A_1200 : i32
        %mul3A_1223 = arith.constant 1024 : i32
        %mul3A_1224 = arith.muli %select_n3A_1222, %mul3A_1223 : i32
        %jit3A_1225 = arith.constant 8 : i32
        %eq3A_1226 = arith.constant 0 : i32
        %eq3A_1227 = arith.cmpi eq, %jit3A_1225, %eq3A_1226 : i32
        %jit3A_1228 = arith.constant 1 : i32
        %select_n3A_1229 = arith.select %eq3A_1227, %jit3A_1228, %jit3A_1225 : i32
        %rem3A_1230 = arith.remsi %add3A_1198, %select_n3A_1229 : i32
        %ne3A_1231 = arith.constant 0 : i32
        %ne3A_1232 = arith.cmpi ne, %rem3A_1230, %ne3A_1231 : i32
        %lt3A_1233 = arith.constant 0 : i32
        %lt3A_1234 = arith.cmpi slt, %rem3A_1230, %lt3A_1233 : i32
        %lt3A_1235 = arith.constant 0 : i32
        %lt3A_1236 = arith.cmpi slt, %select_n3A_1229, %lt3A_1235 : i32
        %ne3A_1237 = arith.xori %lt3A_1234, %lt3A_1236 : i1
        %and3A_1238 = arith.andi %ne3A_1237, %ne3A_1232 : i1
        %add3A_1239 = arith.addi %rem3A_1230, %select_n3A_1229 : i32
        %select_n3A_1240 = arith.select %and3A_1238, %add3A_1239, %rem3A_1230 : i32
        %mul3A_1241 = arith.constant 128 : i32
        %mul3A_1242 = arith.muli %select_n3A_1240, %mul3A_1241 : i32
        %add3A_1243 = arith.addi %mul3A_1224, %mul3A_1242 : i32
        %add3A_1244 = vector.broadcast %add3A_1198 : i32 to vector<16xi32>
        %add3A_1245 = arith.addi %mul3A_361, %add3A_1244 : vector<16xi32>
        %gather3A_1246 = arith.constant 0 : i32
        %gather3A_1247 = arith.constant 0 : i32
        %gather3A_1248 = arith.constant 0 : i32
        %gather3A_1249 = tpu.memref_slice %arg8[%gather3A_1246, %gather3A_1247, %gather3A_1248] : memref<2x128x128xf32, #tpu.memory_space<vmem>> -> memref<1x128x128xf32, #tpu.memory_space<vmem>>
        %gather3A_1250 = tpu.memref_squeeze %gather3A_1249 : memref<1x128x128xf32, #tpu.memory_space<vmem>> -> memref<128x128xf32, #tpu.memory_space<vmem>>
        %gather3A_1251 = tpu.vector_load_idx %gather3A_1250[%add3A_434, %add3A_1245] : memref<128x128xf32, #tpu.memory_space<vmem>>[vector<16xi32>, vector<16xi32>], vector<16xf32>,
        %add3A_1252 = arith.constant 0 : i32
        %add3A_1253 = arith.addi %add3A_1243, %add3A_1252 : i32
        %swap3A_1254 = arith.constant 0 : i32
        %swap3A_1255 = arith.index_cast %swap3A_1254 : i32 to index
        %swap3A_1256 = arith.index_cast %add3A_1253 : i32 to index
        %swap3A_1257 = tpu.vector_load %arg9[%swap3A_1255, %swap3A_1256] {strides = array<i32>} : memref<2x8192xf32, #tpu.memory_space<vmem>>, vector<16xf32>,
        tpu.vector_store %arg9[%swap3A_1255, %swap3A_1256], %gather3A_1251 {strides = array<i32>} : memref<2x8192xf32, #tpu.memory_space<vmem>>, vector<16xf32>,
        %add3A_1258 = vector.broadcast %add3A_1198 : i32 to vector<16xi32>
        %add3A_1259 = arith.addi %mul3A_371, %add3A_1258 : vector<16xi32>
        %gather3A_1260 = arith.constant 0 : i32
        %gather3A_1261 = arith.constant 0 : i32
        %gather3A_1262 = arith.constant 0 : i32
        %gather3A_1263 = tpu.memref_slice %arg8[%gather3A_1260, %gather3A_1261, %gather3A_1262] : memref<2x128x128xf32, #tpu.memory_space<vmem>> -> memref<1x128x128xf32, #tpu.memory_space<vmem>>
        %gather3A_1264 = tpu.memref_squeeze %gather3A_1263 : memref<1x128x128xf32, #tpu.memory_space<vmem>> -> memref<128x128xf32, #tpu.memory_space<vmem>>
        %gather3A_1265 = tpu.vector_load_idx %gather3A_1264[%add3A_437, %add3A_1259] : memref<128x128xf32, #tpu.memory_space<vmem>>[vector<16xi32>, vector<16xi32>], vector<16xf32>,
        %add3A_1266 = arith.constant 16 : i32
        %add3A_1267 = arith.addi %add3A_1243, %add3A_1266 : i32
        %swap3A_1268 = arith.constant 0 : i32
        %swap3A_1269 = arith.index_cast %swap3A_1268 : i32 to index
        %swap3A_1270 = arith.index_cast %add3A_1267 : i32 to index
        %swap3A_1271 = tpu.vector_load %arg9[%swap3A_1269, %swap3A_1270] {strides = array<i32>} : memref<2x8192xf32, #tpu.memory_space<vmem>>, vector<16xf32>,
        tpu.vector_store %arg9[%swap3A_1269, %swap3A_1270], %gather3A_1265 {strides = array<i32>} : memref<2x8192xf32, #tpu.memory_space<vmem>>, vector<16xf32>,
        %add3A_1272 = vector.broadcast %add3A_1198 : i32 to vector<16xi32>
        %add3A_1273 = arith.addi %mul3A_381, %add3A_1272 : vector<16xi32>
        %gather3A_1274 = arith.constant 0 : i32
        %gather3A_1275 = arith.constant 0 : i32
        %gather3A_1276 = arith.constant 0 : i32
        %gather3A_1277 = tpu.memref_slice %arg8[%gather3A_1274, %gather3A_1275, %gather3A_1276] : memref<2x128x128xf32, #tpu.memory_space<vmem>> -> memref<1x128x128xf32, #tpu.memory_space<vmem>>
        %gather3A_1278 = tpu.memref_squeeze %gather3A_1277 : memref<1x128x128xf32, #tpu.memory_space<vmem>> -> memref<128x128xf32, #tpu.memory_space<vmem>>
        %gather3A_1279 = tpu.vector_load_idx %gather3A_1278[%add3A_440, %add3A_1273] : memref<128x128xf32, #tpu.memory_space<vmem>>[vector<16xi32>, vector<16xi32>], vector<16xf32>,
        %add3A_1280 = arith.constant 32 : i32
        %add3A_1281 = arith.addi %add3A_1243, %add3A_1280 : i32
        %swap3A_1282 = arith.constant 0 : i32
        %swap3A_1283 = arith.index_cast %swap3A_1282 : i32 to index
        %swap3A_1284 = arith.index_cast %add3A_1281 : i32 to index
        %swap3A_1285 = tpu.vector_load %arg9[%swap3A_1283, %swap3A_1284] {strides = array<i32>} : memref<2x8192xf32, #tpu.memory_space<vmem>>, vector<16xf32>,
        tpu.vector_store %arg9[%swap3A_1283, %swap3A_1284], %gather3A_1279 {strides = array<i32>} : memref<2x8192xf32, #tpu.memory_space<vmem>>, vector<16xf32>,
        %add3A_1286 = vector.broadcast %add3A_1198 : i32 to vector<16xi32>
        %add3A_1287 = arith.addi %mul3A_391, %add3A_1286 : vector<16xi32>
        %gather3A_1288 = arith.constant 0 : i32
        %gather3A_1289 = arith.constant 0 : i32
        %gather3A_1290 = arith.constant 0 : i32
        %gather3A_1291 = tpu.memref_slice %arg8[%gather3A_1288, %gather3A_1289, %gather3A_1290] : memref<2x128x128xf32, #tpu.memory_space<vmem>> -> memref<1x128x128xf32, #tpu.memory_space<vmem>>
        %gather3A_1292 = tpu.memref_squeeze %gather3A_1291 : memref<1x128x128xf32, #tpu.memory_space<vmem>> -> memref<128x128xf32, #tpu.memory_space<vmem>>
        %gather3A_1293 = tpu.vector_load_idx %gather3A_1292[%add3A_443, %add3A_1287] : memref<128x128xf32, #tpu.memory_space<vmem>>[vector<16xi32>, vector<16xi32>], vector<16xf32>,
        %add3A_1294 = arith.constant 48 : i32
        %add3A_1295 = arith.addi %add3A_1243, %add3A_1294 : i32
        %swap3A_1296 = arith.constant 0 : i32
        %swap3A_1297 = arith.index_cast %swap3A_1296 : i32 to index
        %swap3A_1298 = arith.index_cast %add3A_1295 : i32 to index
        %swap3A_1299 = tpu.vector_load %arg9[%swap3A_1297, %swap3A_1298] {strides = array<i32>} : memref<2x8192xf32, #tpu.memory_space<vmem>>, vector<16xf32>,
        tpu.vector_store %arg9[%swap3A_1297, %swap3A_1298], %gather3A_1293 {strides = array<i32>} : memref<2x8192xf32, #tpu.memory_space<vmem>>, vector<16xf32>,
        %add3A_1300 = vector.broadcast %add3A_1198 : i32 to vector<16xi32>
        %add3A_1301 = arith.addi %mul3A_401, %add3A_1300 : vector<16xi32>
        %gather3A_1302 = arith.constant 0 : i32
        %gather3A_1303 = arith.constant 0 : i32
        %gather3A_1304 = arith.constant 0 : i32
        %gather3A_1305 = tpu.memref_slice %arg8[%gather3A_1302, %gather3A_1303, %gather3A_1304] : memref<2x128x128xf32, #tpu.memory_space<vmem>> -> memref<1x128x128xf32, #tpu.memory_space<vmem>>
        %gather3A_1306 = tpu.memref_squeeze %gather3A_1305 : memref<1x128x128xf32, #tpu.memory_space<vmem>> -> memref<128x128xf32, #tpu.memory_space<vmem>>
        %gather3A_1307 = tpu.vector_load_idx %gather3A_1306[%add3A_446, %add3A_1301] : memref<128x128xf32, #tpu.memory_space<vmem>>[vector<16xi32>, vector<16xi32>], vector<16xf32>,
        %add3A_1308 = arith.constant 64 : i32
        %add3A_1309 = arith.addi %add3A_1243, %add3A_1308 : i32
        %swap3A_1310 = arith.constant 0 : i32
        %swap3A_1311 = arith.index_cast %swap3A_1310 : i32 to index
        %swap3A_1312 = arith.index_cast %add3A_1309 : i32 to index
        %swap3A_1313 = tpu.vector_load %arg9[%swap3A_1311, %swap3A_1312] {strides = array<i32>} : memref<2x8192xf32, #tpu.memory_space<vmem>>, vector<16xf32>,
        tpu.vector_store %arg9[%swap3A_1311, %swap3A_1312], %gather3A_1307 {strides = array<i32>} : memref<2x8192xf32, #tpu.memory_space<vmem>>, vector<16xf32>,
        %add3A_1314 = vector.broadcast %add3A_1198 : i32 to vector<16xi32>
        %add3A_1315 = arith.addi %mul3A_411, %add3A_1314 : vector<16xi32>
        %gather3A_1316 = arith.constant 0 : i32
        %gather3A_1317 = arith.constant 0 : i32
        %gather3A_1318 = arith.constant 0 : i32
        %gather3A_1319 = tpu.memref_slice %arg8[%gather3A_1316, %gather3A_1317, %gather3A_1318] : memref<2x128x128xf32, #tpu.memory_space<vmem>> -> memref<1x128x128xf32, #tpu.memory_space<vmem>>
        %gather3A_1320 = tpu.memref_squeeze %gather3A_1319 : memref<1x128x128xf32, #tpu.memory_space<vmem>> -> memref<128x128xf32, #tpu.memory_space<vmem>>
        %gather3A_1321 = tpu.vector_load_idx %gather3A_1320[%add3A_449, %add3A_1315] : memref<128x128xf32, #tpu.memory_space<vmem>>[vector<16xi32>, vector<16xi32>], vector<16xf32>,
        %add3A_1322 = arith.constant 80 : i32
        %add3A_1323 = arith.addi %add3A_1243, %add3A_1322 : i32
        %swap3A_1324 = arith.constant 0 : i32
        %swap3A_1325 = arith.index_cast %swap3A_1324 : i32 to index
        %swap3A_1326 = arith.index_cast %add3A_1323 : i32 to index
        %swap3A_1327 = tpu.vector_load %arg9[%swap3A_1325, %swap3A_1326] {strides = array<i32>} : memref<2x8192xf32, #tpu.memory_space<vmem>>, vector<16xf32>,
        tpu.vector_store %arg9[%swap3A_1325, %swap3A_1326], %gather3A_1321 {strides = array<i32>} : memref<2x8192xf32, #tpu.memory_space<vmem>>, vector<16xf32>,
        %add3A_1328 = vector.broadcast %add3A_1198 : i32 to vector<16xi32>
        %add3A_1329 = arith.addi %mul3A_421, %add3A_1328 : vector<16xi32>
        %gather3A_1330 = arith.constant 0 : i32
        %gather3A_1331 = arith.constant 0 : i32
        %gather3A_1332 = arith.constant 0 : i32
        %gather3A_1333 = tpu.memref_slice %arg8[%gather3A_1330, %gather3A_1331, %gather3A_1332] : memref<2x128x128xf32, #tpu.memory_space<vmem>> -> memref<1x128x128xf32, #tpu.memory_space<vmem>>
        %gather3A_1334 = tpu.memref_squeeze %gather3A_1333 : memref<1x128x128xf32, #tpu.memory_space<vmem>> -> memref<128x128xf32, #tpu.memory_space<vmem>>
        %gather3A_1335 = tpu.vector_load_idx %gather3A_1334[%add3A_452, %add3A_1329] : memref<128x128xf32, #tpu.memory_space<vmem>>[vector<16xi32>, vector<16xi32>], vector<16xf32>,
        %add3A_1336 = arith.constant 96 : i32
        %add3A_1337 = arith.addi %add3A_1243, %add3A_1336 : i32
        %swap3A_1338 = arith.constant 0 : i32
        %swap3A_1339 = arith.index_cast %swap3A_1338 : i32 to index
        %swap3A_1340 = arith.index_cast %add3A_1337 : i32 to index
        %swap3A_1341 = tpu.vector_load %arg9[%swap3A_1339, %swap3A_1340] {strides = array<i32>} : memref<2x8192xf32, #tpu.memory_space<vmem>>, vector<16xf32>,
        tpu.vector_store %arg9[%swap3A_1339, %swap3A_1340], %gather3A_1335 {strides = array<i32>} : memref<2x8192xf32, #tpu.memory_space<vmem>>, vector<16xf32>,
        %add3A_1342 = vector.broadcast %add3A_1198 : i32 to vector<16xi32>
        %add3A_1343 = arith.addi %mul3A_431, %add3A_1342 : vector<16xi32>
        %gather3A_1344 = arith.constant 0 : i32
        %gather3A_1345 = arith.constant 0 : i32
        %gather3A_1346 = arith.constant 0 : i32
        %gather3A_1347 = tpu.memref_slice %arg8[%gather3A_1344, %gather3A_1345, %gather3A_1346] : memref<2x128x128xf32, #tpu.memory_space<vmem>> -> memref<1x128x128xf32, #tpu.memory_space<vmem>>
        %gather3A_1348 = tpu.memref_squeeze %gather3A_1347 : memref<1x128x128xf32, #tpu.memory_space<vmem>> -> memref<128x128xf32, #tpu.memory_space<vmem>>
        %gather3A_1349 = tpu.vector_load_idx %gather3A_1348[%add3A_455, %add3A_1343] : memref<128x128xf32, #tpu.memory_space<vmem>>[vector<16xi32>, vector<16xi32>], vector<16xf32>,
        %add3A_1350 = arith.constant 112 : i32
        %add3A_1351 = arith.addi %add3A_1243, %add3A_1350 : i32
        %swap3A_1352 = arith.constant 0 : i32
        %swap3A_1353 = arith.index_cast %swap3A_1352 : i32 to index
        %swap3A_1354 = arith.index_cast %add3A_1351 : i32 to index
        %swap3A_1355 = tpu.vector_load %arg9[%swap3A_1353, %swap3A_1354] {strides = array<i32>} : memref<2x8192xf32, #tpu.memory_space<vmem>>, vector<16xf32>,
        tpu.vector_store %arg9[%swap3A_1353, %swap3A_1354], %gather3A_1349 {strides = array<i32>} : memref<2x8192xf32, #tpu.memory_space<vmem>>, vector<16xf32>,
        %mul3A_1356 = arith.constant 8 : i32
        %mul3A_1357 = arith.muli %scan3A_882, %mul3A_1356 : i32
        %add3A_1358 = arith.constant 3 : i32
        %add3A_1359 = arith.addi %mul3A_1357, %add3A_1358 : i32
        %jit3A_1360 = arith.constant 8 : i32
        %div3A_1361 = arith.divsi %add3A_1359, %jit3A_1360 : i32
        %sign3A_1362 = arith.constant 0 : i32
        %sign3A_1363 = arith.cmpi sgt, %add3A_1359, %sign3A_1362 : i32
        %sign3A_1364 = arith.extui %sign3A_1363 : i1 to i32
        %sign3A_1365 = arith.constant 0 : i32
        %sign3A_1366 = arith.cmpi slt, %add3A_1359, %sign3A_1365 : i32
        %sign3A_1367 = arith.extui %sign3A_1366 : i1 to i32
        %sign3A_1368 = arith.subi %sign3A_1364, %sign3A_1367 : i32
        %sign3A_1369 = arith.constant 0 : i32
        %sign3A_1370 = arith.cmpi sgt, %jit3A_1360, %sign3A_1369 : i32
        %sign3A_1371 = arith.extui %sign3A_1370 : i1 to i32
        %sign3A_1372 = arith.constant 0 : i32
        %sign3A_1373 = arith.cmpi slt, %jit3A_1360, %sign3A_1372 : i32
        %sign3A_1374 = arith.extui %sign3A_1373 : i1 to i32
        %sign3A_1375 = arith.subi %sign3A_1371, %sign3A_1374 : i32
        %ne3A_1376 = arith.cmpi ne, %sign3A_1368, %sign3A_1375 : i32
        %rem3A_1377 = arith.remsi %add3A_1359, %jit3A_1360 : i32
        %ne3A_1378 = arith.constant 0 : i32
        %ne3A_1379 = arith.cmpi ne, %rem3A_1377, %ne3A_1378 : i32
        %and3A_1380 = arith.andi %ne3A_1376, %ne3A_1379 : i1
        %sub3A_1381 = arith.constant 1 : i32
        %sub3A_1382 = arith.subi %div3A_1361, %sub3A_1381 : i32
        %select_n3A_1383 = arith.select %and3A_1380, %sub3A_1382, %div3A_1361 : i32
        %mul3A_1384 = arith.constant 1024 : i32
        %mul3A_1385 = arith.muli %select_n3A_1383, %mul3A_1384 : i32
        %jit3A_1386 = arith.constant 8 : i32
        %eq3A_1387 = arith.constant 0 : i32
        %eq3A_1388 = arith.cmpi eq, %jit3A_1386, %eq3A_1387 : i32
        %jit3A_1389 = arith.constant 1 : i32
        %select_n3A_1390 = arith.select %eq3A_1388, %jit3A_1389, %jit3A_1386 : i32
        %rem3A_1391 = arith.remsi %add3A_1359, %select_n3A_1390 : i32
        %ne3A_1392 = arith.constant 0 : i32
        %ne3A_1393 = arith.cmpi ne, %rem3A_1391, %ne3A_1392 : i32
        %lt3A_1394 = arith.constant 0 : i32
        %lt3A_1395 = arith.cmpi slt, %rem3A_1391, %lt3A_1394 : i32
        %lt3A_1396 = arith.constant 0 : i32
        %lt3A_1397 = arith.cmpi slt, %select_n3A_1390, %lt3A_1396 : i32
        %ne3A_1398 = arith.xori %lt3A_1395, %lt3A_1397 : i1
        %and3A_1399 = arith.andi %ne3A_1398, %ne3A_1393 : i1
        %add3A_1400 = arith.addi %rem3A_1391, %select_n3A_1390 : i32
        %select_n3A_1401 = arith.select %and3A_1399, %add3A_1400, %rem3A_1391 : i32
        %mul3A_1402 = arith.constant 128 : i32
        %mul3A_1403 = arith.muli %select_n3A_1401, %mul3A_1402 : i32
        %add3A_1404 = arith.addi %mul3A_1385, %mul3A_1403 : i32
        %add3A_1405 = vector.broadcast %add3A_1359 : i32 to vector<16xi32>
        %add3A_1406 = arith.addi %mul3A_361, %add3A_1405 : vector<16xi32>
        %gather3A_1407 = arith.constant 0 : i32
        %gather3A_1408 = arith.constant 0 : i32
        %gather3A_1409 = arith.constant 0 : i32
        %gather3A_1410 = tpu.memref_slice %arg8[%gather3A_1407, %gather3A_1408, %gather3A_1409] : memref<2x128x128xf32, #tpu.memory_space<vmem>> -> memref<1x128x128xf32, #tpu.memory_space<vmem>>
        %gather3A_1411 = tpu.memref_squeeze %gather3A_1410 : memref<1x128x128xf32, #tpu.memory_space<vmem>> -> memref<128x128xf32, #tpu.memory_space<vmem>>
        %gather3A_1412 = tpu.vector_load_idx %gather3A_1411[%add3A_434, %add3A_1406] : memref<128x128xf32, #tpu.memory_space<vmem>>[vector<16xi32>, vector<16xi32>], vector<16xf32>,
        %add3A_1413 = arith.constant 0 : i32
        %add3A_1414 = arith.addi %add3A_1404, %add3A_1413 : i32
        %swap3A_1415 = arith.constant 0 : i32
        %swap3A_1416 = arith.index_cast %swap3A_1415 : i32 to index
        %swap3A_1417 = arith.index_cast %add3A_1414 : i32 to index
        %swap3A_1418 = tpu.vector_load %arg9[%swap3A_1416, %swap3A_1417] {strides = array<i32>} : memref<2x8192xf32, #tpu.memory_space<vmem>>, vector<16xf32>,
        tpu.vector_store %arg9[%swap3A_1416, %swap3A_1417], %gather3A_1412 {strides = array<i32>} : memref<2x8192xf32, #tpu.memory_space<vmem>>, vector<16xf32>,
        %add3A_1419 = vector.broadcast %add3A_1359 : i32 to vector<16xi32>
        %add3A_1420 = arith.addi %mul3A_371, %add3A_1419 : vector<16xi32>
        %gather3A_1421 = arith.constant 0 : i32
        %gather3A_1422 = arith.constant 0 : i32
        %gather3A_1423 = arith.constant 0 : i32
        %gather3A_1424 = tpu.memref_slice %arg8[%gather3A_1421, %gather3A_1422, %gather3A_1423] : memref<2x128x128xf32, #tpu.memory_space<vmem>> -> memref<1x128x128xf32, #tpu.memory_space<vmem>>
        %gather3A_1425 = tpu.memref_squeeze %gather3A_1424 : memref<1x128x128xf32, #tpu.memory_space<vmem>> -> memref<128x128xf32, #tpu.memory_space<vmem>>
        %gather3A_1426 = tpu.vector_load_idx %gather3A_1425[%add3A_437, %add3A_1420] : memref<128x128xf32, #tpu.memory_space<vmem>>[vector<16xi32>, vector<16xi32>], vector<16xf32>,
        %add3A_1427 = arith.constant 16 : i32
        %add3A_1428 = arith.addi %add3A_1404, %add3A_1427 : i32
        %swap3A_1429 = arith.constant 0 : i32
        %swap3A_1430 = arith.index_cast %swap3A_1429 : i32 to index
        %swap3A_1431 = arith.index_cast %add3A_1428 : i32 to index
        %swap3A_1432 = tpu.vector_load %arg9[%swap3A_1430, %swap3A_1431] {strides = array<i32>} : memref<2x8192xf32, #tpu.memory_space<vmem>>, vector<16xf32>,
        tpu.vector_store %arg9[%swap3A_1430, %swap3A_1431], %gather3A_1426 {strides = array<i32>} : memref<2x8192xf32, #tpu.memory_space<vmem>>, vector<16xf32>,
        %add3A_1433 = vector.broadcast %add3A_1359 : i32 to vector<16xi32>
        %add3A_1434 = arith.addi %mul3A_381, %add3A_1433 : vector<16xi32>
        %gather3A_1435 = arith.constant 0 : i32
        %gather3A_1436 = arith.constant 0 : i32
        %gather3A_1437 = arith.constant 0 : i32
        %gather3A_1438 = tpu.memref_slice %arg8[%gather3A_1435, %gather3A_1436, %gather3A_1437] : memref<2x128x128xf32, #tpu.memory_space<vmem>> -> memref<1x128x128xf32, #tpu.memory_space<vmem>>
        %gather3A_1439 = tpu.memref_squeeze %gather3A_1438 : memref<1x128x128xf32, #tpu.memory_space<vmem>> -> memref<128x128xf32, #tpu.memory_space<vmem>>
        %gather3A_1440 = tpu.vector_load_idx %gather3A_1439[%add3A_440, %add3A_1434] : memref<128x128xf32, #tpu.memory_space<vmem>>[vector<16xi32>, vector<16xi32>], vector<16xf32>,
        %add3A_1441 = arith.constant 32 : i32
        %add3A_1442 = arith.addi %add3A_1404, %add3A_1441 : i32
        %swap3A_1443 = arith.constant 0 : i32
        %swap3A_1444 = arith.index_cast %swap3A_1443 : i32 to index
        %swap3A_1445 = arith.index_cast %add3A_1442 : i32 to index
        %swap3A_1446 = tpu.vector_load %arg9[%swap3A_1444, %swap3A_1445] {strides = array<i32>} : memref<2x8192xf32, #tpu.memory_space<vmem>>, vector<16xf32>,
        tpu.vector_store %arg9[%swap3A_1444, %swap3A_1445], %gather3A_1440 {strides = array<i32>} : memref<2x8192xf32, #tpu.memory_space<vmem>>, vector<16xf32>,
        %add3A_1447 = vector.broadcast %add3A_1359 : i32 to vector<16xi32>
        %add3A_1448 = arith.addi %mul3A_391, %add3A_1447 : vector<16xi32>
        %gather3A_1449 = arith.constant 0 : i32
        %gather3A_1450 = arith.constant 0 : i32
        %gather3A_1451 = arith.constant 0 : i32
        %gather3A_1452 = tpu.memref_slice %arg8[%gather3A_1449, %gather3A_1450, %gather3A_1451] : memref<2x128x128xf32, #tpu.memory_space<vmem>> -> memref<1x128x128xf32, #tpu.memory_space<vmem>>
        %gather3A_1453 = tpu.memref_squeeze %gather3A_1452 : memref<1x128x128xf32, #tpu.memory_space<vmem>> -> memref<128x128xf32, #tpu.memory_space<vmem>>
        %gather3A_1454 = tpu.vector_load_idx %gather3A_1453[%add3A_443, %add3A_1448] : memref<128x128xf32, #tpu.memory_space<vmem>>[vector<16xi32>, vector<16xi32>], vector<16xf32>,
        %add3A_1455 = arith.constant 48 : i32
        %add3A_1456 = arith.addi %add3A_1404, %add3A_1455 : i32
        %swap3A_1457 = arith.constant 0 : i32
        %swap3A_1458 = arith.index_cast %swap3A_1457 : i32 to index
        %swap3A_1459 = arith.index_cast %add3A_1456 : i32 to index
        %swap3A_1460 = tpu.vector_load %arg9[%swap3A_1458, %swap3A_1459] {strides = array<i32>} : memref<2x8192xf32, #tpu.memory_space<vmem>>, vector<16xf32>,
        tpu.vector_store %arg9[%swap3A_1458, %swap3A_1459], %gather3A_1454 {strides = array<i32>} : memref<2x8192xf32, #tpu.memory_space<vmem>>, vector<16xf32>,
        %add3A_1461 = vector.broadcast %add3A_1359 : i32 to vector<16xi32>
        %add3A_1462 = arith.addi %mul3A_401, %add3A_1461 : vector<16xi32>
        %gather3A_1463 = arith.constant 0 : i32
        %gather3A_1464 = arith.constant 0 : i32
        %gather3A_1465 = arith.constant 0 : i32
        %gather3A_1466 = tpu.memref_slice %arg8[%gather3A_1463, %gather3A_1464, %gather3A_1465] : memref<2x128x128xf32, #tpu.memory_space<vmem>> -> memref<1x128x128xf32, #tpu.memory_space<vmem>>
        %gather3A_1467 = tpu.memref_squeeze %gather3A_1466 : memref<1x128x128xf32, #tpu.memory_space<vmem>> -> memref<128x128xf32, #tpu.memory_space<vmem>>
        %gather3A_1468 = tpu.vector_load_idx %gather3A_1467[%add3A_446, %add3A_1462] : memref<128x128xf32, #tpu.memory_space<vmem>>[vector<16xi32>, vector<16xi32>], vector<16xf32>,
        %add3A_1469 = arith.constant 64 : i32
        %add3A_1470 = arith.addi %add3A_1404, %add3A_1469 : i32
        %swap3A_1471 = arith.constant 0 : i32
        %swap3A_1472 = arith.index_cast %swap3A_1471 : i32 to index
        %swap3A_1473 = arith.index_cast %add3A_1470 : i32 to index
        %swap3A_1474 = tpu.vector_load %arg9[%swap3A_1472, %swap3A_1473] {strides = array<i32>} : memref<2x8192xf32, #tpu.memory_space<vmem>>, vector<16xf32>,
        tpu.vector_store %arg9[%swap3A_1472, %swap3A_1473], %gather3A_1468 {strides = array<i32>} : memref<2x8192xf32, #tpu.memory_space<vmem>>, vector<16xf32>,
        %add3A_1475 = vector.broadcast %add3A_1359 : i32 to vector<16xi32>
        %add3A_1476 = arith.addi %mul3A_411, %add3A_1475 : vector<16xi32>
        %gather3A_1477 = arith.constant 0 : i32
        %gather3A_1478 = arith.constant 0 : i32
        %gather3A_1479 = arith.constant 0 : i32
        %gather3A_1480 = tpu.memref_slice %arg8[%gather3A_1477, %gather3A_1478, %gather3A_1479] : memref<2x128x128xf32, #tpu.memory_space<vmem>> -> memref<1x128x128xf32, #tpu.memory_space<vmem>>
        %gather3A_1481 = tpu.memref_squeeze %gather3A_1480 : memref<1x128x128xf32, #tpu.memory_space<vmem>> -> memref<128x128xf32, #tpu.memory_space<vmem>>
        %gather3A_1482 = tpu.vector_load_idx %gather3A_1481[%add3A_449, %add3A_1476] : memref<128x128xf32, #tpu.memory_space<vmem>>[vector<16xi32>, vector<16xi32>], vector<16xf32>,
        %add3A_1483 = arith.constant 80 : i32
        %add3A_1484 = arith.addi %add3A_1404, %add3A_1483 : i32
        %swap3A_1485 = arith.constant 0 : i32
        %swap3A_1486 = arith.index_cast %swap3A_1485 : i32 to index
        %swap3A_1487 = arith.index_cast %add3A_1484 : i32 to index
        %swap3A_1488 = tpu.vector_load %arg9[%swap3A_1486, %swap3A_1487] {strides = array<i32>} : memref<2x8192xf32, #tpu.memory_space<vmem>>, vector<16xf32>,
        tpu.vector_store %arg9[%swap3A_1486, %swap3A_1487], %gather3A_1482 {strides = array<i32>} : memref<2x8192xf32, #tpu.memory_space<vmem>>, vector<16xf32>,
        %add3A_1489 = vector.broadcast %add3A_1359 : i32 to vector<16xi32>
        %add3A_1490 = arith.addi %mul3A_421, %add3A_1489 : vector<16xi32>
        %gather3A_1491 = arith.constant 0 : i32
        %gather3A_1492 = arith.constant 0 : i32
        %gather3A_1493 = arith.constant 0 : i32
        %gather3A_1494 = tpu.memref_slice %arg8[%gather3A_1491, %gather3A_1492, %gather3A_1493] : memref<2x128x128xf32, #tpu.memory_space<vmem>> -> memref<1x128x128xf32, #tpu.memory_space<vmem>>
        %gather3A_1495 = tpu.memref_squeeze %gather3A_1494 : memref<1x128x128xf32, #tpu.memory_space<vmem>> -> memref<128x128xf32, #tpu.memory_space<vmem>>
        %gather3A_1496 = tpu.vector_load_idx %gather3A_1495[%add3A_452, %add3A_1490] : memref<128x128xf32, #tpu.memory_space<vmem>>[vector<16xi32>, vector<16xi32>], vector<16xf32>,
        %add3A_1497 = arith.constant 96 : i32
        %add3A_1498 = arith.addi %add3A_1404, %add3A_1497 : i32
        %swap3A_1499 = arith.constant 0 : i32
        %swap3A_1500 = arith.index_cast %swap3A_1499 : i32 to index
        %swap3A_1501 = arith.index_cast %add3A_1498 : i32 to index
        %swap3A_1502 = tpu.vector_load %arg9[%swap3A_1500, %swap3A_1501] {strides = array<i32>} : memref<2x8192xf32, #tpu.memory_space<vmem>>, vector<16xf32>,
        tpu.vector_store %arg9[%swap3A_1500, %swap3A_1501], %gather3A_1496 {strides = array<i32>} : memref<2x8192xf32, #tpu.memory_space<vmem>>, vector<16xf32>,
        %add3A_1503 = vector.broadcast %add3A_1359 : i32 to vector<16xi32>
        %add3A_1504 = arith.addi %mul3A_431, %add3A_1503 : vector<16xi32>
        %gather3A_1505 = arith.constant 0 : i32
        %gather3A_1506 = arith.constant 0 : i32
        %gather3A_1507 = arith.constant 0 : i32
        %gather3A_1508 = tpu.memref_slice %arg8[%gather3A_1505, %gather3A_1506, %gather3A_1507] : memref<2x128x128xf32, #tpu.memory_space<vmem>> -> memref<1x128x128xf32, #tpu.memory_space<vmem>>
        %gather3A_1509 = tpu.memref_squeeze %gather3A_1508 : memref<1x128x128xf32, #tpu.memory_space<vmem>> -> memref<128x128xf32, #tpu.memory_space<vmem>>
        %gather3A_1510 = tpu.vector_load_idx %gather3A_1509[%add3A_455, %add3A_1504] : memref<128x128xf32, #tpu.memory_space<vmem>>[vector<16xi32>, vector<16xi32>], vector<16xf32>,
        %add3A_1511 = arith.constant 112 : i32
        %add3A_1512 = arith.addi %add3A_1404, %add3A_1511 : i32
        %swap3A_1513 = arith.constant 0 : i32
        %swap3A_1514 = arith.index_cast %swap3A_1513 : i32 to index
        %swap3A_1515 = arith.index_cast %add3A_1512 : i32 to index
        %swap3A_1516 = tpu.vector_load %arg9[%swap3A_1514, %swap3A_1515] {strides = array<i32>} : memref<2x8192xf32, #tpu.memory_space<vmem>>, vector<16xf32>,
        tpu.vector_store %arg9[%swap3A_1514, %swap3A_1515], %gather3A_1510 {strides = array<i32>} : memref<2x8192xf32, #tpu.memory_space<vmem>>, vector<16xf32>,
        %mul3A_1517 = arith.constant 8 : i32
        %mul3A_1518 = arith.muli %scan3A_882, %mul3A_1517 : i32
        %add3A_1519 = arith.constant 4 : i32
        %add3A_1520 = arith.addi %mul3A_1518, %add3A_1519 : i32
        %jit3A_1521 = arith.constant 8 : i32
        %div3A_1522 = arith.divsi %add3A_1520, %jit3A_1521 : i32
        %sign3A_1523 = arith.constant 0 : i32
        %sign3A_1524 = arith.cmpi sgt, %add3A_1520, %sign3A_1523 : i32
        %sign3A_1525 = arith.extui %sign3A_1524 : i1 to i32
        %sign3A_1526 = arith.constant 0 : i32
        %sign3A_1527 = arith.cmpi slt, %add3A_1520, %sign3A_1526 : i32
        %sign3A_1528 = arith.extui %sign3A_1527 : i1 to i32
        %sign3A_1529 = arith.subi %sign3A_1525, %sign3A_1528 : i32
        %sign3A_1530 = arith.constant 0 : i32
        %sign3A_1531 = arith.cmpi sgt, %jit3A_1521, %sign3A_1530 : i32
        %sign3A_1532 = arith.extui %sign3A_1531 : i1 to i32
        %sign3A_1533 = arith.constant 0 : i32
        %sign3A_1534 = arith.cmpi slt, %jit3A_1521, %sign3A_1533 : i32
        %sign3A_1535 = arith.extui %sign3A_1534 : i1 to i32
        %sign3A_1536 = arith.subi %sign3A_1532, %sign3A_1535 : i32
        %ne3A_1537 = arith.cmpi ne, %sign3A_1529, %sign3A_1536 : i32
        %rem3A_1538 = arith.remsi %add3A_1520, %jit3A_1521 : i32
        %ne3A_1539 = arith.constant 0 : i32
        %ne3A_1540 = arith.cmpi ne, %rem3A_1538, %ne3A_1539 : i32
        %and3A_1541 = arith.andi %ne3A_1537, %ne3A_1540 : i1
        %sub3A_1542 = arith.constant 1 : i32
        %sub3A_1543 = arith.subi %div3A_1522, %sub3A_1542 : i32
        %select_n3A_1544 = arith.select %and3A_1541, %sub3A_1543, %div3A_1522 : i32
        %mul3A_1545 = arith.constant 1024 : i32
        %mul3A_1546 = arith.muli %select_n3A_1544, %mul3A_1545 : i32
        %jit3A_1547 = arith.constant 8 : i32
        %eq3A_1548 = arith.constant 0 : i32
        %eq3A_1549 = arith.cmpi eq, %jit3A_1547, %eq3A_1548 : i32
        %jit3A_1550 = arith.constant 1 : i32
        %select_n3A_1551 = arith.select %eq3A_1549, %jit3A_1550, %jit3A_1547 : i32
        %rem3A_1552 = arith.remsi %add3A_1520, %select_n3A_1551 : i32
        %ne3A_1553 = arith.constant 0 : i32
        %ne3A_1554 = arith.cmpi ne, %rem3A_1552, %ne3A_1553 : i32
        %lt3A_1555 = arith.constant 0 : i32
        %lt3A_1556 = arith.cmpi slt, %rem3A_1552, %lt3A_1555 : i32
        %lt3A_1557 = arith.constant 0 : i32
        %lt3A_1558 = arith.cmpi slt, %select_n3A_1551, %lt3A_1557 : i32
        %ne3A_1559 = arith.xori %lt3A_1556, %lt3A_1558 : i1
        %and3A_1560 = arith.andi %ne3A_1559, %ne3A_1554 : i1
        %add3A_1561 = arith.addi %rem3A_1552, %select_n3A_1551 : i32
        %select_n3A_1562 = arith.select %and3A_1560, %add3A_1561, %rem3A_1552 : i32
        %mul3A_1563 = arith.constant 128 : i32
        %mul3A_1564 = arith.muli %select_n3A_1562, %mul3A_1563 : i32
        %add3A_1565 = arith.addi %mul3A_1546, %mul3A_1564 : i32
        %add3A_1566 = vector.broadcast %add3A_1520 : i32 to vector<16xi32>
        %add3A_1567 = arith.addi %mul3A_361, %add3A_1566 : vector<16xi32>
        %gather3A_1568 = arith.constant 0 : i32
        %gather3A_1569 = arith.constant 0 : i32
        %gather3A_1570 = arith.constant 0 : i32
        %gather3A_1571 = tpu.memref_slice %arg8[%gather3A_1568, %gather3A_1569, %gather3A_1570] : memref<2x128x128xf32, #tpu.memory_space<vmem>> -> memref<1x128x128xf32, #tpu.memory_space<vmem>>
        %gather3A_1572 = tpu.memref_squeeze %gather3A_1571 : memref<1x128x128xf32, #tpu.memory_space<vmem>> -> memref<128x128xf32, #tpu.memory_space<vmem>>
        %gather3A_1573 = tpu.vector_load_idx %gather3A_1572[%add3A_434, %add3A_1567] : memref<128x128xf32, #tpu.memory_space<vmem>>[vector<16xi32>, vector<16xi32>], vector<16xf32>,
        %add3A_1574 = arith.constant 0 : i32
        %add3A_1575 = arith.addi %add3A_1565, %add3A_1574 : i32
        %swap3A_1576 = arith.constant 0 : i32
        %swap3A_1577 = arith.index_cast %swap3A_1576 : i32 to index
        %swap3A_1578 = arith.index_cast %add3A_1575 : i32 to index
        %swap3A_1579 = tpu.vector_load %arg9[%swap3A_1577, %swap3A_1578] {strides = array<i32>} : memref<2x8192xf32, #tpu.memory_space<vmem>>, vector<16xf32>,
        tpu.vector_store %arg9[%swap3A_1577, %swap3A_1578], %gather3A_1573 {strides = array<i32>} : memref<2x8192xf32, #tpu.memory_space<vmem>>, vector<16xf32>,
        %add3A_1580 = vector.broadcast %add3A_1520 : i32 to vector<16xi32>
        %add3A_1581 = arith.addi %mul3A_371, %add3A_1580 : vector<16xi32>
        %gather3A_1582 = arith.constant 0 : i32
        %gather3A_1583 = arith.constant 0 : i32
        %gather3A_1584 = arith.constant 0 : i32
        %gather3A_1585 = tpu.memref_slice %arg8[%gather3A_1582, %gather3A_1583, %gather3A_1584] : memref<2x128x128xf32, #tpu.memory_space<vmem>> -> memref<1x128x128xf32, #tpu.memory_space<vmem>>
        %gather3A_1586 = tpu.memref_squeeze %gather3A_1585 : memref<1x128x128xf32, #tpu.memory_space<vmem>> -> memref<128x128xf32, #tpu.memory_space<vmem>>
        %gather3A_1587 = tpu.vector_load_idx %gather3A_1586[%add3A_437, %add3A_1581] : memref<128x128xf32, #tpu.memory_space<vmem>>[vector<16xi32>, vector<16xi32>], vector<16xf32>,
        %add3A_1588 = arith.constant 16 : i32
        %add3A_1589 = arith.addi %add3A_1565, %add3A_1588 : i32
        %swap3A_1590 = arith.constant 0 : i32
        %swap3A_1591 = arith.index_cast %swap3A_1590 : i32 to index
        %swap3A_1592 = arith.index_cast %add3A_1589 : i32 to index
        %swap3A_1593 = tpu.vector_load %arg9[%swap3A_1591, %swap3A_1592] {strides = array<i32>} : memref<2x8192xf32, #tpu.memory_space<vmem>>, vector<16xf32>,
        tpu.vector_store %arg9[%swap3A_1591, %swap3A_1592], %gather3A_1587 {strides = array<i32>} : memref<2x8192xf32, #tpu.memory_space<vmem>>, vector<16xf32>,
        %add3A_1594 = vector.broadcast %add3A_1520 : i32 to vector<16xi32>
        %add3A_1595 = arith.addi %mul3A_381, %add3A_1594 : vector<16xi32>
        %gather3A_1596 = arith.constant 0 : i32
        %gather3A_1597 = arith.constant 0 : i32
        %gather3A_1598 = arith.constant 0 : i32
        %gather3A_1599 = tpu.memref_slice %arg8[%gather3A_1596, %gather3A_1597, %gather3A_1598] : memref<2x128x128xf32, #tpu.memory_space<vmem>> -> memref<1x128x128xf32, #tpu.memory_space<vmem>>
        %gather3A_1600 = tpu.memref_squeeze %gather3A_1599 : memref<1x128x128xf32, #tpu.memory_space<vmem>> -> memref<128x128xf32, #tpu.memory_space<vmem>>
        %gather3A_1601 = tpu.vector_load_idx %gather3A_1600[%add3A_440, %add3A_1595] : memref<128x128xf32, #tpu.memory_space<vmem>>[vector<16xi32>, vector<16xi32>], vector<16xf32>,
        %add3A_1602 = arith.constant 32 : i32
        %add3A_1603 = arith.addi %add3A_1565, %add3A_1602 : i32
        %swap3A_1604 = arith.constant 0 : i32
        %swap3A_1605 = arith.index_cast %swap3A_1604 : i32 to index
        %swap3A_1606 = arith.index_cast %add3A_1603 : i32 to index
        %swap3A_1607 = tpu.vector_load %arg9[%swap3A_1605, %swap3A_1606] {strides = array<i32>} : memref<2x8192xf32, #tpu.memory_space<vmem>>, vector<16xf32>,
        tpu.vector_store %arg9[%swap3A_1605, %swap3A_1606], %gather3A_1601 {strides = array<i32>} : memref<2x8192xf32, #tpu.memory_space<vmem>>, vector<16xf32>,
        %add3A_1608 = vector.broadcast %add3A_1520 : i32 to vector<16xi32>
        %add3A_1609 = arith.addi %mul3A_391, %add3A_1608 : vector<16xi32>
        %gather3A_1610 = arith.constant 0 : i32
        %gather3A_1611 = arith.constant 0 : i32
        %gather3A_1612 = arith.constant 0 : i32
        %gather3A_1613 = tpu.memref_slice %arg8[%gather3A_1610, %gather3A_1611, %gather3A_1612] : memref<2x128x128xf32, #tpu.memory_space<vmem>> -> memref<1x128x128xf32, #tpu.memory_space<vmem>>
        %gather3A_1614 = tpu.memref_squeeze %gather3A_1613 : memref<1x128x128xf32, #tpu.memory_space<vmem>> -> memref<128x128xf32, #tpu.memory_space<vmem>>
        %gather3A_1615 = tpu.vector_load_idx %gather3A_1614[%add3A_443, %add3A_1609] : memref<128x128xf32, #tpu.memory_space<vmem>>[vector<16xi32>, vector<16xi32>], vector<16xf32>,
        %add3A_1616 = arith.constant 48 : i32
        %add3A_1617 = arith.addi %add3A_1565, %add3A_1616 : i32
        %swap3A_1618 = arith.constant 0 : i32
        %swap3A_1619 = arith.index_cast %swap3A_1618 : i32 to index
        %swap3A_1620 = arith.index_cast %add3A_1617 : i32 to index
        %swap3A_1621 = tpu.vector_load %arg9[%swap3A_1619, %swap3A_1620] {strides = array<i32>} : memref<2x8192xf32, #tpu.memory_space<vmem>>, vector<16xf32>,
        tpu.vector_store %arg9[%swap3A_1619, %swap3A_1620], %gather3A_1615 {strides = array<i32>} : memref<2x8192xf32, #tpu.memory_space<vmem>>, vector<16xf32>,
        %add3A_1622 = vector.broadcast %add3A_1520 : i32 to vector<16xi32>
        %add3A_1623 = arith.addi %mul3A_401, %add3A_1622 : vector<16xi32>
        %gather3A_1624 = arith.constant 0 : i32
        %gather3A_1625 = arith.constant 0 : i32
        %gather3A_1626 = arith.constant 0 : i32
        %gather3A_1627 = tpu.memref_slice %arg8[%gather3A_1624, %gather3A_1625, %gather3A_1626] : memref<2x128x128xf32, #tpu.memory_space<vmem>> -> memref<1x128x128xf32, #tpu.memory_space<vmem>>
        %gather3A_1628 = tpu.memref_squeeze %gather3A_1627 : memref<1x128x128xf32, #tpu.memory_space<vmem>> -> memref<128x128xf32, #tpu.memory_space<vmem>>
        %gather3A_1629 = tpu.vector_load_idx %gather3A_1628[%add3A_446, %add3A_1623] : memref<128x128xf32, #tpu.memory_space<vmem>>[vector<16xi32>, vector<16xi32>], vector<16xf32>,
        %add3A_1630 = arith.constant 64 : i32
        %add3A_1631 = arith.addi %add3A_1565, %add3A_1630 : i32
        %swap3A_1632 = arith.constant 0 : i32
        %swap3A_1633 = arith.index_cast %swap3A_1632 : i32 to index
        %swap3A_1634 = arith.index_cast %add3A_1631 : i32 to index
        %swap3A_1635 = tpu.vector_load %arg9[%swap3A_1633, %swap3A_1634] {strides = array<i32>} : memref<2x8192xf32, #tpu.memory_space<vmem>>, vector<16xf32>,
        tpu.vector_store %arg9[%swap3A_1633, %swap3A_1634], %gather3A_1629 {strides = array<i32>} : memref<2x8192xf32, #tpu.memory_space<vmem>>, vector<16xf32>,
        %add3A_1636 = vector.broadcast %add3A_1520 : i32 to vector<16xi32>
        %add3A_1637 = arith.addi %mul3A_411, %add3A_1636 : vector<16xi32>
        %gather3A_1638 = arith.constant 0 : i32
        %gather3A_1639 = arith.constant 0 : i32
        %gather3A_1640 = arith.constant 0 : i32
        %gather3A_1641 = tpu.memref_slice %arg8[%gather3A_1638, %gather3A_1639, %gather3A_1640] : memref<2x128x128xf32, #tpu.memory_space<vmem>> -> memref<1x128x128xf32, #tpu.memory_space<vmem>>
        %gather3A_1642 = tpu.memref_squeeze %gather3A_1641 : memref<1x128x128xf32, #tpu.memory_space<vmem>> -> memref<128x128xf32, #tpu.memory_space<vmem>>
        %gather3A_1643 = tpu.vector_load_idx %gather3A_1642[%add3A_449, %add3A_1637] : memref<128x128xf32, #tpu.memory_space<vmem>>[vector<16xi32>, vector<16xi32>], vector<16xf32>,
        %add3A_1644 = arith.constant 80 : i32
        %add3A_1645 = arith.addi %add3A_1565, %add3A_1644 : i32
        %swap3A_1646 = arith.constant 0 : i32
        %swap3A_1647 = arith.index_cast %swap3A_1646 : i32 to index
        %swap3A_1648 = arith.index_cast %add3A_1645 : i32 to index
        %swap3A_1649 = tpu.vector_load %arg9[%swap3A_1647, %swap3A_1648] {strides = array<i32>} : memref<2x8192xf32, #tpu.memory_space<vmem>>, vector<16xf32>,
        tpu.vector_store %arg9[%swap3A_1647, %swap3A_1648], %gather3A_1643 {strides = array<i32>} : memref<2x8192xf32, #tpu.memory_space<vmem>>, vector<16xf32>,
        %add3A_1650 = vector.broadcast %add3A_1520 : i32 to vector<16xi32>
        %add3A_1651 = arith.addi %mul3A_421, %add3A_1650 : vector<16xi32>
        %gather3A_1652 = arith.constant 0 : i32
        %gather3A_1653 = arith.constant 0 : i32
        %gather3A_1654 = arith.constant 0 : i32
        %gather3A_1655 = tpu.memref_slice %arg8[%gather3A_1652, %gather3A_1653, %gather3A_1654] : memref<2x128x128xf32, #tpu.memory_space<vmem>> -> memref<1x128x128xf32, #tpu.memory_space<vmem>>
        %gather3A_1656 = tpu.memref_squeeze %gather3A_1655 : memref<1x128x128xf32, #tpu.memory_space<vmem>> -> memref<128x128xf32, #tpu.memory_space<vmem>>
        %gather3A_1657 = tpu.vector_load_idx %gather3A_1656[%add3A_452, %add3A_1651] : memref<128x128xf32, #tpu.memory_space<vmem>>[vector<16xi32>, vector<16xi32>], vector<16xf32>,
        %add3A_1658 = arith.constant 96 : i32
        %add3A_1659 = arith.addi %add3A_1565, %add3A_1658 : i32
        %swap3A_1660 = arith.constant 0 : i32
        %swap3A_1661 = arith.index_cast %swap3A_1660 : i32 to index
        %swap3A_1662 = arith.index_cast %add3A_1659 : i32 to index
        %swap3A_1663 = tpu.vector_load %arg9[%swap3A_1661, %swap3A_1662] {strides = array<i32>} : memref<2x8192xf32, #tpu.memory_space<vmem>>, vector<16xf32>,
        tpu.vector_store %arg9[%swap3A_1661, %swap3A_1662], %gather3A_1657 {strides = array<i32>} : memref<2x8192xf32, #tpu.memory_space<vmem>>, vector<16xf32>,
        %add3A_1664 = vector.broadcast %add3A_1520 : i32 to vector<16xi32>
        %add3A_1665 = arith.addi %mul3A_431, %add3A_1664 : vector<16xi32>
        %gather3A_1666 = arith.constant 0 : i32
        %gather3A_1667 = arith.constant 0 : i32
        %gather3A_1668 = arith.constant 0 : i32
        %gather3A_1669 = tpu.memref_slice %arg8[%gather3A_1666, %gather3A_1667, %gather3A_1668] : memref<2x128x128xf32, #tpu.memory_space<vmem>> -> memref<1x128x128xf32, #tpu.memory_space<vmem>>
        %gather3A_1670 = tpu.memref_squeeze %gather3A_1669 : memref<1x128x128xf32, #tpu.memory_space<vmem>> -> memref<128x128xf32, #tpu.memory_space<vmem>>
        %gather3A_1671 = tpu.vector_load_idx %gather3A_1670[%add3A_455, %add3A_1665] : memref<128x128xf32, #tpu.memory_space<vmem>>[vector<16xi32>, vector<16xi32>], vector<16xf32>,
        %add3A_1672 = arith.constant 112 : i32
        %add3A_1673 = arith.addi %add3A_1565, %add3A_1672 : i32
        %swap3A_1674 = arith.constant 0 : i32
        %swap3A_1675 = arith.index_cast %swap3A_1674 : i32 to index
        %swap3A_1676 = arith.index_cast %add3A_1673 : i32 to index
        %swap3A_1677 = tpu.vector_load %arg9[%swap3A_1675, %swap3A_1676] {strides = array<i32>} : memref<2x8192xf32, #tpu.memory_space<vmem>>, vector<16xf32>,
        tpu.vector_store %arg9[%swap3A_1675, %swap3A_1676], %gather3A_1671 {strides = array<i32>} : memref<2x8192xf32, #tpu.memory_space<vmem>>, vector<16xf32>,
        %mul3A_1678 = arith.constant 8 : i32
        %mul3A_1679 = arith.muli %scan3A_882, %mul3A_1678 : i32
        %add3A_1680 = arith.constant 5 : i32
        %add3A_1681 = arith.addi %mul3A_1679, %add3A_1680 : i32
        %jit3A_1682 = arith.constant 8 : i32
        %div3A_1683 = arith.divsi %add3A_1681, %jit3A_1682 : i32
        %sign3A_1684 = arith.constant 0 : i32
        %sign3A_1685 = arith.cmpi sgt, %add3A_1681, %sign3A_1684 : i32
        %sign3A_1686 = arith.extui %sign3A_1685 : i1 to i32
        %sign3A_1687 = arith.constant 0 : i32
        %sign3A_1688 = arith.cmpi slt, %add3A_1681, %sign3A_1687 : i32
        %sign3A_1689 = arith.extui %sign3A_1688 : i1 to i32
        %sign3A_1690 = arith.subi %sign3A_1686, %sign3A_1689 : i32
        %sign3A_1691 = arith.constant 0 : i32
        %sign3A_1692 = arith.cmpi sgt, %jit3A_1682, %sign3A_1691 : i32
        %sign3A_1693 = arith.extui %sign3A_1692 : i1 to i32
        %sign3A_1694 = arith.constant 0 : i32
        %sign3A_1695 = arith.cmpi slt, %jit3A_1682, %sign3A_1694 : i32
        %sign3A_1696 = arith.extui %sign3A_1695 : i1 to i32
        %sign3A_1697 = arith.subi %sign3A_1693, %sign3A_1696 : i32
        %ne3A_1698 = arith.cmpi ne, %sign3A_1690, %sign3A_1697 : i32
        %rem3A_1699 = arith.remsi %add3A_1681, %jit3A_1682 : i32
        %ne3A_1700 = arith.constant 0 : i32
        %ne3A_1701 = arith.cmpi ne, %rem3A_1699, %ne3A_1700 : i32
        %and3A_1702 = arith.andi %ne3A_1698, %ne3A_1701 : i1
        %sub3A_1703 = arith.constant 1 : i32
        %sub3A_1704 = arith.subi %div3A_1683, %sub3A_1703 : i32
        %select_n3A_1705 = arith.select %and3A_1702, %sub3A_1704, %div3A_1683 : i32
        %mul3A_1706 = arith.constant 1024 : i32
        %mul3A_1707 = arith.muli %select_n3A_1705, %mul3A_1706 : i32
        %jit3A_1708 = arith.constant 8 : i32
        %eq3A_1709 = arith.constant 0 : i32
        %eq3A_1710 = arith.cmpi eq, %jit3A_1708, %eq3A_1709 : i32
        %jit3A_1711 = arith.constant 1 : i32
        %select_n3A_1712 = arith.select %eq3A_1710, %jit3A_1711, %jit3A_1708 : i32
        %rem3A_1713 = arith.remsi %add3A_1681, %select_n3A_1712 : i32
        %ne3A_1714 = arith.constant 0 : i32
        %ne3A_1715 = arith.cmpi ne, %rem3A_1713, %ne3A_1714 : i32
        %lt3A_1716 = arith.constant 0 : i32
        %lt3A_1717 = arith.cmpi slt, %rem3A_1713, %lt3A_1716 : i32
        %lt3A_1718 = arith.constant 0 : i32
        %lt3A_1719 = arith.cmpi slt, %select_n3A_1712, %lt3A_1718 : i32
        %ne3A_1720 = arith.xori %lt3A_1717, %lt3A_1719 : i1
        %and3A_1721 = arith.andi %ne3A_1720, %ne3A_1715 : i1
        %add3A_1722 = arith.addi %rem3A_1713, %select_n3A_1712 : i32
        %select_n3A_1723 = arith.select %and3A_1721, %add3A_1722, %rem3A_1713 : i32
        %mul3A_1724 = arith.constant 128 : i32
        %mul3A_1725 = arith.muli %select_n3A_1723, %mul3A_1724 : i32
        %add3A_1726 = arith.addi %mul3A_1707, %mul3A_1725 : i32
        %add3A_1727 = vector.broadcast %add3A_1681 : i32 to vector<16xi32>
        %add3A_1728 = arith.addi %mul3A_361, %add3A_1727 : vector<16xi32>
        %gather3A_1729 = arith.constant 0 : i32
        %gather3A_1730 = arith.constant 0 : i32
        %gather3A_1731 = arith.constant 0 : i32
        %gather3A_1732 = tpu.memref_slice %arg8[%gather3A_1729, %gather3A_1730, %gather3A_1731] : memref<2x128x128xf32, #tpu.memory_space<vmem>> -> memref<1x128x128xf32, #tpu.memory_space<vmem>>
        %gather3A_1733 = tpu.memref_squeeze %gather3A_1732 : memref<1x128x128xf32, #tpu.memory_space<vmem>> -> memref<128x128xf32, #tpu.memory_space<vmem>>
        %gather3A_1734 = tpu.vector_load_idx %gather3A_1733[%add3A_434, %add3A_1728] : memref<128x128xf32, #tpu.memory_space<vmem>>[vector<16xi32>, vector<16xi32>], vector<16xf32>,
        %add3A_1735 = arith.constant 0 : i32
        %add3A_1736 = arith.addi %add3A_1726, %add3A_1735 : i32
        %swap3A_1737 = arith.constant 0 : i32
        %swap3A_1738 = arith.index_cast %swap3A_1737 : i32 to index
        %swap3A_1739 = arith.index_cast %add3A_1736 : i32 to index
        %swap3A_1740 = tpu.vector_load %arg9[%swap3A_1738, %swap3A_1739] {strides = array<i32>} : memref<2x8192xf32, #tpu.memory_space<vmem>>, vector<16xf32>,
        tpu.vector_store %arg9[%swap3A_1738, %swap3A_1739], %gather3A_1734 {strides = array<i32>} : memref<2x8192xf32, #tpu.memory_space<vmem>>, vector<16xf32>,
        %add3A_1741 = vector.broadcast %add3A_1681 : i32 to vector<16xi32>
        %add3A_1742 = arith.addi %mul3A_371, %add3A_1741 : vector<16xi32>
        %gather3A_1743 = arith.constant 0 : i32
        %gather3A_1744 = arith.constant 0 : i32
        %gather3A_1745 = arith.constant 0 : i32
        %gather3A_1746 = tpu.memref_slice %arg8[%gather3A_1743, %gather3A_1744, %gather3A_1745] : memref<2x128x128xf32, #tpu.memory_space<vmem>> -> memref<1x128x128xf32, #tpu.memory_space<vmem>>
        %gather3A_1747 = tpu.memref_squeeze %gather3A_1746 : memref<1x128x128xf32, #tpu.memory_space<vmem>> -> memref<128x128xf32, #tpu.memory_space<vmem>>
        %gather3A_1748 = tpu.vector_load_idx %gather3A_1747[%add3A_437, %add3A_1742] : memref<128x128xf32, #tpu.memory_space<vmem>>[vector<16xi32>, vector<16xi32>], vector<16xf32>,
        %add3A_1749 = arith.constant 16 : i32
        %add3A_1750 = arith.addi %add3A_1726, %add3A_1749 : i32
        %swap3A_1751 = arith.constant 0 : i32
        %swap3A_1752 = arith.index_cast %swap3A_1751 : i32 to index
        %swap3A_1753 = arith.index_cast %add3A_1750 : i32 to index
        %swap3A_1754 = tpu.vector_load %arg9[%swap3A_1752, %swap3A_1753] {strides = array<i32>} : memref<2x8192xf32, #tpu.memory_space<vmem>>, vector<16xf32>,
        tpu.vector_store %arg9[%swap3A_1752, %swap3A_1753], %gather3A_1748 {strides = array<i32>} : memref<2x8192xf32, #tpu.memory_space<vmem>>, vector<16xf32>,
        %add3A_1755 = vector.broadcast %add3A_1681 : i32 to vector<16xi32>
        %add3A_1756 = arith.addi %mul3A_381, %add3A_1755 : vector<16xi32>
        %gather3A_1757 = arith.constant 0 : i32
        %gather3A_1758 = arith.constant 0 : i32
        %gather3A_1759 = arith.constant 0 : i32
        %gather3A_1760 = tpu.memref_slice %arg8[%gather3A_1757, %gather3A_1758, %gather3A_1759] : memref<2x128x128xf32, #tpu.memory_space<vmem>> -> memref<1x128x128xf32, #tpu.memory_space<vmem>>
        %gather3A_1761 = tpu.memref_squeeze %gather3A_1760 : memref<1x128x128xf32, #tpu.memory_space<vmem>> -> memref<128x128xf32, #tpu.memory_space<vmem>>
        %gather3A_1762 = tpu.vector_load_idx %gather3A_1761[%add3A_440, %add3A_1756] : memref<128x128xf32, #tpu.memory_space<vmem>>[vector<16xi32>, vector<16xi32>], vector<16xf32>,
        %add3A_1763 = arith.constant 32 : i32
        %add3A_1764 = arith.addi %add3A_1726, %add3A_1763 : i32
        %swap3A_1765 = arith.constant 0 : i32
        %swap3A_1766 = arith.index_cast %swap3A_1765 : i32 to index
        %swap3A_1767 = arith.index_cast %add3A_1764 : i32 to index
        %swap3A_1768 = tpu.vector_load %arg9[%swap3A_1766, %swap3A_1767] {strides = array<i32>} : memref<2x8192xf32, #tpu.memory_space<vmem>>, vector<16xf32>,
        tpu.vector_store %arg9[%swap3A_1766, %swap3A_1767], %gather3A_1762 {strides = array<i32>} : memref<2x8192xf32, #tpu.memory_space<vmem>>, vector<16xf32>,
        %add3A_1769 = vector.broadcast %add3A_1681 : i32 to vector<16xi32>
        %add3A_1770 = arith.addi %mul3A_391, %add3A_1769 : vector<16xi32>
        %gather3A_1771 = arith.constant 0 : i32
        %gather3A_1772 = arith.constant 0 : i32
        %gather3A_1773 = arith.constant 0 : i32
        %gather3A_1774 = tpu.memref_slice %arg8[%gather3A_1771, %gather3A_1772, %gather3A_1773] : memref<2x128x128xf32, #tpu.memory_space<vmem>> -> memref<1x128x128xf32, #tpu.memory_space<vmem>>
        %gather3A_1775 = tpu.memref_squeeze %gather3A_1774 : memref<1x128x128xf32, #tpu.memory_space<vmem>> -> memref<128x128xf32, #tpu.memory_space<vmem>>
        %gather3A_1776 = tpu.vector_load_idx %gather3A_1775[%add3A_443, %add3A_1770] : memref<128x128xf32, #tpu.memory_space<vmem>>[vector<16xi32>, vector<16xi32>], vector<16xf32>,
        %add3A_1777 = arith.constant 48 : i32
        %add3A_1778 = arith.addi %add3A_1726, %add3A_1777 : i32
        %swap3A_1779 = arith.constant 0 : i32
        %swap3A_1780 = arith.index_cast %swap3A_1779 : i32 to index
        %swap3A_1781 = arith.index_cast %add3A_1778 : i32 to index
        %swap3A_1782 = tpu.vector_load %arg9[%swap3A_1780, %swap3A_1781] {strides = array<i32>} : memref<2x8192xf32, #tpu.memory_space<vmem>>, vector<16xf32>,
        tpu.vector_store %arg9[%swap3A_1780, %swap3A_1781], %gather3A_1776 {strides = array<i32>} : memref<2x8192xf32, #tpu.memory_space<vmem>>, vector<16xf32>,
        %add3A_1783 = vector.broadcast %add3A_1681 : i32 to vector<16xi32>
        %add3A_1784 = arith.addi %mul3A_401, %add3A_1783 : vector<16xi32>
        %gather3A_1785 = arith.constant 0 : i32
        %gather3A_1786 = arith.constant 0 : i32
        %gather3A_1787 = arith.constant 0 : i32
        %gather3A_1788 = tpu.memref_slice %arg8[%gather3A_1785, %gather3A_1786, %gather3A_1787] : memref<2x128x128xf32, #tpu.memory_space<vmem>> -> memref<1x128x128xf32, #tpu.memory_space<vmem>>
        %gather3A_1789 = tpu.memref_squeeze %gather3A_1788 : memref<1x128x128xf32, #tpu.memory_space<vmem>> -> memref<128x128xf32, #tpu.memory_space<vmem>>
        %gather3A_1790 = tpu.vector_load_idx %gather3A_1789[%add3A_446, %add3A_1784] : memref<128x128xf32, #tpu.memory_space<vmem>>[vector<16xi32>, vector<16xi32>], vector<16xf32>,
        %add3A_1791 = arith.constant 64 : i32
        %add3A_1792 = arith.addi %add3A_1726, %add3A_1791 : i32
        %swap3A_1793 = arith.constant 0 : i32
        %swap3A_1794 = arith.index_cast %swap3A_1793 : i32 to index
        %swap3A_1795 = arith.index_cast %add3A_1792 : i32 to index
        %swap3A_1796 = tpu.vector_load %arg9[%swap3A_1794, %swap3A_1795] {strides = array<i32>} : memref<2x8192xf32, #tpu.memory_space<vmem>>, vector<16xf32>,
        tpu.vector_store %arg9[%swap3A_1794, %swap3A_1795], %gather3A_1790 {strides = array<i32>} : memref<2x8192xf32, #tpu.memory_space<vmem>>, vector<16xf32>,
        %add3A_1797 = vector.broadcast %add3A_1681 : i32 to vector<16xi32>
        %add3A_1798 = arith.addi %mul3A_411, %add3A_1797 : vector<16xi32>
        %gather3A_1799 = arith.constant 0 : i32
        %gather3A_1800 = arith.constant 0 : i32
        %gather3A_1801 = arith.constant 0 : i32
        %gather3A_1802 = tpu.memref_slice %arg8[%gather3A_1799, %gather3A_1800, %gather3A_1801] : memref<2x128x128xf32, #tpu.memory_space<vmem>> -> memref<1x128x128xf32, #tpu.memory_space<vmem>>
        %gather3A_1803 = tpu.memref_squeeze %gather3A_1802 : memref<1x128x128xf32, #tpu.memory_space<vmem>> -> memref<128x128xf32, #tpu.memory_space<vmem>>
        %gather3A_1804 = tpu.vector_load_idx %gather3A_1803[%add3A_449, %add3A_1798] : memref<128x128xf32, #tpu.memory_space<vmem>>[vector<16xi32>, vector<16xi32>], vector<16xf32>,
        %add3A_1805 = arith.constant 80 : i32
        %add3A_1806 = arith.addi %add3A_1726, %add3A_1805 : i32
        %swap3A_1807 = arith.constant 0 : i32
        %swap3A_1808 = arith.index_cast %swap3A_1807 : i32 to index
        %swap3A_1809 = arith.index_cast %add3A_1806 : i32 to index
        %swap3A_1810 = tpu.vector_load %arg9[%swap3A_1808, %swap3A_1809] {strides = array<i32>} : memref<2x8192xf32, #tpu.memory_space<vmem>>, vector<16xf32>,
        tpu.vector_store %arg9[%swap3A_1808, %swap3A_1809], %gather3A_1804 {strides = array<i32>} : memref<2x8192xf32, #tpu.memory_space<vmem>>, vector<16xf32>,
        %add3A_1811 = vector.broadcast %add3A_1681 : i32 to vector<16xi32>
        %add3A_1812 = arith.addi %mul3A_421, %add3A_1811 : vector<16xi32>
        %gather3A_1813 = arith.constant 0 : i32
        %gather3A_1814 = arith.constant 0 : i32
        %gather3A_1815 = arith.constant 0 : i32
        %gather3A_1816 = tpu.memref_slice %arg8[%gather3A_1813, %gather3A_1814, %gather3A_1815] : memref<2x128x128xf32, #tpu.memory_space<vmem>> -> memref<1x128x128xf32, #tpu.memory_space<vmem>>
        %gather3A_1817 = tpu.memref_squeeze %gather3A_1816 : memref<1x128x128xf32, #tpu.memory_space<vmem>> -> memref<128x128xf32, #tpu.memory_space<vmem>>
        %gather3A_1818 = tpu.vector_load_idx %gather3A_1817[%add3A_452, %add3A_1812] : memref<128x128xf32, #tpu.memory_space<vmem>>[vector<16xi32>, vector<16xi32>], vector<16xf32>,
        %add3A_1819 = arith.constant 96 : i32
        %add3A_1820 = arith.addi %add3A_1726, %add3A_1819 : i32
        %swap3A_1821 = arith.constant 0 : i32
        %swap3A_1822 = arith.index_cast %swap3A_1821 : i32 to index
        %swap3A_1823 = arith.index_cast %add3A_1820 : i32 to index
        %swap3A_1824 = tpu.vector_load %arg9[%swap3A_1822, %swap3A_1823] {strides = array<i32>} : memref<2x8192xf32, #tpu.memory_space<vmem>>, vector<16xf32>,
        tpu.vector_store %arg9[%swap3A_1822, %swap3A_1823], %gather3A_1818 {strides = array<i32>} : memref<2x8192xf32, #tpu.memory_space<vmem>>, vector<16xf32>,
        %add3A_1825 = vector.broadcast %add3A_1681 : i32 to vector<16xi32>
        %add3A_1826 = arith.addi %mul3A_431, %add3A_1825 : vector<16xi32>
        %gather3A_1827 = arith.constant 0 : i32
        %gather3A_1828 = arith.constant 0 : i32
        %gather3A_1829 = arith.constant 0 : i32
        %gather3A_1830 = tpu.memref_slice %arg8[%gather3A_1827, %gather3A_1828, %gather3A_1829] : memref<2x128x128xf32, #tpu.memory_space<vmem>> -> memref<1x128x128xf32, #tpu.memory_space<vmem>>
        %gather3A_1831 = tpu.memref_squeeze %gather3A_1830 : memref<1x128x128xf32, #tpu.memory_space<vmem>> -> memref<128x128xf32, #tpu.memory_space<vmem>>
        %gather3A_1832 = tpu.vector_load_idx %gather3A_1831[%add3A_455, %add3A_1826] : memref<128x128xf32, #tpu.memory_space<vmem>>[vector<16xi32>, vector<16xi32>], vector<16xf32>,
        %add3A_1833 = arith.constant 112 : i32
        %add3A_1834 = arith.addi %add3A_1726, %add3A_1833 : i32
        %swap3A_1835 = arith.constant 0 : i32
        %swap3A_1836 = arith.index_cast %swap3A_1835 : i32 to index
        %swap3A_1837 = arith.index_cast %add3A_1834 : i32 to index
        %swap3A_1838 = tpu.vector_load %arg9[%swap3A_1836, %swap3A_1837] {strides = array<i32>} : memref<2x8192xf32, #tpu.memory_space<vmem>>, vector<16xf32>,
        tpu.vector_store %arg9[%swap3A_1836, %swap3A_1837], %gather3A_1832 {strides = array<i32>} : memref<2x8192xf32, #tpu.memory_space<vmem>>, vector<16xf32>,
        %mul3A_1839 = arith.constant 8 : i32
        %mul3A_1840 = arith.muli %scan3A_882, %mul3A_1839 : i32
        %add3A_1841 = arith.constant 6 : i32
        %add3A_1842 = arith.addi %mul3A_1840, %add3A_1841 : i32
        %jit3A_1843 = arith.constant 8 : i32
        %div3A_1844 = arith.divsi %add3A_1842, %jit3A_1843 : i32
        %sign3A_1845 = arith.constant 0 : i32
        %sign3A_1846 = arith.cmpi sgt, %add3A_1842, %sign3A_1845 : i32
        %sign3A_1847 = arith.extui %sign3A_1846 : i1 to i32
        %sign3A_1848 = arith.constant 0 : i32
        %sign3A_1849 = arith.cmpi slt, %add3A_1842, %sign3A_1848 : i32
        %sign3A_1850 = arith.extui %sign3A_1849 : i1 to i32
        %sign3A_1851 = arith.subi %sign3A_1847, %sign3A_1850 : i32
        %sign3A_1852 = arith.constant 0 : i32
        %sign3A_1853 = arith.cmpi sgt, %jit3A_1843, %sign3A_1852 : i32
        %sign3A_1854 = arith.extui %sign3A_1853 : i1 to i32
        %sign3A_1855 = arith.constant 0 : i32
        %sign3A_1856 = arith.cmpi slt, %jit3A_1843, %sign3A_1855 : i32
        %sign3A_1857 = arith.extui %sign3A_1856 : i1 to i32
        %sign3A_1858 = arith.subi %sign3A_1854, %sign3A_1857 : i32
        %ne3A_1859 = arith.cmpi ne, %sign3A_1851, %sign3A_1858 : i32
        %rem3A_1860 = arith.remsi %add3A_1842, %jit3A_1843 : i32
        %ne3A_1861 = arith.constant 0 : i32
        %ne3A_1862 = arith.cmpi ne, %rem3A_1860, %ne3A_1861 : i32
        %and3A_1863 = arith.andi %ne3A_1859, %ne3A_1862 : i1
        %sub3A_1864 = arith.constant 1 : i32
        %sub3A_1865 = arith.subi %div3A_1844, %sub3A_1864 : i32
        %select_n3A_1866 = arith.select %and3A_1863, %sub3A_1865, %div3A_1844 : i32
        %mul3A_1867 = arith.constant 1024 : i32
        %mul3A_1868 = arith.muli %select_n3A_1866, %mul3A_1867 : i32
        %jit3A_1869 = arith.constant 8 : i32
        %eq3A_1870 = arith.constant 0 : i32
        %eq3A_1871 = arith.cmpi eq, %jit3A_1869, %eq3A_1870 : i32
        %jit3A_1872 = arith.constant 1 : i32
        %select_n3A_1873 = arith.select %eq3A_1871, %jit3A_1872, %jit3A_1869 : i32
        %rem3A_1874 = arith.remsi %add3A_1842, %select_n3A_1873 : i32
        %ne3A_1875 = arith.constant 0 : i32
        %ne3A_1876 = arith.cmpi ne, %rem3A_1874, %ne3A_1875 : i32
        %lt3A_1877 = arith.constant 0 : i32
        %lt3A_1878 = arith.cmpi slt, %rem3A_1874, %lt3A_1877 : i32
        %lt3A_1879 = arith.constant 0 : i32
        %lt3A_1880 = arith.cmpi slt, %select_n3A_1873, %lt3A_1879 : i32
        %ne3A_1881 = arith.xori %lt3A_1878, %lt3A_1880 : i1
        %and3A_1882 = arith.andi %ne3A_1881, %ne3A_1876 : i1
        %add3A_1883 = arith.addi %rem3A_1874, %select_n3A_1873 : i32
        %select_n3A_1884 = arith.select %and3A_1882, %add3A_1883, %rem3A_1874 : i32
        %mul3A_1885 = arith.constant 128 : i32
        %mul3A_1886 = arith.muli %select_n3A_1884, %mul3A_1885 : i32
        %add3A_1887 = arith.addi %mul3A_1868, %mul3A_1886 : i32
        %add3A_1888 = vector.broadcast %add3A_1842 : i32 to vector<16xi32>
        %add3A_1889 = arith.addi %mul3A_361, %add3A_1888 : vector<16xi32>
        %gather3A_1890 = arith.constant 0 : i32
        %gather3A_1891 = arith.constant 0 : i32
        %gather3A_1892 = arith.constant 0 : i32
        %gather3A_1893 = tpu.memref_slice %arg8[%gather3A_1890, %gather3A_1891, %gather3A_1892] : memref<2x128x128xf32, #tpu.memory_space<vmem>> -> memref<1x128x128xf32, #tpu.memory_space<vmem>>
        %gather3A_1894 = tpu.memref_squeeze %gather3A_1893 : memref<1x128x128xf32, #tpu.memory_space<vmem>> -> memref<128x128xf32, #tpu.memory_space<vmem>>
        %gather3A_1895 = tpu.vector_load_idx %gather3A_1894[%add3A_434, %add3A_1889] : memref<128x128xf32, #tpu.memory_space<vmem>>[vector<16xi32>, vector<16xi32>], vector<16xf32>,
        %add3A_1896 = arith.constant 0 : i32
        %add3A_1897 = arith.addi %add3A_1887, %add3A_1896 : i32
        %swap3A_1898 = arith.constant 0 : i32
        %swap3A_1899 = arith.index_cast %swap3A_1898 : i32 to index
        %swap3A_1900 = arith.index_cast %add3A_1897 : i32 to index
        %swap3A_1901 = tpu.vector_load %arg9[%swap3A_1899, %swap3A_1900] {strides = array<i32>} : memref<2x8192xf32, #tpu.memory_space<vmem>>, vector<16xf32>,
        tpu.vector_store %arg9[%swap3A_1899, %swap3A_1900], %gather3A_1895 {strides = array<i32>} : memref<2x8192xf32, #tpu.memory_space<vmem>>, vector<16xf32>,
        %add3A_1902 = vector.broadcast %add3A_1842 : i32 to vector<16xi32>
        %add3A_1903 = arith.addi %mul3A_371, %add3A_1902 : vector<16xi32>
        %gather3A_1904 = arith.constant 0 : i32
        %gather3A_1905 = arith.constant 0 : i32
        %gather3A_1906 = arith.constant 0 : i32
        %gather3A_1907 = tpu.memref_slice %arg8[%gather3A_1904, %gather3A_1905, %gather3A_1906] : memref<2x128x128xf32, #tpu.memory_space<vmem>> -> memref<1x128x128xf32, #tpu.memory_space<vmem>>
        %gather3A_1908 = tpu.memref_squeeze %gather3A_1907 : memref<1x128x128xf32, #tpu.memory_space<vmem>> -> memref<128x128xf32, #tpu.memory_space<vmem>>
        %gather3A_1909 = tpu.vector_load_idx %gather3A_1908[%add3A_437, %add3A_1903] : memref<128x128xf32, #tpu.memory_space<vmem>>[vector<16xi32>, vector<16xi32>], vector<16xf32>,
        %add3A_1910 = arith.constant 16 : i32
        %add3A_1911 = arith.addi %add3A_1887, %add3A_1910 : i32
        %swap3A_1912 = arith.constant 0 : i32
        %swap3A_1913 = arith.index_cast %swap3A_1912 : i32 to index
        %swap3A_1914 = arith.index_cast %add3A_1911 : i32 to index
        %swap3A_1915 = tpu.vector_load %arg9[%swap3A_1913, %swap3A_1914] {strides = array<i32>} : memref<2x8192xf32, #tpu.memory_space<vmem>>, vector<16xf32>,
        tpu.vector_store %arg9[%swap3A_1913, %swap3A_1914], %gather3A_1909 {strides = array<i32>} : memref<2x8192xf32, #tpu.memory_space<vmem>>, vector<16xf32>,
        %add3A_1916 = vector.broadcast %add3A_1842 : i32 to vector<16xi32>
        %add3A_1917 = arith.addi %mul3A_381, %add3A_1916 : vector<16xi32>
        %gather3A_1918 = arith.constant 0 : i32
        %gather3A_1919 = arith.constant 0 : i32
        %gather3A_1920 = arith.constant 0 : i32
        %gather3A_1921 = tpu.memref_slice %arg8[%gather3A_1918, %gather3A_1919, %gather3A_1920] : memref<2x128x128xf32, #tpu.memory_space<vmem>> -> memref<1x128x128xf32, #tpu.memory_space<vmem>>
        %gather3A_1922 = tpu.memref_squeeze %gather3A_1921 : memref<1x128x128xf32, #tpu.memory_space<vmem>> -> memref<128x128xf32, #tpu.memory_space<vmem>>
        %gather3A_1923 = tpu.vector_load_idx %gather3A_1922[%add3A_440, %add3A_1917] : memref<128x128xf32, #tpu.memory_space<vmem>>[vector<16xi32>, vector<16xi32>], vector<16xf32>,
        %add3A_1924 = arith.constant 32 : i32
        %add3A_1925 = arith.addi %add3A_1887, %add3A_1924 : i32
        %swap3A_1926 = arith.constant 0 : i32
        %swap3A_1927 = arith.index_cast %swap3A_1926 : i32 to index
        %swap3A_1928 = arith.index_cast %add3A_1925 : i32 to index
        %swap3A_1929 = tpu.vector_load %arg9[%swap3A_1927, %swap3A_1928] {strides = array<i32>} : memref<2x8192xf32, #tpu.memory_space<vmem>>, vector<16xf32>,
        tpu.vector_store %arg9[%swap3A_1927, %swap3A_1928], %gather3A_1923 {strides = array<i32>} : memref<2x8192xf32, #tpu.memory_space<vmem>>, vector<16xf32>,
        %add3A_1930 = vector.broadcast %add3A_1842 : i32 to vector<16xi32>
        %add3A_1931 = arith.addi %mul3A_391, %add3A_1930 : vector<16xi32>
        %gather3A_1932 = arith.constant 0 : i32
        %gather3A_1933 = arith.constant 0 : i32
        %gather3A_1934 = arith.constant 0 : i32
        %gather3A_1935 = tpu.memref_slice %arg8[%gather3A_1932, %gather3A_1933, %gather3A_1934] : memref<2x128x128xf32, #tpu.memory_space<vmem>> -> memref<1x128x128xf32, #tpu.memory_space<vmem>>
        %gather3A_1936 = tpu.memref_squeeze %gather3A_1935 : memref<1x128x128xf32, #tpu.memory_space<vmem>> -> memref<128x128xf32, #tpu.memory_space<vmem>>
        %gather3A_1937 = tpu.vector_load_idx %gather3A_1936[%add3A_443, %add3A_1931] : memref<128x128xf32, #tpu.memory_space<vmem>>[vector<16xi32>, vector<16xi32>], vector<16xf32>,
        %add3A_1938 = arith.constant 48 : i32
        %add3A_1939 = arith.addi %add3A_1887, %add3A_1938 : i32
        %swap3A_1940 = arith.constant 0 : i32
        %swap3A_1941 = arith.index_cast %swap3A_1940 : i32 to index
        %swap3A_1942 = arith.index_cast %add3A_1939 : i32 to index
        %swap3A_1943 = tpu.vector_load %arg9[%swap3A_1941, %swap3A_1942] {strides = array<i32>} : memref<2x8192xf32, #tpu.memory_space<vmem>>, vector<16xf32>,
        tpu.vector_store %arg9[%swap3A_1941, %swap3A_1942], %gather3A_1937 {strides = array<i32>} : memref<2x8192xf32, #tpu.memory_space<vmem>>, vector<16xf32>,
        %add3A_1944 = vector.broadcast %add3A_1842 : i32 to vector<16xi32>
        %add3A_1945 = arith.addi %mul3A_401, %add3A_1944 : vector<16xi32>
        %gather3A_1946 = arith.constant 0 : i32
        %gather3A_1947 = arith.constant 0 : i32
        %gather3A_1948 = arith.constant 0 : i32
        %gather3A_1949 = tpu.memref_slice %arg8[%gather3A_1946, %gather3A_1947, %gather3A_1948] : memref<2x128x128xf32, #tpu.memory_space<vmem>> -> memref<1x128x128xf32, #tpu.memory_space<vmem>>
        %gather3A_1950 = tpu.memref_squeeze %gather3A_1949 : memref<1x128x128xf32, #tpu.memory_space<vmem>> -> memref<128x128xf32, #tpu.memory_space<vmem>>
        %gather3A_1951 = tpu.vector_load_idx %gather3A_1950[%add3A_446, %add3A_1945] : memref<128x128xf32, #tpu.memory_space<vmem>>[vector<16xi32>, vector<16xi32>], vector<16xf32>,
        %add3A_1952 = arith.constant 64 : i32
        %add3A_1953 = arith.addi %add3A_1887, %add3A_1952 : i32
        %swap3A_1954 = arith.constant 0 : i32
        %swap3A_1955 = arith.index_cast %swap3A_1954 : i32 to index
        %swap3A_1956 = arith.index_cast %add3A_1953 : i32 to index
        %swap3A_1957 = tpu.vector_load %arg9[%swap3A_1955, %swap3A_1956] {strides = array<i32>} : memref<2x8192xf32, #tpu.memory_space<vmem>>, vector<16xf32>,
        tpu.vector_store %arg9[%swap3A_1955, %swap3A_1956], %gather3A_1951 {strides = array<i32>} : memref<2x8192xf32, #tpu.memory_space<vmem>>, vector<16xf32>,
        %add3A_1958 = vector.broadcast %add3A_1842 : i32 to vector<16xi32>
        %add3A_1959 = arith.addi %mul3A_411, %add3A_1958 : vector<16xi32>
        %gather3A_1960 = arith.constant 0 : i32
        %gather3A_1961 = arith.constant 0 : i32
        %gather3A_1962 = arith.constant 0 : i32
        %gather3A_1963 = tpu.memref_slice %arg8[%gather3A_1960, %gather3A_1961, %gather3A_1962] : memref<2x128x128xf32, #tpu.memory_space<vmem>> -> memref<1x128x128xf32, #tpu.memory_space<vmem>>
        %gather3A_1964 = tpu.memref_squeeze %gather3A_1963 : memref<1x128x128xf32, #tpu.memory_space<vmem>> -> memref<128x128xf32, #tpu.memory_space<vmem>>
        %gather3A_1965 = tpu.vector_load_idx %gather3A_1964[%add3A_449, %add3A_1959] : memref<128x128xf32, #tpu.memory_space<vmem>>[vector<16xi32>, vector<16xi32>], vector<16xf32>,
        %add3A_1966 = arith.constant 80 : i32
        %add3A_1967 = arith.addi %add3A_1887, %add3A_1966 : i32
        %swap3A_1968 = arith.constant 0 : i32
        %swap3A_1969 = arith.index_cast %swap3A_1968 : i32 to index
        %swap3A_1970 = arith.index_cast %add3A_1967 : i32 to index
        %swap3A_1971 = tpu.vector_load %arg9[%swap3A_1969, %swap3A_1970] {strides = array<i32>} : memref<2x8192xf32, #tpu.memory_space<vmem>>, vector<16xf32>,
        tpu.vector_store %arg9[%swap3A_1969, %swap3A_1970], %gather3A_1965 {strides = array<i32>} : memref<2x8192xf32, #tpu.memory_space<vmem>>, vector<16xf32>,
        %add3A_1972 = vector.broadcast %add3A_1842 : i32 to vector<16xi32>
        %add3A_1973 = arith.addi %mul3A_421, %add3A_1972 : vector<16xi32>
        %gather3A_1974 = arith.constant 0 : i32
        %gather3A_1975 = arith.constant 0 : i32
        %gather3A_1976 = arith.constant 0 : i32
        %gather3A_1977 = tpu.memref_slice %arg8[%gather3A_1974, %gather3A_1975, %gather3A_1976] : memref<2x128x128xf32, #tpu.memory_space<vmem>> -> memref<1x128x128xf32, #tpu.memory_space<vmem>>
        %gather3A_1978 = tpu.memref_squeeze %gather3A_1977 : memref<1x128x128xf32, #tpu.memory_space<vmem>> -> memref<128x128xf32, #tpu.memory_space<vmem>>
        %gather3A_1979 = tpu.vector_load_idx %gather3A_1978[%add3A_452, %add3A_1973] : memref<128x128xf32, #tpu.memory_space<vmem>>[vector<16xi32>, vector<16xi32>], vector<16xf32>,
        %add3A_1980 = arith.constant 96 : i32
        %add3A_1981 = arith.addi %add3A_1887, %add3A_1980 : i32
        %swap3A_1982 = arith.constant 0 : i32
        %swap3A_1983 = arith.index_cast %swap3A_1982 : i32 to index
        %swap3A_1984 = arith.index_cast %add3A_1981 : i32 to index
        %swap3A_1985 = tpu.vector_load %arg9[%swap3A_1983, %swap3A_1984] {strides = array<i32>} : memref<2x8192xf32, #tpu.memory_space<vmem>>, vector<16xf32>,
        tpu.vector_store %arg9[%swap3A_1983, %swap3A_1984], %gather3A_1979 {strides = array<i32>} : memref<2x8192xf32, #tpu.memory_space<vmem>>, vector<16xf32>,
        %add3A_1986 = vector.broadcast %add3A_1842 : i32 to vector<16xi32>
        %add3A_1987 = arith.addi %mul3A_431, %add3A_1986 : vector<16xi32>
        %gather3A_1988 = arith.constant 0 : i32
        %gather3A_1989 = arith.constant 0 : i32
        %gather3A_1990 = arith.constant 0 : i32
        %gather3A_1991 = tpu.memref_slice %arg8[%gather3A_1988, %gather3A_1989, %gather3A_1990] : memref<2x128x128xf32, #tpu.memory_space<vmem>> -> memref<1x128x128xf32, #tpu.memory_space<vmem>>
        %gather3A_1992 = tpu.memref_squeeze %gather3A_1991 : memref<1x128x128xf32, #tpu.memory_space<vmem>> -> memref<128x128xf32, #tpu.memory_space<vmem>>
        %gather3A_1993 = tpu.vector_load_idx %gather3A_1992[%add3A_455, %add3A_1987] : memref<128x128xf32, #tpu.memory_space<vmem>>[vector<16xi32>, vector<16xi32>], vector<16xf32>,
        %add3A_1994 = arith.constant 112 : i32
        %add3A_1995 = arith.addi %add3A_1887, %add3A_1994 : i32
        %swap3A_1996 = arith.constant 0 : i32
        %swap3A_1997 = arith.index_cast %swap3A_1996 : i32 to index
        %swap3A_1998 = arith.index_cast %add3A_1995 : i32 to index
        %swap3A_1999 = tpu.vector_load %arg9[%swap3A_1997, %swap3A_1998] {strides = array<i32>} : memref<2x8192xf32, #tpu.memory_space<vmem>>, vector<16xf32>,
        tpu.vector_store %arg9[%swap3A_1997, %swap3A_1998], %gather3A_1993 {strides = array<i32>} : memref<2x8192xf32, #tpu.memory_space<vmem>>, vector<16xf32>,
        %mul3A_2000 = arith.constant 8 : i32
        %mul3A_2001 = arith.muli %scan3A_882, %mul3A_2000 : i32
        %add3A_2002 = arith.constant 7 : i32
        %add3A_2003 = arith.addi %mul3A_2001, %add3A_2002 : i32
        %jit3A_2004 = arith.constant 8 : i32
        %div3A_2005 = arith.divsi %add3A_2003, %jit3A_2004 : i32
        %sign3A_2006 = arith.constant 0 : i32
        %sign3A_2007 = arith.cmpi sgt, %add3A_2003, %sign3A_2006 : i32
        %sign3A_2008 = arith.extui %sign3A_2007 : i1 to i32
        %sign3A_2009 = arith.constant 0 : i32
        %sign3A_2010 = arith.cmpi slt, %add3A_2003, %sign3A_2009 : i32
        %sign3A_2011 = arith.extui %sign3A_2010 : i1 to i32
        %sign3A_2012 = arith.subi %sign3A_2008, %sign3A_2011 : i32
        %sign3A_2013 = arith.constant 0 : i32
        %sign3A_2014 = arith.cmpi sgt, %jit3A_2004, %sign3A_2013 : i32
        %sign3A_2015 = arith.extui %sign3A_2014 : i1 to i32
        %sign3A_2016 = arith.constant 0 : i32
        %sign3A_2017 = arith.cmpi slt, %jit3A_2004, %sign3A_2016 : i32
        %sign3A_2018 = arith.extui %sign3A_2017 : i1 to i32
        %sign3A_2019 = arith.subi %sign3A_2015, %sign3A_2018 : i32
        %ne3A_2020 = arith.cmpi ne, %sign3A_2012, %sign3A_2019 : i32
        %rem3A_2021 = arith.remsi %add3A_2003, %jit3A_2004 : i32
        %ne3A_2022 = arith.constant 0 : i32
        %ne3A_2023 = arith.cmpi ne, %rem3A_2021, %ne3A_2022 : i32
        %and3A_2024 = arith.andi %ne3A_2020, %ne3A_2023 : i1
        %sub3A_2025 = arith.constant 1 : i32
        %sub3A_2026 = arith.subi %div3A_2005, %sub3A_2025 : i32
        %select_n3A_2027 = arith.select %and3A_2024, %sub3A_2026, %div3A_2005 : i32
        %mul3A_2028 = arith.constant 1024 : i32
        %mul3A_2029 = arith.muli %select_n3A_2027, %mul3A_2028 : i32
        %jit3A_2030 = arith.constant 8 : i32
        %eq3A_2031 = arith.constant 0 : i32
        %eq3A_2032 = arith.cmpi eq, %jit3A_2030, %eq3A_2031 : i32
        %jit3A_2033 = arith.constant 1 : i32
        %select_n3A_2034 = arith.select %eq3A_2032, %jit3A_2033, %jit3A_2030 : i32
        %rem3A_2035 = arith.remsi %add3A_2003, %select_n3A_2034 : i32
        %ne3A_2036 = arith.constant 0 : i32
        %ne3A_2037 = arith.cmpi ne, %rem3A_2035, %ne3A_2036 : i32
        %lt3A_2038 = arith.constant 0 : i32
        %lt3A_2039 = arith.cmpi slt, %rem3A_2035, %lt3A_2038 : i32
        %lt3A_2040 = arith.constant 0 : i32
        %lt3A_2041 = arith.cmpi slt, %select_n3A_2034, %lt3A_2040 : i32
        %ne3A_2042 = arith.xori %lt3A_2039, %lt3A_2041 : i1
        %and3A_2043 = arith.andi %ne3A_2042, %ne3A_2037 : i1
        %add3A_2044 = arith.addi %rem3A_2035, %select_n3A_2034 : i32
        %select_n3A_2045 = arith.select %and3A_2043, %add3A_2044, %rem3A_2035 : i32
        %mul3A_2046 = arith.constant 128 : i32
        %mul3A_2047 = arith.muli %select_n3A_2045, %mul3A_2046 : i32
        %add3A_2048 = arith.addi %mul3A_2029, %mul3A_2047 : i32
        %add3A_2049 = vector.broadcast %add3A_2003 : i32 to vector<16xi32>
        %add3A_2050 = arith.addi %mul3A_361, %add3A_2049 : vector<16xi32>
        %gather3A_2051 = arith.constant 0 : i32
        %gather3A_2052 = arith.constant 0 : i32
        %gather3A_2053 = arith.constant 0 : i32
        %gather3A_2054 = tpu.memref_slice %arg8[%gather3A_2051, %gather3A_2052, %gather3A_2053] : memref<2x128x128xf32, #tpu.memory_space<vmem>> -> memref<1x128x128xf32, #tpu.memory_space<vmem>>
        %gather3A_2055 = tpu.memref_squeeze %gather3A_2054 : memref<1x128x128xf32, #tpu.memory_space<vmem>> -> memref<128x128xf32, #tpu.memory_space<vmem>>
        %gather3A_2056 = tpu.vector_load_idx %gather3A_2055[%add3A_434, %add3A_2050] : memref<128x128xf32, #tpu.memory_space<vmem>>[vector<16xi32>, vector<16xi32>], vector<16xf32>,
        %add3A_2057 = arith.constant 0 : i32
        %add3A_2058 = arith.addi %add3A_2048, %add3A_2057 : i32
        %swap3A_2059 = arith.constant 0 : i32
        %swap3A_2060 = arith.index_cast %swap3A_2059 : i32 to index
        %swap3A_2061 = arith.index_cast %add3A_2058 : i32 to index
        %swap3A_2062 = tpu.vector_load %arg9[%swap3A_2060, %swap3A_2061] {strides = array<i32>} : memref<2x8192xf32, #tpu.memory_space<vmem>>, vector<16xf32>,
        tpu.vector_store %arg9[%swap3A_2060, %swap3A_2061], %gather3A_2056 {strides = array<i32>} : memref<2x8192xf32, #tpu.memory_space<vmem>>, vector<16xf32>,
        %add3A_2063 = vector.broadcast %add3A_2003 : i32 to vector<16xi32>
        %add3A_2064 = arith.addi %mul3A_371, %add3A_2063 : vector<16xi32>
        %gather3A_2065 = arith.constant 0 : i32
        %gather3A_2066 = arith.constant 0 : i32
        %gather3A_2067 = arith.constant 0 : i32
        %gather3A_2068 = tpu.memref_slice %arg8[%gather3A_2065, %gather3A_2066, %gather3A_2067] : memref<2x128x128xf32, #tpu.memory_space<vmem>> -> memref<1x128x128xf32, #tpu.memory_space<vmem>>
        %gather3A_2069 = tpu.memref_squeeze %gather3A_2068 : memref<1x128x128xf32, #tpu.memory_space<vmem>> -> memref<128x128xf32, #tpu.memory_space<vmem>>
        %gather3A_2070 = tpu.vector_load_idx %gather3A_2069[%add3A_437, %add3A_2064] : memref<128x128xf32, #tpu.memory_space<vmem>>[vector<16xi32>, vector<16xi32>], vector<16xf32>,
        %add3A_2071 = arith.constant 16 : i32
        %add3A_2072 = arith.addi %add3A_2048, %add3A_2071 : i32
        %swap3A_2073 = arith.constant 0 : i32
        %swap3A_2074 = arith.index_cast %swap3A_2073 : i32 to index
        %swap3A_2075 = arith.index_cast %add3A_2072 : i32 to index
        %swap3A_2076 = tpu.vector_load %arg9[%swap3A_2074, %swap3A_2075] {strides = array<i32>} : memref<2x8192xf32, #tpu.memory_space<vmem>>, vector<16xf32>,
        tpu.vector_store %arg9[%swap3A_2074, %swap3A_2075], %gather3A_2070 {strides = array<i32>} : memref<2x8192xf32, #tpu.memory_space<vmem>>, vector<16xf32>,
        %add3A_2077 = vector.broadcast %add3A_2003 : i32 to vector<16xi32>
        %add3A_2078 = arith.addi %mul3A_381, %add3A_2077 : vector<16xi32>
        %gather3A_2079 = arith.constant 0 : i32
        %gather3A_2080 = arith.constant 0 : i32
        %gather3A_2081 = arith.constant 0 : i32
        %gather3A_2082 = tpu.memref_slice %arg8[%gather3A_2079, %gather3A_2080, %gather3A_2081] : memref<2x128x128xf32, #tpu.memory_space<vmem>> -> memref<1x128x128xf32, #tpu.memory_space<vmem>>
        %gather3A_2083 = tpu.memref_squeeze %gather3A_2082 : memref<1x128x128xf32, #tpu.memory_space<vmem>> -> memref<128x128xf32, #tpu.memory_space<vmem>>
        %gather3A_2084 = tpu.vector_load_idx %gather3A_2083[%add3A_440, %add3A_2078] : memref<128x128xf32, #tpu.memory_space<vmem>>[vector<16xi32>, vector<16xi32>], vector<16xf32>,
        %add3A_2085 = arith.constant 32 : i32
        %add3A_2086 = arith.addi %add3A_2048, %add3A_2085 : i32
        %swap3A_2087 = arith.constant 0 : i32
        %swap3A_2088 = arith.index_cast %swap3A_2087 : i32 to index
        %swap3A_2089 = arith.index_cast %add3A_2086 : i32 to index
        %swap3A_2090 = tpu.vector_load %arg9[%swap3A_2088, %swap3A_2089] {strides = array<i32>} : memref<2x8192xf32, #tpu.memory_space<vmem>>, vector<16xf32>,
        tpu.vector_store %arg9[%swap3A_2088, %swap3A_2089], %gather3A_2084 {strides = array<i32>} : memref<2x8192xf32, #tpu.memory_space<vmem>>, vector<16xf32>,
        %add3A_2091 = vector.broadcast %add3A_2003 : i32 to vector<16xi32>
        %add3A_2092 = arith.addi %mul3A_391, %add3A_2091 : vector<16xi32>
        %gather3A_2093 = arith.constant 0 : i32
        %gather3A_2094 = arith.constant 0 : i32
        %gather3A_2095 = arith.constant 0 : i32
        %gather3A_2096 = tpu.memref_slice %arg8[%gather3A_2093, %gather3A_2094, %gather3A_2095] : memref<2x128x128xf32, #tpu.memory_space<vmem>> -> memref<1x128x128xf32, #tpu.memory_space<vmem>>
        %gather3A_2097 = tpu.memref_squeeze %gather3A_2096 : memref<1x128x128xf32, #tpu.memory_space<vmem>> -> memref<128x128xf32, #tpu.memory_space<vmem>>
        %gather3A_2098 = tpu.vector_load_idx %gather3A_2097[%add3A_443, %add3A_2092] : memref<128x128xf32, #tpu.memory_space<vmem>>[vector<16xi32>, vector<16xi32>], vector<16xf32>,
        %add3A_2099 = arith.constant 48 : i32
        %add3A_2100 = arith.addi %add3A_2048, %add3A_2099 : i32
        %swap3A_2101 = arith.constant 0 : i32
        %swap3A_2102 = arith.index_cast %swap3A_2101 : i32 to index
        %swap3A_2103 = arith.index_cast %add3A_2100 : i32 to index
        %swap3A_2104 = tpu.vector_load %arg9[%swap3A_2102, %swap3A_2103] {strides = array<i32>} : memref<2x8192xf32, #tpu.memory_space<vmem>>, vector<16xf32>,
        tpu.vector_store %arg9[%swap3A_2102, %swap3A_2103], %gather3A_2098 {strides = array<i32>} : memref<2x8192xf32, #tpu.memory_space<vmem>>, vector<16xf32>,
        %add3A_2105 = vector.broadcast %add3A_2003 : i32 to vector<16xi32>
        %add3A_2106 = arith.addi %mul3A_401, %add3A_2105 : vector<16xi32>
        %gather3A_2107 = arith.constant 0 : i32
        %gather3A_2108 = arith.constant 0 : i32
        %gather3A_2109 = arith.constant 0 : i32
        %gather3A_2110 = tpu.memref_slice %arg8[%gather3A_2107, %gather3A_2108, %gather3A_2109] : memref<2x128x128xf32, #tpu.memory_space<vmem>> -> memref<1x128x128xf32, #tpu.memory_space<vmem>>
        %gather3A_2111 = tpu.memref_squeeze %gather3A_2110 : memref<1x128x128xf32, #tpu.memory_space<vmem>> -> memref<128x128xf32, #tpu.memory_space<vmem>>
        %gather3A_2112 = tpu.vector_load_idx %gather3A_2111[%add3A_446, %add3A_2106] : memref<128x128xf32, #tpu.memory_space<vmem>>[vector<16xi32>, vector<16xi32>], vector<16xf32>,
        %add3A_2113 = arith.constant 64 : i32
        %add3A_2114 = arith.addi %add3A_2048, %add3A_2113 : i32
        %swap3A_2115 = arith.constant 0 : i32
        %swap3A_2116 = arith.index_cast %swap3A_2115 : i32 to index
        %swap3A_2117 = arith.index_cast %add3A_2114 : i32 to index
        %swap3A_2118 = tpu.vector_load %arg9[%swap3A_2116, %swap3A_2117] {strides = array<i32>} : memref<2x8192xf32, #tpu.memory_space<vmem>>, vector<16xf32>,
        tpu.vector_store %arg9[%swap3A_2116, %swap3A_2117], %gather3A_2112 {strides = array<i32>} : memref<2x8192xf32, #tpu.memory_space<vmem>>, vector<16xf32>,
        %add3A_2119 = vector.broadcast %add3A_2003 : i32 to vector<16xi32>
        %add3A_2120 = arith.addi %mul3A_411, %add3A_2119 : vector<16xi32>
        %gather3A_2121 = arith.constant 0 : i32
        %gather3A_2122 = arith.constant 0 : i32
        %gather3A_2123 = arith.constant 0 : i32
        %gather3A_2124 = tpu.memref_slice %arg8[%gather3A_2121, %gather3A_2122, %gather3A_2123] : memref<2x128x128xf32, #tpu.memory_space<vmem>> -> memref<1x128x128xf32, #tpu.memory_space<vmem>>
        %gather3A_2125 = tpu.memref_squeeze %gather3A_2124 : memref<1x128x128xf32, #tpu.memory_space<vmem>> -> memref<128x128xf32, #tpu.memory_space<vmem>>
        %gather3A_2126 = tpu.vector_load_idx %gather3A_2125[%add3A_449, %add3A_2120] : memref<128x128xf32, #tpu.memory_space<vmem>>[vector<16xi32>, vector<16xi32>], vector<16xf32>,
        %add3A_2127 = arith.constant 80 : i32
        %add3A_2128 = arith.addi %add3A_2048, %add3A_2127 : i32
        %swap3A_2129 = arith.constant 0 : i32
        %swap3A_2130 = arith.index_cast %swap3A_2129 : i32 to index
        %swap3A_2131 = arith.index_cast %add3A_2128 : i32 to index
        %swap3A_2132 = tpu.vector_load %arg9[%swap3A_2130, %swap3A_2131] {strides = array<i32>} : memref<2x8192xf32, #tpu.memory_space<vmem>>, vector<16xf32>,
        tpu.vector_store %arg9[%swap3A_2130, %swap3A_2131], %gather3A_2126 {strides = array<i32>} : memref<2x8192xf32, #tpu.memory_space<vmem>>, vector<16xf32>,
        %add3A_2133 = vector.broadcast %add3A_2003 : i32 to vector<16xi32>
        %add3A_2134 = arith.addi %mul3A_421, %add3A_2133 : vector<16xi32>
        %gather3A_2135 = arith.constant 0 : i32
        %gather3A_2136 = arith.constant 0 : i32
        %gather3A_2137 = arith.constant 0 : i32
        %gather3A_2138 = tpu.memref_slice %arg8[%gather3A_2135, %gather3A_2136, %gather3A_2137] : memref<2x128x128xf32, #tpu.memory_space<vmem>> -> memref<1x128x128xf32, #tpu.memory_space<vmem>>
        %gather3A_2139 = tpu.memref_squeeze %gather3A_2138 : memref<1x128x128xf32, #tpu.memory_space<vmem>> -> memref<128x128xf32, #tpu.memory_space<vmem>>
        %gather3A_2140 = tpu.vector_load_idx %gather3A_2139[%add3A_452, %add3A_2134] : memref<128x128xf32, #tpu.memory_space<vmem>>[vector<16xi32>, vector<16xi32>], vector<16xf32>,
        %add3A_2141 = arith.constant 96 : i32
        %add3A_2142 = arith.addi %add3A_2048, %add3A_2141 : i32
        %swap3A_2143 = arith.constant 0 : i32
        %swap3A_2144 = arith.index_cast %swap3A_2143 : i32 to index
        %swap3A_2145 = arith.index_cast %add3A_2142 : i32 to index
        %swap3A_2146 = tpu.vector_load %arg9[%swap3A_2144, %swap3A_2145] {strides = array<i32>} : memref<2x8192xf32, #tpu.memory_space<vmem>>, vector<16xf32>,
        tpu.vector_store %arg9[%swap3A_2144, %swap3A_2145], %gather3A_2140 {strides = array<i32>} : memref<2x8192xf32, #tpu.memory_space<vmem>>, vector<16xf32>,
        %add3A_2147 = vector.broadcast %add3A_2003 : i32 to vector<16xi32>
        %add3A_2148 = arith.addi %mul3A_431, %add3A_2147 : vector<16xi32>
        %gather3A_2149 = arith.constant 0 : i32
        %gather3A_2150 = arith.constant 0 : i32
        %gather3A_2151 = arith.constant 0 : i32
        %gather3A_2152 = tpu.memref_slice %arg8[%gather3A_2149, %gather3A_2150, %gather3A_2151] : memref<2x128x128xf32, #tpu.memory_space<vmem>> -> memref<1x128x128xf32, #tpu.memory_space<vmem>>
        %gather3A_2153 = tpu.memref_squeeze %gather3A_2152 : memref<1x128x128xf32, #tpu.memory_space<vmem>> -> memref<128x128xf32, #tpu.memory_space<vmem>>
        %gather3A_2154 = tpu.vector_load_idx %gather3A_2153[%add3A_455, %add3A_2148] : memref<128x128xf32, #tpu.memory_space<vmem>>[vector<16xi32>, vector<16xi32>], vector<16xf32>,
        %add3A_2155 = arith.constant 112 : i32
        %add3A_2156 = arith.addi %add3A_2048, %add3A_2155 : i32
        %swap3A_2157 = arith.constant 0 : i32
        %swap3A_2158 = arith.index_cast %swap3A_2157 : i32 to index
        %swap3A_2159 = arith.index_cast %add3A_2156 : i32 to index
        %swap3A_2160 = tpu.vector_load %arg9[%swap3A_2158, %swap3A_2159] {strides = array<i32>} : memref<2x8192xf32, #tpu.memory_space<vmem>>, vector<16xf32>,
        tpu.vector_store %arg9[%swap3A_2158, %swap3A_2159], %gather3A_2154 {strides = array<i32>} : memref<2x8192xf32, #tpu.memory_space<vmem>>, vector<16xf32>,
      }
      %scan3A_461 = arith.constant 8 : i32
      %dma_start3A_462 = arith.constant 0 : i32
      %dma_start3A_463 = arith.constant 0 : i32
      %dma_start3A_464 = arith.constant 0 : i32
      %dma_start3A_465 = arith.constant 0 : i32
      %dma_start3A_466 = tpu.memref_slice %arg9[%dma_start3A_462, %dma_start3A_465] : memref<2x8192xf32, #tpu.memory_space<vmem>> -> memref<1x1024xf32, #tpu.memory_space<vmem>>
      %dma_start3A_467 = tpu.memref_squeeze %dma_start3A_466 : memref<1x1024xf32, #tpu.memory_space<vmem>> -> memref<1024xf32, #tpu.memory_space<vmem>>
      %dma_start3A_468 = arith.constant 0 : i32
      %dma_start3A_469 = tpu.memref_slice %arg4[%add3A_334, %dma_start3A_463, %add3A, %dma_start3A_468] : memref<50x8x32x1024xf32, #tpu.memory_space<hbm>> -> memref<1x1x1x1024xf32, #tpu.memory_space<hbm>>
      %dma_start3A_470 = tpu.memref_squeeze %dma_start3A_469 : memref<1x1x1x1024xf32, #tpu.memory_space<hbm>> -> memref<1024xf32, #tpu.memory_space<hbm>>
      %dma_start3A_471 = tpu.memref_slice %arg11[%dma_start3A_464] : memref<2x!tpu.dma_semaphore, #tpu.memory_space<semaphore_mem>> -> memref<1x!tpu.dma_semaphore, #tpu.memory_space<semaphore_mem>>
      %dma_start3A_472 = tpu.memref_squeeze %dma_start3A_471 : memref<1x!tpu.dma_semaphore, #tpu.memory_space<semaphore_mem>> -> memref<!tpu.dma_semaphore, #tpu.memory_space<semaphore_mem>>
      %dma_start3A_473 = arith.constant 0 : i32
      %dma_start3A_474 = tpu.memref_slice %arg4[%add3A_334, %dma_start3A_463, %add3A, %dma_start3A_473] : memref<50x8x32x1024xf32, #tpu.memory_space<hbm>> -> memref<1x1x1x1024xf32, #tpu.memory_space<hbm>>
      %dma_start3A_475 = tpu.memref_squeeze %dma_start3A_474 : memref<1x1x1x1024xf32, #tpu.memory_space<hbm>> -> memref<1024xf32, #tpu.memory_space<hbm>>
      %dma_start3A_476 = arith.constant 0 : i32
      %dma_start3A_477 = tpu.memref_slice %arg9[%dma_start3A_462, %dma_start3A_476] : memref<2x8192xf32, #tpu.memory_space<vmem>> -> memref<1x1024xf32, #tpu.memory_space<vmem>>
      %dma_start3A_478 = tpu.memref_squeeze %dma_start3A_477 : memref<1x1024xf32, #tpu.memory_space<vmem>> -> memref<1024xf32, #tpu.memory_space<vmem>>
      tpu.enqueue_dma source(%dma_start3A_478 : memref<1024xf32, #tpu.memory_space<vmem>>) target(%dma_start3A_475 : memref<1024xf32, #tpu.memory_space<hbm>>) target_semaphore(%dma_start3A_472 : memref<!tpu.dma_semaphore, #tpu.memory_space<semaphore_mem>>)
      %dma_start3A_479 = arith.constant 0 : i32
      %dma_start3A_480 = arith.constant 1 : i32
      %dma_start3A_481 = arith.constant 0 : i32
      %dma_start3A_482 = arith.constant 1024 : i32
      %dma_start3A_483 = tpu.memref_slice %arg9[%dma_start3A_479, %dma_start3A_482] : memref<2x8192xf32, #tpu.memory_space<vmem>> -> memref<1x1024xf32, #tpu.memory_space<vmem>>
      %dma_start3A_484 = tpu.memref_squeeze %dma_start3A_483 : memref<1x1024xf32, #tpu.memory_space<vmem>> -> memref<1024xf32, #tpu.memory_space<vmem>>
      %dma_start3A_485 = arith.constant 0 : i32
      %dma_start3A_486 = tpu.memref_slice %arg4[%add3A_334, %dma_start3A_480, %add3A, %dma_start3A_485] : memref<50x8x32x1024xf32, #tpu.memory_space<hbm>> -> memref<1x1x1x1024xf32, #tpu.memory_space<hbm>>
      %dma_start3A_487 = tpu.memref_squeeze %dma_start3A_486 : memref<1x1x1x1024xf32, #tpu.memory_space<hbm>> -> memref<1024xf32, #tpu.memory_space<hbm>>
      %dma_start3A_488 = tpu.memref_slice %arg11[%dma_start3A_481] : memref<2x!tpu.dma_semaphore, #tpu.memory_space<semaphore_mem>> -> memref<1x!tpu.dma_semaphore, #tpu.memory_space<semaphore_mem>>
      %dma_start3A_489 = tpu.memref_squeeze %dma_start3A_488 : memref<1x!tpu.dma_semaphore, #tpu.memory_space<semaphore_mem>> -> memref<!tpu.dma_semaphore, #tpu.memory_space<semaphore_mem>>
      %dma_start3A_490 = arith.constant 0 : i32
      %dma_start3A_491 = tpu.memref_slice %arg4[%add3A_334, %dma_start3A_480, %add3A, %dma_start3A_490] : memref<50x8x32x1024xf32, #tpu.memory_space<hbm>> -> memref<1x1x1x1024xf32, #tpu.memory_space<hbm>>
      %dma_start3A_492 = tpu.memref_squeeze %dma_start3A_491 : memref<1x1x1x1024xf32, #tpu.memory_space<hbm>> -> memref<1024xf32, #tpu.memory_space<hbm>>
      %dma_start3A_493 = arith.constant 1024 : i32
      %dma_start3A_494 = tpu.memref_slice %arg9[%dma_start3A_479, %dma_start3A_493] : memref<2x8192xf32, #tpu.memory_space<vmem>> -> memref<1x1024xf32, #tpu.memory_space<vmem>>
      %dma_start3A_495 = tpu.memref_squeeze %dma_start3A_494 : memref<1x1024xf32, #tpu.memory_space<vmem>> -> memref<1024xf32, #tpu.memory_space<vmem>>
      tpu.enqueue_dma source(%dma_start3A_495 : memref<1024xf32, #tpu.memory_space<vmem>>) target(%dma_start3A_492 : memref<1024xf32, #tpu.memory_space<hbm>>) target_semaphore(%dma_start3A_489 : memref<!tpu.dma_semaphore, #tpu.memory_space<semaphore_mem>>)
      %dma_start3A_496 = arith.constant 0 : i32
      %dma_start3A_497 = arith.constant 2 : i32
      %dma_start3A_498 = arith.constant 0 : i32
      %dma_start3A_499 = arith.constant 2048 : i32
      %dma_start3A_500 = tpu.memref_slice %arg9[%dma_start3A_496, %dma_start3A_499] : memref<2x8192xf32, #tpu.memory_space<vmem>> -> memref<1x1024xf32, #tpu.memory_space<vmem>>
      %dma_start3A_501 = tpu.memref_squeeze %dma_start3A_500 : memref<1x1024xf32, #tpu.memory_space<vmem>> -> memref<1024xf32, #tpu.memory_space<vmem>>
      %dma_start3A_502 = arith.constant 0 : i32
      %dma_start3A_503 = tpu.memref_slice %arg4[%add3A_334, %dma_start3A_497, %add3A, %dma_start3A_502] : memref<50x8x32x1024xf32, #tpu.memory_space<hbm>> -> memref<1x1x1x1024xf32, #tpu.memory_space<hbm>>
      %dma_start3A_504 = tpu.memref_squeeze %dma_start3A_503 : memref<1x1x1x1024xf32, #tpu.memory_space<hbm>> -> memref<1024xf32, #tpu.memory_space<hbm>>
      %dma_start3A_505 = tpu.memref_slice %arg11[%dma_start3A_498] : memref<2x!tpu.dma_semaphore, #tpu.memory_space<semaphore_mem>> -> memref<1x!tpu.dma_semaphore, #tpu.memory_space<semaphore_mem>>
      %dma_start3A_506 = tpu.memref_squeeze %dma_start3A_505 : memref<1x!tpu.dma_semaphore, #tpu.memory_space<semaphore_mem>> -> memref<!tpu.dma_semaphore, #tpu.memory_space<semaphore_mem>>
      %dma_start3A_507 = arith.constant 0 : i32
      %dma_start3A_508 = tpu.memref_slice %arg4[%add3A_334, %dma_start3A_497, %add3A, %dma_start3A_507] : memref<50x8x32x1024xf32, #tpu.memory_space<hbm>> -> memref<1x1x1x1024xf32, #tpu.memory_space<hbm>>
      %dma_start3A_509 = tpu.memref_squeeze %dma_start3A_508 : memref<1x1x1x1024xf32, #tpu.memory_space<hbm>> -> memref<1024xf32, #tpu.memory_space<hbm>>
      %dma_start3A_510 = arith.constant 2048 : i32
      %dma_start3A_511 = tpu.memref_slice %arg9[%dma_start3A_496, %dma_start3A_510] : memref<2x8192xf32, #tpu.memory_space<vmem>> -> memref<1x1024xf32, #tpu.memory_space<vmem>>
      %dma_start3A_512 = tpu.memref_squeeze %dma_start3A_511 : memref<1x1024xf32, #tpu.memory_space<vmem>> -> memref<1024xf32, #tpu.memory_space<vmem>>
      tpu.enqueue_dma source(%dma_start3A_512 : memref<1024xf32, #tpu.memory_space<vmem>>) target(%dma_start3A_509 : memref<1024xf32, #tpu.memory_space<hbm>>) target_semaphore(%dma_start3A_506 : memref<!tpu.dma_semaphore, #tpu.memory_space<semaphore_mem>>)
      %dma_start3A_513 = arith.constant 0 : i32
      %dma_start3A_514 = arith.constant 3 : i32
      %dma_start3A_515 = arith.constant 0 : i32
      %dma_start3A_516 = arith.constant 3072 : i32
      %dma_start3A_517 = tpu.memref_slice %arg9[%dma_start3A_513, %dma_start3A_516] : memref<2x8192xf32, #tpu.memory_space<vmem>> -> memref<1x1024xf32, #tpu.memory_space<vmem>>
      %dma_start3A_518 = tpu.memref_squeeze %dma_start3A_517 : memref<1x1024xf32, #tpu.memory_space<vmem>> -> memref<1024xf32, #tpu.memory_space<vmem>>
      %dma_start3A_519 = arith.constant 0 : i32
      %dma_start3A_520 = tpu.memref_slice %arg4[%add3A_334, %dma_start3A_514, %add3A, %dma_start3A_519] : memref<50x8x32x1024xf32, #tpu.memory_space<hbm>> -> memref<1x1x1x1024xf32, #tpu.memory_space<hbm>>
      %dma_start3A_521 = tpu.memref_squeeze %dma_start3A_520 : memref<1x1x1x1024xf32, #tpu.memory_space<hbm>> -> memref<1024xf32, #tpu.memory_space<hbm>>
      %dma_start3A_522 = tpu.memref_slice %arg11[%dma_start3A_515] : memref<2x!tpu.dma_semaphore, #tpu.memory_space<semaphore_mem>> -> memref<1x!tpu.dma_semaphore, #tpu.memory_space<semaphore_mem>>
      %dma_start3A_523 = tpu.memref_squeeze %dma_start3A_522 : memref<1x!tpu.dma_semaphore, #tpu.memory_space<semaphore_mem>> -> memref<!tpu.dma_semaphore, #tpu.memory_space<semaphore_mem>>
      %dma_start3A_524 = arith.constant 0 : i32
      %dma_start3A_525 = tpu.memref_slice %arg4[%add3A_334, %dma_start3A_514, %add3A, %dma_start3A_524] : memref<50x8x32x1024xf32, #tpu.memory_space<hbm>> -> memref<1x1x1x1024xf32, #tpu.memory_space<hbm>>
      %dma_start3A_526 = tpu.memref_squeeze %dma_start3A_525 : memref<1x1x1x1024xf32, #tpu.memory_space<hbm>> -> memref<1024xf32, #tpu.memory_space<hbm>>
      %dma_start3A_527 = arith.constant 3072 : i32
      %dma_start3A_528 = tpu.memref_slice %arg9[%dma_start3A_513, %dma_start3A_527] : memref<2x8192xf32, #tpu.memory_space<vmem>> -> memref<1x1024xf32, #tpu.memory_space<vmem>>
      %dma_start3A_529 = tpu.memref_squeeze %dma_start3A_528 : memref<1x1024xf32, #tpu.memory_space<vmem>> -> memref<1024xf32, #tpu.memory_space<vmem>>
      tpu.enqueue_dma source(%dma_start3A_529 : memref<1024xf32, #tpu.memory_space<vmem>>) target(%dma_start3A_526 : memref<1024xf32, #tpu.memory_space<hbm>>) target_semaphore(%dma_start3A_523 : memref<!tpu.dma_semaphore, #tpu.memory_space<semaphore_mem>>)
      %dma_start3A_530 = arith.constant 0 : i32
      %dma_start3A_531 = arith.constant 4 : i32
      %dma_start3A_532 = arith.constant 0 : i32
      %dma_start3A_533 = arith.constant 4096 : i32
      %dma_start3A_534 = tpu.memref_slice %arg9[%dma_start3A_530, %dma_start3A_533] : memref<2x8192xf32, #tpu.memory_space<vmem>> -> memref<1x1024xf32, #tpu.memory_space<vmem>>
      %dma_start3A_535 = tpu.memref_squeeze %dma_start3A_534 : memref<1x1024xf32, #tpu.memory_space<vmem>> -> memref<1024xf32, #tpu.memory_space<vmem>>
      %dma_start3A_536 = arith.constant 0 : i32
      %dma_start3A_537 = tpu.memref_slice %arg4[%add3A_334, %dma_start3A_531, %add3A, %dma_start3A_536] : memref<50x8x32x1024xf32, #tpu.memory_space<hbm>> -> memref<1x1x1x1024xf32, #tpu.memory_space<hbm>>
      %dma_start3A_538 = tpu.memref_squeeze %dma_start3A_537 : memref<1x1x1x1024xf32, #tpu.memory_space<hbm>> -> memref<1024xf32, #tpu.memory_space<hbm>>
      %dma_start3A_539 = tpu.memref_slice %arg11[%dma_start3A_532] : memref<2x!tpu.dma_semaphore, #tpu.memory_space<semaphore_mem>> -> memref<1x!tpu.dma_semaphore, #tpu.memory_space<semaphore_mem>>
      %dma_start3A_540 = tpu.memref_squeeze %dma_start3A_539 : memref<1x!tpu.dma_semaphore, #tpu.memory_space<semaphore_mem>> -> memref<!tpu.dma_semaphore, #tpu.memory_space<semaphore_mem>>
      %dma_start3A_541 = arith.constant 0 : i32
      %dma_start3A_542 = tpu.memref_slice %arg4[%add3A_334, %dma_start3A_531, %add3A, %dma_start3A_541] : memref<50x8x32x1024xf32, #tpu.memory_space<hbm>> -> memref<1x1x1x1024xf32, #tpu.memory_space<hbm>>
      %dma_start3A_543 = tpu.memref_squeeze %dma_start3A_542 : memref<1x1x1x1024xf32, #tpu.memory_space<hbm>> -> memref<1024xf32, #tpu.memory_space<hbm>>
      %dma_start3A_544 = arith.constant 4096 : i32
      %dma_start3A_545 = tpu.memref_slice %arg9[%dma_start3A_530, %dma_start3A_544] : memref<2x8192xf32, #tpu.memory_space<vmem>> -> memref<1x1024xf32, #tpu.memory_space<vmem>>
      %dma_start3A_546 = tpu.memref_squeeze %dma_start3A_545 : memref<1x1024xf32, #tpu.memory_space<vmem>> -> memref<1024xf32, #tpu.memory_space<vmem>>
      tpu.enqueue_dma source(%dma_start3A_546 : memref<1024xf32, #tpu.memory_space<vmem>>) target(%dma_start3A_543 : memref<1024xf32, #tpu.memory_space<hbm>>) target_semaphore(%dma_start3A_540 : memref<!tpu.dma_semaphore, #tpu.memory_space<semaphore_mem>>)
      %dma_start3A_547 = arith.constant 0 : i32
      %dma_start3A_548 = arith.constant 5 : i32
      %dma_start3A_549 = arith.constant 0 : i32
      %dma_start3A_550 = arith.constant 5120 : i32
      %dma_start3A_551 = tpu.memref_slice %arg9[%dma_start3A_547, %dma_start3A_550] : memref<2x8192xf32, #tpu.memory_space<vmem>> -> memref<1x1024xf32, #tpu.memory_space<vmem>>
      %dma_start3A_552 = tpu.memref_squeeze %dma_start3A_551 : memref<1x1024xf32, #tpu.memory_space<vmem>> -> memref<1024xf32, #tpu.memory_space<vmem>>
      %dma_start3A_553 = arith.constant 0 : i32
      %dma_start3A_554 = tpu.memref_slice %arg4[%add3A_334, %dma_start3A_548, %add3A, %dma_start3A_553] : memref<50x8x32x1024xf32, #tpu.memory_space<hbm>> -> memref<1x1x1x1024xf32, #tpu.memory_space<hbm>>
      %dma_start3A_555 = tpu.memref_squeeze %dma_start3A_554 : memref<1x1x1x1024xf32, #tpu.memory_space<hbm>> -> memref<1024xf32, #tpu.memory_space<hbm>>
      %dma_start3A_556 = tpu.memref_slice %arg11[%dma_start3A_549] : memref<2x!tpu.dma_semaphore, #tpu.memory_space<semaphore_mem>> -> memref<1x!tpu.dma_semaphore, #tpu.memory_space<semaphore_mem>>
      %dma_start3A_557 = tpu.memref_squeeze %dma_start3A_556 : memref<1x!tpu.dma_semaphore, #tpu.memory_space<semaphore_mem>> -> memref<!tpu.dma_semaphore, #tpu.memory_space<semaphore_mem>>
      %dma_start3A_558 = arith.constant 0 : i32
      %dma_start3A_559 = tpu.memref_slice %arg4[%add3A_334, %dma_start3A_548, %add3A, %dma_start3A_558] : memref<50x8x32x1024xf32, #tpu.memory_space<hbm>> -> memref<1x1x1x1024xf32, #tpu.memory_space<hbm>>
      %dma_start3A_560 = tpu.memref_squeeze %dma_start3A_559 : memref<1x1x1x1024xf32, #tpu.memory_space<hbm>> -> memref<1024xf32, #tpu.memory_space<hbm>>
      %dma_start3A_561 = arith.constant 5120 : i32
      %dma_start3A_562 = tpu.memref_slice %arg9[%dma_start3A_547, %dma_start3A_561] : memref<2x8192xf32, #tpu.memory_space<vmem>> -> memref<1x1024xf32, #tpu.memory_space<vmem>>
      %dma_start3A_563 = tpu.memref_squeeze %dma_start3A_562 : memref<1x1024xf32, #tpu.memory_space<vmem>> -> memref<1024xf32, #tpu.memory_space<vmem>>
      tpu.enqueue_dma source(%dma_start3A_563 : memref<1024xf32, #tpu.memory_space<vmem>>) target(%dma_start3A_560 : memref<1024xf32, #tpu.memory_space<hbm>>) target_semaphore(%dma_start3A_557 : memref<!tpu.dma_semaphore, #tpu.memory_space<semaphore_mem>>)
      %dma_start3A_564 = arith.constant 0 : i32
      %dma_start3A_565 = arith.constant 6 : i32
      %dma_start3A_566 = arith.constant 0 : i32
      %dma_start3A_567 = arith.constant 6144 : i32
      %dma_start3A_568 = tpu.memref_slice %arg9[%dma_start3A_564, %dma_start3A_567] : memref<2x8192xf32, #tpu.memory_space<vmem>> -> memref<1x1024xf32, #tpu.memory_space<vmem>>
      %dma_start3A_569 = tpu.memref_squeeze %dma_start3A_568 : memref<1x1024xf32, #tpu.memory_space<vmem>> -> memref<1024xf32, #tpu.memory_space<vmem>>
      %dma_start3A_570 = arith.constant 0 : i32
      %dma_start3A_571 = tpu.memref_slice %arg4[%add3A_334, %dma_start3A_565, %add3A, %dma_start3A_570] : memref<50x8x32x1024xf32, #tpu.memory_space<hbm>> -> memref<1x1x1x1024xf32, #tpu.memory_space<hbm>>
      %dma_start3A_572 = tpu.memref_squeeze %dma_start3A_571 : memref<1x1x1x1024xf32, #tpu.memory_space<hbm>> -> memref<1024xf32, #tpu.memory_space<hbm>>
      %dma_start3A_573 = tpu.memref_slice %arg11[%dma_start3A_566] : memref<2x!tpu.dma_semaphore, #tpu.memory_space<semaphore_mem>> -> memref<1x!tpu.dma_semaphore, #tpu.memory_space<semaphore_mem>>
      %dma_start3A_574 = tpu.memref_squeeze %dma_start3A_573 : memref<1x!tpu.dma_semaphore, #tpu.memory_space<semaphore_mem>> -> memref<!tpu.dma_semaphore, #tpu.memory_space<semaphore_mem>>
      %dma_start3A_575 = arith.constant 0 : i32
      %dma_start3A_576 = tpu.memref_slice %arg4[%add3A_334, %dma_start3A_565, %add3A, %dma_start3A_575] : memref<50x8x32x1024xf32, #tpu.memory_space<hbm>> -> memref<1x1x1x1024xf32, #tpu.memory_space<hbm>>
      %dma_start3A_577 = tpu.memref_squeeze %dma_start3A_576 : memref<1x1x1x1024xf32, #tpu.memory_space<hbm>> -> memref<1024xf32, #tpu.memory_space<hbm>>
      %dma_start3A_578 = arith.constant 6144 : i32
      %dma_start3A_579 = tpu.memref_slice %arg9[%dma_start3A_564, %dma_start3A_578] : memref<2x8192xf32, #tpu.memory_space<vmem>> -> memref<1x1024xf32, #tpu.memory_space<vmem>>
      %dma_start3A_580 = tpu.memref_squeeze %dma_start3A_579 : memref<1x1024xf32, #tpu.memory_space<vmem>> -> memref<1024xf32, #tpu.memory_space<vmem>>
      tpu.enqueue_dma source(%dma_start3A_580 : memref<1024xf32, #tpu.memory_space<vmem>>) target(%dma_start3A_577 : memref<1024xf32, #tpu.memory_space<hbm>>) target_semaphore(%dma_start3A_574 : memref<!tpu.dma_semaphore, #tpu.memory_space<semaphore_mem>>)
      %dma_start3A_581 = arith.constant 0 : i32
      %dma_start3A_582 = arith.constant 7 : i32
      %dma_start3A_583 = arith.constant 0 : i32
      %dma_start3A_584 = arith.constant 7168 : i32
      %dma_start3A_585 = tpu.memref_slice %arg9[%dma_start3A_581, %dma_start3A_584] : memref<2x8192xf32, #tpu.memory_space<vmem>> -> memref<1x1024xf32, #tpu.memory_space<vmem>>
      %dma_start3A_586 = tpu.memref_squeeze %dma_start3A_585 : memref<1x1024xf32, #tpu.memory_space<vmem>> -> memref<1024xf32, #tpu.memory_space<vmem>>
      %dma_start3A_587 = arith.constant 0 : i32
      %dma_start3A_588 = tpu.memref_slice %arg4[%add3A_334, %dma_start3A_582, %add3A, %dma_start3A_587] : memref<50x8x32x1024xf32, #tpu.memory_space<hbm>> -> memref<1x1x1x1024xf32, #tpu.memory_space<hbm>>
      %dma_start3A_589 = tpu.memref_squeeze %dma_start3A_588 : memref<1x1x1x1024xf32, #tpu.memory_space<hbm>> -> memref<1024xf32, #tpu.memory_space<hbm>>
      %dma_start3A_590 = tpu.memref_slice %arg11[%dma_start3A_583] : memref<2x!tpu.dma_semaphore, #tpu.memory_space<semaphore_mem>> -> memref<1x!tpu.dma_semaphore, #tpu.memory_space<semaphore_mem>>
      %dma_start3A_591 = tpu.memref_squeeze %dma_start3A_590 : memref<1x!tpu.dma_semaphore, #tpu.memory_space<semaphore_mem>> -> memref<!tpu.dma_semaphore, #tpu.memory_space<semaphore_mem>>
      %dma_start3A_592 = arith.constant 0 : i32
      %dma_start3A_593 = tpu.memref_slice %arg4[%add3A_334, %dma_start3A_582, %add3A, %dma_start3A_592] : memref<50x8x32x1024xf32, #tpu.memory_space<hbm>> -> memref<1x1x1x1024xf32, #tpu.memory_space<hbm>>
      %dma_start3A_594 = tpu.memref_squeeze %dma_start3A_593 : memref<1x1x1x1024xf32, #tpu.memory_space<hbm>> -> memref<1024xf32, #tpu.memory_space<hbm>>
      %dma_start3A_595 = arith.constant 7168 : i32
      %dma_start3A_596 = tpu.memref_slice %arg9[%dma_start3A_581, %dma_start3A_595] : memref<2x8192xf32, #tpu.memory_space<vmem>> -> memref<1x1024xf32, #tpu.memory_space<vmem>>
      %dma_start3A_597 = tpu.memref_squeeze %dma_start3A_596 : memref<1x1024xf32, #tpu.memory_space<vmem>> -> memref<1024xf32, #tpu.memory_space<vmem>>
      tpu.enqueue_dma source(%dma_start3A_597 : memref<1024xf32, #tpu.memory_space<vmem>>) target(%dma_start3A_594 : memref<1024xf32, #tpu.memory_space<hbm>>) target_semaphore(%dma_start3A_591 : memref<!tpu.dma_semaphore, #tpu.memory_space<semaphore_mem>>)
      %add3A_598 = arith.constant 2 : i32
      %add3A_599 = arith.addi %add3A_334, %add3A_598 : i32
      %lt3A = arith.constant 50 : i32
      %lt3A_600 = arith.cmpi slt, %add3A_599, %lt3A : i32
      %convert_element_type3A_601 = arith.extui %lt3A_600 : i1 to i32
      %cond3A_602 = arith.constant 0 : i32
      %cond3A_603 = arith.cmpi ne, %convert_element_type3A_601, %cond3A_602 : i32
      scf.if %cond3A_603 {
        %add3A_882 = arith.constant 2 : i32
        %add3A_883 = arith.addi %add3A_334, %add3A_882 : i32
        %dma_start3A_884 = arith.constant 0 : i32
        %dma_start3A_885 = arith.constant 0 : i32
        %dma_start3A_886 = arith.constant 0 : i32
        %dma_start3A_887 = arith.constant 0 : i32
        %dma_start3A_888 = tpu.memref_slice %arg8[%dma_start3A_884, %dma_start3A_886, %dma_start3A_887] : memref<2x128x128xf32, #tpu.memory_space<vmem>> -> memref<1x128x128xf32, #tpu.memory_space<vmem>>
        %dma_start3A_889 = tpu.memref_squeeze %dma_start3A_888 : memref<1x128x128xf32, #tpu.memory_space<vmem>> -> memref<128x128xf32, #tpu.memory_space<vmem>>
        %dma_start3A_890 = arith.constant 0 : i32
        %dma_start3A_891 = tpu.memref_slice %arg6[%add3A_883, %dma_start3A_890] : memref<50x128xi32, #tpu.memory_space<vmem>> -> memref<1x128xi32, #tpu.memory_space<vmem>>
        %dma_start3A_892 = tpu.memref_squeeze %dma_start3A_891 : memref<1x128xi32, #tpu.memory_space<vmem>> -> memref<128xi32, #tpu.memory_space<vmem>>
        %dma_start3A_893 = arith.constant 0 : i32
        %dma_start3A_894 = arith.constant 0 : i32
        %dma_start3A_895 = tpu.memref_slice %arg3[%dma_start3A_893, %dma_start3A_894] : memref<500000x128xf32, #tpu.memory_space<hbm>> -> memref<500000x128xf32, #tpu.memory_space<hbm>>
        %dma_start3A_896 = tpu.memref_slice %arg10[%dma_start3A_885] : memref<2x!tpu.dma_semaphore, #tpu.memory_space<semaphore_mem>> -> memref<1x!tpu.dma_semaphore, #tpu.memory_space<semaphore_mem>>
        %dma_start3A_897 = tpu.memref_squeeze %dma_start3A_896 : memref<1x!tpu.dma_semaphore, #tpu.memory_space<semaphore_mem>> -> memref<!tpu.dma_semaphore, #tpu.memory_space<semaphore_mem>>
        tpu.enqueue_indirect_dma source(%dma_start3A_895 : memref<500000x128xf32, #tpu.memory_space<hbm>>) target(%dma_start3A_889 : memref<128x128xf32, #tpu.memory_space<vmem>>) offsets(%dma_start3A_892 : memref<128xi32, #tpu.memory_space<vmem>>) semaphore(%dma_start3A_897 : memref<!tpu.dma_semaphore, #tpu.memory_space<semaphore_mem>>)
      } else {
      }
      %add3A_604 = arith.constant 1 : i32
      %add3A_605 = arith.addi %mul3A_332, %add3A_604 : i32
      %dma_wait3A_606 = arith.constant 0 : i32
      %dma_wait3A_607 = arith.constant 1 : i32
      %dma_wait3A_608 = arith.constant 1 : i32
      %dma_wait3A_609 = arith.constant 0 : i32
      %dma_wait3A_610 = arith.constant 0 : i32
      %dma_wait3A_611 = tpu.memref_slice %arg8[%dma_wait3A_607, %dma_wait3A_609, %dma_wait3A_610] : memref<2x128x128xf32, #tpu.memory_space<vmem>> -> memref<1x128x128xf32, #tpu.memory_space<vmem>>
      %dma_wait3A_612 = tpu.memref_squeeze %dma_wait3A_611 : memref<1x128x128xf32, #tpu.memory_space<vmem>> -> memref<128x128xf32, #tpu.memory_space<vmem>>
      %dma_wait3A_613 = arith.constant 0 : i32
      %dma_wait3A_614 = tpu.memref_slice %arg6[%dma_wait3A_606, %dma_wait3A_613] : memref<50x128xi32, #tpu.memory_space<vmem>> -> memref<1x128xi32, #tpu.memory_space<vmem>>
      %dma_wait3A_615 = tpu.memref_squeeze %dma_wait3A_614 : memref<1x128xi32, #tpu.memory_space<vmem>> -> memref<128xi32, #tpu.memory_space<vmem>>
      %dma_wait3A_616 = arith.constant 0 : i32
      %dma_wait3A_617 = arith.constant 0 : i32
      %dma_wait3A_618 = tpu.memref_slice %arg3[%dma_wait3A_616, %dma_wait3A_617] : memref<500000x128xf32, #tpu.memory_space<hbm>> -> memref<500000x128xf32, #tpu.memory_space<hbm>>
      %dma_wait3A_619 = tpu.memref_slice %arg10[%dma_wait3A_608] : memref<2x!tpu.dma_semaphore, #tpu.memory_space<semaphore_mem>> -> memref<1x!tpu.dma_semaphore, #tpu.memory_space<semaphore_mem>>
      %dma_wait3A_620 = tpu.memref_squeeze %dma_wait3A_619 : memref<1x!tpu.dma_semaphore, #tpu.memory_space<semaphore_mem>> -> memref<!tpu.dma_semaphore, #tpu.memory_space<semaphore_mem>>
      tpu.wait_indirect_dma semaphore(%dma_wait3A_620 : memref<!tpu.dma_semaphore, #tpu.memory_space<semaphore_mem>>) src(%dma_wait3A_618 : memref<500000x128xf32, #tpu.memory_space<hbm>>) dst(%dma_wait3A_612 : memref<128x128xf32, #tpu.memory_space<vmem>>)
      %mul3A_621 = arith.constant 128 : i32
      %mul3A_622 = arith.muli %add3A, %mul3A_621 : i32
      %run_scoped3A_623 = arith.constant 1 : i32
      "tpu.region"() ({
        %run_scoped3A_882 = tpu.sem_alloc : memref<!tpu.dma_semaphore, #tpu.memory_space<semaphore_mem>>
        %dma_start3A_883 = arith.constant 0 : i32
        %dma_start3A_884 = tpu.memref_slice %arg7[%run_scoped3A_623, %dma_start3A_883] : memref<2x128xi32, #tpu.memory_space<vmem>> -> memref<1x128xi32, #tpu.memory_space<vmem>>
        %dma_start3A_885 = tpu.memref_squeeze %dma_start3A_884 : memref<1x128xi32, #tpu.memory_space<vmem>> -> memref<128xi32, #tpu.memory_space<vmem>>
        %dma_start3A_886 = tpu.memref_slice %arg2[%add3A_605, %mul3A_622] : memref<50x4096xi32, #tpu.memory_space<hbm>> -> memref<1x128xi32, #tpu.memory_space<hbm>>
        %dma_start3A_887 = tpu.memref_squeeze %dma_start3A_886 : memref<1x128xi32, #tpu.memory_space<hbm>> -> memref<128xi32, #tpu.memory_space<hbm>>
        %dma_start3A_888 = arith.constant 0 : i32
        %dma_start3A_889 = tpu.memref_slice %arg7[%run_scoped3A_623, %dma_start3A_888] : memref<2x128xi32, #tpu.memory_space<vmem>> -> memref<1x128xi32, #tpu.memory_space<vmem>>
        %dma_start3A_890 = tpu.memref_squeeze %dma_start3A_889 : memref<1x128xi32, #tpu.memory_space<vmem>> -> memref<128xi32, #tpu.memory_space<vmem>>
        %dma_start3A_891 = tpu.memref_slice %arg2[%add3A_605, %mul3A_622] : memref<50x4096xi32, #tpu.memory_space<hbm>> -> memref<1x128xi32, #tpu.memory_space<hbm>>
        %dma_start3A_892 = tpu.memref_squeeze %dma_start3A_891 : memref<1x128xi32, #tpu.memory_space<hbm>> -> memref<128xi32, #tpu.memory_space<hbm>>
        tpu.enqueue_dma source(%dma_start3A_892 : memref<128xi32, #tpu.memory_space<hbm>>) target(%dma_start3A_890 : memref<128xi32, #tpu.memory_space<vmem>>) target_semaphore(%run_scoped3A_882 : memref<!tpu.dma_semaphore, #tpu.memory_space<semaphore_mem>>)
        %dma_wait3A_893 = arith.constant 0 : i32
        %dma_wait3A_894 = tpu.memref_slice %arg7[%run_scoped3A_623, %dma_wait3A_893] : memref<2x128xi32, #tpu.memory_space<vmem>> -> memref<1x128xi32, #tpu.memory_space<vmem>>
        %dma_wait3A_895 = tpu.memref_squeeze %dma_wait3A_894 : memref<1x128xi32, #tpu.memory_space<vmem>> -> memref<128xi32, #tpu.memory_space<vmem>>
        %dma_wait3A_896 = tpu.memref_slice %arg2[%add3A_605, %mul3A_622] : memref<50x4096xi32, #tpu.memory_space<hbm>> -> memref<1x128xi32, #tpu.memory_space<hbm>>
        %dma_wait3A_897 = tpu.memref_squeeze %dma_wait3A_896 : memref<1x128xi32, #tpu.memory_space<hbm>> -> memref<128xi32, #tpu.memory_space<hbm>>
        %dma_wait3A_898 = arith.constant 0 : i32
        %dma_wait3A_899 = tpu.memref_slice %arg7[%run_scoped3A_623, %dma_wait3A_898] : memref<2x128xi32, #tpu.memory_space<vmem>> -> memref<1x128xi32, #tpu.memory_space<vmem>>
        %dma_wait3A_900 = tpu.memref_squeeze %dma_wait3A_899 : memref<1x128xi32, #tpu.memory_space<vmem>> -> memref<128xi32, #tpu.memory_space<vmem>>
        %dma_wait3A_901 = tpu.memref_slice %arg2[%add3A_605, %mul3A_622] : memref<50x4096xi32, #tpu.memory_space<hbm>> -> memref<1x128xi32, #tpu.memory_space<hbm>>
        %dma_wait3A_902 = tpu.memref_squeeze %dma_wait3A_901 : memref<1x128xi32, #tpu.memory_space<hbm>> -> memref<128xi32, #tpu.memory_space<hbm>>
        tpu.wait_dma2 semaphore(%run_scoped3A_882 : memref<!tpu.dma_semaphore, #tpu.memory_space<semaphore_mem>>) src(%dma_wait3A_902 : memref<128xi32, #tpu.memory_space<hbm>>) dst(%dma_wait3A_900 : memref<128xi32, #tpu.memory_space<vmem>>)
        tpu.yield
      }) : () -> ()
      %ge3A_624 = arith.constant 2 : i32
      %ge3A_625 = arith.cmpi sge, %add3A_605, %ge3A_624 : i32
      %convert_element_type3A_626 = arith.extui %ge3A_625 : i1 to i32
      %cond3A_627 = arith.constant 0 : i32
      %cond3A_628 = arith.cmpi ne, %convert_element_type3A_626, %cond3A_627 : i32
      scf.if %cond3A_628 {
        %dma_wait3A_882 = arith.constant 1 : i32
        %dma_wait3A_883 = arith.constant 0 : i32
        %dma_wait3A_884 = arith.constant 0 : i32
        %dma_wait3A_885 = arith.constant 1 : i32
        %dma_wait3A_886 = arith.constant 0 : i32
        %dma_wait3A_887 = tpu.memref_slice %arg9[%dma_wait3A_882, %dma_wait3A_886] : memref<2x8192xf32, #tpu.memory_space<vmem>> -> memref<1x1024xf32, #tpu.memory_space<vmem>>
        %dma_wait3A_888 = tpu.memref_squeeze %dma_wait3A_887 : memref<1x1024xf32, #tpu.memory_space<vmem>> -> memref<1024xf32, #tpu.memory_space<vmem>>
        %dma_wait3A_889 = arith.constant 0 : i32
        %dma_wait3A_890 = tpu.memref_slice %arg4[%dma_wait3A_883, %dma_wait3A_884, %add3A, %dma_wait3A_889] : memref<50x8x32x1024xf32, #tpu.memory_space<hbm>> -> memref<1x1x1x1024xf32, #tpu.memory_space<hbm>>
        %dma_wait3A_891 = tpu.memref_squeeze %dma_wait3A_890 : memref<1x1x1x1024xf32, #tpu.memory_space<hbm>> -> memref<1024xf32, #tpu.memory_space<hbm>>
        %dma_wait3A_892 = tpu.memref_slice %arg11[%dma_wait3A_885] : memref<2x!tpu.dma_semaphore, #tpu.memory_space<semaphore_mem>> -> memref<1x!tpu.dma_semaphore, #tpu.memory_space<semaphore_mem>>
        %dma_wait3A_893 = tpu.memref_squeeze %dma_wait3A_892 : memref<1x!tpu.dma_semaphore, #tpu.memory_space<semaphore_mem>> -> memref<!tpu.dma_semaphore, #tpu.memory_space<semaphore_mem>>
        %dma_wait3A_894 = arith.constant 0 : i32
        %dma_wait3A_895 = tpu.memref_slice %arg4[%dma_wait3A_883, %dma_wait3A_884, %add3A, %dma_wait3A_894] : memref<50x8x32x1024xf32, #tpu.memory_space<hbm>> -> memref<1x1x1x1024xf32, #tpu.memory_space<hbm>>
        %dma_wait3A_896 = tpu.memref_squeeze %dma_wait3A_895 : memref<1x1x1x1024xf32, #tpu.memory_space<hbm>> -> memref<1024xf32, #tpu.memory_space<hbm>>
        %dma_wait3A_897 = arith.constant 0 : i32
        %dma_wait3A_898 = tpu.memref_slice %arg9[%dma_wait3A_882, %dma_wait3A_897] : memref<2x8192xf32, #tpu.memory_space<vmem>> -> memref<1x1024xf32, #tpu.memory_space<vmem>>
        %dma_wait3A_899 = tpu.memref_squeeze %dma_wait3A_898 : memref<1x1024xf32, #tpu.memory_space<vmem>> -> memref<1024xf32, #tpu.memory_space<vmem>>
        tpu.wait_dma2 semaphore(%dma_wait3A_893 : memref<!tpu.dma_semaphore, #tpu.memory_space<semaphore_mem>>) src(%dma_wait3A_899 : memref<1024xf32, #tpu.memory_space<vmem>>) dst(%dma_wait3A_896 : memref<1024xf32, #tpu.memory_space<hbm>>)
        %dma_wait3A_900 = arith.constant 1 : i32
        %dma_wait3A_901 = arith.constant 0 : i32
        %dma_wait3A_902 = arith.constant 1 : i32
        %dma_wait3A_903 = arith.constant 1 : i32
        %dma_wait3A_904 = arith.constant 1024 : i32
        %dma_wait3A_905 = tpu.memref_slice %arg9[%dma_wait3A_900, %dma_wait3A_904] : memref<2x8192xf32, #tpu.memory_space<vmem>> -> memref<1x1024xf32, #tpu.memory_space<vmem>>
        %dma_wait3A_906 = tpu.memref_squeeze %dma_wait3A_905 : memref<1x1024xf32, #tpu.memory_space<vmem>> -> memref<1024xf32, #tpu.memory_space<vmem>>
        %dma_wait3A_907 = arith.constant 0 : i32
        %dma_wait3A_908 = tpu.memref_slice %arg4[%dma_wait3A_901, %dma_wait3A_902, %add3A, %dma_wait3A_907] : memref<50x8x32x1024xf32, #tpu.memory_space<hbm>> -> memref<1x1x1x1024xf32, #tpu.memory_space<hbm>>
        %dma_wait3A_909 = tpu.memref_squeeze %dma_wait3A_908 : memref<1x1x1x1024xf32, #tpu.memory_space<hbm>> -> memref<1024xf32, #tpu.memory_space<hbm>>
        %dma_wait3A_910 = tpu.memref_slice %arg11[%dma_wait3A_903] : memref<2x!tpu.dma_semaphore, #tpu.memory_space<semaphore_mem>> -> memref<1x!tpu.dma_semaphore, #tpu.memory_space<semaphore_mem>>
        %dma_wait3A_911 = tpu.memref_squeeze %dma_wait3A_910 : memref<1x!tpu.dma_semaphore, #tpu.memory_space<semaphore_mem>> -> memref<!tpu.dma_semaphore, #tpu.memory_space<semaphore_mem>>
        %dma_wait3A_912 = arith.constant 0 : i32
        %dma_wait3A_913 = tpu.memref_slice %arg4[%dma_wait3A_901, %dma_wait3A_902, %add3A, %dma_wait3A_912] : memref<50x8x32x1024xf32, #tpu.memory_space<hbm>> -> memref<1x1x1x1024xf32, #tpu.memory_space<hbm>>
        %dma_wait3A_914 = tpu.memref_squeeze %dma_wait3A_913 : memref<1x1x1x1024xf32, #tpu.memory_space<hbm>> -> memref<1024xf32, #tpu.memory_space<hbm>>
        %dma_wait3A_915 = arith.constant 1024 : i32
        %dma_wait3A_916 = tpu.memref_slice %arg9[%dma_wait3A_900, %dma_wait3A_915] : memref<2x8192xf32, #tpu.memory_space<vmem>> -> memref<1x1024xf32, #tpu.memory_space<vmem>>
        %dma_wait3A_917 = tpu.memref_squeeze %dma_wait3A_916 : memref<1x1024xf32, #tpu.memory_space<vmem>> -> memref<1024xf32, #tpu.memory_space<vmem>>
        tpu.wait_dma2 semaphore(%dma_wait3A_911 : memref<!tpu.dma_semaphore, #tpu.memory_space<semaphore_mem>>) src(%dma_wait3A_917 : memref<1024xf32, #tpu.memory_space<vmem>>) dst(%dma_wait3A_914 : memref<1024xf32, #tpu.memory_space<hbm>>)
        %dma_wait3A_918 = arith.constant 1 : i32
        %dma_wait3A_919 = arith.constant 0 : i32
        %dma_wait3A_920 = arith.constant 2 : i32
        %dma_wait3A_921 = arith.constant 1 : i32
        %dma_wait3A_922 = arith.constant 2048 : i32
        %dma_wait3A_923 = tpu.memref_slice %arg9[%dma_wait3A_918, %dma_wait3A_922] : memref<2x8192xf32, #tpu.memory_space<vmem>> -> memref<1x1024xf32, #tpu.memory_space<vmem>>
        %dma_wait3A_924 = tpu.memref_squeeze %dma_wait3A_923 : memref<1x1024xf32, #tpu.memory_space<vmem>> -> memref<1024xf32, #tpu.memory_space<vmem>>
        %dma_wait3A_925 = arith.constant 0 : i32
        %dma_wait3A_926 = tpu.memref_slice %arg4[%dma_wait3A_919, %dma_wait3A_920, %add3A, %dma_wait3A_925] : memref<50x8x32x1024xf32, #tpu.memory_space<hbm>> -> memref<1x1x1x1024xf32, #tpu.memory_space<hbm>>
        %dma_wait3A_927 = tpu.memref_squeeze %dma_wait3A_926 : memref<1x1x1x1024xf32, #tpu.memory_space<hbm>> -> memref<1024xf32, #tpu.memory_space<hbm>>
        %dma_wait3A_928 = tpu.memref_slice %arg11[%dma_wait3A_921] : memref<2x!tpu.dma_semaphore, #tpu.memory_space<semaphore_mem>> -> memref<1x!tpu.dma_semaphore, #tpu.memory_space<semaphore_mem>>
        %dma_wait3A_929 = tpu.memref_squeeze %dma_wait3A_928 : memref<1x!tpu.dma_semaphore, #tpu.memory_space<semaphore_mem>> -> memref<!tpu.dma_semaphore, #tpu.memory_space<semaphore_mem>>
        %dma_wait3A_930 = arith.constant 0 : i32
        %dma_wait3A_931 = tpu.memref_slice %arg4[%dma_wait3A_919, %dma_wait3A_920, %add3A, %dma_wait3A_930] : memref<50x8x32x1024xf32, #tpu.memory_space<hbm>> -> memref<1x1x1x1024xf32, #tpu.memory_space<hbm>>
        %dma_wait3A_932 = tpu.memref_squeeze %dma_wait3A_931 : memref<1x1x1x1024xf32, #tpu.memory_space<hbm>> -> memref<1024xf32, #tpu.memory_space<hbm>>
        %dma_wait3A_933 = arith.constant 2048 : i32
        %dma_wait3A_934 = tpu.memref_slice %arg9[%dma_wait3A_918, %dma_wait3A_933] : memref<2x8192xf32, #tpu.memory_space<vmem>> -> memref<1x1024xf32, #tpu.memory_space<vmem>>
        %dma_wait3A_935 = tpu.memref_squeeze %dma_wait3A_934 : memref<1x1024xf32, #tpu.memory_space<vmem>> -> memref<1024xf32, #tpu.memory_space<vmem>>
        tpu.wait_dma2 semaphore(%dma_wait3A_929 : memref<!tpu.dma_semaphore, #tpu.memory_space<semaphore_mem>>) src(%dma_wait3A_935 : memref<1024xf32, #tpu.memory_space<vmem>>) dst(%dma_wait3A_932 : memref<1024xf32, #tpu.memory_space<hbm>>)
        %dma_wait3A_936 = arith.constant 1 : i32
        %dma_wait3A_937 = arith.constant 0 : i32
        %dma_wait3A_938 = arith.constant 3 : i32
        %dma_wait3A_939 = arith.constant 1 : i32
        %dma_wait3A_940 = arith.constant 3072 : i32
        %dma_wait3A_941 = tpu.memref_slice %arg9[%dma_wait3A_936, %dma_wait3A_940] : memref<2x8192xf32, #tpu.memory_space<vmem>> -> memref<1x1024xf32, #tpu.memory_space<vmem>>
        %dma_wait3A_942 = tpu.memref_squeeze %dma_wait3A_941 : memref<1x1024xf32, #tpu.memory_space<vmem>> -> memref<1024xf32, #tpu.memory_space<vmem>>
        %dma_wait3A_943 = arith.constant 0 : i32
        %dma_wait3A_944 = tpu.memref_slice %arg4[%dma_wait3A_937, %dma_wait3A_938, %add3A, %dma_wait3A_943] : memref<50x8x32x1024xf32, #tpu.memory_space<hbm>> -> memref<1x1x1x1024xf32, #tpu.memory_space<hbm>>
        %dma_wait3A_945 = tpu.memref_squeeze %dma_wait3A_944 : memref<1x1x1x1024xf32, #tpu.memory_space<hbm>> -> memref<1024xf32, #tpu.memory_space<hbm>>
        %dma_wait3A_946 = tpu.memref_slice %arg11[%dma_wait3A_939] : memref<2x!tpu.dma_semaphore, #tpu.memory_space<semaphore_mem>> -> memref<1x!tpu.dma_semaphore, #tpu.memory_space<semaphore_mem>>
        %dma_wait3A_947 = tpu.memref_squeeze %dma_wait3A_946 : memref<1x!tpu.dma_semaphore, #tpu.memory_space<semaphore_mem>> -> memref<!tpu.dma_semaphore, #tpu.memory_space<semaphore_mem>>
        %dma_wait3A_948 = arith.constant 0 : i32
        %dma_wait3A_949 = tpu.memref_slice %arg4[%dma_wait3A_937, %dma_wait3A_938, %add3A, %dma_wait3A_948] : memref<50x8x32x1024xf32, #tpu.memory_space<hbm>> -> memref<1x1x1x1024xf32, #tpu.memory_space<hbm>>
        %dma_wait3A_950 = tpu.memref_squeeze %dma_wait3A_949 : memref<1x1x1x1024xf32, #tpu.memory_space<hbm>> -> memref<1024xf32, #tpu.memory_space<hbm>>
        %dma_wait3A_951 = arith.constant 3072 : i32
        %dma_wait3A_952 = tpu.memref_slice %arg9[%dma_wait3A_936, %dma_wait3A_951] : memref<2x8192xf32, #tpu.memory_space<vmem>> -> memref<1x1024xf32, #tpu.memory_space<vmem>>
        %dma_wait3A_953 = tpu.memref_squeeze %dma_wait3A_952 : memref<1x1024xf32, #tpu.memory_space<vmem>> -> memref<1024xf32, #tpu.memory_space<vmem>>
        tpu.wait_dma2 semaphore(%dma_wait3A_947 : memref<!tpu.dma_semaphore, #tpu.memory_space<semaphore_mem>>) src(%dma_wait3A_953 : memref<1024xf32, #tpu.memory_space<vmem>>) dst(%dma_wait3A_950 : memref<1024xf32, #tpu.memory_space<hbm>>)
        %dma_wait3A_954 = arith.constant 1 : i32
        %dma_wait3A_955 = arith.constant 0 : i32
        %dma_wait3A_956 = arith.constant 4 : i32
        %dma_wait3A_957 = arith.constant 1 : i32
        %dma_wait3A_958 = arith.constant 4096 : i32
        %dma_wait3A_959 = tpu.memref_slice %arg9[%dma_wait3A_954, %dma_wait3A_958] : memref<2x8192xf32, #tpu.memory_space<vmem>> -> memref<1x1024xf32, #tpu.memory_space<vmem>>
        %dma_wait3A_960 = tpu.memref_squeeze %dma_wait3A_959 : memref<1x1024xf32, #tpu.memory_space<vmem>> -> memref<1024xf32, #tpu.memory_space<vmem>>
        %dma_wait3A_961 = arith.constant 0 : i32
        %dma_wait3A_962 = tpu.memref_slice %arg4[%dma_wait3A_955, %dma_wait3A_956, %add3A, %dma_wait3A_961] : memref<50x8x32x1024xf32, #tpu.memory_space<hbm>> -> memref<1x1x1x1024xf32, #tpu.memory_space<hbm>>
        %dma_wait3A_963 = tpu.memref_squeeze %dma_wait3A_962 : memref<1x1x1x1024xf32, #tpu.memory_space<hbm>> -> memref<1024xf32, #tpu.memory_space<hbm>>
        %dma_wait3A_964 = tpu.memref_slice %arg11[%dma_wait3A_957] : memref<2x!tpu.dma_semaphore, #tpu.memory_space<semaphore_mem>> -> memref<1x!tpu.dma_semaphore, #tpu.memory_space<semaphore_mem>>
        %dma_wait3A_965 = tpu.memref_squeeze %dma_wait3A_964 : memref<1x!tpu.dma_semaphore, #tpu.memory_space<semaphore_mem>> -> memref<!tpu.dma_semaphore, #tpu.memory_space<semaphore_mem>>
        %dma_wait3A_966 = arith.constant 0 : i32
        %dma_wait3A_967 = tpu.memref_slice %arg4[%dma_wait3A_955, %dma_wait3A_956, %add3A, %dma_wait3A_966] : memref<50x8x32x1024xf32, #tpu.memory_space<hbm>> -> memref<1x1x1x1024xf32, #tpu.memory_space<hbm>>
        %dma_wait3A_968 = tpu.memref_squeeze %dma_wait3A_967 : memref<1x1x1x1024xf32, #tpu.memory_space<hbm>> -> memref<1024xf32, #tpu.memory_space<hbm>>
        %dma_wait3A_969 = arith.constant 4096 : i32
        %dma_wait3A_970 = tpu.memref_slice %arg9[%dma_wait3A_954, %dma_wait3A_969] : memref<2x8192xf32, #tpu.memory_space<vmem>> -> memref<1x1024xf32, #tpu.memory_space<vmem>>
        %dma_wait3A_971 = tpu.memref_squeeze %dma_wait3A_970 : memref<1x1024xf32, #tpu.memory_space<vmem>> -> memref<1024xf32, #tpu.memory_space<vmem>>
        tpu.wait_dma2 semaphore(%dma_wait3A_965 : memref<!tpu.dma_semaphore, #tpu.memory_space<semaphore_mem>>) src(%dma_wait3A_971 : memref<1024xf32, #tpu.memory_space<vmem>>) dst(%dma_wait3A_968 : memref<1024xf32, #tpu.memory_space<hbm>>)
        %dma_wait3A_972 = arith.constant 1 : i32
        %dma_wait3A_973 = arith.constant 0 : i32
        %dma_wait3A_974 = arith.constant 5 : i32
        %dma_wait3A_975 = arith.constant 1 : i32
        %dma_wait3A_976 = arith.constant 5120 : i32
        %dma_wait3A_977 = tpu.memref_slice %arg9[%dma_wait3A_972, %dma_wait3A_976] : memref<2x8192xf32, #tpu.memory_space<vmem>> -> memref<1x1024xf32, #tpu.memory_space<vmem>>
        %dma_wait3A_978 = tpu.memref_squeeze %dma_wait3A_977 : memref<1x1024xf32, #tpu.memory_space<vmem>> -> memref<1024xf32, #tpu.memory_space<vmem>>
        %dma_wait3A_979 = arith.constant 0 : i32
        %dma_wait3A_980 = tpu.memref_slice %arg4[%dma_wait3A_973, %dma_wait3A_974, %add3A, %dma_wait3A_979] : memref<50x8x32x1024xf32, #tpu.memory_space<hbm>> -> memref<1x1x1x1024xf32, #tpu.memory_space<hbm>>
        %dma_wait3A_981 = tpu.memref_squeeze %dma_wait3A_980 : memref<1x1x1x1024xf32, #tpu.memory_space<hbm>> -> memref<1024xf32, #tpu.memory_space<hbm>>
        %dma_wait3A_982 = tpu.memref_slice %arg11[%dma_wait3A_975] : memref<2x!tpu.dma_semaphore, #tpu.memory_space<semaphore_mem>> -> memref<1x!tpu.dma_semaphore, #tpu.memory_space<semaphore_mem>>
        %dma_wait3A_983 = tpu.memref_squeeze %dma_wait3A_982 : memref<1x!tpu.dma_semaphore, #tpu.memory_space<semaphore_mem>> -> memref<!tpu.dma_semaphore, #tpu.memory_space<semaphore_mem>>
        %dma_wait3A_984 = arith.constant 0 : i32
        %dma_wait3A_985 = tpu.memref_slice %arg4[%dma_wait3A_973, %dma_wait3A_974, %add3A, %dma_wait3A_984] : memref<50x8x32x1024xf32, #tpu.memory_space<hbm>> -> memref<1x1x1x1024xf32, #tpu.memory_space<hbm>>
        %dma_wait3A_986 = tpu.memref_squeeze %dma_wait3A_985 : memref<1x1x1x1024xf32, #tpu.memory_space<hbm>> -> memref<1024xf32, #tpu.memory_space<hbm>>
        %dma_wait3A_987 = arith.constant 5120 : i32
        %dma_wait3A_988 = tpu.memref_slice %arg9[%dma_wait3A_972, %dma_wait3A_987] : memref<2x8192xf32, #tpu.memory_space<vmem>> -> memref<1x1024xf32, #tpu.memory_space<vmem>>
        %dma_wait3A_989 = tpu.memref_squeeze %dma_wait3A_988 : memref<1x1024xf32, #tpu.memory_space<vmem>> -> memref<1024xf32, #tpu.memory_space<vmem>>
        tpu.wait_dma2 semaphore(%dma_wait3A_983 : memref<!tpu.dma_semaphore, #tpu.memory_space<semaphore_mem>>) src(%dma_wait3A_989 : memref<1024xf32, #tpu.memory_space<vmem>>) dst(%dma_wait3A_986 : memref<1024xf32, #tpu.memory_space<hbm>>)
        %dma_wait3A_990 = arith.constant 1 : i32
        %dma_wait3A_991 = arith.constant 0 : i32
        %dma_wait3A_992 = arith.constant 6 : i32
        %dma_wait3A_993 = arith.constant 1 : i32
        %dma_wait3A_994 = arith.constant 6144 : i32
        %dma_wait3A_995 = tpu.memref_slice %arg9[%dma_wait3A_990, %dma_wait3A_994] : memref<2x8192xf32, #tpu.memory_space<vmem>> -> memref<1x1024xf32, #tpu.memory_space<vmem>>
        %dma_wait3A_996 = tpu.memref_squeeze %dma_wait3A_995 : memref<1x1024xf32, #tpu.memory_space<vmem>> -> memref<1024xf32, #tpu.memory_space<vmem>>
        %dma_wait3A_997 = arith.constant 0 : i32
        %dma_wait3A_998 = tpu.memref_slice %arg4[%dma_wait3A_991, %dma_wait3A_992, %add3A, %dma_wait3A_997] : memref<50x8x32x1024xf32, #tpu.memory_space<hbm>> -> memref<1x1x1x1024xf32, #tpu.memory_space<hbm>>
        %dma_wait3A_999 = tpu.memref_squeeze %dma_wait3A_998 : memref<1x1x1x1024xf32, #tpu.memory_space<hbm>> -> memref<1024xf32, #tpu.memory_space<hbm>>
        %dma_wait3A_1000 = tpu.memref_slice %arg11[%dma_wait3A_993] : memref<2x!tpu.dma_semaphore, #tpu.memory_space<semaphore_mem>> -> memref<1x!tpu.dma_semaphore, #tpu.memory_space<semaphore_mem>>
        %dma_wait3A_1001 = tpu.memref_squeeze %dma_wait3A_1000 : memref<1x!tpu.dma_semaphore, #tpu.memory_space<semaphore_mem>> -> memref<!tpu.dma_semaphore, #tpu.memory_space<semaphore_mem>>
        %dma_wait3A_1002 = arith.constant 0 : i32
        %dma_wait3A_1003 = tpu.memref_slice %arg4[%dma_wait3A_991, %dma_wait3A_992, %add3A, %dma_wait3A_1002] : memref<50x8x32x1024xf32, #tpu.memory_space<hbm>> -> memref<1x1x1x1024xf32, #tpu.memory_space<hbm>>
        %dma_wait3A_1004 = tpu.memref_squeeze %dma_wait3A_1003 : memref<1x1x1x1024xf32, #tpu.memory_space<hbm>> -> memref<1024xf32, #tpu.memory_space<hbm>>
        %dma_wait3A_1005 = arith.constant 6144 : i32
        %dma_wait3A_1006 = tpu.memref_slice %arg9[%dma_wait3A_990, %dma_wait3A_1005] : memref<2x8192xf32, #tpu.memory_space<vmem>> -> memref<1x1024xf32, #tpu.memory_space<vmem>>
        %dma_wait3A_1007 = tpu.memref_squeeze %dma_wait3A_1006 : memref<1x1024xf32, #tpu.memory_space<vmem>> -> memref<1024xf32, #tpu.memory_space<vmem>>
        tpu.wait_dma2 semaphore(%dma_wait3A_1001 : memref<!tpu.dma_semaphore, #tpu.memory_space<semaphore_mem>>) src(%dma_wait3A_1007 : memref<1024xf32, #tpu.memory_space<vmem>>) dst(%dma_wait3A_1004 : memref<1024xf32, #tpu.memory_space<hbm>>)
        %dma_wait3A_1008 = arith.constant 1 : i32
        %dma_wait3A_1009 = arith.constant 0 : i32
        %dma_wait3A_1010 = arith.constant 7 : i32
        %dma_wait3A_1011 = arith.constant 1 : i32
        %dma_wait3A_1012 = arith.constant 7168 : i32
        %dma_wait3A_1013 = tpu.memref_slice %arg9[%dma_wait3A_1008, %dma_wait3A_1012] : memref<2x8192xf32, #tpu.memory_space<vmem>> -> memref<1x1024xf32, #tpu.memory_space<vmem>>
        %dma_wait3A_1014 = tpu.memref_squeeze %dma_wait3A_1013 : memref<1x1024xf32, #tpu.memory_space<vmem>> -> memref<1024xf32, #tpu.memory_space<vmem>>
        %dma_wait3A_1015 = arith.constant 0 : i32
        %dma_wait3A_1016 = tpu.memref_slice %arg4[%dma_wait3A_1009, %dma_wait3A_1010, %add3A, %dma_wait3A_1015] : memref<50x8x32x1024xf32, #tpu.memory_space<hbm>> -> memref<1x1x1x1024xf32, #tpu.memory_space<hbm>>
        %dma_wait3A_1017 = tpu.memref_squeeze %dma_wait3A_1016 : memref<1x1x1x1024xf32, #tpu.memory_space<hbm>> -> memref<1024xf32, #tpu.memory_space<hbm>>
        %dma_wait3A_1018 = tpu.memref_slice %arg11[%dma_wait3A_1011] : memref<2x!tpu.dma_semaphore, #tpu.memory_space<semaphore_mem>> -> memref<1x!tpu.dma_semaphore, #tpu.memory_space<semaphore_mem>>
        %dma_wait3A_1019 = tpu.memref_squeeze %dma_wait3A_1018 : memref<1x!tpu.dma_semaphore, #tpu.memory_space<semaphore_mem>> -> memref<!tpu.dma_semaphore, #tpu.memory_space<semaphore_mem>>
        %dma_wait3A_1020 = arith.constant 0 : i32
        %dma_wait3A_1021 = tpu.memref_slice %arg4[%dma_wait3A_1009, %dma_wait3A_1010, %add3A, %dma_wait3A_1020] : memref<50x8x32x1024xf32, #tpu.memory_space<hbm>> -> memref<1x1x1x1024xf32, #tpu.memory_space<hbm>>
        %dma_wait3A_1022 = tpu.memref_squeeze %dma_wait3A_1021 : memref<1x1x1x1024xf32, #tpu.memory_space<hbm>> -> memref<1024xf32, #tpu.memory_space<hbm>>
        %dma_wait3A_1023 = arith.constant 7168 : i32
        %dma_wait3A_1024 = tpu.memref_slice %arg9[%dma_wait3A_1008, %dma_wait3A_1023] : memref<2x8192xf32, #tpu.memory_space<vmem>> -> memref<1x1024xf32, #tpu.memory_space<vmem>>
        %dma_wait3A_1025 = tpu.memref_squeeze %dma_wait3A_1024 : memref<1x1024xf32, #tpu.memory_space<vmem>> -> memref<1024xf32, #tpu.memory_space<vmem>>
        tpu.wait_dma2 semaphore(%dma_wait3A_1019 : memref<!tpu.dma_semaphore, #tpu.memory_space<semaphore_mem>>) src(%dma_wait3A_1025 : memref<1024xf32, #tpu.memory_space<vmem>>) dst(%dma_wait3A_1022 : memref<1024xf32, #tpu.memory_space<hbm>>)
      } else {
      }
      %get3A_629 = arith.constant 1 : i32
      %get3A_630 = arith.index_cast %get3A_629 : i32 to index
      %get3A_631 = arith.constant 0 : index
      %get3A_632 = tpu.vector_load %arg7[%get3A_630, %get3A_631] {strides = array<i32>} : memref<2x128xi32, #tpu.memory_space<vmem>>, vector<16xi32>,
      %and3A_633 = arith.constant 1 : i32
      %and3A_634 = vector.broadcast %and3A_633 : i32 to vector<16xi32>
      %and3A_635 = arith.andi %get3A_632, %and3A_634 : vector<16xi32>
      %mul3A_636 = arith.constant 64 : i32
      %mul3A_637 = vector.broadcast %mul3A_636 : i32 to vector<16xi32>
      %mul3A_638 = arith.muli %and3A_635, %mul3A_637 : vector<16xi32>
      %get3A_639 = arith.constant 1 : i32
      %get3A_640 = arith.index_cast %get3A_639 : i32 to index
      %get3A_641 = arith.constant 16 : index
      %get3A_642 = tpu.vector_load %arg7[%get3A_640, %get3A_641] {strides = array<i32>} : memref<2x128xi32, #tpu.memory_space<vmem>>, vector<16xi32>,
      %and3A_643 = arith.constant 1 : i32
      %and3A_644 = vector.broadcast %and3A_643 : i32 to vector<16xi32>
      %and3A_645 = arith.andi %get3A_642, %and3A_644 : vector<16xi32>
      %mul3A_646 = arith.constant 64 : i32
      %mul3A_647 = vector.broadcast %mul3A_646 : i32 to vector<16xi32>
      %mul3A_648 = arith.muli %and3A_645, %mul3A_647 : vector<16xi32>
      %get3A_649 = arith.constant 1 : i32
      %get3A_650 = arith.index_cast %get3A_649 : i32 to index
      %get3A_651 = arith.constant 32 : index
      %get3A_652 = tpu.vector_load %arg7[%get3A_650, %get3A_651] {strides = array<i32>} : memref<2x128xi32, #tpu.memory_space<vmem>>, vector<16xi32>,
      %and3A_653 = arith.constant 1 : i32
      %and3A_654 = vector.broadcast %and3A_653 : i32 to vector<16xi32>
      %and3A_655 = arith.andi %get3A_652, %and3A_654 : vector<16xi32>
      %mul3A_656 = arith.constant 64 : i32
      %mul3A_657 = vector.broadcast %mul3A_656 : i32 to vector<16xi32>
      %mul3A_658 = arith.muli %and3A_655, %mul3A_657 : vector<16xi32>
      %get3A_659 = arith.constant 1 : i32
      %get3A_660 = arith.index_cast %get3A_659 : i32 to index
      %get3A_661 = arith.constant 48 : index
      %get3A_662 = tpu.vector_load %arg7[%get3A_660, %get3A_661] {strides = array<i32>} : memref<2x128xi32, #tpu.memory_space<vmem>>, vector<16xi32>,
      %and3A_663 = arith.constant 1 : i32
      %and3A_664 = vector.broadcast %and3A_663 : i32 to vector<16xi32>
      %and3A_665 = arith.andi %get3A_662, %and3A_664 : vector<16xi32>
      %mul3A_666 = arith.constant 64 : i32
      %mul3A_667 = vector.broadcast %mul3A_666 : i32 to vector<16xi32>
      %mul3A_668 = arith.muli %and3A_665, %mul3A_667 : vector<16xi32>
      %get3A_669 = arith.constant 1 : i32
      %get3A_670 = arith.index_cast %get3A_669 : i32 to index
      %get3A_671 = arith.constant 64 : index
      %get3A_672 = tpu.vector_load %arg7[%get3A_670, %get3A_671] {strides = array<i32>} : memref<2x128xi32, #tpu.memory_space<vmem>>, vector<16xi32>,
      %and3A_673 = arith.constant 1 : i32
      %and3A_674 = vector.broadcast %and3A_673 : i32 to vector<16xi32>
      %and3A_675 = arith.andi %get3A_672, %and3A_674 : vector<16xi32>
      %mul3A_676 = arith.constant 64 : i32
      %mul3A_677 = vector.broadcast %mul3A_676 : i32 to vector<16xi32>
      %mul3A_678 = arith.muli %and3A_675, %mul3A_677 : vector<16xi32>
      %get3A_679 = arith.constant 1 : i32
      %get3A_680 = arith.index_cast %get3A_679 : i32 to index
      %get3A_681 = arith.constant 80 : index
      %get3A_682 = tpu.vector_load %arg7[%get3A_680, %get3A_681] {strides = array<i32>} : memref<2x128xi32, #tpu.memory_space<vmem>>, vector<16xi32>,
      %and3A_683 = arith.constant 1 : i32
      %and3A_684 = vector.broadcast %and3A_683 : i32 to vector<16xi32>
      %and3A_685 = arith.andi %get3A_682, %and3A_684 : vector<16xi32>
      %mul3A_686 = arith.constant 64 : i32
      %mul3A_687 = vector.broadcast %mul3A_686 : i32 to vector<16xi32>
      %mul3A_688 = arith.muli %and3A_685, %mul3A_687 : vector<16xi32>
      %get3A_689 = arith.constant 1 : i32
      %get3A_690 = arith.index_cast %get3A_689 : i32 to index
      %get3A_691 = arith.constant 96 : index
      %get3A_692 = tpu.vector_load %arg7[%get3A_690, %get3A_691] {strides = array<i32>} : memref<2x128xi32, #tpu.memory_space<vmem>>, vector<16xi32>,
      %and3A_693 = arith.constant 1 : i32
      %and3A_694 = vector.broadcast %and3A_693 : i32 to vector<16xi32>
      %and3A_695 = arith.andi %get3A_692, %and3A_694 : vector<16xi32>
      %mul3A_696 = arith.constant 64 : i32
      %mul3A_697 = vector.broadcast %mul3A_696 : i32 to vector<16xi32>
      %mul3A_698 = arith.muli %and3A_695, %mul3A_697 : vector<16xi32>
      %get3A_699 = arith.constant 1 : i32
      %get3A_700 = arith.index_cast %get3A_699 : i32 to index
      %get3A_701 = arith.constant 112 : index
      %get3A_702 = tpu.vector_load %arg7[%get3A_700, %get3A_701] {strides = array<i32>} : memref<2x128xi32, #tpu.memory_space<vmem>>, vector<16xi32>,
      %and3A_703 = arith.constant 1 : i32
      %and3A_704 = vector.broadcast %and3A_703 : i32 to vector<16xi32>
      %and3A_705 = arith.andi %get3A_702, %and3A_704 : vector<16xi32>
      %mul3A_706 = arith.constant 64 : i32
      %mul3A_707 = vector.broadcast %mul3A_706 : i32 to vector<16xi32>
      %mul3A_708 = arith.muli %and3A_705, %mul3A_707 : vector<16xi32>
      %add3A_709 = arith.constant 0 : i32
      %add3A_710 = vector.broadcast %add3A_709 : i32 to vector<16xi32>
      %add3A_711 = arith.addi %iota3A, %add3A_710 : vector<16xi32>
      %add3A_712 = arith.constant 16 : i32
      %add3A_713 = vector.broadcast %add3A_712 : i32 to vector<16xi32>
      %add3A_714 = arith.addi %iota3A, %add3A_713 : vector<16xi32>
      %add3A_715 = arith.constant 32 : i32
      %add3A_716 = vector.broadcast %add3A_715 : i32 to vector<16xi32>
      %add3A_717 = arith.addi %iota3A, %add3A_716 : vector<16xi32>
      %add3A_718 = arith.constant 48 : i32
      %add3A_719 = vector.broadcast %add3A_718 : i32 to vector<16xi32>
      %add3A_720 = arith.addi %iota3A, %add3A_719 : vector<16xi32>
      %add3A_721 = arith.constant 64 : i32
      %add3A_722 = vector.broadcast %add3A_721 : i32 to vector<16xi32>
      %add3A_723 = arith.addi %iota3A, %add3A_722 : vector<16xi32>
      %add3A_724 = arith.constant 80 : i32
      %add3A_725 = vector.broadcast %add3A_724 : i32 to vector<16xi32>
      %add3A_726 = arith.addi %iota3A, %add3A_725 : vector<16xi32>
      %add3A_727 = arith.constant 96 : i32
      %add3A_728 = vector.broadcast %add3A_727 : i32 to vector<16xi32>
      %add3A_729 = arith.addi %iota3A, %add3A_728 : vector<16xi32>
      %add3A_730 = arith.constant 112 : i32
      %add3A_731 = vector.broadcast %add3A_730 : i32 to vector<16xi32>
      %add3A_732 = arith.addi %iota3A, %add3A_731 : vector<16xi32>
      %scan3A_733 = arith.constant 0 : i32
      %scan3A_734 = arith.constant 0 : i32
      %scan3A_735 = arith.constant 8 : i32
      %scan3A_736 = arith.addi %scan3A_734, %scan3A_735 : i32
      %scan3A_737 = arith.constant 1 : i32
      scf.for %scan3A_882 = %scan3A_734 to %scan3A_736 step %scan3A_737  : i32 {
        %mul3A_883 = arith.constant 8 : i32
        %mul3A_884 = arith.muli %scan3A_882, %mul3A_883 : i32
        %add3A_885 = arith.constant 0 : i32
        %add3A_886 = arith.addi %mul3A_884, %add3A_885 : i32
        %jit3A = arith.constant 8 : i32
        %div3A = arith.divsi %add3A_886, %jit3A : i32
        %sign3A = arith.constant 0 : i32
        %sign3A_887 = arith.cmpi sgt, %add3A_886, %sign3A : i32
        %sign3A_888 = arith.extui %sign3A_887 : i1 to i32
        %sign3A_889 = arith.constant 0 : i32
        %sign3A_890 = arith.cmpi slt, %add3A_886, %sign3A_889 : i32
        %sign3A_891 = arith.extui %sign3A_890 : i1 to i32
        %sign3A_892 = arith.subi %sign3A_888, %sign3A_891 : i32
        %sign3A_893 = arith.constant 0 : i32
        %sign3A_894 = arith.cmpi sgt, %jit3A, %sign3A_893 : i32
        %sign3A_895 = arith.extui %sign3A_894 : i1 to i32
        %sign3A_896 = arith.constant 0 : i32
        %sign3A_897 = arith.cmpi slt, %jit3A, %sign3A_896 : i32
        %sign3A_898 = arith.extui %sign3A_897 : i1 to i32
        %sign3A_899 = arith.subi %sign3A_895, %sign3A_898 : i32
        %ne3A = arith.cmpi ne, %sign3A_892, %sign3A_899 : i32
        %rem3A = arith.remsi %add3A_886, %jit3A : i32
        %ne3A_900 = arith.constant 0 : i32
        %ne3A_901 = arith.cmpi ne, %rem3A, %ne3A_900 : i32
        %and3A_902 = arith.andi %ne3A, %ne3A_901 : i1
        %sub3A = arith.constant 1 : i32
        %sub3A_903 = arith.subi %div3A, %sub3A : i32
        %select_n3A = arith.select %and3A_902, %sub3A_903, %div3A : i32
        %mul3A_904 = arith.constant 1024 : i32
        %mul3A_905 = arith.muli %select_n3A, %mul3A_904 : i32
        %jit3A_906 = arith.constant 8 : i32
        %eq3A = arith.constant 0 : i32
        %eq3A_907 = arith.cmpi eq, %jit3A_906, %eq3A : i32
        %jit3A_908 = arith.constant 1 : i32
        %select_n3A_909 = arith.select %eq3A_907, %jit3A_908, %jit3A_906 : i32
        %rem3A_910 = arith.remsi %add3A_886, %select_n3A_909 : i32
        %ne3A_911 = arith.constant 0 : i32
        %ne3A_912 = arith.cmpi ne, %rem3A_910, %ne3A_911 : i32
        %lt3A_913 = arith.constant 0 : i32
        %lt3A_914 = arith.cmpi slt, %rem3A_910, %lt3A_913 : i32
        %lt3A_915 = arith.constant 0 : i32
        %lt3A_916 = arith.cmpi slt, %select_n3A_909, %lt3A_915 : i32
        %ne3A_917 = arith.xori %lt3A_914, %lt3A_916 : i1
        %and3A_918 = arith.andi %ne3A_917, %ne3A_912 : i1
        %add3A_919 = arith.addi %rem3A_910, %select_n3A_909 : i32
        %select_n3A_920 = arith.select %and3A_918, %add3A_919, %rem3A_910 : i32
        %mul3A_921 = arith.constant 128 : i32
        %mul3A_922 = arith.muli %select_n3A_920, %mul3A_921 : i32
        %add3A_923 = arith.addi %mul3A_905, %mul3A_922 : i32
        %add3A_924 = vector.broadcast %add3A_886 : i32 to vector<16xi32>
        %add3A_925 = arith.addi %mul3A_638, %add3A_924 : vector<16xi32>
        %gather3A = arith.constant 1 : i32
        %gather3A_926 = arith.constant 0 : i32
        %gather3A_927 = arith.constant 0 : i32
        %gather3A_928 = tpu.memref_slice %arg8[%gather3A, %gather3A_926, %gather3A_927] : memref<2x128x128xf32, #tpu.memory_space<vmem>> -> memref<1x128x128xf32, #tpu.memory_space<vmem>>
        %gather3A_929 = tpu.memref_squeeze %gather3A_928 : memref<1x128x128xf32, #tpu.memory_space<vmem>> -> memref<128x128xf32, #tpu.memory_space<vmem>>
        %gather3A_930 = tpu.vector_load_idx %gather3A_929[%add3A_711, %add3A_925] : memref<128x128xf32, #tpu.memory_space<vmem>>[vector<16xi32>, vector<16xi32>], vector<16xf32>,
        %add3A_931 = arith.constant 0 : i32
        %add3A_932 = arith.addi %add3A_923, %add3A_931 : i32
        %swap3A = arith.constant 1 : i32
        %swap3A_933 = arith.index_cast %swap3A : i32 to index
        %swap3A_934 = arith.index_cast %add3A_932 : i32 to index
        %swap3A_935 = tpu.vector_load %arg9[%swap3A_933, %swap3A_934] {strides = array<i32>} : memref<2x8192xf32, #tpu.memory_space<vmem>>, vector<16xf32>,
        tpu.vector_store %arg9[%swap3A_933, %swap3A_934], %gather3A_930 {strides = array<i32>} : memref<2x8192xf32, #tpu.memory_space<vmem>>, vector<16xf32>,
        %add3A_936 = vector.broadcast %add3A_886 : i32 to vector<16xi32>
        %add3A_937 = arith.addi %mul3A_648, %add3A_936 : vector<16xi32>
        %gather3A_938 = arith.constant 1 : i32
        %gather3A_939 = arith.constant 0 : i32
        %gather3A_940 = arith.constant 0 : i32
        %gather3A_941 = tpu.memref_slice %arg8[%gather3A_938, %gather3A_939, %gather3A_940] : memref<2x128x128xf32, #tpu.memory_space<vmem>> -> memref<1x128x128xf32, #tpu.memory_space<vmem>>
        %gather3A_942 = tpu.memref_squeeze %gather3A_941 : memref<1x128x128xf32, #tpu.memory_space<vmem>> -> memref<128x128xf32, #tpu.memory_space<vmem>>
        %gather3A_943 = tpu.vector_load_idx %gather3A_942[%add3A_714, %add3A_937] : memref<128x128xf32, #tpu.memory_space<vmem>>[vector<16xi32>, vector<16xi32>], vector<16xf32>,
        %add3A_944 = arith.constant 16 : i32
        %add3A_945 = arith.addi %add3A_923, %add3A_944 : i32
        %swap3A_946 = arith.constant 1 : i32
        %swap3A_947 = arith.index_cast %swap3A_946 : i32 to index
        %swap3A_948 = arith.index_cast %add3A_945 : i32 to index
        %swap3A_949 = tpu.vector_load %arg9[%swap3A_947, %swap3A_948] {strides = array<i32>} : memref<2x8192xf32, #tpu.memory_space<vmem>>, vector<16xf32>,
        tpu.vector_store %arg9[%swap3A_947, %swap3A_948], %gather3A_943 {strides = array<i32>} : memref<2x8192xf32, #tpu.memory_space<vmem>>, vector<16xf32>,
        %add3A_950 = vector.broadcast %add3A_886 : i32 to vector<16xi32>
        %add3A_951 = arith.addi %mul3A_658, %add3A_950 : vector<16xi32>
        %gather3A_952 = arith.constant 1 : i32
        %gather3A_953 = arith.constant 0 : i32
        %gather3A_954 = arith.constant 0 : i32
        %gather3A_955 = tpu.memref_slice %arg8[%gather3A_952, %gather3A_953, %gather3A_954] : memref<2x128x128xf32, #tpu.memory_space<vmem>> -> memref<1x128x128xf32, #tpu.memory_space<vmem>>
        %gather3A_956 = tpu.memref_squeeze %gather3A_955 : memref<1x128x128xf32, #tpu.memory_space<vmem>> -> memref<128x128xf32, #tpu.memory_space<vmem>>
        %gather3A_957 = tpu.vector_load_idx %gather3A_956[%add3A_717, %add3A_951] : memref<128x128xf32, #tpu.memory_space<vmem>>[vector<16xi32>, vector<16xi32>], vector<16xf32>,
        %add3A_958 = arith.constant 32 : i32
        %add3A_959 = arith.addi %add3A_923, %add3A_958 : i32
        %swap3A_960 = arith.constant 1 : i32
        %swap3A_961 = arith.index_cast %swap3A_960 : i32 to index
        %swap3A_962 = arith.index_cast %add3A_959 : i32 to index
        %swap3A_963 = tpu.vector_load %arg9[%swap3A_961, %swap3A_962] {strides = array<i32>} : memref<2x8192xf32, #tpu.memory_space<vmem>>, vector<16xf32>,
        tpu.vector_store %arg9[%swap3A_961, %swap3A_962], %gather3A_957 {strides = array<i32>} : memref<2x8192xf32, #tpu.memory_space<vmem>>, vector<16xf32>,
        %add3A_964 = vector.broadcast %add3A_886 : i32 to vector<16xi32>
        %add3A_965 = arith.addi %mul3A_668, %add3A_964 : vector<16xi32>
        %gather3A_966 = arith.constant 1 : i32
        %gather3A_967 = arith.constant 0 : i32
        %gather3A_968 = arith.constant 0 : i32
        %gather3A_969 = tpu.memref_slice %arg8[%gather3A_966, %gather3A_967, %gather3A_968] : memref<2x128x128xf32, #tpu.memory_space<vmem>> -> memref<1x128x128xf32, #tpu.memory_space<vmem>>
        %gather3A_970 = tpu.memref_squeeze %gather3A_969 : memref<1x128x128xf32, #tpu.memory_space<vmem>> -> memref<128x128xf32, #tpu.memory_space<vmem>>
        %gather3A_971 = tpu.vector_load_idx %gather3A_970[%add3A_720, %add3A_965] : memref<128x128xf32, #tpu.memory_space<vmem>>[vector<16xi32>, vector<16xi32>], vector<16xf32>,
        %add3A_972 = arith.constant 48 : i32
        %add3A_973 = arith.addi %add3A_923, %add3A_972 : i32
        %swap3A_974 = arith.constant 1 : i32
        %swap3A_975 = arith.index_cast %swap3A_974 : i32 to index
        %swap3A_976 = arith.index_cast %add3A_973 : i32 to index
        %swap3A_977 = tpu.vector_load %arg9[%swap3A_975, %swap3A_976] {strides = array<i32>} : memref<2x8192xf32, #tpu.memory_space<vmem>>, vector<16xf32>,
        tpu.vector_store %arg9[%swap3A_975, %swap3A_976], %gather3A_971 {strides = array<i32>} : memref<2x8192xf32, #tpu.memory_space<vmem>>, vector<16xf32>,
        %add3A_978 = vector.broadcast %add3A_886 : i32 to vector<16xi32>
        %add3A_979 = arith.addi %mul3A_678, %add3A_978 : vector<16xi32>
        %gather3A_980 = arith.constant 1 : i32
        %gather3A_981 = arith.constant 0 : i32
        %gather3A_982 = arith.constant 0 : i32
        %gather3A_983 = tpu.memref_slice %arg8[%gather3A_980, %gather3A_981, %gather3A_982] : memref<2x128x128xf32, #tpu.memory_space<vmem>> -> memref<1x128x128xf32, #tpu.memory_space<vmem>>
        %gather3A_984 = tpu.memref_squeeze %gather3A_983 : memref<1x128x128xf32, #tpu.memory_space<vmem>> -> memref<128x128xf32, #tpu.memory_space<vmem>>
        %gather3A_985 = tpu.vector_load_idx %gather3A_984[%add3A_723, %add3A_979] : memref<128x128xf32, #tpu.memory_space<vmem>>[vector<16xi32>, vector<16xi32>], vector<16xf32>,
        %add3A_986 = arith.constant 64 : i32
        %add3A_987 = arith.addi %add3A_923, %add3A_986 : i32
        %swap3A_988 = arith.constant 1 : i32
        %swap3A_989 = arith.index_cast %swap3A_988 : i32 to index
        %swap3A_990 = arith.index_cast %add3A_987 : i32 to index
        %swap3A_991 = tpu.vector_load %arg9[%swap3A_989, %swap3A_990] {strides = array<i32>} : memref<2x8192xf32, #tpu.memory_space<vmem>>, vector<16xf32>,
        tpu.vector_store %arg9[%swap3A_989, %swap3A_990], %gather3A_985 {strides = array<i32>} : memref<2x8192xf32, #tpu.memory_space<vmem>>, vector<16xf32>,
        %add3A_992 = vector.broadcast %add3A_886 : i32 to vector<16xi32>
        %add3A_993 = arith.addi %mul3A_688, %add3A_992 : vector<16xi32>
        %gather3A_994 = arith.constant 1 : i32
        %gather3A_995 = arith.constant 0 : i32
        %gather3A_996 = arith.constant 0 : i32
        %gather3A_997 = tpu.memref_slice %arg8[%gather3A_994, %gather3A_995, %gather3A_996] : memref<2x128x128xf32, #tpu.memory_space<vmem>> -> memref<1x128x128xf32, #tpu.memory_space<vmem>>
        %gather3A_998 = tpu.memref_squeeze %gather3A_997 : memref<1x128x128xf32, #tpu.memory_space<vmem>> -> memref<128x128xf32, #tpu.memory_space<vmem>>
        %gather3A_999 = tpu.vector_load_idx %gather3A_998[%add3A_726, %add3A_993] : memref<128x128xf32, #tpu.memory_space<vmem>>[vector<16xi32>, vector<16xi32>], vector<16xf32>,
        %add3A_1000 = arith.constant 80 : i32
        %add3A_1001 = arith.addi %add3A_923, %add3A_1000 : i32
        %swap3A_1002 = arith.constant 1 : i32
        %swap3A_1003 = arith.index_cast %swap3A_1002 : i32 to index
        %swap3A_1004 = arith.index_cast %add3A_1001 : i32 to index
        %swap3A_1005 = tpu.vector_load %arg9[%swap3A_1003, %swap3A_1004] {strides = array<i32>} : memref<2x8192xf32, #tpu.memory_space<vmem>>, vector<16xf32>,
        tpu.vector_store %arg9[%swap3A_1003, %swap3A_1004], %gather3A_999 {strides = array<i32>} : memref<2x8192xf32, #tpu.memory_space<vmem>>, vector<16xf32>,
        %add3A_1006 = vector.broadcast %add3A_886 : i32 to vector<16xi32>
        %add3A_1007 = arith.addi %mul3A_698, %add3A_1006 : vector<16xi32>
        %gather3A_1008 = arith.constant 1 : i32
        %gather3A_1009 = arith.constant 0 : i32
        %gather3A_1010 = arith.constant 0 : i32
        %gather3A_1011 = tpu.memref_slice %arg8[%gather3A_1008, %gather3A_1009, %gather3A_1010] : memref<2x128x128xf32, #tpu.memory_space<vmem>> -> memref<1x128x128xf32, #tpu.memory_space<vmem>>
        %gather3A_1012 = tpu.memref_squeeze %gather3A_1011 : memref<1x128x128xf32, #tpu.memory_space<vmem>> -> memref<128x128xf32, #tpu.memory_space<vmem>>
        %gather3A_1013 = tpu.vector_load_idx %gather3A_1012[%add3A_729, %add3A_1007] : memref<128x128xf32, #tpu.memory_space<vmem>>[vector<16xi32>, vector<16xi32>], vector<16xf32>,
        %add3A_1014 = arith.constant 96 : i32
        %add3A_1015 = arith.addi %add3A_923, %add3A_1014 : i32
        %swap3A_1016 = arith.constant 1 : i32
        %swap3A_1017 = arith.index_cast %swap3A_1016 : i32 to index
        %swap3A_1018 = arith.index_cast %add3A_1015 : i32 to index
        %swap3A_1019 = tpu.vector_load %arg9[%swap3A_1017, %swap3A_1018] {strides = array<i32>} : memref<2x8192xf32, #tpu.memory_space<vmem>>, vector<16xf32>,
        tpu.vector_store %arg9[%swap3A_1017, %swap3A_1018], %gather3A_1013 {strides = array<i32>} : memref<2x8192xf32, #tpu.memory_space<vmem>>, vector<16xf32>,
        %add3A_1020 = vector.broadcast %add3A_886 : i32 to vector<16xi32>
        %add3A_1021 = arith.addi %mul3A_708, %add3A_1020 : vector<16xi32>
        %gather3A_1022 = arith.constant 1 : i32
        %gather3A_1023 = arith.constant 0 : i32
        %gather3A_1024 = arith.constant 0 : i32
        %gather3A_1025 = tpu.memref_slice %arg8[%gather3A_1022, %gather3A_1023, %gather3A_1024] : memref<2x128x128xf32, #tpu.memory_space<vmem>> -> memref<1x128x128xf32, #tpu.memory_space<vmem>>
        %gather3A_1026 = tpu.memref_squeeze %gather3A_1025 : memref<1x128x128xf32, #tpu.memory_space<vmem>> -> memref<128x128xf32, #tpu.memory_space<vmem>>
        %gather3A_1027 = tpu.vector_load_idx %gather3A_1026[%add3A_732, %add3A_1021] : memref<128x128xf32, #tpu.memory_space<vmem>>[vector<16xi32>, vector<16xi32>], vector<16xf32>,
        %add3A_1028 = arith.constant 112 : i32
        %add3A_1029 = arith.addi %add3A_923, %add3A_1028 : i32
        %swap3A_1030 = arith.constant 1 : i32
        %swap3A_1031 = arith.index_cast %swap3A_1030 : i32 to index
        %swap3A_1032 = arith.index_cast %add3A_1029 : i32 to index
        %swap3A_1033 = tpu.vector_load %arg9[%swap3A_1031, %swap3A_1032] {strides = array<i32>} : memref<2x8192xf32, #tpu.memory_space<vmem>>, vector<16xf32>,
        tpu.vector_store %arg9[%swap3A_1031, %swap3A_1032], %gather3A_1027 {strides = array<i32>} : memref<2x8192xf32, #tpu.memory_space<vmem>>, vector<16xf32>,
        %mul3A_1034 = arith.constant 8 : i32
        %mul3A_1035 = arith.muli %scan3A_882, %mul3A_1034 : i32
        %add3A_1036 = arith.constant 1 : i32
        %add3A_1037 = arith.addi %mul3A_1035, %add3A_1036 : i32
        %jit3A_1038 = arith.constant 8 : i32
        %div3A_1039 = arith.divsi %add3A_1037, %jit3A_1038 : i32
        %sign3A_1040 = arith.constant 0 : i32
        %sign3A_1041 = arith.cmpi sgt, %add3A_1037, %sign3A_1040 : i32
        %sign3A_1042 = arith.extui %sign3A_1041 : i1 to i32
        %sign3A_1043 = arith.constant 0 : i32
        %sign3A_1044 = arith.cmpi slt, %add3A_1037, %sign3A_1043 : i32
        %sign3A_1045 = arith.extui %sign3A_1044 : i1 to i32
        %sign3A_1046 = arith.subi %sign3A_1042, %sign3A_1045 : i32
        %sign3A_1047 = arith.constant 0 : i32
        %sign3A_1048 = arith.cmpi sgt, %jit3A_1038, %sign3A_1047 : i32
        %sign3A_1049 = arith.extui %sign3A_1048 : i1 to i32
        %sign3A_1050 = arith.constant 0 : i32
        %sign3A_1051 = arith.cmpi slt, %jit3A_1038, %sign3A_1050 : i32
        %sign3A_1052 = arith.extui %sign3A_1051 : i1 to i32
        %sign3A_1053 = arith.subi %sign3A_1049, %sign3A_1052 : i32
        %ne3A_1054 = arith.cmpi ne, %sign3A_1046, %sign3A_1053 : i32
        %rem3A_1055 = arith.remsi %add3A_1037, %jit3A_1038 : i32
        %ne3A_1056 = arith.constant 0 : i32
        %ne3A_1057 = arith.cmpi ne, %rem3A_1055, %ne3A_1056 : i32
        %and3A_1058 = arith.andi %ne3A_1054, %ne3A_1057 : i1
        %sub3A_1059 = arith.constant 1 : i32
        %sub3A_1060 = arith.subi %div3A_1039, %sub3A_1059 : i32
        %select_n3A_1061 = arith.select %and3A_1058, %sub3A_1060, %div3A_1039 : i32
        %mul3A_1062 = arith.constant 1024 : i32
        %mul3A_1063 = arith.muli %select_n3A_1061, %mul3A_1062 : i32
        %jit3A_1064 = arith.constant 8 : i32
        %eq3A_1065 = arith.constant 0 : i32
        %eq3A_1066 = arith.cmpi eq, %jit3A_1064, %eq3A_1065 : i32
        %jit3A_1067 = arith.constant 1 : i32
        %select_n3A_1068 = arith.select %eq3A_1066, %jit3A_1067, %jit3A_1064 : i32
        %rem3A_1069 = arith.remsi %add3A_1037, %select_n3A_1068 : i32
        %ne3A_1070 = arith.constant 0 : i32
        %ne3A_1071 = arith.cmpi ne, %rem3A_1069, %ne3A_1070 : i32
        %lt3A_1072 = arith.constant 0 : i32
        %lt3A_1073 = arith.cmpi slt, %rem3A_1069, %lt3A_1072 : i32
        %lt3A_1074 = arith.constant 0 : i32
        %lt3A_1075 = arith.cmpi slt, %select_n3A_1068, %lt3A_1074 : i32
        %ne3A_1076 = arith.xori %lt3A_1073, %lt3A_1075 : i1
        %and3A_1077 = arith.andi %ne3A_1076, %ne3A_1071 : i1
        %add3A_1078 = arith.addi %rem3A_1069, %select_n3A_1068 : i32
        %select_n3A_1079 = arith.select %and3A_1077, %add3A_1078, %rem3A_1069 : i32
        %mul3A_1080 = arith.constant 128 : i32
        %mul3A_1081 = arith.muli %select_n3A_1079, %mul3A_1080 : i32
        %add3A_1082 = arith.addi %mul3A_1063, %mul3A_1081 : i32
        %add3A_1083 = vector.broadcast %add3A_1037 : i32 to vector<16xi32>
        %add3A_1084 = arith.addi %mul3A_638, %add3A_1083 : vector<16xi32>
        %gather3A_1085 = arith.constant 1 : i32
        %gather3A_1086 = arith.constant 0 : i32
        %gather3A_1087 = arith.constant 0 : i32
        %gather3A_1088 = tpu.memref_slice %arg8[%gather3A_1085, %gather3A_1086, %gather3A_1087] : memref<2x128x128xf32, #tpu.memory_space<vmem>> -> memref<1x128x128xf32, #tpu.memory_space<vmem>>
        %gather3A_1089 = tpu.memref_squeeze %gather3A_1088 : memref<1x128x128xf32, #tpu.memory_space<vmem>> -> memref<128x128xf32, #tpu.memory_space<vmem>>
        %gather3A_1090 = tpu.vector_load_idx %gather3A_1089[%add3A_711, %add3A_1084] : memref<128x128xf32, #tpu.memory_space<vmem>>[vector<16xi32>, vector<16xi32>], vector<16xf32>,
        %add3A_1091 = arith.constant 0 : i32
        %add3A_1092 = arith.addi %add3A_1082, %add3A_1091 : i32
        %swap3A_1093 = arith.constant 1 : i32
        %swap3A_1094 = arith.index_cast %swap3A_1093 : i32 to index
        %swap3A_1095 = arith.index_cast %add3A_1092 : i32 to index
        %swap3A_1096 = tpu.vector_load %arg9[%swap3A_1094, %swap3A_1095] {strides = array<i32>} : memref<2x8192xf32, #tpu.memory_space<vmem>>, vector<16xf32>,
        tpu.vector_store %arg9[%swap3A_1094, %swap3A_1095], %gather3A_1090 {strides = array<i32>} : memref<2x8192xf32, #tpu.memory_space<vmem>>, vector<16xf32>,
        %add3A_1097 = vector.broadcast %add3A_1037 : i32 to vector<16xi32>
        %add3A_1098 = arith.addi %mul3A_648, %add3A_1097 : vector<16xi32>
        %gather3A_1099 = arith.constant 1 : i32
        %gather3A_1100 = arith.constant 0 : i32
        %gather3A_1101 = arith.constant 0 : i32
        %gather3A_1102 = tpu.memref_slice %arg8[%gather3A_1099, %gather3A_1100, %gather3A_1101] : memref<2x128x128xf32, #tpu.memory_space<vmem>> -> memref<1x128x128xf32, #tpu.memory_space<vmem>>
        %gather3A_1103 = tpu.memref_squeeze %gather3A_1102 : memref<1x128x128xf32, #tpu.memory_space<vmem>> -> memref<128x128xf32, #tpu.memory_space<vmem>>
        %gather3A_1104 = tpu.vector_load_idx %gather3A_1103[%add3A_714, %add3A_1098] : memref<128x128xf32, #tpu.memory_space<vmem>>[vector<16xi32>, vector<16xi32>], vector<16xf32>,
        %add3A_1105 = arith.constant 16 : i32
        %add3A_1106 = arith.addi %add3A_1082, %add3A_1105 : i32
        %swap3A_1107 = arith.constant 1 : i32
        %swap3A_1108 = arith.index_cast %swap3A_1107 : i32 to index
        %swap3A_1109 = arith.index_cast %add3A_1106 : i32 to index
        %swap3A_1110 = tpu.vector_load %arg9[%swap3A_1108, %swap3A_1109] {strides = array<i32>} : memref<2x8192xf32, #tpu.memory_space<vmem>>, vector<16xf32>,
        tpu.vector_store %arg9[%swap3A_1108, %swap3A_1109], %gather3A_1104 {strides = array<i32>} : memref<2x8192xf32, #tpu.memory_space<vmem>>, vector<16xf32>,
        %add3A_1111 = vector.broadcast %add3A_1037 : i32 to vector<16xi32>
        %add3A_1112 = arith.addi %mul3A_658, %add3A_1111 : vector<16xi32>
        %gather3A_1113 = arith.constant 1 : i32
        %gather3A_1114 = arith.constant 0 : i32
        %gather3A_1115 = arith.constant 0 : i32
        %gather3A_1116 = tpu.memref_slice %arg8[%gather3A_1113, %gather3A_1114, %gather3A_1115] : memref<2x128x128xf32, #tpu.memory_space<vmem>> -> memref<1x128x128xf32, #tpu.memory_space<vmem>>
        %gather3A_1117 = tpu.memref_squeeze %gather3A_1116 : memref<1x128x128xf32, #tpu.memory_space<vmem>> -> memref<128x128xf32, #tpu.memory_space<vmem>>
        %gather3A_1118 = tpu.vector_load_idx %gather3A_1117[%add3A_717, %add3A_1112] : memref<128x128xf32, #tpu.memory_space<vmem>>[vector<16xi32>, vector<16xi32>], vector<16xf32>,
        %add3A_1119 = arith.constant 32 : i32
        %add3A_1120 = arith.addi %add3A_1082, %add3A_1119 : i32
        %swap3A_1121 = arith.constant 1 : i32
        %swap3A_1122 = arith.index_cast %swap3A_1121 : i32 to index
        %swap3A_1123 = arith.index_cast %add3A_1120 : i32 to index
        %swap3A_1124 = tpu.vector_load %arg9[%swap3A_1122, %swap3A_1123] {strides = array<i32>} : memref<2x8192xf32, #tpu.memory_space<vmem>>, vector<16xf32>,
        tpu.vector_store %arg9[%swap3A_1122, %swap3A_1123], %gather3A_1118 {strides = array<i32>} : memref<2x8192xf32, #tpu.memory_space<vmem>>, vector<16xf32>,
        %add3A_1125 = vector.broadcast %add3A_1037 : i32 to vector<16xi32>
        %add3A_1126 = arith.addi %mul3A_668, %add3A_1125 : vector<16xi32>
        %gather3A_1127 = arith.constant 1 : i32
        %gather3A_1128 = arith.constant 0 : i32
        %gather3A_1129 = arith.constant 0 : i32
        %gather3A_1130 = tpu.memref_slice %arg8[%gather3A_1127, %gather3A_1128, %gather3A_1129] : memref<2x128x128xf32, #tpu.memory_space<vmem>> -> memref<1x128x128xf32, #tpu.memory_space<vmem>>
        %gather3A_1131 = tpu.memref_squeeze %gather3A_1130 : memref<1x128x128xf32, #tpu.memory_space<vmem>> -> memref<128x128xf32, #tpu.memory_space<vmem>>
        %gather3A_1132 = tpu.vector_load_idx %gather3A_1131[%add3A_720, %add3A_1126] : memref<128x128xf32, #tpu.memory_space<vmem>>[vector<16xi32>, vector<16xi32>], vector<16xf32>,
        %add3A_1133 = arith.constant 48 : i32
        %add3A_1134 = arith.addi %add3A_1082, %add3A_1133 : i32
        %swap3A_1135 = arith.constant 1 : i32
        %swap3A_1136 = arith.index_cast %swap3A_1135 : i32 to index
        %swap3A_1137 = arith.index_cast %add3A_1134 : i32 to index
        %swap3A_1138 = tpu.vector_load %arg9[%swap3A_1136, %swap3A_1137] {strides = array<i32>} : memref<2x8192xf32, #tpu.memory_space<vmem>>, vector<16xf32>,
        tpu.vector_store %arg9[%swap3A_1136, %swap3A_1137], %gather3A_1132 {strides = array<i32>} : memref<2x8192xf32, #tpu.memory_space<vmem>>, vector<16xf32>,
        %add3A_1139 = vector.broadcast %add3A_1037 : i32 to vector<16xi32>
        %add3A_1140 = arith.addi %mul3A_678, %add3A_1139 : vector<16xi32>
        %gather3A_1141 = arith.constant 1 : i32
        %gather3A_1142 = arith.constant 0 : i32
        %gather3A_1143 = arith.constant 0 : i32
        %gather3A_1144 = tpu.memref_slice %arg8[%gather3A_1141, %gather3A_1142, %gather3A_1143] : memref<2x128x128xf32, #tpu.memory_space<vmem>> -> memref<1x128x128xf32, #tpu.memory_space<vmem>>
        %gather3A_1145 = tpu.memref_squeeze %gather3A_1144 : memref<1x128x128xf32, #tpu.memory_space<vmem>> -> memref<128x128xf32, #tpu.memory_space<vmem>>
        %gather3A_1146 = tpu.vector_load_idx %gather3A_1145[%add3A_723, %add3A_1140] : memref<128x128xf32, #tpu.memory_space<vmem>>[vector<16xi32>, vector<16xi32>], vector<16xf32>,
        %add3A_1147 = arith.constant 64 : i32
        %add3A_1148 = arith.addi %add3A_1082, %add3A_1147 : i32
        %swap3A_1149 = arith.constant 1 : i32
        %swap3A_1150 = arith.index_cast %swap3A_1149 : i32 to index
        %swap3A_1151 = arith.index_cast %add3A_1148 : i32 to index
        %swap3A_1152 = tpu.vector_load %arg9[%swap3A_1150, %swap3A_1151] {strides = array<i32>} : memref<2x8192xf32, #tpu.memory_space<vmem>>, vector<16xf32>,
        tpu.vector_store %arg9[%swap3A_1150, %swap3A_1151], %gather3A_1146 {strides = array<i32>} : memref<2x8192xf32, #tpu.memory_space<vmem>>, vector<16xf32>,
        %add3A_1153 = vector.broadcast %add3A_1037 : i32 to vector<16xi32>
        %add3A_1154 = arith.addi %mul3A_688, %add3A_1153 : vector<16xi32>
        %gather3A_1155 = arith.constant 1 : i32
        %gather3A_1156 = arith.constant 0 : i32
        %gather3A_1157 = arith.constant 0 : i32
        %gather3A_1158 = tpu.memref_slice %arg8[%gather3A_1155, %gather3A_1156, %gather3A_1157] : memref<2x128x128xf32, #tpu.memory_space<vmem>> -> memref<1x128x128xf32, #tpu.memory_space<vmem>>
        %gather3A_1159 = tpu.memref_squeeze %gather3A_1158 : memref<1x128x128xf32, #tpu.memory_space<vmem>> -> memref<128x128xf32, #tpu.memory_space<vmem>>
        %gather3A_1160 = tpu.vector_load_idx %gather3A_1159[%add3A_726, %add3A_1154] : memref<128x128xf32, #tpu.memory_space<vmem>>[vector<16xi32>, vector<16xi32>], vector<16xf32>,
        %add3A_1161 = arith.constant 80 : i32
        %add3A_1162 = arith.addi %add3A_1082, %add3A_1161 : i32
        %swap3A_1163 = arith.constant 1 : i32
        %swap3A_1164 = arith.index_cast %swap3A_1163 : i32 to index
        %swap3A_1165 = arith.index_cast %add3A_1162 : i32 to index
        %swap3A_1166 = tpu.vector_load %arg9[%swap3A_1164, %swap3A_1165] {strides = array<i32>} : memref<2x8192xf32, #tpu.memory_space<vmem>>, vector<16xf32>,
        tpu.vector_store %arg9[%swap3A_1164, %swap3A_1165], %gather3A_1160 {strides = array<i32>} : memref<2x8192xf32, #tpu.memory_space<vmem>>, vector<16xf32>,
        %add3A_1167 = vector.broadcast %add3A_1037 : i32 to vector<16xi32>
        %add3A_1168 = arith.addi %mul3A_698, %add3A_1167 : vector<16xi32>
        %gather3A_1169 = arith.constant 1 : i32
        %gather3A_1170 = arith.constant 0 : i32
        %gather3A_1171 = arith.constant 0 : i32
        %gather3A_1172 = tpu.memref_slice %arg8[%gather3A_1169, %gather3A_1170, %gather3A_1171] : memref<2x128x128xf32, #tpu.memory_space<vmem>> -> memref<1x128x128xf32, #tpu.memory_space<vmem>>
        %gather3A_1173 = tpu.memref_squeeze %gather3A_1172 : memref<1x128x128xf32, #tpu.memory_space<vmem>> -> memref<128x128xf32, #tpu.memory_space<vmem>>
        %gather3A_1174 = tpu.vector_load_idx %gather3A_1173[%add3A_729, %add3A_1168] : memref<128x128xf32, #tpu.memory_space<vmem>>[vector<16xi32>, vector<16xi32>], vector<16xf32>,
        %add3A_1175 = arith.constant 96 : i32
        %add3A_1176 = arith.addi %add3A_1082, %add3A_1175 : i32
        %swap3A_1177 = arith.constant 1 : i32
        %swap3A_1178 = arith.index_cast %swap3A_1177 : i32 to index
        %swap3A_1179 = arith.index_cast %add3A_1176 : i32 to index
        %swap3A_1180 = tpu.vector_load %arg9[%swap3A_1178, %swap3A_1179] {strides = array<i32>} : memref<2x8192xf32, #tpu.memory_space<vmem>>, vector<16xf32>,
        tpu.vector_store %arg9[%swap3A_1178, %swap3A_1179], %gather3A_1174 {strides = array<i32>} : memref<2x8192xf32, #tpu.memory_space<vmem>>, vector<16xf32>,
        %add3A_1181 = vector.broadcast %add3A_1037 : i32 to vector<16xi32>
        %add3A_1182 = arith.addi %mul3A_708, %add3A_1181 : vector<16xi32>
        %gather3A_1183 = arith.constant 1 : i32
        %gather3A_1184 = arith.constant 0 : i32
        %gather3A_1185 = arith.constant 0 : i32
        %gather3A_1186 = tpu.memref_slice %arg8[%gather3A_1183, %gather3A_1184, %gather3A_1185] : memref<2x128x128xf32, #tpu.memory_space<vmem>> -> memref<1x128x128xf32, #tpu.memory_space<vmem>>
        %gather3A_1187 = tpu.memref_squeeze %gather3A_1186 : memref<1x128x128xf32, #tpu.memory_space<vmem>> -> memref<128x128xf32, #tpu.memory_space<vmem>>
        %gather3A_1188 = tpu.vector_load_idx %gather3A_1187[%add3A_732, %add3A_1182] : memref<128x128xf32, #tpu.memory_space<vmem>>[vector<16xi32>, vector<16xi32>], vector<16xf32>,
        %add3A_1189 = arith.constant 112 : i32
        %add3A_1190 = arith.addi %add3A_1082, %add3A_1189 : i32
        %swap3A_1191 = arith.constant 1 : i32
        %swap3A_1192 = arith.index_cast %swap3A_1191 : i32 to index
        %swap3A_1193 = arith.index_cast %add3A_1190 : i32 to index
        %swap3A_1194 = tpu.vector_load %arg9[%swap3A_1192, %swap3A_1193] {strides = array<i32>} : memref<2x8192xf32, #tpu.memory_space<vmem>>, vector<16xf32>,
        tpu.vector_store %arg9[%swap3A_1192, %swap3A_1193], %gather3A_1188 {strides = array<i32>} : memref<2x8192xf32, #tpu.memory_space<vmem>>, vector<16xf32>,
        %mul3A_1195 = arith.constant 8 : i32
        %mul3A_1196 = arith.muli %scan3A_882, %mul3A_1195 : i32
        %add3A_1197 = arith.constant 2 : i32
        %add3A_1198 = arith.addi %mul3A_1196, %add3A_1197 : i32
        %jit3A_1199 = arith.constant 8 : i32
        %div3A_1200 = arith.divsi %add3A_1198, %jit3A_1199 : i32
        %sign3A_1201 = arith.constant 0 : i32
        %sign3A_1202 = arith.cmpi sgt, %add3A_1198, %sign3A_1201 : i32
        %sign3A_1203 = arith.extui %sign3A_1202 : i1 to i32
        %sign3A_1204 = arith.constant 0 : i32
        %sign3A_1205 = arith.cmpi slt, %add3A_1198, %sign3A_1204 : i32
        %sign3A_1206 = arith.extui %sign3A_1205 : i1 to i32
        %sign3A_1207 = arith.subi %sign3A_1203, %sign3A_1206 : i32
        %sign3A_1208 = arith.constant 0 : i32
        %sign3A_1209 = arith.cmpi sgt, %jit3A_1199, %sign3A_1208 : i32
        %sign3A_1210 = arith.extui %sign3A_1209 : i1 to i32
        %sign3A_1211 = arith.constant 0 : i32
        %sign3A_1212 = arith.cmpi slt, %jit3A_1199, %sign3A_1211 : i32
        %sign3A_1213 = arith.extui %sign3A_1212 : i1 to i32
        %sign3A_1214 = arith.subi %sign3A_1210, %sign3A_1213 : i32
        %ne3A_1215 = arith.cmpi ne, %sign3A_1207, %sign3A_1214 : i32
        %rem3A_1216 = arith.remsi %add3A_1198, %jit3A_1199 : i32
        %ne3A_1217 = arith.constant 0 : i32
        %ne3A_1218 = arith.cmpi ne, %rem3A_1216, %ne3A_1217 : i32
        %and3A_1219 = arith.andi %ne3A_1215, %ne3A_1218 : i1
        %sub3A_1220 = arith.constant 1 : i32
        %sub3A_1221 = arith.subi %div3A_1200, %sub3A_1220 : i32
        %select_n3A_1222 = arith.select %and3A_1219, %sub3A_1221, %div3A_1200 : i32
        %mul3A_1223 = arith.constant 1024 : i32
        %mul3A_1224 = arith.muli %select_n3A_1222, %mul3A_1223 : i32
        %jit3A_1225 = arith.constant 8 : i32
        %eq3A_1226 = arith.constant 0 : i32
        %eq3A_1227 = arith.cmpi eq, %jit3A_1225, %eq3A_1226 : i32
        %jit3A_1228 = arith.constant 1 : i32
        %select_n3A_1229 = arith.select %eq3A_1227, %jit3A_1228, %jit3A_1225 : i32
        %rem3A_1230 = arith.remsi %add3A_1198, %select_n3A_1229 : i32
        %ne3A_1231 = arith.constant 0 : i32
        %ne3A_1232 = arith.cmpi ne, %rem3A_1230, %ne3A_1231 : i32
        %lt3A_1233 = arith.constant 0 : i32
        %lt3A_1234 = arith.cmpi slt, %rem3A_1230, %lt3A_1233 : i32
        %lt3A_1235 = arith.constant 0 : i32
        %lt3A_1236 = arith.cmpi slt, %select_n3A_1229, %lt3A_1235 : i32
        %ne3A_1237 = arith.xori %lt3A_1234, %lt3A_1236 : i1
        %and3A_1238 = arith.andi %ne3A_1237, %ne3A_1232 : i1
        %add3A_1239 = arith.addi %rem3A_1230, %select_n3A_1229 : i32
        %select_n3A_1240 = arith.select %and3A_1238, %add3A_1239, %rem3A_1230 : i32
        %mul3A_1241 = arith.constant 128 : i32
        %mul3A_1242 = arith.muli %select_n3A_1240, %mul3A_1241 : i32
        %add3A_1243 = arith.addi %mul3A_1224, %mul3A_1242 : i32
        %add3A_1244 = vector.broadcast %add3A_1198 : i32 to vector<16xi32>
        %add3A_1245 = arith.addi %mul3A_638, %add3A_1244 : vector<16xi32>
        %gather3A_1246 = arith.constant 1 : i32
        %gather3A_1247 = arith.constant 0 : i32
        %gather3A_1248 = arith.constant 0 : i32
        %gather3A_1249 = tpu.memref_slice %arg8[%gather3A_1246, %gather3A_1247, %gather3A_1248] : memref<2x128x128xf32, #tpu.memory_space<vmem>> -> memref<1x128x128xf32, #tpu.memory_space<vmem>>
        %gather3A_1250 = tpu.memref_squeeze %gather3A_1249 : memref<1x128x128xf32, #tpu.memory_space<vmem>> -> memref<128x128xf32, #tpu.memory_space<vmem>>
        %gather3A_1251 = tpu.vector_load_idx %gather3A_1250[%add3A_711, %add3A_1245] : memref<128x128xf32, #tpu.memory_space<vmem>>[vector<16xi32>, vector<16xi32>], vector<16xf32>,
        %add3A_1252 = arith.constant 0 : i32
        %add3A_1253 = arith.addi %add3A_1243, %add3A_1252 : i32
        %swap3A_1254 = arith.constant 1 : i32
        %swap3A_1255 = arith.index_cast %swap3A_1254 : i32 to index
        %swap3A_1256 = arith.index_cast %add3A_1253 : i32 to index
        %swap3A_1257 = tpu.vector_load %arg9[%swap3A_1255, %swap3A_1256] {strides = array<i32>} : memref<2x8192xf32, #tpu.memory_space<vmem>>, vector<16xf32>,
        tpu.vector_store %arg9[%swap3A_1255, %swap3A_1256], %gather3A_1251 {strides = array<i32>} : memref<2x8192xf32, #tpu.memory_space<vmem>>, vector<16xf32>,
        %add3A_1258 = vector.broadcast %add3A_1198 : i32 to vector<16xi32>
        %add3A_1259 = arith.addi %mul3A_648, %add3A_1258 : vector<16xi32>
        %gather3A_1260 = arith.constant 1 : i32
        %gather3A_1261 = arith.constant 0 : i32
        %gather3A_1262 = arith.constant 0 : i32
        %gather3A_1263 = tpu.memref_slice %arg8[%gather3A_1260, %gather3A_1261, %gather3A_1262] : memref<2x128x128xf32, #tpu.memory_space<vmem>> -> memref<1x128x128xf32, #tpu.memory_space<vmem>>
        %gather3A_1264 = tpu.memref_squeeze %gather3A_1263 : memref<1x128x128xf32, #tpu.memory_space<vmem>> -> memref<128x128xf32, #tpu.memory_space<vmem>>
        %gather3A_1265 = tpu.vector_load_idx %gather3A_1264[%add3A_714, %add3A_1259] : memref<128x128xf32, #tpu.memory_space<vmem>>[vector<16xi32>, vector<16xi32>], vector<16xf32>,
        %add3A_1266 = arith.constant 16 : i32
        %add3A_1267 = arith.addi %add3A_1243, %add3A_1266 : i32
        %swap3A_1268 = arith.constant 1 : i32
        %swap3A_1269 = arith.index_cast %swap3A_1268 : i32 to index
        %swap3A_1270 = arith.index_cast %add3A_1267 : i32 to index
        %swap3A_1271 = tpu.vector_load %arg9[%swap3A_1269, %swap3A_1270] {strides = array<i32>} : memref<2x8192xf32, #tpu.memory_space<vmem>>, vector<16xf32>,
        tpu.vector_store %arg9[%swap3A_1269, %swap3A_1270], %gather3A_1265 {strides = array<i32>} : memref<2x8192xf32, #tpu.memory_space<vmem>>, vector<16xf32>,
        %add3A_1272 = vector.broadcast %add3A_1198 : i32 to vector<16xi32>
        %add3A_1273 = arith.addi %mul3A_658, %add3A_1272 : vector<16xi32>
        %gather3A_1274 = arith.constant 1 : i32
        %gather3A_1275 = arith.constant 0 : i32
        %gather3A_1276 = arith.constant 0 : i32
        %gather3A_1277 = tpu.memref_slice %arg8[%gather3A_1274, %gather3A_1275, %gather3A_1276] : memref<2x128x128xf32, #tpu.memory_space<vmem>> -> memref<1x128x128xf32, #tpu.memory_space<vmem>>
        %gather3A_1278 = tpu.memref_squeeze %gather3A_1277 : memref<1x128x128xf32, #tpu.memory_space<vmem>> -> memref<128x128xf32, #tpu.memory_space<vmem>>
        %gather3A_1279 = tpu.vector_load_idx %gather3A_1278[%add3A_717, %add3A_1273] : memref<128x128xf32, #tpu.memory_space<vmem>>[vector<16xi32>, vector<16xi32>], vector<16xf32>,
        %add3A_1280 = arith.constant 32 : i32
        %add3A_1281 = arith.addi %add3A_1243, %add3A_1280 : i32
        %swap3A_1282 = arith.constant 1 : i32
        %swap3A_1283 = arith.index_cast %swap3A_1282 : i32 to index
        %swap3A_1284 = arith.index_cast %add3A_1281 : i32 to index
        %swap3A_1285 = tpu.vector_load %arg9[%swap3A_1283, %swap3A_1284] {strides = array<i32>} : memref<2x8192xf32, #tpu.memory_space<vmem>>, vector<16xf32>,
        tpu.vector_store %arg9[%swap3A_1283, %swap3A_1284], %gather3A_1279 {strides = array<i32>} : memref<2x8192xf32, #tpu.memory_space<vmem>>, vector<16xf32>,
        %add3A_1286 = vector.broadcast %add3A_1198 : i32 to vector<16xi32>
        %add3A_1287 = arith.addi %mul3A_668, %add3A_1286 : vector<16xi32>
        %gather3A_1288 = arith.constant 1 : i32
        %gather3A_1289 = arith.constant 0 : i32
        %gather3A_1290 = arith.constant 0 : i32
        %gather3A_1291 = tpu.memref_slice %arg8[%gather3A_1288, %gather3A_1289, %gather3A_1290] : memref<2x128x128xf32, #tpu.memory_space<vmem>> -> memref<1x128x128xf32, #tpu.memory_space<vmem>>
        %gather3A_1292 = tpu.memref_squeeze %gather3A_1291 : memref<1x128x128xf32, #tpu.memory_space<vmem>> -> memref<128x128xf32, #tpu.memory_space<vmem>>
        %gather3A_1293 = tpu.vector_load_idx %gather3A_1292[%add3A_720, %add3A_1287] : memref<128x128xf32, #tpu.memory_space<vmem>>[vector<16xi32>, vector<16xi32>], vector<16xf32>,
        %add3A_1294 = arith.constant 48 : i32
        %add3A_1295 = arith.addi %add3A_1243, %add3A_1294 : i32
        %swap3A_1296 = arith.constant 1 : i32
        %swap3A_1297 = arith.index_cast %swap3A_1296 : i32 to index
        %swap3A_1298 = arith.index_cast %add3A_1295 : i32 to index
        %swap3A_1299 = tpu.vector_load %arg9[%swap3A_1297, %swap3A_1298] {strides = array<i32>} : memref<2x8192xf32, #tpu.memory_space<vmem>>, vector<16xf32>,
        tpu.vector_store %arg9[%swap3A_1297, %swap3A_1298], %gather3A_1293 {strides = array<i32>} : memref<2x8192xf32, #tpu.memory_space<vmem>>, vector<16xf32>,
        %add3A_1300 = vector.broadcast %add3A_1198 : i32 to vector<16xi32>
        %add3A_1301 = arith.addi %mul3A_678, %add3A_1300 : vector<16xi32>
        %gather3A_1302 = arith.constant 1 : i32
        %gather3A_1303 = arith.constant 0 : i32
        %gather3A_1304 = arith.constant 0 : i32
        %gather3A_1305 = tpu.memref_slice %arg8[%gather3A_1302, %gather3A_1303, %gather3A_1304] : memref<2x128x128xf32, #tpu.memory_space<vmem>> -> memref<1x128x128xf32, #tpu.memory_space<vmem>>
        %gather3A_1306 = tpu.memref_squeeze %gather3A_1305 : memref<1x128x128xf32, #tpu.memory_space<vmem>> -> memref<128x128xf32, #tpu.memory_space<vmem>>
        %gather3A_1307 = tpu.vector_load_idx %gather3A_1306[%add3A_723, %add3A_1301] : memref<128x128xf32, #tpu.memory_space<vmem>>[vector<16xi32>, vector<16xi32>], vector<16xf32>,
        %add3A_1308 = arith.constant 64 : i32
        %add3A_1309 = arith.addi %add3A_1243, %add3A_1308 : i32
        %swap3A_1310 = arith.constant 1 : i32
        %swap3A_1311 = arith.index_cast %swap3A_1310 : i32 to index
        %swap3A_1312 = arith.index_cast %add3A_1309 : i32 to index
        %swap3A_1313 = tpu.vector_load %arg9[%swap3A_1311, %swap3A_1312] {strides = array<i32>} : memref<2x8192xf32, #tpu.memory_space<vmem>>, vector<16xf32>,
        tpu.vector_store %arg9[%swap3A_1311, %swap3A_1312], %gather3A_1307 {strides = array<i32>} : memref<2x8192xf32, #tpu.memory_space<vmem>>, vector<16xf32>,
        %add3A_1314 = vector.broadcast %add3A_1198 : i32 to vector<16xi32>
        %add3A_1315 = arith.addi %mul3A_688, %add3A_1314 : vector<16xi32>
        %gather3A_1316 = arith.constant 1 : i32
        %gather3A_1317 = arith.constant 0 : i32
        %gather3A_1318 = arith.constant 0 : i32
        %gather3A_1319 = tpu.memref_slice %arg8[%gather3A_1316, %gather3A_1317, %gather3A_1318] : memref<2x128x128xf32, #tpu.memory_space<vmem>> -> memref<1x128x128xf32, #tpu.memory_space<vmem>>
        %gather3A_1320 = tpu.memref_squeeze %gather3A_1319 : memref<1x128x128xf32, #tpu.memory_space<vmem>> -> memref<128x128xf32, #tpu.memory_space<vmem>>
        %gather3A_1321 = tpu.vector_load_idx %gather3A_1320[%add3A_726, %add3A_1315] : memref<128x128xf32, #tpu.memory_space<vmem>>[vector<16xi32>, vector<16xi32>], vector<16xf32>,
        %add3A_1322 = arith.constant 80 : i32
        %add3A_1323 = arith.addi %add3A_1243, %add3A_1322 : i32
        %swap3A_1324 = arith.constant 1 : i32
        %swap3A_1325 = arith.index_cast %swap3A_1324 : i32 to index
        %swap3A_1326 = arith.index_cast %add3A_1323 : i32 to index
        %swap3A_1327 = tpu.vector_load %arg9[%swap3A_1325, %swap3A_1326] {strides = array<i32>} : memref<2x8192xf32, #tpu.memory_space<vmem>>, vector<16xf32>,
        tpu.vector_store %arg9[%swap3A_1325, %swap3A_1326], %gather3A_1321 {strides = array<i32>} : memref<2x8192xf32, #tpu.memory_space<vmem>>, vector<16xf32>,
        %add3A_1328 = vector.broadcast %add3A_1198 : i32 to vector<16xi32>
        %add3A_1329 = arith.addi %mul3A_698, %add3A_1328 : vector<16xi32>
        %gather3A_1330 = arith.constant 1 : i32
        %gather3A_1331 = arith.constant 0 : i32
        %gather3A_1332 = arith.constant 0 : i32
        %gather3A_1333 = tpu.memref_slice %arg8[%gather3A_1330, %gather3A_1331, %gather3A_1332] : memref<2x128x128xf32, #tpu.memory_space<vmem>> -> memref<1x128x128xf32, #tpu.memory_space<vmem>>
        %gather3A_1334 = tpu.memref_squeeze %gather3A_1333 : memref<1x128x128xf32, #tpu.memory_space<vmem>> -> memref<128x128xf32, #tpu.memory_space<vmem>>
        %gather3A_1335 = tpu.vector_load_idx %gather3A_1334[%add3A_729, %add3A_1329] : memref<128x128xf32, #tpu.memory_space<vmem>>[vector<16xi32>, vector<16xi32>], vector<16xf32>,
        %add3A_1336 = arith.constant 96 : i32
        %add3A_1337 = arith.addi %add3A_1243, %add3A_1336 : i32
        %swap3A_1338 = arith.constant 1 : i32
        %swap3A_1339 = arith.index_cast %swap3A_1338 : i32 to index
        %swap3A_1340 = arith.index_cast %add3A_1337 : i32 to index
        %swap3A_1341 = tpu.vector_load %arg9[%swap3A_1339, %swap3A_1340] {strides = array<i32>} : memref<2x8192xf32, #tpu.memory_space<vmem>>, vector<16xf32>,
        tpu.vector_store %arg9[%swap3A_1339, %swap3A_1340], %gather3A_1335 {strides = array<i32>} : memref<2x8192xf32, #tpu.memory_space<vmem>>, vector<16xf32>,
        %add3A_1342 = vector.broadcast %add3A_1198 : i32 to vector<16xi32>
        %add3A_1343 = arith.addi %mul3A_708, %add3A_1342 : vector<16xi32>
        %gather3A_1344 = arith.constant 1 : i32
        %gather3A_1345 = arith.constant 0 : i32
        %gather3A_1346 = arith.constant 0 : i32
        %gather3A_1347 = tpu.memref_slice %arg8[%gather3A_1344, %gather3A_1345, %gather3A_1346] : memref<2x128x128xf32, #tpu.memory_space<vmem>> -> memref<1x128x128xf32, #tpu.memory_space<vmem>>
        %gather3A_1348 = tpu.memref_squeeze %gather3A_1347 : memref<1x128x128xf32, #tpu.memory_space<vmem>> -> memref<128x128xf32, #tpu.memory_space<vmem>>
        %gather3A_1349 = tpu.vector_load_idx %gather3A_1348[%add3A_732, %add3A_1343] : memref<128x128xf32, #tpu.memory_space<vmem>>[vector<16xi32>, vector<16xi32>], vector<16xf32>,
        %add3A_1350 = arith.constant 112 : i32
        %add3A_1351 = arith.addi %add3A_1243, %add3A_1350 : i32
        %swap3A_1352 = arith.constant 1 : i32
        %swap3A_1353 = arith.index_cast %swap3A_1352 : i32 to index
        %swap3A_1354 = arith.index_cast %add3A_1351 : i32 to index
        %swap3A_1355 = tpu.vector_load %arg9[%swap3A_1353, %swap3A_1354] {strides = array<i32>} : memref<2x8192xf32, #tpu.memory_space<vmem>>, vector<16xf32>,
        tpu.vector_store %arg9[%swap3A_1353, %swap3A_1354], %gather3A_1349 {strides = array<i32>} : memref<2x8192xf32, #tpu.memory_space<vmem>>, vector<16xf32>,
        %mul3A_1356 = arith.constant 8 : i32
        %mul3A_1357 = arith.muli %scan3A_882, %mul3A_1356 : i32
        %add3A_1358 = arith.constant 3 : i32
        %add3A_1359 = arith.addi %mul3A_1357, %add3A_1358 : i32
        %jit3A_1360 = arith.constant 8 : i32
        %div3A_1361 = arith.divsi %add3A_1359, %jit3A_1360 : i32
        %sign3A_1362 = arith.constant 0 : i32
        %sign3A_1363 = arith.cmpi sgt, %add3A_1359, %sign3A_1362 : i32
        %sign3A_1364 = arith.extui %sign3A_1363 : i1 to i32
        %sign3A_1365 = arith.constant 0 : i32
        %sign3A_1366 = arith.cmpi slt, %add3A_1359, %sign3A_1365 : i32
        %sign3A_1367 = arith.extui %sign3A_1366 : i1 to i32
        %sign3A_1368 = arith.subi %sign3A_1364, %sign3A_1367 : i32
        %sign3A_1369 = arith.constant 0 : i32
        %sign3A_1370 = arith.cmpi sgt, %jit3A_1360, %sign3A_1369 : i32
        %sign3A_1371 = arith.extui %sign3A_1370 : i1 to i32
        %sign3A_1372 = arith.constant 0 : i32
        %sign3A_1373 = arith.cmpi slt, %jit3A_1360, %sign3A_1372 : i32
        %sign3A_1374 = arith.extui %sign3A_1373 : i1 to i32
        %sign3A_1375 = arith.subi %sign3A_1371, %sign3A_1374 : i32
        %ne3A_1376 = arith.cmpi ne, %sign3A_1368, %sign3A_1375 : i32
        %rem3A_1377 = arith.remsi %add3A_1359, %jit3A_1360 : i32
        %ne3A_1378 = arith.constant 0 : i32
        %ne3A_1379 = arith.cmpi ne, %rem3A_1377, %ne3A_1378 : i32
        %and3A_1380 = arith.andi %ne3A_1376, %ne3A_1379 : i1
        %sub3A_1381 = arith.constant 1 : i32
        %sub3A_1382 = arith.subi %div3A_1361, %sub3A_1381 : i32
        %select_n3A_1383 = arith.select %and3A_1380, %sub3A_1382, %div3A_1361 : i32
        %mul3A_1384 = arith.constant 1024 : i32
        %mul3A_1385 = arith.muli %select_n3A_1383, %mul3A_1384 : i32
        %jit3A_1386 = arith.constant 8 : i32
        %eq3A_1387 = arith.constant 0 : i32
        %eq3A_1388 = arith.cmpi eq, %jit3A_1386, %eq3A_1387 : i32
        %jit3A_1389 = arith.constant 1 : i32
        %select_n3A_1390 = arith.select %eq3A_1388, %jit3A_1389, %jit3A_1386 : i32
        %rem3A_1391 = arith.remsi %add3A_1359, %select_n3A_1390 : i32
        %ne3A_1392 = arith.constant 0 : i32
        %ne3A_1393 = arith.cmpi ne, %rem3A_1391, %ne3A_1392 : i32
        %lt3A_1394 = arith.constant 0 : i32
        %lt3A_1395 = arith.cmpi slt, %rem3A_1391, %lt3A_1394 : i32
        %lt3A_1396 = arith.constant 0 : i32
        %lt3A_1397 = arith.cmpi slt, %select_n3A_1390, %lt3A_1396 : i32
        %ne3A_1398 = arith.xori %lt3A_1395, %lt3A_1397 : i1
        %and3A_1399 = arith.andi %ne3A_1398, %ne3A_1393 : i1
        %add3A_1400 = arith.addi %rem3A_1391, %select_n3A_1390 : i32
        %select_n3A_1401 = arith.select %and3A_1399, %add3A_1400, %rem3A_1391 : i32
        %mul3A_1402 = arith.constant 128 : i32
        %mul3A_1403 = arith.muli %select_n3A_1401, %mul3A_1402 : i32
        %add3A_1404 = arith.addi %mul3A_1385, %mul3A_1403 : i32
        %add3A_1405 = vector.broadcast %add3A_1359 : i32 to vector<16xi32>
        %add3A_1406 = arith.addi %mul3A_638, %add3A_1405 : vector<16xi32>
        %gather3A_1407 = arith.constant 1 : i32
        %gather3A_1408 = arith.constant 0 : i32
        %gather3A_1409 = arith.constant 0 : i32
        %gather3A_1410 = tpu.memref_slice %arg8[%gather3A_1407, %gather3A_1408, %gather3A_1409] : memref<2x128x128xf32, #tpu.memory_space<vmem>> -> memref<1x128x128xf32, #tpu.memory_space<vmem>>
        %gather3A_1411 = tpu.memref_squeeze %gather3A_1410 : memref<1x128x128xf32, #tpu.memory_space<vmem>> -> memref<128x128xf32, #tpu.memory_space<vmem>>
        %gather3A_1412 = tpu.vector_load_idx %gather3A_1411[%add3A_711, %add3A_1406] : memref<128x128xf32, #tpu.memory_space<vmem>>[vector<16xi32>, vector<16xi32>], vector<16xf32>,
        %add3A_1413 = arith.constant 0 : i32
        %add3A_1414 = arith.addi %add3A_1404, %add3A_1413 : i32
        %swap3A_1415 = arith.constant 1 : i32
        %swap3A_1416 = arith.index_cast %swap3A_1415 : i32 to index
        %swap3A_1417 = arith.index_cast %add3A_1414 : i32 to index
        %swap3A_1418 = tpu.vector_load %arg9[%swap3A_1416, %swap3A_1417] {strides = array<i32>} : memref<2x8192xf32, #tpu.memory_space<vmem>>, vector<16xf32>,
        tpu.vector_store %arg9[%swap3A_1416, %swap3A_1417], %gather3A_1412 {strides = array<i32>} : memref<2x8192xf32, #tpu.memory_space<vmem>>, vector<16xf32>,
        %add3A_1419 = vector.broadcast %add3A_1359 : i32 to vector<16xi32>
        %add3A_1420 = arith.addi %mul3A_648, %add3A_1419 : vector<16xi32>
        %gather3A_1421 = arith.constant 1 : i32
        %gather3A_1422 = arith.constant 0 : i32
        %gather3A_1423 = arith.constant 0 : i32
        %gather3A_1424 = tpu.memref_slice %arg8[%gather3A_1421, %gather3A_1422, %gather3A_1423] : memref<2x128x128xf32, #tpu.memory_space<vmem>> -> memref<1x128x128xf32, #tpu.memory_space<vmem>>
        %gather3A_1425 = tpu.memref_squeeze %gather3A_1424 : memref<1x128x128xf32, #tpu.memory_space<vmem>> -> memref<128x128xf32, #tpu.memory_space<vmem>>
        %gather3A_1426 = tpu.vector_load_idx %gather3A_1425[%add3A_714, %add3A_1420] : memref<128x128xf32, #tpu.memory_space<vmem>>[vector<16xi32>, vector<16xi32>], vector<16xf32>,
        %add3A_1427 = arith.constant 16 : i32
        %add3A_1428 = arith.addi %add3A_1404, %add3A_1427 : i32
        %swap3A_1429 = arith.constant 1 : i32
        %swap3A_1430 = arith.index_cast %swap3A_1429 : i32 to index
        %swap3A_1431 = arith.index_cast %add3A_1428 : i32 to index
        %swap3A_1432 = tpu.vector_load %arg9[%swap3A_1430, %swap3A_1431] {strides = array<i32>} : memref<2x8192xf32, #tpu.memory_space<vmem>>, vector<16xf32>,
        tpu.vector_store %arg9[%swap3A_1430, %swap3A_1431], %gather3A_1426 {strides = array<i32>} : memref<2x8192xf32, #tpu.memory_space<vmem>>, vector<16xf32>,
        %add3A_1433 = vector.broadcast %add3A_1359 : i32 to vector<16xi32>
        %add3A_1434 = arith.addi %mul3A_658, %add3A_1433 : vector<16xi32>
        %gather3A_1435 = arith.constant 1 : i32
        %gather3A_1436 = arith.constant 0 : i32
        %gather3A_1437 = arith.constant 0 : i32
        %gather3A_1438 = tpu.memref_slice %arg8[%gather3A_1435, %gather3A_1436, %gather3A_1437] : memref<2x128x128xf32, #tpu.memory_space<vmem>> -> memref<1x128x128xf32, #tpu.memory_space<vmem>>
        %gather3A_1439 = tpu.memref_squeeze %gather3A_1438 : memref<1x128x128xf32, #tpu.memory_space<vmem>> -> memref<128x128xf32, #tpu.memory_space<vmem>>
        %gather3A_1440 = tpu.vector_load_idx %gather3A_1439[%add3A_717, %add3A_1434] : memref<128x128xf32, #tpu.memory_space<vmem>>[vector<16xi32>, vector<16xi32>], vector<16xf32>,
        %add3A_1441 = arith.constant 32 : i32
        %add3A_1442 = arith.addi %add3A_1404, %add3A_1441 : i32
        %swap3A_1443 = arith.constant 1 : i32
        %swap3A_1444 = arith.index_cast %swap3A_1443 : i32 to index
        %swap3A_1445 = arith.index_cast %add3A_1442 : i32 to index
        %swap3A_1446 = tpu.vector_load %arg9[%swap3A_1444, %swap3A_1445] {strides = array<i32>} : memref<2x8192xf32, #tpu.memory_space<vmem>>, vector<16xf32>,
        tpu.vector_store %arg9[%swap3A_1444, %swap3A_1445], %gather3A_1440 {strides = array<i32>} : memref<2x8192xf32, #tpu.memory_space<vmem>>, vector<16xf32>,
        %add3A_1447 = vector.broadcast %add3A_1359 : i32 to vector<16xi32>
        %add3A_1448 = arith.addi %mul3A_668, %add3A_1447 : vector<16xi32>
        %gather3A_1449 = arith.constant 1 : i32
        %gather3A_1450 = arith.constant 0 : i32
        %gather3A_1451 = arith.constant 0 : i32
        %gather3A_1452 = tpu.memref_slice %arg8[%gather3A_1449, %gather3A_1450, %gather3A_1451] : memref<2x128x128xf32, #tpu.memory_space<vmem>> -> memref<1x128x128xf32, #tpu.memory_space<vmem>>
        %gather3A_1453 = tpu.memref_squeeze %gather3A_1452 : memref<1x128x128xf32, #tpu.memory_space<vmem>> -> memref<128x128xf32, #tpu.memory_space<vmem>>
        %gather3A_1454 = tpu.vector_load_idx %gather3A_1453[%add3A_720, %add3A_1448] : memref<128x128xf32, #tpu.memory_space<vmem>>[vector<16xi32>, vector<16xi32>], vector<16xf32>,
        %add3A_1455 = arith.constant 48 : i32
        %add3A_1456 = arith.addi %add3A_1404, %add3A_1455 : i32
        %swap3A_1457 = arith.constant 1 : i32
        %swap3A_1458 = arith.index_cast %swap3A_1457 : i32 to index
        %swap3A_1459 = arith.index_cast %add3A_1456 : i32 to index
        %swap3A_1460 = tpu.vector_load %arg9[%swap3A_1458, %swap3A_1459] {strides = array<i32>} : memref<2x8192xf32, #tpu.memory_space<vmem>>, vector<16xf32>,
        tpu.vector_store %arg9[%swap3A_1458, %swap3A_1459], %gather3A_1454 {strides = array<i32>} : memref<2x8192xf32, #tpu.memory_space<vmem>>, vector<16xf32>,
        %add3A_1461 = vector.broadcast %add3A_1359 : i32 to vector<16xi32>
        %add3A_1462 = arith.addi %mul3A_678, %add3A_1461 : vector<16xi32>
        %gather3A_1463 = arith.constant 1 : i32
        %gather3A_1464 = arith.constant 0 : i32
        %gather3A_1465 = arith.constant 0 : i32
        %gather3A_1466 = tpu.memref_slice %arg8[%gather3A_1463, %gather3A_1464, %gather3A_1465] : memref<2x128x128xf32, #tpu.memory_space<vmem>> -> memref<1x128x128xf32, #tpu.memory_space<vmem>>
        %gather3A_1467 = tpu.memref_squeeze %gather3A_1466 : memref<1x128x128xf32, #tpu.memory_space<vmem>> -> memref<128x128xf32, #tpu.memory_space<vmem>>
        %gather3A_1468 = tpu.vector_load_idx %gather3A_1467[%add3A_723, %add3A_1462] : memref<128x128xf32, #tpu.memory_space<vmem>>[vector<16xi32>, vector<16xi32>], vector<16xf32>,
        %add3A_1469 = arith.constant 64 : i32
        %add3A_1470 = arith.addi %add3A_1404, %add3A_1469 : i32
        %swap3A_1471 = arith.constant 1 : i32
        %swap3A_1472 = arith.index_cast %swap3A_1471 : i32 to index
        %swap3A_1473 = arith.index_cast %add3A_1470 : i32 to index
        %swap3A_1474 = tpu.vector_load %arg9[%swap3A_1472, %swap3A_1473] {strides = array<i32>} : memref<2x8192xf32, #tpu.memory_space<vmem>>, vector<16xf32>,
        tpu.vector_store %arg9[%swap3A_1472, %swap3A_1473], %gather3A_1468 {strides = array<i32>} : memref<2x8192xf32, #tpu.memory_space<vmem>>, vector<16xf32>,
        %add3A_1475 = vector.broadcast %add3A_1359 : i32 to vector<16xi32>
        %add3A_1476 = arith.addi %mul3A_688, %add3A_1475 : vector<16xi32>
        %gather3A_1477 = arith.constant 1 : i32
        %gather3A_1478 = arith.constant 0 : i32
        %gather3A_1479 = arith.constant 0 : i32
        %gather3A_1480 = tpu.memref_slice %arg8[%gather3A_1477, %gather3A_1478, %gather3A_1479] : memref<2x128x128xf32, #tpu.memory_space<vmem>> -> memref<1x128x128xf32, #tpu.memory_space<vmem>>
        %gather3A_1481 = tpu.memref_squeeze %gather3A_1480 : memref<1x128x128xf32, #tpu.memory_space<vmem>> -> memref<128x128xf32, #tpu.memory_space<vmem>>
        %gather3A_1482 = tpu.vector_load_idx %gather3A_1481[%add3A_726, %add3A_1476] : memref<128x128xf32, #tpu.memory_space<vmem>>[vector<16xi32>, vector<16xi32>], vector<16xf32>,
        %add3A_1483 = arith.constant 80 : i32
        %add3A_1484 = arith.addi %add3A_1404, %add3A_1483 : i32
        %swap3A_1485 = arith.constant 1 : i32
        %swap3A_1486 = arith.index_cast %swap3A_1485 : i32 to index
        %swap3A_1487 = arith.index_cast %add3A_1484 : i32 to index
        %swap3A_1488 = tpu.vector_load %arg9[%swap3A_1486, %swap3A_1487] {strides = array<i32>} : memref<2x8192xf32, #tpu.memory_space<vmem>>, vector<16xf32>,
        tpu.vector_store %arg9[%swap3A_1486, %swap3A_1487], %gather3A_1482 {strides = array<i32>} : memref<2x8192xf32, #tpu.memory_space<vmem>>, vector<16xf32>,
        %add3A_1489 = vector.broadcast %add3A_1359 : i32 to vector<16xi32>
        %add3A_1490 = arith.addi %mul3A_698, %add3A_1489 : vector<16xi32>
        %gather3A_1491 = arith.constant 1 : i32
        %gather3A_1492 = arith.constant 0 : i32
        %gather3A_1493 = arith.constant 0 : i32
        %gather3A_1494 = tpu.memref_slice %arg8[%gather3A_1491, %gather3A_1492, %gather3A_1493] : memref<2x128x128xf32, #tpu.memory_space<vmem>> -> memref<1x128x128xf32, #tpu.memory_space<vmem>>
        %gather3A_1495 = tpu.memref_squeeze %gather3A_1494 : memref<1x128x128xf32, #tpu.memory_space<vmem>> -> memref<128x128xf32, #tpu.memory_space<vmem>>
        %gather3A_1496 = tpu.vector_load_idx %gather3A_1495[%add3A_729, %add3A_1490] : memref<128x128xf32, #tpu.memory_space<vmem>>[vector<16xi32>, vector<16xi32>], vector<16xf32>,
        %add3A_1497 = arith.constant 96 : i32
        %add3A_1498 = arith.addi %add3A_1404, %add3A_1497 : i32
        %swap3A_1499 = arith.constant 1 : i32
        %swap3A_1500 = arith.index_cast %swap3A_1499 : i32 to index
        %swap3A_1501 = arith.index_cast %add3A_1498 : i32 to index
        %swap3A_1502 = tpu.vector_load %arg9[%swap3A_1500, %swap3A_1501] {strides = array<i32>} : memref<2x8192xf32, #tpu.memory_space<vmem>>, vector<16xf32>,
        tpu.vector_store %arg9[%swap3A_1500, %swap3A_1501], %gather3A_1496 {strides = array<i32>} : memref<2x8192xf32, #tpu.memory_space<vmem>>, vector<16xf32>,
        %add3A_1503 = vector.broadcast %add3A_1359 : i32 to vector<16xi32>
        %add3A_1504 = arith.addi %mul3A_708, %add3A_1503 : vector<16xi32>
        %gather3A_1505 = arith.constant 1 : i32
        %gather3A_1506 = arith.constant 0 : i32
        %gather3A_1507 = arith.constant 0 : i32
        %gather3A_1508 = tpu.memref_slice %arg8[%gather3A_1505, %gather3A_1506, %gather3A_1507] : memref<2x128x128xf32, #tpu.memory_space<vmem>> -> memref<1x128x128xf32, #tpu.memory_space<vmem>>
        %gather3A_1509 = tpu.memref_squeeze %gather3A_1508 : memref<1x128x128xf32, #tpu.memory_space<vmem>> -> memref<128x128xf32, #tpu.memory_space<vmem>>
        %gather3A_1510 = tpu.vector_load_idx %gather3A_1509[%add3A_732, %add3A_1504] : memref<128x128xf32, #tpu.memory_space<vmem>>[vector<16xi32>, vector<16xi32>], vector<16xf32>,
        %add3A_1511 = arith.constant 112 : i32
        %add3A_1512 = arith.addi %add3A_1404, %add3A_1511 : i32
        %swap3A_1513 = arith.constant 1 : i32
        %swap3A_1514 = arith.index_cast %swap3A_1513 : i32 to index
        %swap3A_1515 = arith.index_cast %add3A_1512 : i32 to index
        %swap3A_1516 = tpu.vector_load %arg9[%swap3A_1514, %swap3A_1515] {strides = array<i32>} : memref<2x8192xf32, #tpu.memory_space<vmem>>, vector<16xf32>,
        tpu.vector_store %arg9[%swap3A_1514, %swap3A_1515], %gather3A_1510 {strides = array<i32>} : memref<2x8192xf32, #tpu.memory_space<vmem>>, vector<16xf32>,
        %mul3A_1517 = arith.constant 8 : i32
        %mul3A_1518 = arith.muli %scan3A_882, %mul3A_1517 : i32
        %add3A_1519 = arith.constant 4 : i32
        %add3A_1520 = arith.addi %mul3A_1518, %add3A_1519 : i32
        %jit3A_1521 = arith.constant 8 : i32
        %div3A_1522 = arith.divsi %add3A_1520, %jit3A_1521 : i32
        %sign3A_1523 = arith.constant 0 : i32
        %sign3A_1524 = arith.cmpi sgt, %add3A_1520, %sign3A_1523 : i32
        %sign3A_1525 = arith.extui %sign3A_1524 : i1 to i32
        %sign3A_1526 = arith.constant 0 : i32
        %sign3A_1527 = arith.cmpi slt, %add3A_1520, %sign3A_1526 : i32
        %sign3A_1528 = arith.extui %sign3A_1527 : i1 to i32
        %sign3A_1529 = arith.subi %sign3A_1525, %sign3A_1528 : i32
        %sign3A_1530 = arith.constant 0 : i32
        %sign3A_1531 = arith.cmpi sgt, %jit3A_1521, %sign3A_1530 : i32
        %sign3A_1532 = arith.extui %sign3A_1531 : i1 to i32
        %sign3A_1533 = arith.constant 0 : i32
        %sign3A_1534 = arith.cmpi slt, %jit3A_1521, %sign3A_1533 : i32
        %sign3A_1535 = arith.extui %sign3A_1534 : i1 to i32
        %sign3A_1536 = arith.subi %sign3A_1532, %sign3A_1535 : i32
        %ne3A_1537 = arith.cmpi ne, %sign3A_1529, %sign3A_1536 : i32
        %rem3A_1538 = arith.remsi %add3A_1520, %jit3A_1521 : i32
        %ne3A_1539 = arith.constant 0 : i32
        %ne3A_1540 = arith.cmpi ne, %rem3A_1538, %ne3A_1539 : i32
        %and3A_1541 = arith.andi %ne3A_1537, %ne3A_1540 : i1
        %sub3A_1542 = arith.constant 1 : i32
        %sub3A_1543 = arith.subi %div3A_1522, %sub3A_1542 : i32
        %select_n3A_1544 = arith.select %and3A_1541, %sub3A_1543, %div3A_1522 : i32
        %mul3A_1545 = arith.constant 1024 : i32
        %mul3A_1546 = arith.muli %select_n3A_1544, %mul3A_1545 : i32
        %jit3A_1547 = arith.constant 8 : i32
        %eq3A_1548 = arith.constant 0 : i32
        %eq3A_1549 = arith.cmpi eq, %jit3A_1547, %eq3A_1548 : i32
        %jit3A_1550 = arith.constant 1 : i32
        %select_n3A_1551 = arith.select %eq3A_1549, %jit3A_1550, %jit3A_1547 : i32
        %rem3A_1552 = arith.remsi %add3A_1520, %select_n3A_1551 : i32
        %ne3A_1553 = arith.constant 0 : i32
        %ne3A_1554 = arith.cmpi ne, %rem3A_1552, %ne3A_1553 : i32
        %lt3A_1555 = arith.constant 0 : i32
        %lt3A_1556 = arith.cmpi slt, %rem3A_1552, %lt3A_1555 : i32
        %lt3A_1557 = arith.constant 0 : i32
        %lt3A_1558 = arith.cmpi slt, %select_n3A_1551, %lt3A_1557 : i32
        %ne3A_1559 = arith.xori %lt3A_1556, %lt3A_1558 : i1
        %and3A_1560 = arith.andi %ne3A_1559, %ne3A_1554 : i1
        %add3A_1561 = arith.addi %rem3A_1552, %select_n3A_1551 : i32
        %select_n3A_1562 = arith.select %and3A_1560, %add3A_1561, %rem3A_1552 : i32
        %mul3A_1563 = arith.constant 128 : i32
        %mul3A_1564 = arith.muli %select_n3A_1562, %mul3A_1563 : i32
        %add3A_1565 = arith.addi %mul3A_1546, %mul3A_1564 : i32
        %add3A_1566 = vector.broadcast %add3A_1520 : i32 to vector<16xi32>
        %add3A_1567 = arith.addi %mul3A_638, %add3A_1566 : vector<16xi32>
        %gather3A_1568 = arith.constant 1 : i32
        %gather3A_1569 = arith.constant 0 : i32
        %gather3A_1570 = arith.constant 0 : i32
        %gather3A_1571 = tpu.memref_slice %arg8[%gather3A_1568, %gather3A_1569, %gather3A_1570] : memref<2x128x128xf32, #tpu.memory_space<vmem>> -> memref<1x128x128xf32, #tpu.memory_space<vmem>>
        %gather3A_1572 = tpu.memref_squeeze %gather3A_1571 : memref<1x128x128xf32, #tpu.memory_space<vmem>> -> memref<128x128xf32, #tpu.memory_space<vmem>>
        %gather3A_1573 = tpu.vector_load_idx %gather3A_1572[%add3A_711, %add3A_1567] : memref<128x128xf32, #tpu.memory_space<vmem>>[vector<16xi32>, vector<16xi32>], vector<16xf32>,
        %add3A_1574 = arith.constant 0 : i32
        %add3A_1575 = arith.addi %add3A_1565, %add3A_1574 : i32
        %swap3A_1576 = arith.constant 1 : i32
        %swap3A_1577 = arith.index_cast %swap3A_1576 : i32 to index
        %swap3A_1578 = arith.index_cast %add3A_1575 : i32 to index
        %swap3A_1579 = tpu.vector_load %arg9[%swap3A_1577, %swap3A_1578] {strides = array<i32>} : memref<2x8192xf32, #tpu.memory_space<vmem>>, vector<16xf32>,
        tpu.vector_store %arg9[%swap3A_1577, %swap3A_1578], %gather3A_1573 {strides = array<i32>} : memref<2x8192xf32, #tpu.memory_space<vmem>>, vector<16xf32>,
        %add3A_1580 = vector.broadcast %add3A_1520 : i32 to vector<16xi32>
        %add3A_1581 = arith.addi %mul3A_648, %add3A_1580 : vector<16xi32>
        %gather3A_1582 = arith.constant 1 : i32
        %gather3A_1583 = arith.constant 0 : i32
        %gather3A_1584 = arith.constant 0 : i32
        %gather3A_1585 = tpu.memref_slice %arg8[%gather3A_1582, %gather3A_1583, %gather3A_1584] : memref<2x128x128xf32, #tpu.memory_space<vmem>> -> memref<1x128x128xf32, #tpu.memory_space<vmem>>
        %gather3A_1586 = tpu.memref_squeeze %gather3A_1585 : memref<1x128x128xf32, #tpu.memory_space<vmem>> -> memref<128x128xf32, #tpu.memory_space<vmem>>
        %gather3A_1587 = tpu.vector_load_idx %gather3A_1586[%add3A_714, %add3A_1581] : memref<128x128xf32, #tpu.memory_space<vmem>>[vector<16xi32>, vector<16xi32>], vector<16xf32>,
        %add3A_1588 = arith.constant 16 : i32
        %add3A_1589 = arith.addi %add3A_1565, %add3A_1588 : i32
        %swap3A_1590 = arith.constant 1 : i32
        %swap3A_1591 = arith.index_cast %swap3A_1590 : i32 to index
        %swap3A_1592 = arith.index_cast %add3A_1589 : i32 to index
        %swap3A_1593 = tpu.vector_load %arg9[%swap3A_1591, %swap3A_1592] {strides = array<i32>} : memref<2x8192xf32, #tpu.memory_space<vmem>>, vector<16xf32>,
        tpu.vector_store %arg9[%swap3A_1591, %swap3A_1592], %gather3A_1587 {strides = array<i32>} : memref<2x8192xf32, #tpu.memory_space<vmem>>, vector<16xf32>,
        %add3A_1594 = vector.broadcast %add3A_1520 : i32 to vector<16xi32>
        %add3A_1595 = arith.addi %mul3A_658, %add3A_1594 : vector<16xi32>
        %gather3A_1596 = arith.constant 1 : i32
        %gather3A_1597 = arith.constant 0 : i32
        %gather3A_1598 = arith.constant 0 : i32
        %gather3A_1599 = tpu.memref_slice %arg8[%gather3A_1596, %gather3A_1597, %gather3A_1598] : memref<2x128x128xf32, #tpu.memory_space<vmem>> -> memref<1x128x128xf32, #tpu.memory_space<vmem>>
        %gather3A_1600 = tpu.memref_squeeze %gather3A_1599 : memref<1x128x128xf32, #tpu.memory_space<vmem>> -> memref<128x128xf32, #tpu.memory_space<vmem>>
        %gather3A_1601 = tpu.vector_load_idx %gather3A_1600[%add3A_717, %add3A_1595] : memref<128x128xf32, #tpu.memory_space<vmem>>[vector<16xi32>, vector<16xi32>], vector<16xf32>,
        %add3A_1602 = arith.constant 32 : i32
        %add3A_1603 = arith.addi %add3A_1565, %add3A_1602 : i32
        %swap3A_1604 = arith.constant 1 : i32
        %swap3A_1605 = arith.index_cast %swap3A_1604 : i32 to index
        %swap3A_1606 = arith.index_cast %add3A_1603 : i32 to index
        %swap3A_1607 = tpu.vector_load %arg9[%swap3A_1605, %swap3A_1606] {strides = array<i32>} : memref<2x8192xf32, #tpu.memory_space<vmem>>, vector<16xf32>,
        tpu.vector_store %arg9[%swap3A_1605, %swap3A_1606], %gather3A_1601 {strides = array<i32>} : memref<2x8192xf32, #tpu.memory_space<vmem>>, vector<16xf32>,
        %add3A_1608 = vector.broadcast %add3A_1520 : i32 to vector<16xi32>
        %add3A_1609 = arith.addi %mul3A_668, %add3A_1608 : vector<16xi32>
        %gather3A_1610 = arith.constant 1 : i32
        %gather3A_1611 = arith.constant 0 : i32
        %gather3A_1612 = arith.constant 0 : i32
        %gather3A_1613 = tpu.memref_slice %arg8[%gather3A_1610, %gather3A_1611, %gather3A_1612] : memref<2x128x128xf32, #tpu.memory_space<vmem>> -> memref<1x128x128xf32, #tpu.memory_space<vmem>>
        %gather3A_1614 = tpu.memref_squeeze %gather3A_1613 : memref<1x128x128xf32, #tpu.memory_space<vmem>> -> memref<128x128xf32, #tpu.memory_space<vmem>>
        %gather3A_1615 = tpu.vector_load_idx %gather3A_1614[%add3A_720, %add3A_1609] : memref<128x128xf32, #tpu.memory_space<vmem>>[vector<16xi32>, vector<16xi32>], vector<16xf32>,
        %add3A_1616 = arith.constant 48 : i32
        %add3A_1617 = arith.addi %add3A_1565, %add3A_1616 : i32
        %swap3A_1618 = arith.constant 1 : i32
        %swap3A_1619 = arith.index_cast %swap3A_1618 : i32 to index
        %swap3A_1620 = arith.index_cast %add3A_1617 : i32 to index
        %swap3A_1621 = tpu.vector_load %arg9[%swap3A_1619, %swap3A_1620] {strides = array<i32>} : memref<2x8192xf32, #tpu.memory_space<vmem>>, vector<16xf32>,
        tpu.vector_store %arg9[%swap3A_1619, %swap3A_1620], %gather3A_1615 {strides = array<i32>} : memref<2x8192xf32, #tpu.memory_space<vmem>>, vector<16xf32>,
        %add3A_1622 = vector.broadcast %add3A_1520 : i32 to vector<16xi32>
        %add3A_1623 = arith.addi %mul3A_678, %add3A_1622 : vector<16xi32>
        %gather3A_1624 = arith.constant 1 : i32
        %gather3A_1625 = arith.constant 0 : i32
        %gather3A_1626 = arith.constant 0 : i32
        %gather3A_1627 = tpu.memref_slice %arg8[%gather3A_1624, %gather3A_1625, %gather3A_1626] : memref<2x128x128xf32, #tpu.memory_space<vmem>> -> memref<1x128x128xf32, #tpu.memory_space<vmem>>
        %gather3A_1628 = tpu.memref_squeeze %gather3A_1627 : memref<1x128x128xf32, #tpu.memory_space<vmem>> -> memref<128x128xf32, #tpu.memory_space<vmem>>
        %gather3A_1629 = tpu.vector_load_idx %gather3A_1628[%add3A_723, %add3A_1623] : memref<128x128xf32, #tpu.memory_space<vmem>>[vector<16xi32>, vector<16xi32>], vector<16xf32>,
        %add3A_1630 = arith.constant 64 : i32
        %add3A_1631 = arith.addi %add3A_1565, %add3A_1630 : i32
        %swap3A_1632 = arith.constant 1 : i32
        %swap3A_1633 = arith.index_cast %swap3A_1632 : i32 to index
        %swap3A_1634 = arith.index_cast %add3A_1631 : i32 to index
        %swap3A_1635 = tpu.vector_load %arg9[%swap3A_1633, %swap3A_1634] {strides = array<i32>} : memref<2x8192xf32, #tpu.memory_space<vmem>>, vector<16xf32>,
        tpu.vector_store %arg9[%swap3A_1633, %swap3A_1634], %gather3A_1629 {strides = array<i32>} : memref<2x8192xf32, #tpu.memory_space<vmem>>, vector<16xf32>,
        %add3A_1636 = vector.broadcast %add3A_1520 : i32 to vector<16xi32>
        %add3A_1637 = arith.addi %mul3A_688, %add3A_1636 : vector<16xi32>
        %gather3A_1638 = arith.constant 1 : i32
        %gather3A_1639 = arith.constant 0 : i32
        %gather3A_1640 = arith.constant 0 : i32
        %gather3A_1641 = tpu.memref_slice %arg8[%gather3A_1638, %gather3A_1639, %gather3A_1640] : memref<2x128x128xf32, #tpu.memory_space<vmem>> -> memref<1x128x128xf32, #tpu.memory_space<vmem>>
        %gather3A_1642 = tpu.memref_squeeze %gather3A_1641 : memref<1x128x128xf32, #tpu.memory_space<vmem>> -> memref<128x128xf32, #tpu.memory_space<vmem>>
        %gather3A_1643 = tpu.vector_load_idx %gather3A_1642[%add3A_726, %add3A_1637] : memref<128x128xf32, #tpu.memory_space<vmem>>[vector<16xi32>, vector<16xi32>], vector<16xf32>,
        %add3A_1644 = arith.constant 80 : i32
        %add3A_1645 = arith.addi %add3A_1565, %add3A_1644 : i32
        %swap3A_1646 = arith.constant 1 : i32
        %swap3A_1647 = arith.index_cast %swap3A_1646 : i32 to index
        %swap3A_1648 = arith.index_cast %add3A_1645 : i32 to index
        %swap3A_1649 = tpu.vector_load %arg9[%swap3A_1647, %swap3A_1648] {strides = array<i32>} : memref<2x8192xf32, #tpu.memory_space<vmem>>, vector<16xf32>,
        tpu.vector_store %arg9[%swap3A_1647, %swap3A_1648], %gather3A_1643 {strides = array<i32>} : memref<2x8192xf32, #tpu.memory_space<vmem>>, vector<16xf32>,
        %add3A_1650 = vector.broadcast %add3A_1520 : i32 to vector<16xi32>
        %add3A_1651 = arith.addi %mul3A_698, %add3A_1650 : vector<16xi32>
        %gather3A_1652 = arith.constant 1 : i32
        %gather3A_1653 = arith.constant 0 : i32
        %gather3A_1654 = arith.constant 0 : i32
        %gather3A_1655 = tpu.memref_slice %arg8[%gather3A_1652, %gather3A_1653, %gather3A_1654] : memref<2x128x128xf32, #tpu.memory_space<vmem>> -> memref<1x128x128xf32, #tpu.memory_space<vmem>>
        %gather3A_1656 = tpu.memref_squeeze %gather3A_1655 : memref<1x128x128xf32, #tpu.memory_space<vmem>> -> memref<128x128xf32, #tpu.memory_space<vmem>>
        %gather3A_1657 = tpu.vector_load_idx %gather3A_1656[%add3A_729, %add3A_1651] : memref<128x128xf32, #tpu.memory_space<vmem>>[vector<16xi32>, vector<16xi32>], vector<16xf32>,
        %add3A_1658 = arith.constant 96 : i32
        %add3A_1659 = arith.addi %add3A_1565, %add3A_1658 : i32
        %swap3A_1660 = arith.constant 1 : i32
        %swap3A_1661 = arith.index_cast %swap3A_1660 : i32 to index
        %swap3A_1662 = arith.index_cast %add3A_1659 : i32 to index
        %swap3A_1663 = tpu.vector_load %arg9[%swap3A_1661, %swap3A_1662] {strides = array<i32>} : memref<2x8192xf32, #tpu.memory_space<vmem>>, vector<16xf32>,
        tpu.vector_store %arg9[%swap3A_1661, %swap3A_1662], %gather3A_1657 {strides = array<i32>} : memref<2x8192xf32, #tpu.memory_space<vmem>>, vector<16xf32>,
        %add3A_1664 = vector.broadcast %add3A_1520 : i32 to vector<16xi32>
        %add3A_1665 = arith.addi %mul3A_708, %add3A_1664 : vector<16xi32>
        %gather3A_1666 = arith.constant 1 : i32
        %gather3A_1667 = arith.constant 0 : i32
        %gather3A_1668 = arith.constant 0 : i32
        %gather3A_1669 = tpu.memref_slice %arg8[%gather3A_1666, %gather3A_1667, %gather3A_1668] : memref<2x128x128xf32, #tpu.memory_space<vmem>> -> memref<1x128x128xf32, #tpu.memory_space<vmem>>
        %gather3A_1670 = tpu.memref_squeeze %gather3A_1669 : memref<1x128x128xf32, #tpu.memory_space<vmem>> -> memref<128x128xf32, #tpu.memory_space<vmem>>
        %gather3A_1671 = tpu.vector_load_idx %gather3A_1670[%add3A_732, %add3A_1665] : memref<128x128xf32, #tpu.memory_space<vmem>>[vector<16xi32>, vector<16xi32>], vector<16xf32>,
        %add3A_1672 = arith.constant 112 : i32
        %add3A_1673 = arith.addi %add3A_1565, %add3A_1672 : i32
        %swap3A_1674 = arith.constant 1 : i32
        %swap3A_1675 = arith.index_cast %swap3A_1674 : i32 to index
        %swap3A_1676 = arith.index_cast %add3A_1673 : i32 to index
        %swap3A_1677 = tpu.vector_load %arg9[%swap3A_1675, %swap3A_1676] {strides = array<i32>} : memref<2x8192xf32, #tpu.memory_space<vmem>>, vector<16xf32>,
        tpu.vector_store %arg9[%swap3A_1675, %swap3A_1676], %gather3A_1671 {strides = array<i32>} : memref<2x8192xf32, #tpu.memory_space<vmem>>, vector<16xf32>,
        %mul3A_1678 = arith.constant 8 : i32
        %mul3A_1679 = arith.muli %scan3A_882, %mul3A_1678 : i32
        %add3A_1680 = arith.constant 5 : i32
        %add3A_1681 = arith.addi %mul3A_1679, %add3A_1680 : i32
        %jit3A_1682 = arith.constant 8 : i32
        %div3A_1683 = arith.divsi %add3A_1681, %jit3A_1682 : i32
        %sign3A_1684 = arith.constant 0 : i32
        %sign3A_1685 = arith.cmpi sgt, %add3A_1681, %sign3A_1684 : i32
        %sign3A_1686 = arith.extui %sign3A_1685 : i1 to i32
        %sign3A_1687 = arith.constant 0 : i32
        %sign3A_1688 = arith.cmpi slt, %add3A_1681, %sign3A_1687 : i32
        %sign3A_1689 = arith.extui %sign3A_1688 : i1 to i32
        %sign3A_1690 = arith.subi %sign3A_1686, %sign3A_1689 : i32
        %sign3A_1691 = arith.constant 0 : i32
        %sign3A_1692 = arith.cmpi sgt, %jit3A_1682, %sign3A_1691 : i32
        %sign3A_1693 = arith.extui %sign3A_1692 : i1 to i32
        %sign3A_1694 = arith.constant 0 : i32
        %sign3A_1695 = arith.cmpi slt, %jit3A_1682, %sign3A_1694 : i32
        %sign3A_1696 = arith.extui %sign3A_1695 : i1 to i32
        %sign3A_1697 = arith.subi %sign3A_1693, %sign3A_1696 : i32
        %ne3A_1698 = arith.cmpi ne, %sign3A_1690, %sign3A_1697 : i32
        %rem3A_1699 = arith.remsi %add3A_1681, %jit3A_1682 : i32
        %ne3A_1700 = arith.constant 0 : i32
        %ne3A_1701 = arith.cmpi ne, %rem3A_1699, %ne3A_1700 : i32
        %and3A_1702 = arith.andi %ne3A_1698, %ne3A_1701 : i1
        %sub3A_1703 = arith.constant 1 : i32
        %sub3A_1704 = arith.subi %div3A_1683, %sub3A_1703 : i32
        %select_n3A_1705 = arith.select %and3A_1702, %sub3A_1704, %div3A_1683 : i32
        %mul3A_1706 = arith.constant 1024 : i32
        %mul3A_1707 = arith.muli %select_n3A_1705, %mul3A_1706 : i32
        %jit3A_1708 = arith.constant 8 : i32
        %eq3A_1709 = arith.constant 0 : i32
        %eq3A_1710 = arith.cmpi eq, %jit3A_1708, %eq3A_1709 : i32
        %jit3A_1711 = arith.constant 1 : i32
        %select_n3A_1712 = arith.select %eq3A_1710, %jit3A_1711, %jit3A_1708 : i32
        %rem3A_1713 = arith.remsi %add3A_1681, %select_n3A_1712 : i32
        %ne3A_1714 = arith.constant 0 : i32
        %ne3A_1715 = arith.cmpi ne, %rem3A_1713, %ne3A_1714 : i32
        %lt3A_1716 = arith.constant 0 : i32
        %lt3A_1717 = arith.cmpi slt, %rem3A_1713, %lt3A_1716 : i32
        %lt3A_1718 = arith.constant 0 : i32
        %lt3A_1719 = arith.cmpi slt, %select_n3A_1712, %lt3A_1718 : i32
        %ne3A_1720 = arith.xori %lt3A_1717, %lt3A_1719 : i1
        %and3A_1721 = arith.andi %ne3A_1720, %ne3A_1715 : i1
        %add3A_1722 = arith.addi %rem3A_1713, %select_n3A_1712 : i32
        %select_n3A_1723 = arith.select %and3A_1721, %add3A_1722, %rem3A_1713 : i32
        %mul3A_1724 = arith.constant 128 : i32
        %mul3A_1725 = arith.muli %select_n3A_1723, %mul3A_1724 : i32
        %add3A_1726 = arith.addi %mul3A_1707, %mul3A_1725 : i32
        %add3A_1727 = vector.broadcast %add3A_1681 : i32 to vector<16xi32>
        %add3A_1728 = arith.addi %mul3A_638, %add3A_1727 : vector<16xi32>
        %gather3A_1729 = arith.constant 1 : i32
        %gather3A_1730 = arith.constant 0 : i32
        %gather3A_1731 = arith.constant 0 : i32
        %gather3A_1732 = tpu.memref_slice %arg8[%gather3A_1729, %gather3A_1730, %gather3A_1731] : memref<2x128x128xf32, #tpu.memory_space<vmem>> -> memref<1x128x128xf32, #tpu.memory_space<vmem>>
        %gather3A_1733 = tpu.memref_squeeze %gather3A_1732 : memref<1x128x128xf32, #tpu.memory_space<vmem>> -> memref<128x128xf32, #tpu.memory_space<vmem>>
        %gather3A_1734 = tpu.vector_load_idx %gather3A_1733[%add3A_711, %add3A_1728] : memref<128x128xf32, #tpu.memory_space<vmem>>[vector<16xi32>, vector<16xi32>], vector<16xf32>,
        %add3A_1735 = arith.constant 0 : i32
        %add3A_1736 = arith.addi %add3A_1726, %add3A_1735 : i32
        %swap3A_1737 = arith.constant 1 : i32
        %swap3A_1738 = arith.index_cast %swap3A_1737 : i32 to index
        %swap3A_1739 = arith.index_cast %add3A_1736 : i32 to index
        %swap3A_1740 = tpu.vector_load %arg9[%swap3A_1738, %swap3A_1739] {strides = array<i32>} : memref<2x8192xf32, #tpu.memory_space<vmem>>, vector<16xf32>,
        tpu.vector_store %arg9[%swap3A_1738, %swap3A_1739], %gather3A_1734 {strides = array<i32>} : memref<2x8192xf32, #tpu.memory_space<vmem>>, vector<16xf32>,
        %add3A_1741 = vector.broadcast %add3A_1681 : i32 to vector<16xi32>
        %add3A_1742 = arith.addi %mul3A_648, %add3A_1741 : vector<16xi32>
        %gather3A_1743 = arith.constant 1 : i32
        %gather3A_1744 = arith.constant 0 : i32
        %gather3A_1745 = arith.constant 0 : i32
        %gather3A_1746 = tpu.memref_slice %arg8[%gather3A_1743, %gather3A_1744, %gather3A_1745] : memref<2x128x128xf32, #tpu.memory_space<vmem>> -> memref<1x128x128xf32, #tpu.memory_space<vmem>>
        %gather3A_1747 = tpu.memref_squeeze %gather3A_1746 : memref<1x128x128xf32, #tpu.memory_space<vmem>> -> memref<128x128xf32, #tpu.memory_space<vmem>>
        %gather3A_1748 = tpu.vector_load_idx %gather3A_1747[%add3A_714, %add3A_1742] : memref<128x128xf32, #tpu.memory_space<vmem>>[vector<16xi32>, vector<16xi32>], vector<16xf32>,
        %add3A_1749 = arith.constant 16 : i32
        %add3A_1750 = arith.addi %add3A_1726, %add3A_1749 : i32
        %swap3A_1751 = arith.constant 1 : i32
        %swap3A_1752 = arith.index_cast %swap3A_1751 : i32 to index
        %swap3A_1753 = arith.index_cast %add3A_1750 : i32 to index
        %swap3A_1754 = tpu.vector_load %arg9[%swap3A_1752, %swap3A_1753] {strides = array<i32>} : memref<2x8192xf32, #tpu.memory_space<vmem>>, vector<16xf32>,
        tpu.vector_store %arg9[%swap3A_1752, %swap3A_1753], %gather3A_1748 {strides = array<i32>} : memref<2x8192xf32, #tpu.memory_space<vmem>>, vector<16xf32>,
        %add3A_1755 = vector.broadcast %add3A_1681 : i32 to vector<16xi32>
        %add3A_1756 = arith.addi %mul3A_658, %add3A_1755 : vector<16xi32>
        %gather3A_1757 = arith.constant 1 : i32
        %gather3A_1758 = arith.constant 0 : i32
        %gather3A_1759 = arith.constant 0 : i32
        %gather3A_1760 = tpu.memref_slice %arg8[%gather3A_1757, %gather3A_1758, %gather3A_1759] : memref<2x128x128xf32, #tpu.memory_space<vmem>> -> memref<1x128x128xf32, #tpu.memory_space<vmem>>
        %gather3A_1761 = tpu.memref_squeeze %gather3A_1760 : memref<1x128x128xf32, #tpu.memory_space<vmem>> -> memref<128x128xf32, #tpu.memory_space<vmem>>
        %gather3A_1762 = tpu.vector_load_idx %gather3A_1761[%add3A_717, %add3A_1756] : memref<128x128xf32, #tpu.memory_space<vmem>>[vector<16xi32>, vector<16xi32>], vector<16xf32>,
        %add3A_1763 = arith.constant 32 : i32
        %add3A_1764 = arith.addi %add3A_1726, %add3A_1763 : i32
        %swap3A_1765 = arith.constant 1 : i32
        %swap3A_1766 = arith.index_cast %swap3A_1765 : i32 to index
        %swap3A_1767 = arith.index_cast %add3A_1764 : i32 to index
        %swap3A_1768 = tpu.vector_load %arg9[%swap3A_1766, %swap3A_1767] {strides = array<i32>} : memref<2x8192xf32, #tpu.memory_space<vmem>>, vector<16xf32>,
        tpu.vector_store %arg9[%swap3A_1766, %swap3A_1767], %gather3A_1762 {strides = array<i32>} : memref<2x8192xf32, #tpu.memory_space<vmem>>, vector<16xf32>,
        %add3A_1769 = vector.broadcast %add3A_1681 : i32 to vector<16xi32>
        %add3A_1770 = arith.addi %mul3A_668, %add3A_1769 : vector<16xi32>
        %gather3A_1771 = arith.constant 1 : i32
        %gather3A_1772 = arith.constant 0 : i32
        %gather3A_1773 = arith.constant 0 : i32
        %gather3A_1774 = tpu.memref_slice %arg8[%gather3A_1771, %gather3A_1772, %gather3A_1773] : memref<2x128x128xf32, #tpu.memory_space<vmem>> -> memref<1x128x128xf32, #tpu.memory_space<vmem>>
        %gather3A_1775 = tpu.memref_squeeze %gather3A_1774 : memref<1x128x128xf32, #tpu.memory_space<vmem>> -> memref<128x128xf32, #tpu.memory_space<vmem>>
        %gather3A_1776 = tpu.vector_load_idx %gather3A_1775[%add3A_720, %add3A_1770] : memref<128x128xf32, #tpu.memory_space<vmem>>[vector<16xi32>, vector<16xi32>], vector<16xf32>,
        %add3A_1777 = arith.constant 48 : i32
        %add3A_1778 = arith.addi %add3A_1726, %add3A_1777 : i32
        %swap3A_1779 = arith.constant 1 : i32
        %swap3A_1780 = arith.index_cast %swap3A_1779 : i32 to index
        %swap3A_1781 = arith.index_cast %add3A_1778 : i32 to index
        %swap3A_1782 = tpu.vector_load %arg9[%swap3A_1780, %swap3A_1781] {strides = array<i32>} : memref<2x8192xf32, #tpu.memory_space<vmem>>, vector<16xf32>,
        tpu.vector_store %arg9[%swap3A_1780, %swap3A_1781], %gather3A_1776 {strides = array<i32>} : memref<2x8192xf32, #tpu.memory_space<vmem>>, vector<16xf32>,
        %add3A_1783 = vector.broadcast %add3A_1681 : i32 to vector<16xi32>
        %add3A_1784 = arith.addi %mul3A_678, %add3A_1783 : vector<16xi32>
        %gather3A_1785 = arith.constant 1 : i32
        %gather3A_1786 = arith.constant 0 : i32
        %gather3A_1787 = arith.constant 0 : i32
        %gather3A_1788 = tpu.memref_slice %arg8[%gather3A_1785, %gather3A_1786, %gather3A_1787] : memref<2x128x128xf32, #tpu.memory_space<vmem>> -> memref<1x128x128xf32, #tpu.memory_space<vmem>>
        %gather3A_1789 = tpu.memref_squeeze %gather3A_1788 : memref<1x128x128xf32, #tpu.memory_space<vmem>> -> memref<128x128xf32, #tpu.memory_space<vmem>>
        %gather3A_1790 = tpu.vector_load_idx %gather3A_1789[%add3A_723, %add3A_1784] : memref<128x128xf32, #tpu.memory_space<vmem>>[vector<16xi32>, vector<16xi32>], vector<16xf32>,
        %add3A_1791 = arith.constant 64 : i32
        %add3A_1792 = arith.addi %add3A_1726, %add3A_1791 : i32
        %swap3A_1793 = arith.constant 1 : i32
        %swap3A_1794 = arith.index_cast %swap3A_1793 : i32 to index
        %swap3A_1795 = arith.index_cast %add3A_1792 : i32 to index
        %swap3A_1796 = tpu.vector_load %arg9[%swap3A_1794, %swap3A_1795] {strides = array<i32>} : memref<2x8192xf32, #tpu.memory_space<vmem>>, vector<16xf32>,
        tpu.vector_store %arg9[%swap3A_1794, %swap3A_1795], %gather3A_1790 {strides = array<i32>} : memref<2x8192xf32, #tpu.memory_space<vmem>>, vector<16xf32>,
        %add3A_1797 = vector.broadcast %add3A_1681 : i32 to vector<16xi32>
        %add3A_1798 = arith.addi %mul3A_688, %add3A_1797 : vector<16xi32>
        %gather3A_1799 = arith.constant 1 : i32
        %gather3A_1800 = arith.constant 0 : i32
        %gather3A_1801 = arith.constant 0 : i32
        %gather3A_1802 = tpu.memref_slice %arg8[%gather3A_1799, %gather3A_1800, %gather3A_1801] : memref<2x128x128xf32, #tpu.memory_space<vmem>> -> memref<1x128x128xf32, #tpu.memory_space<vmem>>
        %gather3A_1803 = tpu.memref_squeeze %gather3A_1802 : memref<1x128x128xf32, #tpu.memory_space<vmem>> -> memref<128x128xf32, #tpu.memory_space<vmem>>
        %gather3A_1804 = tpu.vector_load_idx %gather3A_1803[%add3A_726, %add3A_1798] : memref<128x128xf32, #tpu.memory_space<vmem>>[vector<16xi32>, vector<16xi32>], vector<16xf32>,
        %add3A_1805 = arith.constant 80 : i32
        %add3A_1806 = arith.addi %add3A_1726, %add3A_1805 : i32
        %swap3A_1807 = arith.constant 1 : i32
        %swap3A_1808 = arith.index_cast %swap3A_1807 : i32 to index
        %swap3A_1809 = arith.index_cast %add3A_1806 : i32 to index
        %swap3A_1810 = tpu.vector_load %arg9[%swap3A_1808, %swap3A_1809] {strides = array<i32>} : memref<2x8192xf32, #tpu.memory_space<vmem>>, vector<16xf32>,
        tpu.vector_store %arg9[%swap3A_1808, %swap3A_1809], %gather3A_1804 {strides = array<i32>} : memref<2x8192xf32, #tpu.memory_space<vmem>>, vector<16xf32>,
        %add3A_1811 = vector.broadcast %add3A_1681 : i32 to vector<16xi32>
        %add3A_1812 = arith.addi %mul3A_698, %add3A_1811 : vector<16xi32>
        %gather3A_1813 = arith.constant 1 : i32
        %gather3A_1814 = arith.constant 0 : i32
        %gather3A_1815 = arith.constant 0 : i32
        %gather3A_1816 = tpu.memref_slice %arg8[%gather3A_1813, %gather3A_1814, %gather3A_1815] : memref<2x128x128xf32, #tpu.memory_space<vmem>> -> memref<1x128x128xf32, #tpu.memory_space<vmem>>
        %gather3A_1817 = tpu.memref_squeeze %gather3A_1816 : memref<1x128x128xf32, #tpu.memory_space<vmem>> -> memref<128x128xf32, #tpu.memory_space<vmem>>
        %gather3A_1818 = tpu.vector_load_idx %gather3A_1817[%add3A_729, %add3A_1812] : memref<128x128xf32, #tpu.memory_space<vmem>>[vector<16xi32>, vector<16xi32>], vector<16xf32>,
        %add3A_1819 = arith.constant 96 : i32
        %add3A_1820 = arith.addi %add3A_1726, %add3A_1819 : i32
        %swap3A_1821 = arith.constant 1 : i32
        %swap3A_1822 = arith.index_cast %swap3A_1821 : i32 to index
        %swap3A_1823 = arith.index_cast %add3A_1820 : i32 to index
        %swap3A_1824 = tpu.vector_load %arg9[%swap3A_1822, %swap3A_1823] {strides = array<i32>} : memref<2x8192xf32, #tpu.memory_space<vmem>>, vector<16xf32>,
        tpu.vector_store %arg9[%swap3A_1822, %swap3A_1823], %gather3A_1818 {strides = array<i32>} : memref<2x8192xf32, #tpu.memory_space<vmem>>, vector<16xf32>,
        %add3A_1825 = vector.broadcast %add3A_1681 : i32 to vector<16xi32>
        %add3A_1826 = arith.addi %mul3A_708, %add3A_1825 : vector<16xi32>
        %gather3A_1827 = arith.constant 1 : i32
        %gather3A_1828 = arith.constant 0 : i32
        %gather3A_1829 = arith.constant 0 : i32
        %gather3A_1830 = tpu.memref_slice %arg8[%gather3A_1827, %gather3A_1828, %gather3A_1829] : memref<2x128x128xf32, #tpu.memory_space<vmem>> -> memref<1x128x128xf32, #tpu.memory_space<vmem>>
        %gather3A_1831 = tpu.memref_squeeze %gather3A_1830 : memref<1x128x128xf32, #tpu.memory_space<vmem>> -> memref<128x128xf32, #tpu.memory_space<vmem>>
        %gather3A_1832 = tpu.vector_load_idx %gather3A_1831[%add3A_732, %add3A_1826] : memref<128x128xf32, #tpu.memory_space<vmem>>[vector<16xi32>, vector<16xi32>], vector<16xf32>,
        %add3A_1833 = arith.constant 112 : i32
        %add3A_1834 = arith.addi %add3A_1726, %add3A_1833 : i32
        %swap3A_1835 = arith.constant 1 : i32
        %swap3A_1836 = arith.index_cast %swap3A_1835 : i32 to index
        %swap3A_1837 = arith.index_cast %add3A_1834 : i32 to index
        %swap3A_1838 = tpu.vector_load %arg9[%swap3A_1836, %swap3A_1837] {strides = array<i32>} : memref<2x8192xf32, #tpu.memory_space<vmem>>, vector<16xf32>,
        tpu.vector_store %arg9[%swap3A_1836, %swap3A_1837], %gather3A_1832 {strides = array<i32>} : memref<2x8192xf32, #tpu.memory_space<vmem>>, vector<16xf32>,
        %mul3A_1839 = arith.constant 8 : i32
        %mul3A_1840 = arith.muli %scan3A_882, %mul3A_1839 : i32
        %add3A_1841 = arith.constant 6 : i32
        %add3A_1842 = arith.addi %mul3A_1840, %add3A_1841 : i32
        %jit3A_1843 = arith.constant 8 : i32
        %div3A_1844 = arith.divsi %add3A_1842, %jit3A_1843 : i32
        %sign3A_1845 = arith.constant 0 : i32
        %sign3A_1846 = arith.cmpi sgt, %add3A_1842, %sign3A_1845 : i32
        %sign3A_1847 = arith.extui %sign3A_1846 : i1 to i32
        %sign3A_1848 = arith.constant 0 : i32
        %sign3A_1849 = arith.cmpi slt, %add3A_1842, %sign3A_1848 : i32
        %sign3A_1850 = arith.extui %sign3A_1849 : i1 to i32
        %sign3A_1851 = arith.subi %sign3A_1847, %sign3A_1850 : i32
        %sign3A_1852 = arith.constant 0 : i32
        %sign3A_1853 = arith.cmpi sgt, %jit3A_1843, %sign3A_1852 : i32
        %sign3A_1854 = arith.extui %sign3A_1853 : i1 to i32
        %sign3A_1855 = arith.constant 0 : i32
        %sign3A_1856 = arith.cmpi slt, %jit3A_1843, %sign3A_1855 : i32
        %sign3A_1857 = arith.extui %sign3A_1856 : i1 to i32
        %sign3A_1858 = arith.subi %sign3A_1854, %sign3A_1857 : i32
        %ne3A_1859 = arith.cmpi ne, %sign3A_1851, %sign3A_1858 : i32
        %rem3A_1860 = arith.remsi %add3A_1842, %jit3A_1843 : i32
        %ne3A_1861 = arith.constant 0 : i32
        %ne3A_1862 = arith.cmpi ne, %rem3A_1860, %ne3A_1861 : i32
        %and3A_1863 = arith.andi %ne3A_1859, %ne3A_1862 : i1
        %sub3A_1864 = arith.constant 1 : i32
        %sub3A_1865 = arith.subi %div3A_1844, %sub3A_1864 : i32
        %select_n3A_1866 = arith.select %and3A_1863, %sub3A_1865, %div3A_1844 : i32
        %mul3A_1867 = arith.constant 1024 : i32
        %mul3A_1868 = arith.muli %select_n3A_1866, %mul3A_1867 : i32
        %jit3A_1869 = arith.constant 8 : i32
        %eq3A_1870 = arith.constant 0 : i32
        %eq3A_1871 = arith.cmpi eq, %jit3A_1869, %eq3A_1870 : i32
        %jit3A_1872 = arith.constant 1 : i32
        %select_n3A_1873 = arith.select %eq3A_1871, %jit3A_1872, %jit3A_1869 : i32
        %rem3A_1874 = arith.remsi %add3A_1842, %select_n3A_1873 : i32
        %ne3A_1875 = arith.constant 0 : i32
        %ne3A_1876 = arith.cmpi ne, %rem3A_1874, %ne3A_1875 : i32
        %lt3A_1877 = arith.constant 0 : i32
        %lt3A_1878 = arith.cmpi slt, %rem3A_1874, %lt3A_1877 : i32
        %lt3A_1879 = arith.constant 0 : i32
        %lt3A_1880 = arith.cmpi slt, %select_n3A_1873, %lt3A_1879 : i32
        %ne3A_1881 = arith.xori %lt3A_1878, %lt3A_1880 : i1
        %and3A_1882 = arith.andi %ne3A_1881, %ne3A_1876 : i1
        %add3A_1883 = arith.addi %rem3A_1874, %select_n3A_1873 : i32
        %select_n3A_1884 = arith.select %and3A_1882, %add3A_1883, %rem3A_1874 : i32
        %mul3A_1885 = arith.constant 128 : i32
        %mul3A_1886 = arith.muli %select_n3A_1884, %mul3A_1885 : i32
        %add3A_1887 = arith.addi %mul3A_1868, %mul3A_1886 : i32
        %add3A_1888 = vector.broadcast %add3A_1842 : i32 to vector<16xi32>
        %add3A_1889 = arith.addi %mul3A_638, %add3A_1888 : vector<16xi32>
        %gather3A_1890 = arith.constant 1 : i32
        %gather3A_1891 = arith.constant 0 : i32
        %gather3A_1892 = arith.constant 0 : i32
        %gather3A_1893 = tpu.memref_slice %arg8[%gather3A_1890, %gather3A_1891, %gather3A_1892] : memref<2x128x128xf32, #tpu.memory_space<vmem>> -> memref<1x128x128xf32, #tpu.memory_space<vmem>>
        %gather3A_1894 = tpu.memref_squeeze %gather3A_1893 : memref<1x128x128xf32, #tpu.memory_space<vmem>> -> memref<128x128xf32, #tpu.memory_space<vmem>>
        %gather3A_1895 = tpu.vector_load_idx %gather3A_1894[%add3A_711, %add3A_1889] : memref<128x128xf32, #tpu.memory_space<vmem>>[vector<16xi32>, vector<16xi32>], vector<16xf32>,
        %add3A_1896 = arith.constant 0 : i32
        %add3A_1897 = arith.addi %add3A_1887, %add3A_1896 : i32
        %swap3A_1898 = arith.constant 1 : i32
        %swap3A_1899 = arith.index_cast %swap3A_1898 : i32 to index
        %swap3A_1900 = arith.index_cast %add3A_1897 : i32 to index
        %swap3A_1901 = tpu.vector_load %arg9[%swap3A_1899, %swap3A_1900] {strides = array<i32>} : memref<2x8192xf32, #tpu.memory_space<vmem>>, vector<16xf32>,
        tpu.vector_store %arg9[%swap3A_1899, %swap3A_1900], %gather3A_1895 {strides = array<i32>} : memref<2x8192xf32, #tpu.memory_space<vmem>>, vector<16xf32>,
        %add3A_1902 = vector.broadcast %add3A_1842 : i32 to vector<16xi32>
        %add3A_1903 = arith.addi %mul3A_648, %add3A_1902 : vector<16xi32>
        %gather3A_1904 = arith.constant 1 : i32
        %gather3A_1905 = arith.constant 0 : i32
        %gather3A_1906 = arith.constant 0 : i32
        %gather3A_1907 = tpu.memref_slice %arg8[%gather3A_1904, %gather3A_1905, %gather3A_1906] : memref<2x128x128xf32, #tpu.memory_space<vmem>> -> memref<1x128x128xf32, #tpu.memory_space<vmem>>
        %gather3A_1908 = tpu.memref_squeeze %gather3A_1907 : memref<1x128x128xf32, #tpu.memory_space<vmem>> -> memref<128x128xf32, #tpu.memory_space<vmem>>
        %gather3A_1909 = tpu.vector_load_idx %gather3A_1908[%add3A_714, %add3A_1903] : memref<128x128xf32, #tpu.memory_space<vmem>>[vector<16xi32>, vector<16xi32>], vector<16xf32>,
        %add3A_1910 = arith.constant 16 : i32
        %add3A_1911 = arith.addi %add3A_1887, %add3A_1910 : i32
        %swap3A_1912 = arith.constant 1 : i32
        %swap3A_1913 = arith.index_cast %swap3A_1912 : i32 to index
        %swap3A_1914 = arith.index_cast %add3A_1911 : i32 to index
        %swap3A_1915 = tpu.vector_load %arg9[%swap3A_1913, %swap3A_1914] {strides = array<i32>} : memref<2x8192xf32, #tpu.memory_space<vmem>>, vector<16xf32>,
        tpu.vector_store %arg9[%swap3A_1913, %swap3A_1914], %gather3A_1909 {strides = array<i32>} : memref<2x8192xf32, #tpu.memory_space<vmem>>, vector<16xf32>,
        %add3A_1916 = vector.broadcast %add3A_1842 : i32 to vector<16xi32>
        %add3A_1917 = arith.addi %mul3A_658, %add3A_1916 : vector<16xi32>
        %gather3A_1918 = arith.constant 1 : i32
        %gather3A_1919 = arith.constant 0 : i32
        %gather3A_1920 = arith.constant 0 : i32
        %gather3A_1921 = tpu.memref_slice %arg8[%gather3A_1918, %gather3A_1919, %gather3A_1920] : memref<2x128x128xf32, #tpu.memory_space<vmem>> -> memref<1x128x128xf32, #tpu.memory_space<vmem>>
        %gather3A_1922 = tpu.memref_squeeze %gather3A_1921 : memref<1x128x128xf32, #tpu.memory_space<vmem>> -> memref<128x128xf32, #tpu.memory_space<vmem>>
        %gather3A_1923 = tpu.vector_load_idx %gather3A_1922[%add3A_717, %add3A_1917] : memref<128x128xf32, #tpu.memory_space<vmem>>[vector<16xi32>, vector<16xi32>], vector<16xf32>,
        %add3A_1924 = arith.constant 32 : i32
        %add3A_1925 = arith.addi %add3A_1887, %add3A_1924 : i32
        %swap3A_1926 = arith.constant 1 : i32
        %swap3A_1927 = arith.index_cast %swap3A_1926 : i32 to index
        %swap3A_1928 = arith.index_cast %add3A_1925 : i32 to index
        %swap3A_1929 = tpu.vector_load %arg9[%swap3A_1927, %swap3A_1928] {strides = array<i32>} : memref<2x8192xf32, #tpu.memory_space<vmem>>, vector<16xf32>,
        tpu.vector_store %arg9[%swap3A_1927, %swap3A_1928], %gather3A_1923 {strides = array<i32>} : memref<2x8192xf32, #tpu.memory_space<vmem>>, vector<16xf32>,
        %add3A_1930 = vector.broadcast %add3A_1842 : i32 to vector<16xi32>
        %add3A_1931 = arith.addi %mul3A_668, %add3A_1930 : vector<16xi32>
        %gather3A_1932 = arith.constant 1 : i32
        %gather3A_1933 = arith.constant 0 : i32
        %gather3A_1934 = arith.constant 0 : i32
        %gather3A_1935 = tpu.memref_slice %arg8[%gather3A_1932, %gather3A_1933, %gather3A_1934] : memref<2x128x128xf32, #tpu.memory_space<vmem>> -> memref<1x128x128xf32, #tpu.memory_space<vmem>>
        %gather3A_1936 = tpu.memref_squeeze %gather3A_1935 : memref<1x128x128xf32, #tpu.memory_space<vmem>> -> memref<128x128xf32, #tpu.memory_space<vmem>>
        %gather3A_1937 = tpu.vector_load_idx %gather3A_1936[%add3A_720, %add3A_1931] : memref<128x128xf32, #tpu.memory_space<vmem>>[vector<16xi32>, vector<16xi32>], vector<16xf32>,
        %add3A_1938 = arith.constant 48 : i32
        %add3A_1939 = arith.addi %add3A_1887, %add3A_1938 : i32
        %swap3A_1940 = arith.constant 1 : i32
        %swap3A_1941 = arith.index_cast %swap3A_1940 : i32 to index
        %swap3A_1942 = arith.index_cast %add3A_1939 : i32 to index
        %swap3A_1943 = tpu.vector_load %arg9[%swap3A_1941, %swap3A_1942] {strides = array<i32>} : memref<2x8192xf32, #tpu.memory_space<vmem>>, vector<16xf32>,
        tpu.vector_store %arg9[%swap3A_1941, %swap3A_1942], %gather3A_1937 {strides = array<i32>} : memref<2x8192xf32, #tpu.memory_space<vmem>>, vector<16xf32>,
        %add3A_1944 = vector.broadcast %add3A_1842 : i32 to vector<16xi32>
        %add3A_1945 = arith.addi %mul3A_678, %add3A_1944 : vector<16xi32>
        %gather3A_1946 = arith.constant 1 : i32
        %gather3A_1947 = arith.constant 0 : i32
        %gather3A_1948 = arith.constant 0 : i32
        %gather3A_1949 = tpu.memref_slice %arg8[%gather3A_1946, %gather3A_1947, %gather3A_1948] : memref<2x128x128xf32, #tpu.memory_space<vmem>> -> memref<1x128x128xf32, #tpu.memory_space<vmem>>
        %gather3A_1950 = tpu.memref_squeeze %gather3A_1949 : memref<1x128x128xf32, #tpu.memory_space<vmem>> -> memref<128x128xf32, #tpu.memory_space<vmem>>
        %gather3A_1951 = tpu.vector_load_idx %gather3A_1950[%add3A_723, %add3A_1945] : memref<128x128xf32, #tpu.memory_space<vmem>>[vector<16xi32>, vector<16xi32>], vector<16xf32>,
        %add3A_1952 = arith.constant 64 : i32
        %add3A_1953 = arith.addi %add3A_1887, %add3A_1952 : i32
        %swap3A_1954 = arith.constant 1 : i32
        %swap3A_1955 = arith.index_cast %swap3A_1954 : i32 to index
        %swap3A_1956 = arith.index_cast %add3A_1953 : i32 to index
        %swap3A_1957 = tpu.vector_load %arg9[%swap3A_1955, %swap3A_1956] {strides = array<i32>} : memref<2x8192xf32, #tpu.memory_space<vmem>>, vector<16xf32>,
        tpu.vector_store %arg9[%swap3A_1955, %swap3A_1956], %gather3A_1951 {strides = array<i32>} : memref<2x8192xf32, #tpu.memory_space<vmem>>, vector<16xf32>,
        %add3A_1958 = vector.broadcast %add3A_1842 : i32 to vector<16xi32>
        %add3A_1959 = arith.addi %mul3A_688, %add3A_1958 : vector<16xi32>
        %gather3A_1960 = arith.constant 1 : i32
        %gather3A_1961 = arith.constant 0 : i32
        %gather3A_1962 = arith.constant 0 : i32
        %gather3A_1963 = tpu.memref_slice %arg8[%gather3A_1960, %gather3A_1961, %gather3A_1962] : memref<2x128x128xf32, #tpu.memory_space<vmem>> -> memref<1x128x128xf32, #tpu.memory_space<vmem>>
        %gather3A_1964 = tpu.memref_squeeze %gather3A_1963 : memref<1x128x128xf32, #tpu.memory_space<vmem>> -> memref<128x128xf32, #tpu.memory_space<vmem>>
        %gather3A_1965 = tpu.vector_load_idx %gather3A_1964[%add3A_726, %add3A_1959] : memref<128x128xf32, #tpu.memory_space<vmem>>[vector<16xi32>, vector<16xi32>], vector<16xf32>,
        %add3A_1966 = arith.constant 80 : i32
        %add3A_1967 = arith.addi %add3A_1887, %add3A_1966 : i32
        %swap3A_1968 = arith.constant 1 : i32
        %swap3A_1969 = arith.index_cast %swap3A_1968 : i32 to index
        %swap3A_1970 = arith.index_cast %add3A_1967 : i32 to index
        %swap3A_1971 = tpu.vector_load %arg9[%swap3A_1969, %swap3A_1970] {strides = array<i32>} : memref<2x8192xf32, #tpu.memory_space<vmem>>, vector<16xf32>,
        tpu.vector_store %arg9[%swap3A_1969, %swap3A_1970], %gather3A_1965 {strides = array<i32>} : memref<2x8192xf32, #tpu.memory_space<vmem>>, vector<16xf32>,
        %add3A_1972 = vector.broadcast %add3A_1842 : i32 to vector<16xi32>
        %add3A_1973 = arith.addi %mul3A_698, %add3A_1972 : vector<16xi32>
        %gather3A_1974 = arith.constant 1 : i32
        %gather3A_1975 = arith.constant 0 : i32
        %gather3A_1976 = arith.constant 0 : i32
        %gather3A_1977 = tpu.memref_slice %arg8[%gather3A_1974, %gather3A_1975, %gather3A_1976] : memref<2x128x128xf32, #tpu.memory_space<vmem>> -> memref<1x128x128xf32, #tpu.memory_space<vmem>>
        %gather3A_1978 = tpu.memref_squeeze %gather3A_1977 : memref<1x128x128xf32, #tpu.memory_space<vmem>> -> memref<128x128xf32, #tpu.memory_space<vmem>>
        %gather3A_1979 = tpu.vector_load_idx %gather3A_1978[%add3A_729, %add3A_1973] : memref<128x128xf32, #tpu.memory_space<vmem>>[vector<16xi32>, vector<16xi32>], vector<16xf32>,
        %add3A_1980 = arith.constant 96 : i32
        %add3A_1981 = arith.addi %add3A_1887, %add3A_1980 : i32
        %swap3A_1982 = arith.constant 1 : i32
        %swap3A_1983 = arith.index_cast %swap3A_1982 : i32 to index
        %swap3A_1984 = arith.index_cast %add3A_1981 : i32 to index
        %swap3A_1985 = tpu.vector_load %arg9[%swap3A_1983, %swap3A_1984] {strides = array<i32>} : memref<2x8192xf32, #tpu.memory_space<vmem>>, vector<16xf32>,
        tpu.vector_store %arg9[%swap3A_1983, %swap3A_1984], %gather3A_1979 {strides = array<i32>} : memref<2x8192xf32, #tpu.memory_space<vmem>>, vector<16xf32>,
        %add3A_1986 = vector.broadcast %add3A_1842 : i32 to vector<16xi32>
        %add3A_1987 = arith.addi %mul3A_708, %add3A_1986 : vector<16xi32>
        %gather3A_1988 = arith.constant 1 : i32
        %gather3A_1989 = arith.constant 0 : i32
        %gather3A_1990 = arith.constant 0 : i32
        %gather3A_1991 = tpu.memref_slice %arg8[%gather3A_1988, %gather3A_1989, %gather3A_1990] : memref<2x128x128xf32, #tpu.memory_space<vmem>> -> memref<1x128x128xf32, #tpu.memory_space<vmem>>
        %gather3A_1992 = tpu.memref_squeeze %gather3A_1991 : memref<1x128x128xf32, #tpu.memory_space<vmem>> -> memref<128x128xf32, #tpu.memory_space<vmem>>
        %gather3A_1993 = tpu.vector_load_idx %gather3A_1992[%add3A_732, %add3A_1987] : memref<128x128xf32, #tpu.memory_space<vmem>>[vector<16xi32>, vector<16xi32>], vector<16xf32>,
        %add3A_1994 = arith.constant 112 : i32
        %add3A_1995 = arith.addi %add3A_1887, %add3A_1994 : i32
        %swap3A_1996 = arith.constant 1 : i32
        %swap3A_1997 = arith.index_cast %swap3A_1996 : i32 to index
        %swap3A_1998 = arith.index_cast %add3A_1995 : i32 to index
        %swap3A_1999 = tpu.vector_load %arg9[%swap3A_1997, %swap3A_1998] {strides = array<i32>} : memref<2x8192xf32, #tpu.memory_space<vmem>>, vector<16xf32>,
        tpu.vector_store %arg9[%swap3A_1997, %swap3A_1998], %gather3A_1993 {strides = array<i32>} : memref<2x8192xf32, #tpu.memory_space<vmem>>, vector<16xf32>,
        %mul3A_2000 = arith.constant 8 : i32
        %mul3A_2001 = arith.muli %scan3A_882, %mul3A_2000 : i32
        %add3A_2002 = arith.constant 7 : i32
        %add3A_2003 = arith.addi %mul3A_2001, %add3A_2002 : i32
        %jit3A_2004 = arith.constant 8 : i32
        %div3A_2005 = arith.divsi %add3A_2003, %jit3A_2004 : i32
        %sign3A_2006 = arith.constant 0 : i32
        %sign3A_2007 = arith.cmpi sgt, %add3A_2003, %sign3A_2006 : i32
        %sign3A_2008 = arith.extui %sign3A_2007 : i1 to i32
        %sign3A_2009 = arith.constant 0 : i32
        %sign3A_2010 = arith.cmpi slt, %add3A_2003, %sign3A_2009 : i32
        %sign3A_2011 = arith.extui %sign3A_2010 : i1 to i32
        %sign3A_2012 = arith.subi %sign3A_2008, %sign3A_2011 : i32
        %sign3A_2013 = arith.constant 0 : i32
        %sign3A_2014 = arith.cmpi sgt, %jit3A_2004, %sign3A_2013 : i32
        %sign3A_2015 = arith.extui %sign3A_2014 : i1 to i32
        %sign3A_2016 = arith.constant 0 : i32
        %sign3A_2017 = arith.cmpi slt, %jit3A_2004, %sign3A_2016 : i32
        %sign3A_2018 = arith.extui %sign3A_2017 : i1 to i32
        %sign3A_2019 = arith.subi %sign3A_2015, %sign3A_2018 : i32
        %ne3A_2020 = arith.cmpi ne, %sign3A_2012, %sign3A_2019 : i32
        %rem3A_2021 = arith.remsi %add3A_2003, %jit3A_2004 : i32
        %ne3A_2022 = arith.constant 0 : i32
        %ne3A_2023 = arith.cmpi ne, %rem3A_2021, %ne3A_2022 : i32
        %and3A_2024 = arith.andi %ne3A_2020, %ne3A_2023 : i1
        %sub3A_2025 = arith.constant 1 : i32
        %sub3A_2026 = arith.subi %div3A_2005, %sub3A_2025 : i32
        %select_n3A_2027 = arith.select %and3A_2024, %sub3A_2026, %div3A_2005 : i32
        %mul3A_2028 = arith.constant 1024 : i32
        %mul3A_2029 = arith.muli %select_n3A_2027, %mul3A_2028 : i32
        %jit3A_2030 = arith.constant 8 : i32
        %eq3A_2031 = arith.constant 0 : i32
        %eq3A_2032 = arith.cmpi eq, %jit3A_2030, %eq3A_2031 : i32
        %jit3A_2033 = arith.constant 1 : i32
        %select_n3A_2034 = arith.select %eq3A_2032, %jit3A_2033, %jit3A_2030 : i32
        %rem3A_2035 = arith.remsi %add3A_2003, %select_n3A_2034 : i32
        %ne3A_2036 = arith.constant 0 : i32
        %ne3A_2037 = arith.cmpi ne, %rem3A_2035, %ne3A_2036 : i32
        %lt3A_2038 = arith.constant 0 : i32
        %lt3A_2039 = arith.cmpi slt, %rem3A_2035, %lt3A_2038 : i32
        %lt3A_2040 = arith.constant 0 : i32
        %lt3A_2041 = arith.cmpi slt, %select_n3A_2034, %lt3A_2040 : i32
        %ne3A_2042 = arith.xori %lt3A_2039, %lt3A_2041 : i1
        %and3A_2043 = arith.andi %ne3A_2042, %ne3A_2037 : i1
        %add3A_2044 = arith.addi %rem3A_2035, %select_n3A_2034 : i32
        %select_n3A_2045 = arith.select %and3A_2043, %add3A_2044, %rem3A_2035 : i32
        %mul3A_2046 = arith.constant 128 : i32
        %mul3A_2047 = arith.muli %select_n3A_2045, %mul3A_2046 : i32
        %add3A_2048 = arith.addi %mul3A_2029, %mul3A_2047 : i32
        %add3A_2049 = vector.broadcast %add3A_2003 : i32 to vector<16xi32>
        %add3A_2050 = arith.addi %mul3A_638, %add3A_2049 : vector<16xi32>
        %gather3A_2051 = arith.constant 1 : i32
        %gather3A_2052 = arith.constant 0 : i32
        %gather3A_2053 = arith.constant 0 : i32
        %gather3A_2054 = tpu.memref_slice %arg8[%gather3A_2051, %gather3A_2052, %gather3A_2053] : memref<2x128x128xf32, #tpu.memory_space<vmem>> -> memref<1x128x128xf32, #tpu.memory_space<vmem>>
        %gather3A_2055 = tpu.memref_squeeze %gather3A_2054 : memref<1x128x128xf32, #tpu.memory_space<vmem>> -> memref<128x128xf32, #tpu.memory_space<vmem>>
        %gather3A_2056 = tpu.vector_load_idx %gather3A_2055[%add3A_711, %add3A_2050] : memref<128x128xf32, #tpu.memory_space<vmem>>[vector<16xi32>, vector<16xi32>], vector<16xf32>,
        %add3A_2057 = arith.constant 0 : i32
        %add3A_2058 = arith.addi %add3A_2048, %add3A_2057 : i32
        %swap3A_2059 = arith.constant 1 : i32
        %swap3A_2060 = arith.index_cast %swap3A_2059 : i32 to index
        %swap3A_2061 = arith.index_cast %add3A_2058 : i32 to index
        %swap3A_2062 = tpu.vector_load %arg9[%swap3A_2060, %swap3A_2061] {strides = array<i32>} : memref<2x8192xf32, #tpu.memory_space<vmem>>, vector<16xf32>,
        tpu.vector_store %arg9[%swap3A_2060, %swap3A_2061], %gather3A_2056 {strides = array<i32>} : memref<2x8192xf32, #tpu.memory_space<vmem>>, vector<16xf32>,
        %add3A_2063 = vector.broadcast %add3A_2003 : i32 to vector<16xi32>
        %add3A_2064 = arith.addi %mul3A_648, %add3A_2063 : vector<16xi32>
        %gather3A_2065 = arith.constant 1 : i32
        %gather3A_2066 = arith.constant 0 : i32
        %gather3A_2067 = arith.constant 0 : i32
        %gather3A_2068 = tpu.memref_slice %arg8[%gather3A_2065, %gather3A_2066, %gather3A_2067] : memref<2x128x128xf32, #tpu.memory_space<vmem>> -> memref<1x128x128xf32, #tpu.memory_space<vmem>>
        %gather3A_2069 = tpu.memref_squeeze %gather3A_2068 : memref<1x128x128xf32, #tpu.memory_space<vmem>> -> memref<128x128xf32, #tpu.memory_space<vmem>>
        %gather3A_2070 = tpu.vector_load_idx %gather3A_2069[%add3A_714, %add3A_2064] : memref<128x128xf32, #tpu.memory_space<vmem>>[vector<16xi32>, vector<16xi32>], vector<16xf32>,
        %add3A_2071 = arith.constant 16 : i32
        %add3A_2072 = arith.addi %add3A_2048, %add3A_2071 : i32
        %swap3A_2073 = arith.constant 1 : i32
        %swap3A_2074 = arith.index_cast %swap3A_2073 : i32 to index
        %swap3A_2075 = arith.index_cast %add3A_2072 : i32 to index
        %swap3A_2076 = tpu.vector_load %arg9[%swap3A_2074, %swap3A_2075] {strides = array<i32>} : memref<2x8192xf32, #tpu.memory_space<vmem>>, vector<16xf32>,
        tpu.vector_store %arg9[%swap3A_2074, %swap3A_2075], %gather3A_2070 {strides = array<i32>} : memref<2x8192xf32, #tpu.memory_space<vmem>>, vector<16xf32>,
        %add3A_2077 = vector.broadcast %add3A_2003 : i32 to vector<16xi32>
        %add3A_2078 = arith.addi %mul3A_658, %add3A_2077 : vector<16xi32>
        %gather3A_2079 = arith.constant 1 : i32
        %gather3A_2080 = arith.constant 0 : i32
        %gather3A_2081 = arith.constant 0 : i32
        %gather3A_2082 = tpu.memref_slice %arg8[%gather3A_2079, %gather3A_2080, %gather3A_2081] : memref<2x128x128xf32, #tpu.memory_space<vmem>> -> memref<1x128x128xf32, #tpu.memory_space<vmem>>
        %gather3A_2083 = tpu.memref_squeeze %gather3A_2082 : memref<1x128x128xf32, #tpu.memory_space<vmem>> -> memref<128x128xf32, #tpu.memory_space<vmem>>
        %gather3A_2084 = tpu.vector_load_idx %gather3A_2083[%add3A_717, %add3A_2078] : memref<128x128xf32, #tpu.memory_space<vmem>>[vector<16xi32>, vector<16xi32>], vector<16xf32>,
        %add3A_2085 = arith.constant 32 : i32
        %add3A_2086 = arith.addi %add3A_2048, %add3A_2085 : i32
        %swap3A_2087 = arith.constant 1 : i32
        %swap3A_2088 = arith.index_cast %swap3A_2087 : i32 to index
        %swap3A_2089 = arith.index_cast %add3A_2086 : i32 to index
        %swap3A_2090 = tpu.vector_load %arg9[%swap3A_2088, %swap3A_2089] {strides = array<i32>} : memref<2x8192xf32, #tpu.memory_space<vmem>>, vector<16xf32>,
        tpu.vector_store %arg9[%swap3A_2088, %swap3A_2089], %gather3A_2084 {strides = array<i32>} : memref<2x8192xf32, #tpu.memory_space<vmem>>, vector<16xf32>,
        %add3A_2091 = vector.broadcast %add3A_2003 : i32 to vector<16xi32>
        %add3A_2092 = arith.addi %mul3A_668, %add3A_2091 : vector<16xi32>
        %gather3A_2093 = arith.constant 1 : i32
        %gather3A_2094 = arith.constant 0 : i32
        %gather3A_2095 = arith.constant 0 : i32
        %gather3A_2096 = tpu.memref_slice %arg8[%gather3A_2093, %gather3A_2094, %gather3A_2095] : memref<2x128x128xf32, #tpu.memory_space<vmem>> -> memref<1x128x128xf32, #tpu.memory_space<vmem>>
        %gather3A_2097 = tpu.memref_squeeze %gather3A_2096 : memref<1x128x128xf32, #tpu.memory_space<vmem>> -> memref<128x128xf32, #tpu.memory_space<vmem>>
        %gather3A_2098 = tpu.vector_load_idx %gather3A_2097[%add3A_720, %add3A_2092] : memref<128x128xf32, #tpu.memory_space<vmem>>[vector<16xi32>, vector<16xi32>], vector<16xf32>,
        %add3A_2099 = arith.constant 48 : i32
        %add3A_2100 = arith.addi %add3A_2048, %add3A_2099 : i32
        %swap3A_2101 = arith.constant 1 : i32
        %swap3A_2102 = arith.index_cast %swap3A_2101 : i32 to index
        %swap3A_2103 = arith.index_cast %add3A_2100 : i32 to index
        %swap3A_2104 = tpu.vector_load %arg9[%swap3A_2102, %swap3A_2103] {strides = array<i32>} : memref<2x8192xf32, #tpu.memory_space<vmem>>, vector<16xf32>,
        tpu.vector_store %arg9[%swap3A_2102, %swap3A_2103], %gather3A_2098 {strides = array<i32>} : memref<2x8192xf32, #tpu.memory_space<vmem>>, vector<16xf32>,
        %add3A_2105 = vector.broadcast %add3A_2003 : i32 to vector<16xi32>
        %add3A_2106 = arith.addi %mul3A_678, %add3A_2105 : vector<16xi32>
        %gather3A_2107 = arith.constant 1 : i32
        %gather3A_2108 = arith.constant 0 : i32
        %gather3A_2109 = arith.constant 0 : i32
        %gather3A_2110 = tpu.memref_slice %arg8[%gather3A_2107, %gather3A_2108, %gather3A_2109] : memref<2x128x128xf32, #tpu.memory_space<vmem>> -> memref<1x128x128xf32, #tpu.memory_space<vmem>>
        %gather3A_2111 = tpu.memref_squeeze %gather3A_2110 : memref<1x128x128xf32, #tpu.memory_space<vmem>> -> memref<128x128xf32, #tpu.memory_space<vmem>>
        %gather3A_2112 = tpu.vector_load_idx %gather3A_2111[%add3A_723, %add3A_2106] : memref<128x128xf32, #tpu.memory_space<vmem>>[vector<16xi32>, vector<16xi32>], vector<16xf32>,
        %add3A_2113 = arith.constant 64 : i32
        %add3A_2114 = arith.addi %add3A_2048, %add3A_2113 : i32
        %swap3A_2115 = arith.constant 1 : i32
        %swap3A_2116 = arith.index_cast %swap3A_2115 : i32 to index
        %swap3A_2117 = arith.index_cast %add3A_2114 : i32 to index
        %swap3A_2118 = tpu.vector_load %arg9[%swap3A_2116, %swap3A_2117] {strides = array<i32>} : memref<2x8192xf32, #tpu.memory_space<vmem>>, vector<16xf32>,
        tpu.vector_store %arg9[%swap3A_2116, %swap3A_2117], %gather3A_2112 {strides = array<i32>} : memref<2x8192xf32, #tpu.memory_space<vmem>>, vector<16xf32>,
        %add3A_2119 = vector.broadcast %add3A_2003 : i32 to vector<16xi32>
        %add3A_2120 = arith.addi %mul3A_688, %add3A_2119 : vector<16xi32>
        %gather3A_2121 = arith.constant 1 : i32
        %gather3A_2122 = arith.constant 0 : i32
        %gather3A_2123 = arith.constant 0 : i32
        %gather3A_2124 = tpu.memref_slice %arg8[%gather3A_2121, %gather3A_2122, %gather3A_2123] : memref<2x128x128xf32, #tpu.memory_space<vmem>> -> memref<1x128x128xf32, #tpu.memory_space<vmem>>
        %gather3A_2125 = tpu.memref_squeeze %gather3A_2124 : memref<1x128x128xf32, #tpu.memory_space<vmem>> -> memref<128x128xf32, #tpu.memory_space<vmem>>
        %gather3A_2126 = tpu.vector_load_idx %gather3A_2125[%add3A_726, %add3A_2120] : memref<128x128xf32, #tpu.memory_space<vmem>>[vector<16xi32>, vector<16xi32>], vector<16xf32>,
        %add3A_2127 = arith.constant 80 : i32
        %add3A_2128 = arith.addi %add3A_2048, %add3A_2127 : i32
        %swap3A_2129 = arith.constant 1 : i32
        %swap3A_2130 = arith.index_cast %swap3A_2129 : i32 to index
        %swap3A_2131 = arith.index_cast %add3A_2128 : i32 to index
        %swap3A_2132 = tpu.vector_load %arg9[%swap3A_2130, %swap3A_2131] {strides = array<i32>} : memref<2x8192xf32, #tpu.memory_space<vmem>>, vector<16xf32>,
        tpu.vector_store %arg9[%swap3A_2130, %swap3A_2131], %gather3A_2126 {strides = array<i32>} : memref<2x8192xf32, #tpu.memory_space<vmem>>, vector<16xf32>,
        %add3A_2133 = vector.broadcast %add3A_2003 : i32 to vector<16xi32>
        %add3A_2134 = arith.addi %mul3A_698, %add3A_2133 : vector<16xi32>
        %gather3A_2135 = arith.constant 1 : i32
        %gather3A_2136 = arith.constant 0 : i32
        %gather3A_2137 = arith.constant 0 : i32
        %gather3A_2138 = tpu.memref_slice %arg8[%gather3A_2135, %gather3A_2136, %gather3A_2137] : memref<2x128x128xf32, #tpu.memory_space<vmem>> -> memref<1x128x128xf32, #tpu.memory_space<vmem>>
        %gather3A_2139 = tpu.memref_squeeze %gather3A_2138 : memref<1x128x128xf32, #tpu.memory_space<vmem>> -> memref<128x128xf32, #tpu.memory_space<vmem>>
        %gather3A_2140 = tpu.vector_load_idx %gather3A_2139[%add3A_729, %add3A_2134] : memref<128x128xf32, #tpu.memory_space<vmem>>[vector<16xi32>, vector<16xi32>], vector<16xf32>,
        %add3A_2141 = arith.constant 96 : i32
        %add3A_2142 = arith.addi %add3A_2048, %add3A_2141 : i32
        %swap3A_2143 = arith.constant 1 : i32
        %swap3A_2144 = arith.index_cast %swap3A_2143 : i32 to index
        %swap3A_2145 = arith.index_cast %add3A_2142 : i32 to index
        %swap3A_2146 = tpu.vector_load %arg9[%swap3A_2144, %swap3A_2145] {strides = array<i32>} : memref<2x8192xf32, #tpu.memory_space<vmem>>, vector<16xf32>,
        tpu.vector_store %arg9[%swap3A_2144, %swap3A_2145], %gather3A_2140 {strides = array<i32>} : memref<2x8192xf32, #tpu.memory_space<vmem>>, vector<16xf32>,
        %add3A_2147 = vector.broadcast %add3A_2003 : i32 to vector<16xi32>
        %add3A_2148 = arith.addi %mul3A_708, %add3A_2147 : vector<16xi32>
        %gather3A_2149 = arith.constant 1 : i32
        %gather3A_2150 = arith.constant 0 : i32
        %gather3A_2151 = arith.constant 0 : i32
        %gather3A_2152 = tpu.memref_slice %arg8[%gather3A_2149, %gather3A_2150, %gather3A_2151] : memref<2x128x128xf32, #tpu.memory_space<vmem>> -> memref<1x128x128xf32, #tpu.memory_space<vmem>>
        %gather3A_2153 = tpu.memref_squeeze %gather3A_2152 : memref<1x128x128xf32, #tpu.memory_space<vmem>> -> memref<128x128xf32, #tpu.memory_space<vmem>>
        %gather3A_2154 = tpu.vector_load_idx %gather3A_2153[%add3A_732, %add3A_2148] : memref<128x128xf32, #tpu.memory_space<vmem>>[vector<16xi32>, vector<16xi32>], vector<16xf32>,
        %add3A_2155 = arith.constant 112 : i32
        %add3A_2156 = arith.addi %add3A_2048, %add3A_2155 : i32
        %swap3A_2157 = arith.constant 1 : i32
        %swap3A_2158 = arith.index_cast %swap3A_2157 : i32 to index
        %swap3A_2159 = arith.index_cast %add3A_2156 : i32 to index
        %swap3A_2160 = tpu.vector_load %arg9[%swap3A_2158, %swap3A_2159] {strides = array<i32>} : memref<2x8192xf32, #tpu.memory_space<vmem>>, vector<16xf32>,
        tpu.vector_store %arg9[%swap3A_2158, %swap3A_2159], %gather3A_2154 {strides = array<i32>} : memref<2x8192xf32, #tpu.memory_space<vmem>>, vector<16xf32>,
      }
      %scan3A_738 = arith.constant 8 : i32
      %dma_start3A_739 = arith.constant 1 : i32
      %dma_start3A_740 = arith.constant 0 : i32
      %dma_start3A_741 = arith.constant 1 : i32
      %dma_start3A_742 = arith.constant 0 : i32
      %dma_start3A_743 = tpu.memref_slice %arg9[%dma_start3A_739, %dma_start3A_742] : memref<2x8192xf32, #tpu.memory_space<vmem>> -> memref<1x1024xf32, #tpu.memory_space<vmem>>
      %dma_start3A_744 = tpu.memref_squeeze %dma_start3A_743 : memref<1x1024xf32, #tpu.memory_space<vmem>> -> memref<1024xf32, #tpu.memory_space<vmem>>
      %dma_start3A_745 = arith.constant 0 : i32
      %dma_start3A_746 = tpu.memref_slice %arg4[%add3A_605, %dma_start3A_740, %add3A, %dma_start3A_745] : memref<50x8x32x1024xf32, #tpu.memory_space<hbm>> -> memref<1x1x1x1024xf32, #tpu.memory_space<hbm>>
      %dma_start3A_747 = tpu.memref_squeeze %dma_start3A_746 : memref<1x1x1x1024xf32, #tpu.memory_space<hbm>> -> memref<1024xf32, #tpu.memory_space<hbm>>
      %dma_start3A_748 = tpu.memref_slice %arg11[%dma_start3A_741] : memref<2x!tpu.dma_semaphore, #tpu.memory_space<semaphore_mem>> -> memref<1x!tpu.dma_semaphore, #tpu.memory_space<semaphore_mem>>
      %dma_start3A_749 = tpu.memref_squeeze %dma_start3A_748 : memref<1x!tpu.dma_semaphore, #tpu.memory_space<semaphore_mem>> -> memref<!tpu.dma_semaphore, #tpu.memory_space<semaphore_mem>>
      %dma_start3A_750 = arith.constant 0 : i32
      %dma_start3A_751 = tpu.memref_slice %arg4[%add3A_605, %dma_start3A_740, %add3A, %dma_start3A_750] : memref<50x8x32x1024xf32, #tpu.memory_space<hbm>> -> memref<1x1x1x1024xf32, #tpu.memory_space<hbm>>
      %dma_start3A_752 = tpu.memref_squeeze %dma_start3A_751 : memref<1x1x1x1024xf32, #tpu.memory_space<hbm>> -> memref<1024xf32, #tpu.memory_space<hbm>>
      %dma_start3A_753 = arith.constant 0 : i32
      %dma_start3A_754 = tpu.memref_slice %arg9[%dma_start3A_739, %dma_start3A_753] : memref<2x8192xf32, #tpu.memory_space<vmem>> -> memref<1x1024xf32, #tpu.memory_space<vmem>>
      %dma_start3A_755 = tpu.memref_squeeze %dma_start3A_754 : memref<1x1024xf32, #tpu.memory_space<vmem>> -> memref<1024xf32, #tpu.memory_space<vmem>>
      tpu.enqueue_dma source(%dma_start3A_755 : memref<1024xf32, #tpu.memory_space<vmem>>) target(%dma_start3A_752 : memref<1024xf32, #tpu.memory_space<hbm>>) target_semaphore(%dma_start3A_749 : memref<!tpu.dma_semaphore, #tpu.memory_space<semaphore_mem>>)
      %dma_start3A_756 = arith.constant 1 : i32
      %dma_start3A_757 = arith.constant 1 : i32
      %dma_start3A_758 = arith.constant 1 : i32
      %dma_start3A_759 = arith.constant 1024 : i32
      %dma_start3A_760 = tpu.memref_slice %arg9[%dma_start3A_756, %dma_start3A_759] : memref<2x8192xf32, #tpu.memory_space<vmem>> -> memref<1x1024xf32, #tpu.memory_space<vmem>>
      %dma_start3A_761 = tpu.memref_squeeze %dma_start3A_760 : memref<1x1024xf32, #tpu.memory_space<vmem>> -> memref<1024xf32, #tpu.memory_space<vmem>>
      %dma_start3A_762 = arith.constant 0 : i32
      %dma_start3A_763 = tpu.memref_slice %arg4[%add3A_605, %dma_start3A_757, %add3A, %dma_start3A_762] : memref<50x8x32x1024xf32, #tpu.memory_space<hbm>> -> memref<1x1x1x1024xf32, #tpu.memory_space<hbm>>
      %dma_start3A_764 = tpu.memref_squeeze %dma_start3A_763 : memref<1x1x1x1024xf32, #tpu.memory_space<hbm>> -> memref<1024xf32, #tpu.memory_space<hbm>>
      %dma_start3A_765 = tpu.memref_slice %arg11[%dma_start3A_758] : memref<2x!tpu.dma_semaphore, #tpu.memory_space<semaphore_mem>> -> memref<1x!tpu.dma_semaphore, #tpu.memory_space<semaphore_mem>>
      %dma_start3A_766 = tpu.memref_squeeze %dma_start3A_765 : memref<1x!tpu.dma_semaphore, #tpu.memory_space<semaphore_mem>> -> memref<!tpu.dma_semaphore, #tpu.memory_space<semaphore_mem>>
      %dma_start3A_767 = arith.constant 0 : i32
      %dma_start3A_768 = tpu.memref_slice %arg4[%add3A_605, %dma_start3A_757, %add3A, %dma_start3A_767] : memref<50x8x32x1024xf32, #tpu.memory_space<hbm>> -> memref<1x1x1x1024xf32, #tpu.memory_space<hbm>>
      %dma_start3A_769 = tpu.memref_squeeze %dma_start3A_768 : memref<1x1x1x1024xf32, #tpu.memory_space<hbm>> -> memref<1024xf32, #tpu.memory_space<hbm>>
      %dma_start3A_770 = arith.constant 1024 : i32
      %dma_start3A_771 = tpu.memref_slice %arg9[%dma_start3A_756, %dma_start3A_770] : memref<2x8192xf32, #tpu.memory_space<vmem>> -> memref<1x1024xf32, #tpu.memory_space<vmem>>
      %dma_start3A_772 = tpu.memref_squeeze %dma_start3A_771 : memref<1x1024xf32, #tpu.memory_space<vmem>> -> memref<1024xf32, #tpu.memory_space<vmem>>
      tpu.enqueue_dma source(%dma_start3A_772 : memref<1024xf32, #tpu.memory_space<vmem>>) target(%dma_start3A_769 : memref<1024xf32, #tpu.memory_space<hbm>>) target_semaphore(%dma_start3A_766 : memref<!tpu.dma_semaphore, #tpu.memory_space<semaphore_mem>>)
      %dma_start3A_773 = arith.constant 1 : i32
      %dma_start3A_774 = arith.constant 2 : i32
      %dma_start3A_775 = arith.constant 1 : i32
      %dma_start3A_776 = arith.constant 2048 : i32
      %dma_start3A_777 = tpu.memref_slice %arg9[%dma_start3A_773, %dma_start3A_776] : memref<2x8192xf32, #tpu.memory_space<vmem>> -> memref<1x1024xf32, #tpu.memory_space<vmem>>
      %dma_start3A_778 = tpu.memref_squeeze %dma_start3A_777 : memref<1x1024xf32, #tpu.memory_space<vmem>> -> memref<1024xf32, #tpu.memory_space<vmem>>
      %dma_start3A_779 = arith.constant 0 : i32
      %dma_start3A_780 = tpu.memref_slice %arg4[%add3A_605, %dma_start3A_774, %add3A, %dma_start3A_779] : memref<50x8x32x1024xf32, #tpu.memory_space<hbm>> -> memref<1x1x1x1024xf32, #tpu.memory_space<hbm>>
      %dma_start3A_781 = tpu.memref_squeeze %dma_start3A_780 : memref<1x1x1x1024xf32, #tpu.memory_space<hbm>> -> memref<1024xf32, #tpu.memory_space<hbm>>
      %dma_start3A_782 = tpu.memref_slice %arg11[%dma_start3A_775] : memref<2x!tpu.dma_semaphore, #tpu.memory_space<semaphore_mem>> -> memref<1x!tpu.dma_semaphore, #tpu.memory_space<semaphore_mem>>
      %dma_start3A_783 = tpu.memref_squeeze %dma_start3A_782 : memref<1x!tpu.dma_semaphore, #tpu.memory_space<semaphore_mem>> -> memref<!tpu.dma_semaphore, #tpu.memory_space<semaphore_mem>>
      %dma_start3A_784 = arith.constant 0 : i32
      %dma_start3A_785 = tpu.memref_slice %arg4[%add3A_605, %dma_start3A_774, %add3A, %dma_start3A_784] : memref<50x8x32x1024xf32, #tpu.memory_space<hbm>> -> memref<1x1x1x1024xf32, #tpu.memory_space<hbm>>
      %dma_start3A_786 = tpu.memref_squeeze %dma_start3A_785 : memref<1x1x1x1024xf32, #tpu.memory_space<hbm>> -> memref<1024xf32, #tpu.memory_space<hbm>>
      %dma_start3A_787 = arith.constant 2048 : i32
      %dma_start3A_788 = tpu.memref_slice %arg9[%dma_start3A_773, %dma_start3A_787] : memref<2x8192xf32, #tpu.memory_space<vmem>> -> memref<1x1024xf32, #tpu.memory_space<vmem>>
      %dma_start3A_789 = tpu.memref_squeeze %dma_start3A_788 : memref<1x1024xf32, #tpu.memory_space<vmem>> -> memref<1024xf32, #tpu.memory_space<vmem>>
      tpu.enqueue_dma source(%dma_start3A_789 : memref<1024xf32, #tpu.memory_space<vmem>>) target(%dma_start3A_786 : memref<1024xf32, #tpu.memory_space<hbm>>) target_semaphore(%dma_start3A_783 : memref<!tpu.dma_semaphore, #tpu.memory_space<semaphore_mem>>)
      %dma_start3A_790 = arith.constant 1 : i32
      %dma_start3A_791 = arith.constant 3 : i32
      %dma_start3A_792 = arith.constant 1 : i32
      %dma_start3A_793 = arith.constant 3072 : i32
      %dma_start3A_794 = tpu.memref_slice %arg9[%dma_start3A_790, %dma_start3A_793] : memref<2x8192xf32, #tpu.memory_space<vmem>> -> memref<1x1024xf32, #tpu.memory_space<vmem>>
      %dma_start3A_795 = tpu.memref_squeeze %dma_start3A_794 : memref<1x1024xf32, #tpu.memory_space<vmem>> -> memref<1024xf32, #tpu.memory_space<vmem>>
      %dma_start3A_796 = arith.constant 0 : i32
      %dma_start3A_797 = tpu.memref_slice %arg4[%add3A_605, %dma_start3A_791, %add3A, %dma_start3A_796] : memref<50x8x32x1024xf32, #tpu.memory_space<hbm>> -> memref<1x1x1x1024xf32, #tpu.memory_space<hbm>>
      %dma_start3A_798 = tpu.memref_squeeze %dma_start3A_797 : memref<1x1x1x1024xf32, #tpu.memory_space<hbm>> -> memref<1024xf32, #tpu.memory_space<hbm>>
      %dma_start3A_799 = tpu.memref_slice %arg11[%dma_start3A_792] : memref<2x!tpu.dma_semaphore, #tpu.memory_space<semaphore_mem>> -> memref<1x!tpu.dma_semaphore, #tpu.memory_space<semaphore_mem>>
      %dma_start3A_800 = tpu.memref_squeeze %dma_start3A_799 : memref<1x!tpu.dma_semaphore, #tpu.memory_space<semaphore_mem>> -> memref<!tpu.dma_semaphore, #tpu.memory_space<semaphore_mem>>
      %dma_start3A_801 = arith.constant 0 : i32
      %dma_start3A_802 = tpu.memref_slice %arg4[%add3A_605, %dma_start3A_791, %add3A, %dma_start3A_801] : memref<50x8x32x1024xf32, #tpu.memory_space<hbm>> -> memref<1x1x1x1024xf32, #tpu.memory_space<hbm>>
      %dma_start3A_803 = tpu.memref_squeeze %dma_start3A_802 : memref<1x1x1x1024xf32, #tpu.memory_space<hbm>> -> memref<1024xf32, #tpu.memory_space<hbm>>
      %dma_start3A_804 = arith.constant 3072 : i32
      %dma_start3A_805 = tpu.memref_slice %arg9[%dma_start3A_790, %dma_start3A_804] : memref<2x8192xf32, #tpu.memory_space<vmem>> -> memref<1x1024xf32, #tpu.memory_space<vmem>>
      %dma_start3A_806 = tpu.memref_squeeze %dma_start3A_805 : memref<1x1024xf32, #tpu.memory_space<vmem>> -> memref<1024xf32, #tpu.memory_space<vmem>>
      tpu.enqueue_dma source(%dma_start3A_806 : memref<1024xf32, #tpu.memory_space<vmem>>) target(%dma_start3A_803 : memref<1024xf32, #tpu.memory_space<hbm>>) target_semaphore(%dma_start3A_800 : memref<!tpu.dma_semaphore, #tpu.memory_space<semaphore_mem>>)
      %dma_start3A_807 = arith.constant 1 : i32
      %dma_start3A_808 = arith.constant 4 : i32
      %dma_start3A_809 = arith.constant 1 : i32
      %dma_start3A_810 = arith.constant 4096 : i32
      %dma_start3A_811 = tpu.memref_slice %arg9[%dma_start3A_807, %dma_start3A_810] : memref<2x8192xf32, #tpu.memory_space<vmem>> -> memref<1x1024xf32, #tpu.memory_space<vmem>>
      %dma_start3A_812 = tpu.memref_squeeze %dma_start3A_811 : memref<1x1024xf32, #tpu.memory_space<vmem>> -> memref<1024xf32, #tpu.memory_space<vmem>>
      %dma_start3A_813 = arith.constant 0 : i32
      %dma_start3A_814 = tpu.memref_slice %arg4[%add3A_605, %dma_start3A_808, %add3A, %dma_start3A_813] : memref<50x8x32x1024xf32, #tpu.memory_space<hbm>> -> memref<1x1x1x1024xf32, #tpu.memory_space<hbm>>
      %dma_start3A_815 = tpu.memref_squeeze %dma_start3A_814 : memref<1x1x1x1024xf32, #tpu.memory_space<hbm>> -> memref<1024xf32, #tpu.memory_space<hbm>>
      %dma_start3A_816 = tpu.memref_slice %arg11[%dma_start3A_809] : memref<2x!tpu.dma_semaphore, #tpu.memory_space<semaphore_mem>> -> memref<1x!tpu.dma_semaphore, #tpu.memory_space<semaphore_mem>>
      %dma_start3A_817 = tpu.memref_squeeze %dma_start3A_816 : memref<1x!tpu.dma_semaphore, #tpu.memory_space<semaphore_mem>> -> memref<!tpu.dma_semaphore, #tpu.memory_space<semaphore_mem>>
      %dma_start3A_818 = arith.constant 0 : i32
      %dma_start3A_819 = tpu.memref_slice %arg4[%add3A_605, %dma_start3A_808, %add3A, %dma_start3A_818] : memref<50x8x32x1024xf32, #tpu.memory_space<hbm>> -> memref<1x1x1x1024xf32, #tpu.memory_space<hbm>>
      %dma_start3A_820 = tpu.memref_squeeze %dma_start3A_819 : memref<1x1x1x1024xf32, #tpu.memory_space<hbm>> -> memref<1024xf32, #tpu.memory_space<hbm>>
      %dma_start3A_821 = arith.constant 4096 : i32
      %dma_start3A_822 = tpu.memref_slice %arg9[%dma_start3A_807, %dma_start3A_821] : memref<2x8192xf32, #tpu.memory_space<vmem>> -> memref<1x1024xf32, #tpu.memory_space<vmem>>
      %dma_start3A_823 = tpu.memref_squeeze %dma_start3A_822 : memref<1x1024xf32, #tpu.memory_space<vmem>> -> memref<1024xf32, #tpu.memory_space<vmem>>
      tpu.enqueue_dma source(%dma_start3A_823 : memref<1024xf32, #tpu.memory_space<vmem>>) target(%dma_start3A_820 : memref<1024xf32, #tpu.memory_space<hbm>>) target_semaphore(%dma_start3A_817 : memref<!tpu.dma_semaphore, #tpu.memory_space<semaphore_mem>>)
      %dma_start3A_824 = arith.constant 1 : i32
      %dma_start3A_825 = arith.constant 5 : i32
      %dma_start3A_826 = arith.constant 1 : i32
      %dma_start3A_827 = arith.constant 5120 : i32
      %dma_start3A_828 = tpu.memref_slice %arg9[%dma_start3A_824, %dma_start3A_827] : memref<2x8192xf32, #tpu.memory_space<vmem>> -> memref<1x1024xf32, #tpu.memory_space<vmem>>
      %dma_start3A_829 = tpu.memref_squeeze %dma_start3A_828 : memref<1x1024xf32, #tpu.memory_space<vmem>> -> memref<1024xf32, #tpu.memory_space<vmem>>
      %dma_start3A_830 = arith.constant 0 : i32
      %dma_start3A_831 = tpu.memref_slice %arg4[%add3A_605, %dma_start3A_825, %add3A, %dma_start3A_830] : memref<50x8x32x1024xf32, #tpu.memory_space<hbm>> -> memref<1x1x1x1024xf32, #tpu.memory_space<hbm>>
      %dma_start3A_832 = tpu.memref_squeeze %dma_start3A_831 : memref<1x1x1x1024xf32, #tpu.memory_space<hbm>> -> memref<1024xf32, #tpu.memory_space<hbm>>
      %dma_start3A_833 = tpu.memref_slice %arg11[%dma_start3A_826] : memref<2x!tpu.dma_semaphore, #tpu.memory_space<semaphore_mem>> -> memref<1x!tpu.dma_semaphore, #tpu.memory_space<semaphore_mem>>
      %dma_start3A_834 = tpu.memref_squeeze %dma_start3A_833 : memref<1x!tpu.dma_semaphore, #tpu.memory_space<semaphore_mem>> -> memref<!tpu.dma_semaphore, #tpu.memory_space<semaphore_mem>>
      %dma_start3A_835 = arith.constant 0 : i32
      %dma_start3A_836 = tpu.memref_slice %arg4[%add3A_605, %dma_start3A_825, %add3A, %dma_start3A_835] : memref<50x8x32x1024xf32, #tpu.memory_space<hbm>> -> memref<1x1x1x1024xf32, #tpu.memory_space<hbm>>
      %dma_start3A_837 = tpu.memref_squeeze %dma_start3A_836 : memref<1x1x1x1024xf32, #tpu.memory_space<hbm>> -> memref<1024xf32, #tpu.memory_space<hbm>>
      %dma_start3A_838 = arith.constant 5120 : i32
      %dma_start3A_839 = tpu.memref_slice %arg9[%dma_start3A_824, %dma_start3A_838] : memref<2x8192xf32, #tpu.memory_space<vmem>> -> memref<1x1024xf32, #tpu.memory_space<vmem>>
      %dma_start3A_840 = tpu.memref_squeeze %dma_start3A_839 : memref<1x1024xf32, #tpu.memory_space<vmem>> -> memref<1024xf32, #tpu.memory_space<vmem>>
      tpu.enqueue_dma source(%dma_start3A_840 : memref<1024xf32, #tpu.memory_space<vmem>>) target(%dma_start3A_837 : memref<1024xf32, #tpu.memory_space<hbm>>) target_semaphore(%dma_start3A_834 : memref<!tpu.dma_semaphore, #tpu.memory_space<semaphore_mem>>)
      %dma_start3A_841 = arith.constant 1 : i32
      %dma_start3A_842 = arith.constant 6 : i32
      %dma_start3A_843 = arith.constant 1 : i32
      %dma_start3A_844 = arith.constant 6144 : i32
      %dma_start3A_845 = tpu.memref_slice %arg9[%dma_start3A_841, %dma_start3A_844] : memref<2x8192xf32, #tpu.memory_space<vmem>> -> memref<1x1024xf32, #tpu.memory_space<vmem>>
      %dma_start3A_846 = tpu.memref_squeeze %dma_start3A_845 : memref<1x1024xf32, #tpu.memory_space<vmem>> -> memref<1024xf32, #tpu.memory_space<vmem>>
      %dma_start3A_847 = arith.constant 0 : i32
      %dma_start3A_848 = tpu.memref_slice %arg4[%add3A_605, %dma_start3A_842, %add3A, %dma_start3A_847] : memref<50x8x32x1024xf32, #tpu.memory_space<hbm>> -> memref<1x1x1x1024xf32, #tpu.memory_space<hbm>>
      %dma_start3A_849 = tpu.memref_squeeze %dma_start3A_848 : memref<1x1x1x1024xf32, #tpu.memory_space<hbm>> -> memref<1024xf32, #tpu.memory_space<hbm>>
      %dma_start3A_850 = tpu.memref_slice %arg11[%dma_start3A_843] : memref<2x!tpu.dma_semaphore, #tpu.memory_space<semaphore_mem>> -> memref<1x!tpu.dma_semaphore, #tpu.memory_space<semaphore_mem>>
      %dma_start3A_851 = tpu.memref_squeeze %dma_start3A_850 : memref<1x!tpu.dma_semaphore, #tpu.memory_space<semaphore_mem>> -> memref<!tpu.dma_semaphore, #tpu.memory_space<semaphore_mem>>
      %dma_start3A_852 = arith.constant 0 : i32
      %dma_start3A_853 = tpu.memref_slice %arg4[%add3A_605, %dma_start3A_842, %add3A, %dma_start3A_852] : memref<50x8x32x1024xf32, #tpu.memory_space<hbm>> -> memref<1x1x1x1024xf32, #tpu.memory_space<hbm>>
      %dma_start3A_854 = tpu.memref_squeeze %dma_start3A_853 : memref<1x1x1x1024xf32, #tpu.memory_space<hbm>> -> memref<1024xf32, #tpu.memory_space<hbm>>
      %dma_start3A_855 = arith.constant 6144 : i32
      %dma_start3A_856 = tpu.memref_slice %arg9[%dma_start3A_841, %dma_start3A_855] : memref<2x8192xf32, #tpu.memory_space<vmem>> -> memref<1x1024xf32, #tpu.memory_space<vmem>>
      %dma_start3A_857 = tpu.memref_squeeze %dma_start3A_856 : memref<1x1024xf32, #tpu.memory_space<vmem>> -> memref<1024xf32, #tpu.memory_space<vmem>>
      tpu.enqueue_dma source(%dma_start3A_857 : memref<1024xf32, #tpu.memory_space<vmem>>) target(%dma_start3A_854 : memref<1024xf32, #tpu.memory_space<hbm>>) target_semaphore(%dma_start3A_851 : memref<!tpu.dma_semaphore, #tpu.memory_space<semaphore_mem>>)
      %dma_start3A_858 = arith.constant 1 : i32
      %dma_start3A_859 = arith.constant 7 : i32
      %dma_start3A_860 = arith.constant 1 : i32
      %dma_start3A_861 = arith.constant 7168 : i32
      %dma_start3A_862 = tpu.memref_slice %arg9[%dma_start3A_858, %dma_start3A_861] : memref<2x8192xf32, #tpu.memory_space<vmem>> -> memref<1x1024xf32, #tpu.memory_space<vmem>>
      %dma_start3A_863 = tpu.memref_squeeze %dma_start3A_862 : memref<1x1024xf32, #tpu.memory_space<vmem>> -> memref<1024xf32, #tpu.memory_space<vmem>>
      %dma_start3A_864 = arith.constant 0 : i32
      %dma_start3A_865 = tpu.memref_slice %arg4[%add3A_605, %dma_start3A_859, %add3A, %dma_start3A_864] : memref<50x8x32x1024xf32, #tpu.memory_space<hbm>> -> memref<1x1x1x1024xf32, #tpu.memory_space<hbm>>
      %dma_start3A_866 = tpu.memref_squeeze %dma_start3A_865 : memref<1x1x1x1024xf32, #tpu.memory_space<hbm>> -> memref<1024xf32, #tpu.memory_space<hbm>>
      %dma_start3A_867 = tpu.memref_slice %arg11[%dma_start3A_860] : memref<2x!tpu.dma_semaphore, #tpu.memory_space<semaphore_mem>> -> memref<1x!tpu.dma_semaphore, #tpu.memory_space<semaphore_mem>>
      %dma_start3A_868 = tpu.memref_squeeze %dma_start3A_867 : memref<1x!tpu.dma_semaphore, #tpu.memory_space<semaphore_mem>> -> memref<!tpu.dma_semaphore, #tpu.memory_space<semaphore_mem>>
      %dma_start3A_869 = arith.constant 0 : i32
      %dma_start3A_870 = tpu.memref_slice %arg4[%add3A_605, %dma_start3A_859, %add3A, %dma_start3A_869] : memref<50x8x32x1024xf32, #tpu.memory_space<hbm>> -> memref<1x1x1x1024xf32, #tpu.memory_space<hbm>>
      %dma_start3A_871 = tpu.memref_squeeze %dma_start3A_870 : memref<1x1x1x1024xf32, #tpu.memory_space<hbm>> -> memref<1024xf32, #tpu.memory_space<hbm>>
      %dma_start3A_872 = arith.constant 7168 : i32
      %dma_start3A_873 = tpu.memref_slice %arg9[%dma_start3A_858, %dma_start3A_872] : memref<2x8192xf32, #tpu.memory_space<vmem>> -> memref<1x1024xf32, #tpu.memory_space<vmem>>
      %dma_start3A_874 = tpu.memref_squeeze %dma_start3A_873 : memref<1x1024xf32, #tpu.memory_space<vmem>> -> memref<1024xf32, #tpu.memory_space<vmem>>
      tpu.enqueue_dma source(%dma_start3A_874 : memref<1024xf32, #tpu.memory_space<vmem>>) target(%dma_start3A_871 : memref<1024xf32, #tpu.memory_space<hbm>>) target_semaphore(%dma_start3A_868 : memref<!tpu.dma_semaphore, #tpu.memory_space<semaphore_mem>>)
      %add3A_875 = arith.constant 2 : i32
      %add3A_876 = arith.addi %add3A_605, %add3A_875 : i32
      %lt3A_877 = arith.constant 50 : i32
      %lt3A_878 = arith.cmpi slt, %add3A_876, %lt3A_877 : i32
      %convert_element_type3A_879 = arith.extui %lt3A_878 : i1 to i32
      %cond3A_880 = arith.constant 0 : i32
      %cond3A_881 = arith.cmpi ne, %convert_element_type3A_879, %cond3A_880 : i32
      scf.if %cond3A_881 {
        %add3A_882 = arith.constant 2 : i32
        %add3A_883 = arith.addi %add3A_605, %add3A_882 : i32
        %dma_start3A_884 = arith.constant 1 : i32
        %dma_start3A_885 = arith.constant 1 : i32
        %dma_start3A_886 = arith.constant 0 : i32
        %dma_start3A_887 = arith.constant 0 : i32
        %dma_start3A_888 = tpu.memref_slice %arg8[%dma_start3A_884, %dma_start3A_886, %dma_start3A_887] : memref<2x128x128xf32, #tpu.memory_space<vmem>> -> memref<1x128x128xf32, #tpu.memory_space<vmem>>
        %dma_start3A_889 = tpu.memref_squeeze %dma_start3A_888 : memref<1x128x128xf32, #tpu.memory_space<vmem>> -> memref<128x128xf32, #tpu.memory_space<vmem>>
        %dma_start3A_890 = arith.constant 0 : i32
        %dma_start3A_891 = tpu.memref_slice %arg6[%add3A_883, %dma_start3A_890] : memref<50x128xi32, #tpu.memory_space<vmem>> -> memref<1x128xi32, #tpu.memory_space<vmem>>
        %dma_start3A_892 = tpu.memref_squeeze %dma_start3A_891 : memref<1x128xi32, #tpu.memory_space<vmem>> -> memref<128xi32, #tpu.memory_space<vmem>>
        %dma_start3A_893 = arith.constant 0 : i32
        %dma_start3A_894 = arith.constant 0 : i32
        %dma_start3A_895 = tpu.memref_slice %arg3[%dma_start3A_893, %dma_start3A_894] : memref<500000x128xf32, #tpu.memory_space<hbm>> -> memref<500000x128xf32, #tpu.memory_space<hbm>>
        %dma_start3A_896 = tpu.memref_slice %arg10[%dma_start3A_885] : memref<2x!tpu.dma_semaphore, #tpu.memory_space<semaphore_mem>> -> memref<1x!tpu.dma_semaphore, #tpu.memory_space<semaphore_mem>>
        %dma_start3A_897 = tpu.memref_squeeze %dma_start3A_896 : memref<1x!tpu.dma_semaphore, #tpu.memory_space<semaphore_mem>> -> memref<!tpu.dma_semaphore, #tpu.memory_space<semaphore_mem>>
        tpu.enqueue_indirect_dma source(%dma_start3A_895 : memref<500000x128xf32, #tpu.memory_space<hbm>>) target(%dma_start3A_889 : memref<128x128xf32, #tpu.memory_space<vmem>>) offsets(%dma_start3A_892 : memref<128xi32, #tpu.memory_space<vmem>>) semaphore(%dma_start3A_897 : memref<!tpu.dma_semaphore, #tpu.memory_space<semaphore_mem>>)
      } else {
      }
    }
    %scan3A_42 = arith.constant 25 : i32
    %dma_wait3A = arith.constant 0 : i32
    %dma_wait3A_43 = arith.constant 0 : i32
    %dma_wait3A_44 = arith.constant 0 : i32
    %dma_wait3A_45 = arith.constant 0 : i32
    %dma_wait3A_46 = arith.constant 0 : i32
    %dma_wait3A_47 = tpu.memref_slice %arg9[%dma_wait3A, %dma_wait3A_46] : memref<2x8192xf32, #tpu.memory_space<vmem>> -> memref<1x1024xf32, #tpu.memory_space<vmem>>
    %dma_wait3A_48 = tpu.memref_squeeze %dma_wait3A_47 : memref<1x1024xf32, #tpu.memory_space<vmem>> -> memref<1024xf32, #tpu.memory_space<vmem>>
    %dma_wait3A_49 = arith.constant 0 : i32
    %dma_wait3A_50 = tpu.memref_slice %arg4[%dma_wait3A_43, %dma_wait3A_44, %add3A, %dma_wait3A_49] : memref<50x8x32x1024xf32, #tpu.memory_space<hbm>> -> memref<1x1x1x1024xf32, #tpu.memory_space<hbm>>
    %dma_wait3A_51 = tpu.memref_squeeze %dma_wait3A_50 : memref<1x1x1x1024xf32, #tpu.memory_space<hbm>> -> memref<1024xf32, #tpu.memory_space<hbm>>
    %dma_wait3A_52 = tpu.memref_slice %arg11[%dma_wait3A_45] : memref<2x!tpu.dma_semaphore, #tpu.memory_space<semaphore_mem>> -> memref<1x!tpu.dma_semaphore, #tpu.memory_space<semaphore_mem>>
    %dma_wait3A_53 = tpu.memref_squeeze %dma_wait3A_52 : memref<1x!tpu.dma_semaphore, #tpu.memory_space<semaphore_mem>> -> memref<!tpu.dma_semaphore, #tpu.memory_space<semaphore_mem>>
    %dma_wait3A_54 = arith.constant 0 : i32
    %dma_wait3A_55 = tpu.memref_slice %arg4[%dma_wait3A_43, %dma_wait3A_44, %add3A, %dma_wait3A_54] : memref<50x8x32x1024xf32, #tpu.memory_space<hbm>> -> memref<1x1x1x1024xf32, #tpu.memory_space<hbm>>
    %dma_wait3A_56 = tpu.memref_squeeze %dma_wait3A_55 : memref<1x1x1x1024xf32, #tpu.memory_space<hbm>> -> memref<1024xf32, #tpu.memory_space<hbm>>
    %dma_wait3A_57 = arith.constant 0 : i32
    %dma_wait3A_58 = tpu.memref_slice %arg9[%dma_wait3A, %dma_wait3A_57] : memref<2x8192xf32, #tpu.memory_space<vmem>> -> memref<1x1024xf32, #tpu.memory_space<vmem>>
    %dma_wait3A_59 = tpu.memref_squeeze %dma_wait3A_58 : memref<1x1024xf32, #tpu.memory_space<vmem>> -> memref<1024xf32, #tpu.memory_space<vmem>>
    tpu.wait_dma2 semaphore(%dma_wait3A_53 : memref<!tpu.dma_semaphore, #tpu.memory_space<semaphore_mem>>) src(%dma_wait3A_59 : memref<1024xf32, #tpu.memory_space<vmem>>) dst(%dma_wait3A_56 : memref<1024xf32, #tpu.memory_space<hbm>>)
    %dma_wait3A_60 = arith.constant 0 : i32
    %dma_wait3A_61 = arith.constant 0 : i32
    %dma_wait3A_62 = arith.constant 1 : i32
    %dma_wait3A_63 = arith.constant 0 : i32
    %dma_wait3A_64 = arith.constant 1024 : i32
    %dma_wait3A_65 = tpu.memref_slice %arg9[%dma_wait3A_60, %dma_wait3A_64] : memref<2x8192xf32, #tpu.memory_space<vmem>> -> memref<1x1024xf32, #tpu.memory_space<vmem>>
    %dma_wait3A_66 = tpu.memref_squeeze %dma_wait3A_65 : memref<1x1024xf32, #tpu.memory_space<vmem>> -> memref<1024xf32, #tpu.memory_space<vmem>>
    %dma_wait3A_67 = arith.constant 0 : i32
    %dma_wait3A_68 = tpu.memref_slice %arg4[%dma_wait3A_61, %dma_wait3A_62, %add3A, %dma_wait3A_67] : memref<50x8x32x1024xf32, #tpu.memory_space<hbm>> -> memref<1x1x1x1024xf32, #tpu.memory_space<hbm>>
    %dma_wait3A_69 = tpu.memref_squeeze %dma_wait3A_68 : memref<1x1x1x1024xf32, #tpu.memory_space<hbm>> -> memref<1024xf32, #tpu.memory_space<hbm>>
    %dma_wait3A_70 = tpu.memref_slice %arg11[%dma_wait3A_63] : memref<2x!tpu.dma_semaphore, #tpu.memory_space<semaphore_mem>> -> memref<1x!tpu.dma_semaphore, #tpu.memory_space<semaphore_mem>>
    %dma_wait3A_71 = tpu.memref_squeeze %dma_wait3A_70 : memref<1x!tpu.dma_semaphore, #tpu.memory_space<semaphore_mem>> -> memref<!tpu.dma_semaphore, #tpu.memory_space<semaphore_mem>>
    %dma_wait3A_72 = arith.constant 0 : i32
    %dma_wait3A_73 = tpu.memref_slice %arg4[%dma_wait3A_61, %dma_wait3A_62, %add3A, %dma_wait3A_72] : memref<50x8x32x1024xf32, #tpu.memory_space<hbm>> -> memref<1x1x1x1024xf32, #tpu.memory_space<hbm>>
    %dma_wait3A_74 = tpu.memref_squeeze %dma_wait3A_73 : memref<1x1x1x1024xf32, #tpu.memory_space<hbm>> -> memref<1024xf32, #tpu.memory_space<hbm>>
    %dma_wait3A_75 = arith.constant 1024 : i32
    %dma_wait3A_76 = tpu.memref_slice %arg9[%dma_wait3A_60, %dma_wait3A_75] : memref<2x8192xf32, #tpu.memory_space<vmem>> -> memref<1x1024xf32, #tpu.memory_space<vmem>>
    %dma_wait3A_77 = tpu.memref_squeeze %dma_wait3A_76 : memref<1x1024xf32, #tpu.memory_space<vmem>> -> memref<1024xf32, #tpu.memory_space<vmem>>
    tpu.wait_dma2 semaphore(%dma_wait3A_71 : memref<!tpu.dma_semaphore, #tpu.memory_space<semaphore_mem>>) src(%dma_wait3A_77 : memref<1024xf32, #tpu.memory_space<vmem>>) dst(%dma_wait3A_74 : memref<1024xf32, #tpu.memory_space<hbm>>)
    %dma_wait3A_78 = arith.constant 0 : i32
    %dma_wait3A_79 = arith.constant 0 : i32
    %dma_wait3A_80 = arith.constant 2 : i32
    %dma_wait3A_81 = arith.constant 0 : i32
    %dma_wait3A_82 = arith.constant 2048 : i32
    %dma_wait3A_83 = tpu.memref_slice %arg9[%dma_wait3A_78, %dma_wait3A_82] : memref<2x8192xf32, #tpu.memory_space<vmem>> -> memref<1x1024xf32, #tpu.memory_space<vmem>>
    %dma_wait3A_84 = tpu.memref_squeeze %dma_wait3A_83 : memref<1x1024xf32, #tpu.memory_space<vmem>> -> memref<1024xf32, #tpu.memory_space<vmem>>
    %dma_wait3A_85 = arith.constant 0 : i32
    %dma_wait3A_86 = tpu.memref_slice %arg4[%dma_wait3A_79, %dma_wait3A_80, %add3A, %dma_wait3A_85] : memref<50x8x32x1024xf32, #tpu.memory_space<hbm>> -> memref<1x1x1x1024xf32, #tpu.memory_space<hbm>>
    %dma_wait3A_87 = tpu.memref_squeeze %dma_wait3A_86 : memref<1x1x1x1024xf32, #tpu.memory_space<hbm>> -> memref<1024xf32, #tpu.memory_space<hbm>>
    %dma_wait3A_88 = tpu.memref_slice %arg11[%dma_wait3A_81] : memref<2x!tpu.dma_semaphore, #tpu.memory_space<semaphore_mem>> -> memref<1x!tpu.dma_semaphore, #tpu.memory_space<semaphore_mem>>
    %dma_wait3A_89 = tpu.memref_squeeze %dma_wait3A_88 : memref<1x!tpu.dma_semaphore, #tpu.memory_space<semaphore_mem>> -> memref<!tpu.dma_semaphore, #tpu.memory_space<semaphore_mem>>
    %dma_wait3A_90 = arith.constant 0 : i32
    %dma_wait3A_91 = tpu.memref_slice %arg4[%dma_wait3A_79, %dma_wait3A_80, %add3A, %dma_wait3A_90] : memref<50x8x32x1024xf32, #tpu.memory_space<hbm>> -> memref<1x1x1x1024xf32, #tpu.memory_space<hbm>>
    %dma_wait3A_92 = tpu.memref_squeeze %dma_wait3A_91 : memref<1x1x1x1024xf32, #tpu.memory_space<hbm>> -> memref<1024xf32, #tpu.memory_space<hbm>>
    %dma_wait3A_93 = arith.constant 2048 : i32
    %dma_wait3A_94 = tpu.memref_slice %arg9[%dma_wait3A_78, %dma_wait3A_93] : memref<2x8192xf32, #tpu.memory_space<vmem>> -> memref<1x1024xf32, #tpu.memory_space<vmem>>
    %dma_wait3A_95 = tpu.memref_squeeze %dma_wait3A_94 : memref<1x1024xf32, #tpu.memory_space<vmem>> -> memref<1024xf32, #tpu.memory_space<vmem>>
    tpu.wait_dma2 semaphore(%dma_wait3A_89 : memref<!tpu.dma_semaphore, #tpu.memory_space<semaphore_mem>>) src(%dma_wait3A_95 : memref<1024xf32, #tpu.memory_space<vmem>>) dst(%dma_wait3A_92 : memref<1024xf32, #tpu.memory_space<hbm>>)
    %dma_wait3A_96 = arith.constant 0 : i32
    %dma_wait3A_97 = arith.constant 0 : i32
    %dma_wait3A_98 = arith.constant 3 : i32
    %dma_wait3A_99 = arith.constant 0 : i32
    %dma_wait3A_100 = arith.constant 3072 : i32
    %dma_wait3A_101 = tpu.memref_slice %arg9[%dma_wait3A_96, %dma_wait3A_100] : memref<2x8192xf32, #tpu.memory_space<vmem>> -> memref<1x1024xf32, #tpu.memory_space<vmem>>
    %dma_wait3A_102 = tpu.memref_squeeze %dma_wait3A_101 : memref<1x1024xf32, #tpu.memory_space<vmem>> -> memref<1024xf32, #tpu.memory_space<vmem>>
    %dma_wait3A_103 = arith.constant 0 : i32
    %dma_wait3A_104 = tpu.memref_slice %arg4[%dma_wait3A_97, %dma_wait3A_98, %add3A, %dma_wait3A_103] : memref<50x8x32x1024xf32, #tpu.memory_space<hbm>> -> memref<1x1x1x1024xf32, #tpu.memory_space<hbm>>
    %dma_wait3A_105 = tpu.memref_squeeze %dma_wait3A_104 : memref<1x1x1x1024xf32, #tpu.memory_space<hbm>> -> memref<1024xf32, #tpu.memory_space<hbm>>
    %dma_wait3A_106 = tpu.memref_slice %arg11[%dma_wait3A_99] : memref<2x!tpu.dma_semaphore, #tpu.memory_space<semaphore_mem>> -> memref<1x!tpu.dma_semaphore, #tpu.memory_space<semaphore_mem>>
    %dma_wait3A_107 = tpu.memref_squeeze %dma_wait3A_106 : memref<1x!tpu.dma_semaphore, #tpu.memory_space<semaphore_mem>> -> memref<!tpu.dma_semaphore, #tpu.memory_space<semaphore_mem>>
    %dma_wait3A_108 = arith.constant 0 : i32
    %dma_wait3A_109 = tpu.memref_slice %arg4[%dma_wait3A_97, %dma_wait3A_98, %add3A, %dma_wait3A_108] : memref<50x8x32x1024xf32, #tpu.memory_space<hbm>> -> memref<1x1x1x1024xf32, #tpu.memory_space<hbm>>
    %dma_wait3A_110 = tpu.memref_squeeze %dma_wait3A_109 : memref<1x1x1x1024xf32, #tpu.memory_space<hbm>> -> memref<1024xf32, #tpu.memory_space<hbm>>
    %dma_wait3A_111 = arith.constant 3072 : i32
    %dma_wait3A_112 = tpu.memref_slice %arg9[%dma_wait3A_96, %dma_wait3A_111] : memref<2x8192xf32, #tpu.memory_space<vmem>> -> memref<1x1024xf32, #tpu.memory_space<vmem>>
    %dma_wait3A_113 = tpu.memref_squeeze %dma_wait3A_112 : memref<1x1024xf32, #tpu.memory_space<vmem>> -> memref<1024xf32, #tpu.memory_space<vmem>>
    tpu.wait_dma2 semaphore(%dma_wait3A_107 : memref<!tpu.dma_semaphore, #tpu.memory_space<semaphore_mem>>) src(%dma_wait3A_113 : memref<1024xf32, #tpu.memory_space<vmem>>) dst(%dma_wait3A_110 : memref<1024xf32, #tpu.memory_space<hbm>>)
    %dma_wait3A_114 = arith.constant 0 : i32
    %dma_wait3A_115 = arith.constant 0 : i32
    %dma_wait3A_116 = arith.constant 4 : i32
    %dma_wait3A_117 = arith.constant 0 : i32
    %dma_wait3A_118 = arith.constant 4096 : i32
    %dma_wait3A_119 = tpu.memref_slice %arg9[%dma_wait3A_114, %dma_wait3A_118] : memref<2x8192xf32, #tpu.memory_space<vmem>> -> memref<1x1024xf32, #tpu.memory_space<vmem>>
    %dma_wait3A_120 = tpu.memref_squeeze %dma_wait3A_119 : memref<1x1024xf32, #tpu.memory_space<vmem>> -> memref<1024xf32, #tpu.memory_space<vmem>>
    %dma_wait3A_121 = arith.constant 0 : i32
    %dma_wait3A_122 = tpu.memref_slice %arg4[%dma_wait3A_115, %dma_wait3A_116, %add3A, %dma_wait3A_121] : memref<50x8x32x1024xf32, #tpu.memory_space<hbm>> -> memref<1x1x1x1024xf32, #tpu.memory_space<hbm>>
    %dma_wait3A_123 = tpu.memref_squeeze %dma_wait3A_122 : memref<1x1x1x1024xf32, #tpu.memory_space<hbm>> -> memref<1024xf32, #tpu.memory_space<hbm>>
    %dma_wait3A_124 = tpu.memref_slice %arg11[%dma_wait3A_117] : memref<2x!tpu.dma_semaphore, #tpu.memory_space<semaphore_mem>> -> memref<1x!tpu.dma_semaphore, #tpu.memory_space<semaphore_mem>>
    %dma_wait3A_125 = tpu.memref_squeeze %dma_wait3A_124 : memref<1x!tpu.dma_semaphore, #tpu.memory_space<semaphore_mem>> -> memref<!tpu.dma_semaphore, #tpu.memory_space<semaphore_mem>>
    %dma_wait3A_126 = arith.constant 0 : i32
    %dma_wait3A_127 = tpu.memref_slice %arg4[%dma_wait3A_115, %dma_wait3A_116, %add3A, %dma_wait3A_126] : memref<50x8x32x1024xf32, #tpu.memory_space<hbm>> -> memref<1x1x1x1024xf32, #tpu.memory_space<hbm>>
    %dma_wait3A_128 = tpu.memref_squeeze %dma_wait3A_127 : memref<1x1x1x1024xf32, #tpu.memory_space<hbm>> -> memref<1024xf32, #tpu.memory_space<hbm>>
    %dma_wait3A_129 = arith.constant 4096 : i32
    %dma_wait3A_130 = tpu.memref_slice %arg9[%dma_wait3A_114, %dma_wait3A_129] : memref<2x8192xf32, #tpu.memory_space<vmem>> -> memref<1x1024xf32, #tpu.memory_space<vmem>>
    %dma_wait3A_131 = tpu.memref_squeeze %dma_wait3A_130 : memref<1x1024xf32, #tpu.memory_space<vmem>> -> memref<1024xf32, #tpu.memory_space<vmem>>
    tpu.wait_dma2 semaphore(%dma_wait3A_125 : memref<!tpu.dma_semaphore, #tpu.memory_space<semaphore_mem>>) src(%dma_wait3A_131 : memref<1024xf32, #tpu.memory_space<vmem>>) dst(%dma_wait3A_128 : memref<1024xf32, #tpu.memory_space<hbm>>)
    %dma_wait3A_132 = arith.constant 0 : i32
    %dma_wait3A_133 = arith.constant 0 : i32
    %dma_wait3A_134 = arith.constant 5 : i32
    %dma_wait3A_135 = arith.constant 0 : i32
    %dma_wait3A_136 = arith.constant 5120 : i32
    %dma_wait3A_137 = tpu.memref_slice %arg9[%dma_wait3A_132, %dma_wait3A_136] : memref<2x8192xf32, #tpu.memory_space<vmem>> -> memref<1x1024xf32, #tpu.memory_space<vmem>>
    %dma_wait3A_138 = tpu.memref_squeeze %dma_wait3A_137 : memref<1x1024xf32, #tpu.memory_space<vmem>> -> memref<1024xf32, #tpu.memory_space<vmem>>
    %dma_wait3A_139 = arith.constant 0 : i32
    %dma_wait3A_140 = tpu.memref_slice %arg4[%dma_wait3A_133, %dma_wait3A_134, %add3A, %dma_wait3A_139] : memref<50x8x32x1024xf32, #tpu.memory_space<hbm>> -> memref<1x1x1x1024xf32, #tpu.memory_space<hbm>>
    %dma_wait3A_141 = tpu.memref_squeeze %dma_wait3A_140 : memref<1x1x1x1024xf32, #tpu.memory_space<hbm>> -> memref<1024xf32, #tpu.memory_space<hbm>>
    %dma_wait3A_142 = tpu.memref_slice %arg11[%dma_wait3A_135] : memref<2x!tpu.dma_semaphore, #tpu.memory_space<semaphore_mem>> -> memref<1x!tpu.dma_semaphore, #tpu.memory_space<semaphore_mem>>
    %dma_wait3A_143 = tpu.memref_squeeze %dma_wait3A_142 : memref<1x!tpu.dma_semaphore, #tpu.memory_space<semaphore_mem>> -> memref<!tpu.dma_semaphore, #tpu.memory_space<semaphore_mem>>
    %dma_wait3A_144 = arith.constant 0 : i32
    %dma_wait3A_145 = tpu.memref_slice %arg4[%dma_wait3A_133, %dma_wait3A_134, %add3A, %dma_wait3A_144] : memref<50x8x32x1024xf32, #tpu.memory_space<hbm>> -> memref<1x1x1x1024xf32, #tpu.memory_space<hbm>>
    %dma_wait3A_146 = tpu.memref_squeeze %dma_wait3A_145 : memref<1x1x1x1024xf32, #tpu.memory_space<hbm>> -> memref<1024xf32, #tpu.memory_space<hbm>>
    %dma_wait3A_147 = arith.constant 5120 : i32
    %dma_wait3A_148 = tpu.memref_slice %arg9[%dma_wait3A_132, %dma_wait3A_147] : memref<2x8192xf32, #tpu.memory_space<vmem>> -> memref<1x1024xf32, #tpu.memory_space<vmem>>
    %dma_wait3A_149 = tpu.memref_squeeze %dma_wait3A_148 : memref<1x1024xf32, #tpu.memory_space<vmem>> -> memref<1024xf32, #tpu.memory_space<vmem>>
    tpu.wait_dma2 semaphore(%dma_wait3A_143 : memref<!tpu.dma_semaphore, #tpu.memory_space<semaphore_mem>>) src(%dma_wait3A_149 : memref<1024xf32, #tpu.memory_space<vmem>>) dst(%dma_wait3A_146 : memref<1024xf32, #tpu.memory_space<hbm>>)
    %dma_wait3A_150 = arith.constant 0 : i32
    %dma_wait3A_151 = arith.constant 0 : i32
    %dma_wait3A_152 = arith.constant 6 : i32
    %dma_wait3A_153 = arith.constant 0 : i32
    %dma_wait3A_154 = arith.constant 6144 : i32
    %dma_wait3A_155 = tpu.memref_slice %arg9[%dma_wait3A_150, %dma_wait3A_154] : memref<2x8192xf32, #tpu.memory_space<vmem>> -> memref<1x1024xf32, #tpu.memory_space<vmem>>
    %dma_wait3A_156 = tpu.memref_squeeze %dma_wait3A_155 : memref<1x1024xf32, #tpu.memory_space<vmem>> -> memref<1024xf32, #tpu.memory_space<vmem>>
    %dma_wait3A_157 = arith.constant 0 : i32
    %dma_wait3A_158 = tpu.memref_slice %arg4[%dma_wait3A_151, %dma_wait3A_152, %add3A, %dma_wait3A_157] : memref<50x8x32x1024xf32, #tpu.memory_space<hbm>> -> memref<1x1x1x1024xf32, #tpu.memory_space<hbm>>
    %dma_wait3A_159 = tpu.memref_squeeze %dma_wait3A_158 : memref<1x1x1x1024xf32, #tpu.memory_space<hbm>> -> memref<1024xf32, #tpu.memory_space<hbm>>
    %dma_wait3A_160 = tpu.memref_slice %arg11[%dma_wait3A_153] : memref<2x!tpu.dma_semaphore, #tpu.memory_space<semaphore_mem>> -> memref<1x!tpu.dma_semaphore, #tpu.memory_space<semaphore_mem>>
    %dma_wait3A_161 = tpu.memref_squeeze %dma_wait3A_160 : memref<1x!tpu.dma_semaphore, #tpu.memory_space<semaphore_mem>> -> memref<!tpu.dma_semaphore, #tpu.memory_space<semaphore_mem>>
    %dma_wait3A_162 = arith.constant 0 : i32
    %dma_wait3A_163 = tpu.memref_slice %arg4[%dma_wait3A_151, %dma_wait3A_152, %add3A, %dma_wait3A_162] : memref<50x8x32x1024xf32, #tpu.memory_space<hbm>> -> memref<1x1x1x1024xf32, #tpu.memory_space<hbm>>
    %dma_wait3A_164 = tpu.memref_squeeze %dma_wait3A_163 : memref<1x1x1x1024xf32, #tpu.memory_space<hbm>> -> memref<1024xf32, #tpu.memory_space<hbm>>
    %dma_wait3A_165 = arith.constant 6144 : i32
    %dma_wait3A_166 = tpu.memref_slice %arg9[%dma_wait3A_150, %dma_wait3A_165] : memref<2x8192xf32, #tpu.memory_space<vmem>> -> memref<1x1024xf32, #tpu.memory_space<vmem>>
    %dma_wait3A_167 = tpu.memref_squeeze %dma_wait3A_166 : memref<1x1024xf32, #tpu.memory_space<vmem>> -> memref<1024xf32, #tpu.memory_space<vmem>>
    tpu.wait_dma2 semaphore(%dma_wait3A_161 : memref<!tpu.dma_semaphore, #tpu.memory_space<semaphore_mem>>) src(%dma_wait3A_167 : memref<1024xf32, #tpu.memory_space<vmem>>) dst(%dma_wait3A_164 : memref<1024xf32, #tpu.memory_space<hbm>>)
    %dma_wait3A_168 = arith.constant 0 : i32
    %dma_wait3A_169 = arith.constant 0 : i32
    %dma_wait3A_170 = arith.constant 7 : i32
    %dma_wait3A_171 = arith.constant 0 : i32
    %dma_wait3A_172 = arith.constant 7168 : i32
    %dma_wait3A_173 = tpu.memref_slice %arg9[%dma_wait3A_168, %dma_wait3A_172] : memref<2x8192xf32, #tpu.memory_space<vmem>> -> memref<1x1024xf32, #tpu.memory_space<vmem>>
    %dma_wait3A_174 = tpu.memref_squeeze %dma_wait3A_173 : memref<1x1024xf32, #tpu.memory_space<vmem>> -> memref<1024xf32, #tpu.memory_space<vmem>>
    %dma_wait3A_175 = arith.constant 0 : i32
    %dma_wait3A_176 = tpu.memref_slice %arg4[%dma_wait3A_169, %dma_wait3A_170, %add3A, %dma_wait3A_175] : memref<50x8x32x1024xf32, #tpu.memory_space<hbm>> -> memref<1x1x1x1024xf32, #tpu.memory_space<hbm>>
    %dma_wait3A_177 = tpu.memref_squeeze %dma_wait3A_176 : memref<1x1x1x1024xf32, #tpu.memory_space<hbm>> -> memref<1024xf32, #tpu.memory_space<hbm>>
    %dma_wait3A_178 = tpu.memref_slice %arg11[%dma_wait3A_171] : memref<2x!tpu.dma_semaphore, #tpu.memory_space<semaphore_mem>> -> memref<1x!tpu.dma_semaphore, #tpu.memory_space<semaphore_mem>>
    %dma_wait3A_179 = tpu.memref_squeeze %dma_wait3A_178 : memref<1x!tpu.dma_semaphore, #tpu.memory_space<semaphore_mem>> -> memref<!tpu.dma_semaphore, #tpu.memory_space<semaphore_mem>>
    %dma_wait3A_180 = arith.constant 0 : i32
    %dma_wait3A_181 = tpu.memref_slice %arg4[%dma_wait3A_169, %dma_wait3A_170, %add3A, %dma_wait3A_180] : memref<50x8x32x1024xf32, #tpu.memory_space<hbm>> -> memref<1x1x1x1024xf32, #tpu.memory_space<hbm>>
    %dma_wait3A_182 = tpu.memref_squeeze %dma_wait3A_181 : memref<1x1x1x1024xf32, #tpu.memory_space<hbm>> -> memref<1024xf32, #tpu.memory_space<hbm>>
    %dma_wait3A_183 = arith.constant 7168 : i32
    %dma_wait3A_184 = tpu.memref_slice %arg9[%dma_wait3A_168, %dma_wait3A_183] : memref<2x8192xf32, #tpu.memory_space<vmem>> -> memref<1x1024xf32, #tpu.memory_space<vmem>>
    %dma_wait3A_185 = tpu.memref_squeeze %dma_wait3A_184 : memref<1x1024xf32, #tpu.memory_space<vmem>> -> memref<1024xf32, #tpu.memory_space<vmem>>
    tpu.wait_dma2 semaphore(%dma_wait3A_179 : memref<!tpu.dma_semaphore, #tpu.memory_space<semaphore_mem>>) src(%dma_wait3A_185 : memref<1024xf32, #tpu.memory_space<vmem>>) dst(%dma_wait3A_182 : memref<1024xf32, #tpu.memory_space<hbm>>)
    %dma_wait3A_186 = arith.constant 1 : i32
    %dma_wait3A_187 = arith.constant 0 : i32
    %dma_wait3A_188 = arith.constant 0 : i32
    %dma_wait3A_189 = arith.constant 1 : i32
    %dma_wait3A_190 = arith.constant 0 : i32
    %dma_wait3A_191 = tpu.memref_slice %arg9[%dma_wait3A_186, %dma_wait3A_190] : memref<2x8192xf32, #tpu.memory_space<vmem>> -> memref<1x1024xf32, #tpu.memory_space<vmem>>
    %dma_wait3A_192 = tpu.memref_squeeze %dma_wait3A_191 : memref<1x1024xf32, #tpu.memory_space<vmem>> -> memref<1024xf32, #tpu.memory_space<vmem>>
    %dma_wait3A_193 = arith.constant 0 : i32
    %dma_wait3A_194 = tpu.memref_slice %arg4[%dma_wait3A_187, %dma_wait3A_188, %add3A, %dma_wait3A_193] : memref<50x8x32x1024xf32, #tpu.memory_space<hbm>> -> memref<1x1x1x1024xf32, #tpu.memory_space<hbm>>
    %dma_wait3A_195 = tpu.memref_squeeze %dma_wait3A_194 : memref<1x1x1x1024xf32, #tpu.memory_space<hbm>> -> memref<1024xf32, #tpu.memory_space<hbm>>
    %dma_wait3A_196 = tpu.memref_slice %arg11[%dma_wait3A_189] : memref<2x!tpu.dma_semaphore, #tpu.memory_space<semaphore_mem>> -> memref<1x!tpu.dma_semaphore, #tpu.memory_space<semaphore_mem>>
    %dma_wait3A_197 = tpu.memref_squeeze %dma_wait3A_196 : memref<1x!tpu.dma_semaphore, #tpu.memory_space<semaphore_mem>> -> memref<!tpu.dma_semaphore, #tpu.memory_space<semaphore_mem>>
    %dma_wait3A_198 = arith.constant 0 : i32
    %dma_wait3A_199 = tpu.memref_slice %arg4[%dma_wait3A_187, %dma_wait3A_188, %add3A, %dma_wait3A_198] : memref<50x8x32x1024xf32, #tpu.memory_space<hbm>> -> memref<1x1x1x1024xf32, #tpu.memory_space<hbm>>
    %dma_wait3A_200 = tpu.memref_squeeze %dma_wait3A_199 : memref<1x1x1x1024xf32, #tpu.memory_space<hbm>> -> memref<1024xf32, #tpu.memory_space<hbm>>
    %dma_wait3A_201 = arith.constant 0 : i32
    %dma_wait3A_202 = tpu.memref_slice %arg9[%dma_wait3A_186, %dma_wait3A_201] : memref<2x8192xf32, #tpu.memory_space<vmem>> -> memref<1x1024xf32, #tpu.memory_space<vmem>>
    %dma_wait3A_203 = tpu.memref_squeeze %dma_wait3A_202 : memref<1x1024xf32, #tpu.memory_space<vmem>> -> memref<1024xf32, #tpu.memory_space<vmem>>
    tpu.wait_dma2 semaphore(%dma_wait3A_197 : memref<!tpu.dma_semaphore, #tpu.memory_space<semaphore_mem>>) src(%dma_wait3A_203 : memref<1024xf32, #tpu.memory_space<vmem>>) dst(%dma_wait3A_200 : memref<1024xf32, #tpu.memory_space<hbm>>)
    %dma_wait3A_204 = arith.constant 1 : i32
    %dma_wait3A_205 = arith.constant 0 : i32
    %dma_wait3A_206 = arith.constant 1 : i32
    %dma_wait3A_207 = arith.constant 1 : i32
    %dma_wait3A_208 = arith.constant 1024 : i32
    %dma_wait3A_209 = tpu.memref_slice %arg9[%dma_wait3A_204, %dma_wait3A_208] : memref<2x8192xf32, #tpu.memory_space<vmem>> -> memref<1x1024xf32, #tpu.memory_space<vmem>>
    %dma_wait3A_210 = tpu.memref_squeeze %dma_wait3A_209 : memref<1x1024xf32, #tpu.memory_space<vmem>> -> memref<1024xf32, #tpu.memory_space<vmem>>
    %dma_wait3A_211 = arith.constant 0 : i32
    %dma_wait3A_212 = tpu.memref_slice %arg4[%dma_wait3A_205, %dma_wait3A_206, %add3A, %dma_wait3A_211] : memref<50x8x32x1024xf32, #tpu.memory_space<hbm>> -> memref<1x1x1x1024xf32, #tpu.memory_space<hbm>>
    %dma_wait3A_213 = tpu.memref_squeeze %dma_wait3A_212 : memref<1x1x1x1024xf32, #tpu.memory_space<hbm>> -> memref<1024xf32, #tpu.memory_space<hbm>>
    %dma_wait3A_214 = tpu.memref_slice %arg11[%dma_wait3A_207] : memref<2x!tpu.dma_semaphore, #tpu.memory_space<semaphore_mem>> -> memref<1x!tpu.dma_semaphore, #tpu.memory_space<semaphore_mem>>
    %dma_wait3A_215 = tpu.memref_squeeze %dma_wait3A_214 : memref<1x!tpu.dma_semaphore, #tpu.memory_space<semaphore_mem>> -> memref<!tpu.dma_semaphore, #tpu.memory_space<semaphore_mem>>
    %dma_wait3A_216 = arith.constant 0 : i32
    %dma_wait3A_217 = tpu.memref_slice %arg4[%dma_wait3A_205, %dma_wait3A_206, %add3A, %dma_wait3A_216] : memref<50x8x32x1024xf32, #tpu.memory_space<hbm>> -> memref<1x1x1x1024xf32, #tpu.memory_space<hbm>>
    %dma_wait3A_218 = tpu.memref_squeeze %dma_wait3A_217 : memref<1x1x1x1024xf32, #tpu.memory_space<hbm>> -> memref<1024xf32, #tpu.memory_space<hbm>>
    %dma_wait3A_219 = arith.constant 1024 : i32
    %dma_wait3A_220 = tpu.memref_slice %arg9[%dma_wait3A_204, %dma_wait3A_219] : memref<2x8192xf32, #tpu.memory_space<vmem>> -> memref<1x1024xf32, #tpu.memory_space<vmem>>
    %dma_wait3A_221 = tpu.memref_squeeze %dma_wait3A_220 : memref<1x1024xf32, #tpu.memory_space<vmem>> -> memref<1024xf32, #tpu.memory_space<vmem>>
    tpu.wait_dma2 semaphore(%dma_wait3A_215 : memref<!tpu.dma_semaphore, #tpu.memory_space<semaphore_mem>>) src(%dma_wait3A_221 : memref<1024xf32, #tpu.memory_space<vmem>>) dst(%dma_wait3A_218 : memref<1024xf32, #tpu.memory_space<hbm>>)
    %dma_wait3A_222 = arith.constant 1 : i32
    %dma_wait3A_223 = arith.constant 0 : i32
    %dma_wait3A_224 = arith.constant 2 : i32
    %dma_wait3A_225 = arith.constant 1 : i32
    %dma_wait3A_226 = arith.constant 2048 : i32
    %dma_wait3A_227 = tpu.memref_slice %arg9[%dma_wait3A_222, %dma_wait3A_226] : memref<2x8192xf32, #tpu.memory_space<vmem>> -> memref<1x1024xf32, #tpu.memory_space<vmem>>
    %dma_wait3A_228 = tpu.memref_squeeze %dma_wait3A_227 : memref<1x1024xf32, #tpu.memory_space<vmem>> -> memref<1024xf32, #tpu.memory_space<vmem>>
    %dma_wait3A_229 = arith.constant 0 : i32
    %dma_wait3A_230 = tpu.memref_slice %arg4[%dma_wait3A_223, %dma_wait3A_224, %add3A, %dma_wait3A_229] : memref<50x8x32x1024xf32, #tpu.memory_space<hbm>> -> memref<1x1x1x1024xf32, #tpu.memory_space<hbm>>
    %dma_wait3A_231 = tpu.memref_squeeze %dma_wait3A_230 : memref<1x1x1x1024xf32, #tpu.memory_space<hbm>> -> memref<1024xf32, #tpu.memory_space<hbm>>
    %dma_wait3A_232 = tpu.memref_slice %arg11[%dma_wait3A_225] : memref<2x!tpu.dma_semaphore, #tpu.memory_space<semaphore_mem>> -> memref<1x!tpu.dma_semaphore, #tpu.memory_space<semaphore_mem>>
    %dma_wait3A_233 = tpu.memref_squeeze %dma_wait3A_232 : memref<1x!tpu.dma_semaphore, #tpu.memory_space<semaphore_mem>> -> memref<!tpu.dma_semaphore, #tpu.memory_space<semaphore_mem>>
    %dma_wait3A_234 = arith.constant 0 : i32
    %dma_wait3A_235 = tpu.memref_slice %arg4[%dma_wait3A_223, %dma_wait3A_224, %add3A, %dma_wait3A_234] : memref<50x8x32x1024xf32, #tpu.memory_space<hbm>> -> memref<1x1x1x1024xf32, #tpu.memory_space<hbm>>
    %dma_wait3A_236 = tpu.memref_squeeze %dma_wait3A_235 : memref<1x1x1x1024xf32, #tpu.memory_space<hbm>> -> memref<1024xf32, #tpu.memory_space<hbm>>
    %dma_wait3A_237 = arith.constant 2048 : i32
    %dma_wait3A_238 = tpu.memref_slice %arg9[%dma_wait3A_222, %dma_wait3A_237] : memref<2x8192xf32, #tpu.memory_space<vmem>> -> memref<1x1024xf32, #tpu.memory_space<vmem>>
    %dma_wait3A_239 = tpu.memref_squeeze %dma_wait3A_238 : memref<1x1024xf32, #tpu.memory_space<vmem>> -> memref<1024xf32, #tpu.memory_space<vmem>>
    tpu.wait_dma2 semaphore(%dma_wait3A_233 : memref<!tpu.dma_semaphore, #tpu.memory_space<semaphore_mem>>) src(%dma_wait3A_239 : memref<1024xf32, #tpu.memory_space<vmem>>) dst(%dma_wait3A_236 : memref<1024xf32, #tpu.memory_space<hbm>>)
    %dma_wait3A_240 = arith.constant 1 : i32
    %dma_wait3A_241 = arith.constant 0 : i32
    %dma_wait3A_242 = arith.constant 3 : i32
    %dma_wait3A_243 = arith.constant 1 : i32
    %dma_wait3A_244 = arith.constant 3072 : i32
    %dma_wait3A_245 = tpu.memref_slice %arg9[%dma_wait3A_240, %dma_wait3A_244] : memref<2x8192xf32, #tpu.memory_space<vmem>> -> memref<1x1024xf32, #tpu.memory_space<vmem>>
    %dma_wait3A_246 = tpu.memref_squeeze %dma_wait3A_245 : memref<1x1024xf32, #tpu.memory_space<vmem>> -> memref<1024xf32, #tpu.memory_space<vmem>>
    %dma_wait3A_247 = arith.constant 0 : i32
    %dma_wait3A_248 = tpu.memref_slice %arg4[%dma_wait3A_241, %dma_wait3A_242, %add3A, %dma_wait3A_247] : memref<50x8x32x1024xf32, #tpu.memory_space<hbm>> -> memref<1x1x1x1024xf32, #tpu.memory_space<hbm>>
    %dma_wait3A_249 = tpu.memref_squeeze %dma_wait3A_248 : memref<1x1x1x1024xf32, #tpu.memory_space<hbm>> -> memref<1024xf32, #tpu.memory_space<hbm>>
    %dma_wait3A_250 = tpu.memref_slice %arg11[%dma_wait3A_243] : memref<2x!tpu.dma_semaphore, #tpu.memory_space<semaphore_mem>> -> memref<1x!tpu.dma_semaphore, #tpu.memory_space<semaphore_mem>>
    %dma_wait3A_251 = tpu.memref_squeeze %dma_wait3A_250 : memref<1x!tpu.dma_semaphore, #tpu.memory_space<semaphore_mem>> -> memref<!tpu.dma_semaphore, #tpu.memory_space<semaphore_mem>>
    %dma_wait3A_252 = arith.constant 0 : i32
    %dma_wait3A_253 = tpu.memref_slice %arg4[%dma_wait3A_241, %dma_wait3A_242, %add3A, %dma_wait3A_252] : memref<50x8x32x1024xf32, #tpu.memory_space<hbm>> -> memref<1x1x1x1024xf32, #tpu.memory_space<hbm>>
    %dma_wait3A_254 = tpu.memref_squeeze %dma_wait3A_253 : memref<1x1x1x1024xf32, #tpu.memory_space<hbm>> -> memref<1024xf32, #tpu.memory_space<hbm>>
    %dma_wait3A_255 = arith.constant 3072 : i32
    %dma_wait3A_256 = tpu.memref_slice %arg9[%dma_wait3A_240, %dma_wait3A_255] : memref<2x8192xf32, #tpu.memory_space<vmem>> -> memref<1x1024xf32, #tpu.memory_space<vmem>>
    %dma_wait3A_257 = tpu.memref_squeeze %dma_wait3A_256 : memref<1x1024xf32, #tpu.memory_space<vmem>> -> memref<1024xf32, #tpu.memory_space<vmem>>
    tpu.wait_dma2 semaphore(%dma_wait3A_251 : memref<!tpu.dma_semaphore, #tpu.memory_space<semaphore_mem>>) src(%dma_wait3A_257 : memref<1024xf32, #tpu.memory_space<vmem>>) dst(%dma_wait3A_254 : memref<1024xf32, #tpu.memory_space<hbm>>)
    %dma_wait3A_258 = arith.constant 1 : i32
    %dma_wait3A_259 = arith.constant 0 : i32
    %dma_wait3A_260 = arith.constant 4 : i32
    %dma_wait3A_261 = arith.constant 1 : i32
    %dma_wait3A_262 = arith.constant 4096 : i32
    %dma_wait3A_263 = tpu.memref_slice %arg9[%dma_wait3A_258, %dma_wait3A_262] : memref<2x8192xf32, #tpu.memory_space<vmem>> -> memref<1x1024xf32, #tpu.memory_space<vmem>>
    %dma_wait3A_264 = tpu.memref_squeeze %dma_wait3A_263 : memref<1x1024xf32, #tpu.memory_space<vmem>> -> memref<1024xf32, #tpu.memory_space<vmem>>
    %dma_wait3A_265 = arith.constant 0 : i32
    %dma_wait3A_266 = tpu.memref_slice %arg4[%dma_wait3A_259, %dma_wait3A_260, %add3A, %dma_wait3A_265] : memref<50x8x32x1024xf32, #tpu.memory_space<hbm>> -> memref<1x1x1x1024xf32, #tpu.memory_space<hbm>>
    %dma_wait3A_267 = tpu.memref_squeeze %dma_wait3A_266 : memref<1x1x1x1024xf32, #tpu.memory_space<hbm>> -> memref<1024xf32, #tpu.memory_space<hbm>>
    %dma_wait3A_268 = tpu.memref_slice %arg11[%dma_wait3A_261] : memref<2x!tpu.dma_semaphore, #tpu.memory_space<semaphore_mem>> -> memref<1x!tpu.dma_semaphore, #tpu.memory_space<semaphore_mem>>
    %dma_wait3A_269 = tpu.memref_squeeze %dma_wait3A_268 : memref<1x!tpu.dma_semaphore, #tpu.memory_space<semaphore_mem>> -> memref<!tpu.dma_semaphore, #tpu.memory_space<semaphore_mem>>
    %dma_wait3A_270 = arith.constant 0 : i32
    %dma_wait3A_271 = tpu.memref_slice %arg4[%dma_wait3A_259, %dma_wait3A_260, %add3A, %dma_wait3A_270] : memref<50x8x32x1024xf32, #tpu.memory_space<hbm>> -> memref<1x1x1x1024xf32, #tpu.memory_space<hbm>>
    %dma_wait3A_272 = tpu.memref_squeeze %dma_wait3A_271 : memref<1x1x1x1024xf32, #tpu.memory_space<hbm>> -> memref<1024xf32, #tpu.memory_space<hbm>>
    %dma_wait3A_273 = arith.constant 4096 : i32
    %dma_wait3A_274 = tpu.memref_slice %arg9[%dma_wait3A_258, %dma_wait3A_273] : memref<2x8192xf32, #tpu.memory_space<vmem>> -> memref<1x1024xf32, #tpu.memory_space<vmem>>
    %dma_wait3A_275 = tpu.memref_squeeze %dma_wait3A_274 : memref<1x1024xf32, #tpu.memory_space<vmem>> -> memref<1024xf32, #tpu.memory_space<vmem>>
    tpu.wait_dma2 semaphore(%dma_wait3A_269 : memref<!tpu.dma_semaphore, #tpu.memory_space<semaphore_mem>>) src(%dma_wait3A_275 : memref<1024xf32, #tpu.memory_space<vmem>>) dst(%dma_wait3A_272 : memref<1024xf32, #tpu.memory_space<hbm>>)
    %dma_wait3A_276 = arith.constant 1 : i32
    %dma_wait3A_277 = arith.constant 0 : i32
    %dma_wait3A_278 = arith.constant 5 : i32
    %dma_wait3A_279 = arith.constant 1 : i32
    %dma_wait3A_280 = arith.constant 5120 : i32
    %dma_wait3A_281 = tpu.memref_slice %arg9[%dma_wait3A_276, %dma_wait3A_280] : memref<2x8192xf32, #tpu.memory_space<vmem>> -> memref<1x1024xf32, #tpu.memory_space<vmem>>
    %dma_wait3A_282 = tpu.memref_squeeze %dma_wait3A_281 : memref<1x1024xf32, #tpu.memory_space<vmem>> -> memref<1024xf32, #tpu.memory_space<vmem>>
    %dma_wait3A_283 = arith.constant 0 : i32
    %dma_wait3A_284 = tpu.memref_slice %arg4[%dma_wait3A_277, %dma_wait3A_278, %add3A, %dma_wait3A_283] : memref<50x8x32x1024xf32, #tpu.memory_space<hbm>> -> memref<1x1x1x1024xf32, #tpu.memory_space<hbm>>
    %dma_wait3A_285 = tpu.memref_squeeze %dma_wait3A_284 : memref<1x1x1x1024xf32, #tpu.memory_space<hbm>> -> memref<1024xf32, #tpu.memory_space<hbm>>
    %dma_wait3A_286 = tpu.memref_slice %arg11[%dma_wait3A_279] : memref<2x!tpu.dma_semaphore, #tpu.memory_space<semaphore_mem>> -> memref<1x!tpu.dma_semaphore, #tpu.memory_space<semaphore_mem>>
    %dma_wait3A_287 = tpu.memref_squeeze %dma_wait3A_286 : memref<1x!tpu.dma_semaphore, #tpu.memory_space<semaphore_mem>> -> memref<!tpu.dma_semaphore, #tpu.memory_space<semaphore_mem>>
    %dma_wait3A_288 = arith.constant 0 : i32
    %dma_wait3A_289 = tpu.memref_slice %arg4[%dma_wait3A_277, %dma_wait3A_278, %add3A, %dma_wait3A_288] : memref<50x8x32x1024xf32, #tpu.memory_space<hbm>> -> memref<1x1x1x1024xf32, #tpu.memory_space<hbm>>
    %dma_wait3A_290 = tpu.memref_squeeze %dma_wait3A_289 : memref<1x1x1x1024xf32, #tpu.memory_space<hbm>> -> memref<1024xf32, #tpu.memory_space<hbm>>
    %dma_wait3A_291 = arith.constant 5120 : i32
    %dma_wait3A_292 = tpu.memref_slice %arg9[%dma_wait3A_276, %dma_wait3A_291] : memref<2x8192xf32, #tpu.memory_space<vmem>> -> memref<1x1024xf32, #tpu.memory_space<vmem>>
    %dma_wait3A_293 = tpu.memref_squeeze %dma_wait3A_292 : memref<1x1024xf32, #tpu.memory_space<vmem>> -> memref<1024xf32, #tpu.memory_space<vmem>>
    tpu.wait_dma2 semaphore(%dma_wait3A_287 : memref<!tpu.dma_semaphore, #tpu.memory_space<semaphore_mem>>) src(%dma_wait3A_293 : memref<1024xf32, #tpu.memory_space<vmem>>) dst(%dma_wait3A_290 : memref<1024xf32, #tpu.memory_space<hbm>>)
    %dma_wait3A_294 = arith.constant 1 : i32
    %dma_wait3A_295 = arith.constant 0 : i32
    %dma_wait3A_296 = arith.constant 6 : i32
    %dma_wait3A_297 = arith.constant 1 : i32
    %dma_wait3A_298 = arith.constant 6144 : i32
    %dma_wait3A_299 = tpu.memref_slice %arg9[%dma_wait3A_294, %dma_wait3A_298] : memref<2x8192xf32, #tpu.memory_space<vmem>> -> memref<1x1024xf32, #tpu.memory_space<vmem>>
    %dma_wait3A_300 = tpu.memref_squeeze %dma_wait3A_299 : memref<1x1024xf32, #tpu.memory_space<vmem>> -> memref<1024xf32, #tpu.memory_space<vmem>>
    %dma_wait3A_301 = arith.constant 0 : i32
    %dma_wait3A_302 = tpu.memref_slice %arg4[%dma_wait3A_295, %dma_wait3A_296, %add3A, %dma_wait3A_301] : memref<50x8x32x1024xf32, #tpu.memory_space<hbm>> -> memref<1x1x1x1024xf32, #tpu.memory_space<hbm>>
    %dma_wait3A_303 = tpu.memref_squeeze %dma_wait3A_302 : memref<1x1x1x1024xf32, #tpu.memory_space<hbm>> -> memref<1024xf32, #tpu.memory_space<hbm>>
    %dma_wait3A_304 = tpu.memref_slice %arg11[%dma_wait3A_297] : memref<2x!tpu.dma_semaphore, #tpu.memory_space<semaphore_mem>> -> memref<1x!tpu.dma_semaphore, #tpu.memory_space<semaphore_mem>>
    %dma_wait3A_305 = tpu.memref_squeeze %dma_wait3A_304 : memref<1x!tpu.dma_semaphore, #tpu.memory_space<semaphore_mem>> -> memref<!tpu.dma_semaphore, #tpu.memory_space<semaphore_mem>>
    %dma_wait3A_306 = arith.constant 0 : i32
    %dma_wait3A_307 = tpu.memref_slice %arg4[%dma_wait3A_295, %dma_wait3A_296, %add3A, %dma_wait3A_306] : memref<50x8x32x1024xf32, #tpu.memory_space<hbm>> -> memref<1x1x1x1024xf32, #tpu.memory_space<hbm>>
    %dma_wait3A_308 = tpu.memref_squeeze %dma_wait3A_307 : memref<1x1x1x1024xf32, #tpu.memory_space<hbm>> -> memref<1024xf32, #tpu.memory_space<hbm>>
    %dma_wait3A_309 = arith.constant 6144 : i32
    %dma_wait3A_310 = tpu.memref_slice %arg9[%dma_wait3A_294, %dma_wait3A_309] : memref<2x8192xf32, #tpu.memory_space<vmem>> -> memref<1x1024xf32, #tpu.memory_space<vmem>>
    %dma_wait3A_311 = tpu.memref_squeeze %dma_wait3A_310 : memref<1x1024xf32, #tpu.memory_space<vmem>> -> memref<1024xf32, #tpu.memory_space<vmem>>
    tpu.wait_dma2 semaphore(%dma_wait3A_305 : memref<!tpu.dma_semaphore, #tpu.memory_space<semaphore_mem>>) src(%dma_wait3A_311 : memref<1024xf32, #tpu.memory_space<vmem>>) dst(%dma_wait3A_308 : memref<1024xf32, #tpu.memory_space<hbm>>)
    %dma_wait3A_312 = arith.constant 1 : i32
    %dma_wait3A_313 = arith.constant 0 : i32
    %dma_wait3A_314 = arith.constant 7 : i32
    %dma_wait3A_315 = arith.constant 1 : i32
    %dma_wait3A_316 = arith.constant 7168 : i32
    %dma_wait3A_317 = tpu.memref_slice %arg9[%dma_wait3A_312, %dma_wait3A_316] : memref<2x8192xf32, #tpu.memory_space<vmem>> -> memref<1x1024xf32, #tpu.memory_space<vmem>>
    %dma_wait3A_318 = tpu.memref_squeeze %dma_wait3A_317 : memref<1x1024xf32, #tpu.memory_space<vmem>> -> memref<1024xf32, #tpu.memory_space<vmem>>
    %dma_wait3A_319 = arith.constant 0 : i32
    %dma_wait3A_320 = tpu.memref_slice %arg4[%dma_wait3A_313, %dma_wait3A_314, %add3A, %dma_wait3A_319] : memref<50x8x32x1024xf32, #tpu.memory_space<hbm>> -> memref<1x1x1x1024xf32, #tpu.memory_space<hbm>>
    %dma_wait3A_321 = tpu.memref_squeeze %dma_wait3A_320 : memref<1x1x1x1024xf32, #tpu.memory_space<hbm>> -> memref<1024xf32, #tpu.memory_space<hbm>>
    %dma_wait3A_322 = tpu.memref_slice %arg11[%dma_wait3A_315] : memref<2x!tpu.dma_semaphore, #tpu.memory_space<semaphore_mem>> -> memref<1x!tpu.dma_semaphore, #tpu.memory_space<semaphore_mem>>
    %dma_wait3A_323 = tpu.memref_squeeze %dma_wait3A_322 : memref<1x!tpu.dma_semaphore, #tpu.memory_space<semaphore_mem>> -> memref<!tpu.dma_semaphore, #tpu.memory_space<semaphore_mem>>
    %dma_wait3A_324 = arith.constant 0 : i32
    %dma_wait3A_325 = tpu.memref_slice %arg4[%dma_wait3A_313, %dma_wait3A_314, %add3A, %dma_wait3A_324] : memref<50x8x32x1024xf32, #tpu.memory_space<hbm>> -> memref<1x1x1x1024xf32, #tpu.memory_space<hbm>>
    %dma_wait3A_326 = tpu.memref_squeeze %dma_wait3A_325 : memref<1x1x1x1024xf32, #tpu.memory_space<hbm>> -> memref<1024xf32, #tpu.memory_space<hbm>>
    %dma_wait3A_327 = arith.constant 7168 : i32
    %dma_wait3A_328 = tpu.memref_slice %arg9[%dma_wait3A_312, %dma_wait3A_327] : memref<2x8192xf32, #tpu.memory_space<vmem>> -> memref<1x1024xf32, #tpu.memory_space<vmem>>
    %dma_wait3A_329 = tpu.memref_squeeze %dma_wait3A_328 : memref<1x1024xf32, #tpu.memory_space<vmem>> -> memref<1024xf32, #tpu.memory_space<vmem>>
    tpu.wait_dma2 semaphore(%dma_wait3A_323 : memref<!tpu.dma_semaphore, #tpu.memory_space<semaphore_mem>>) src(%dma_wait3A_329 : memref<1024xf32, #tpu.memory_space<vmem>>) dst(%dma_wait3A_326 : memref<1024xf32, #tpu.memory_space<hbm>>)
    return
  }
}

module attributes {stable_mosaic.version = 14 : i64} {
  func.func @body(%arg0: i32, %arg1: memref<64x6400xf32, #tpu.memory_space<vmem>>, %arg2: memref<3200x128xf32, #tpu.memory_space<vmem>>) attributes {dimension_semantics = [#tpu.dimension_semantics<arbitrary>], iteration_bounds = array<i64: 157>, scalar_prefetch = 0 : i64, scratch_operands = 0 : i64, tpu.core_type = #tpu.core_type<tc>, window_params = [{transform_indices = @transform_0, window_bounds = array<i64: 64, 6400>}, {transform_indices = @transform_1, window_bounds = array<i64: 3200, 128>}]} {
    %iota3A = tpu.iota {dimensions = array<i32: 0>} : vector<64x64xi32>
    %iota3A_0 = tpu.iota {dimensions = array<i32: 1>} : vector<64x64xi32>
    %eq3A = arith.cmpi eq, %iota3A, %iota3A_0 : vector<64x64xi32>
    %convert_element_type3A = arith.extui %eq3A : vector<64x64xi1> to vector<64x64xi32>
    %convert_element_type3A_1 = arith.sitofp %convert_element_type3A : vector<64x64xi32> to vector<64x64xf32>
    %get3A = arith.constant 0 : index
    %get3A_2 = arith.constant 0 : index
    %get3A_3 = vector.load %arg1[%get3A, %get3A_2] : memref<64x6400xf32, #tpu.memory_space<vmem>>, vector<64x6400xf32>
    %dot_general3A = arith.constant dense<0.000000e+00> : vector<6400x64xf32>
    %dot_general3A_4 = tpu.matmul %get3A_3, %convert_element_type3A_1, %dot_general3A {dimension_numbers = #tpu.dot_dimension_numbers<[0], [0], [1], [1], [0, 1, 1, 1], [], []>, precision = #tpu.contract_precision<fp32>, transpose_lhs_hint = false} : vector<64x6400xf32>, vector<64x64xf32>, vector<6400x64xf32> -> vector<6400x64xf32>
    %reshape3A = vector.shape_cast %dot_general3A_4 : vector<6400x64xf32> to vector<3200x2x64xf32>
    %slice3A = vector.extract_strided_slice %reshape3A {offsets = [0, 0, 0], sizes = [3200, 1, 64], strides = [1, 1, 1]} : vector<3200x2x64xf32> to vector<3200x1x64xf32>
    %squeeze3A = vector.shape_cast %slice3A : vector<3200x1x64xf32> to vector<3200x64xf32>
    %swap3A = arith.constant 0 : index
    %swap3A_5 = arith.constant 0 : index
    %swap3A_6 = vector.load %arg2[%swap3A, %swap3A_5] : memref<3200x128xf32, #tpu.memory_space<vmem>>, vector<3200x64xf32>
    tpu.vector_store %arg2[%swap3A, %swap3A_5], %squeeze3A {strides = array<i32>} : memref<3200x128xf32, #tpu.memory_space<vmem>>, vector<3200x64xf32>,
    %slice3A_7 = vector.extract_strided_slice %reshape3A {offsets = [0, 1, 0], sizes = [3200, 1, 64], strides = [1, 1, 1]} : vector<3200x2x64xf32> to vector<3200x1x64xf32>
    %squeeze3A_8 = vector.shape_cast %slice3A_7 : vector<3200x1x64xf32> to vector<3200x64xf32>
    %swap3A_9 = arith.constant 0 : index
    %swap3A_10 = arith.constant 64 : index
    %swap3A_11 = vector.load %arg2[%swap3A_9, %swap3A_10] : memref<3200x128xf32, #tpu.memory_space<vmem>>, vector<3200x64xf32>
    tpu.vector_store %arg2[%swap3A_9, %swap3A_10], %squeeze3A_8 {strides = array<i32>} : memref<3200x128xf32, #tpu.memory_space<vmem>>, vector<3200x64xf32>,
    return
  }
  func.func @transform_0(%arg0: i32) -> (i32, i32) {
    %c0_i32 = arith.constant 0 : i32
    %c0_i32_0 = arith.constant 0 : i32
    return %c0_i32, %arg0 : i32, i32
  }
  func.func @transform_1(%arg0: i32) -> (i32, i32) {
    %c0_i32 = arith.constant 0 : i32
    %c0_i32_0 = arith.constant 0 : i32
    return %arg0, %c0_i32 : i32, i32
  }
}

</mosaic_0001>

<sc_bundles>
// kernel: kernel.4.cloned.1.call-start
scs
__scs_entry_jumppad:
0x0: {  	(pc) =	sbr.rel $0x88, $3  }
0x1: {  	(tag) =	ssettag $0x0;
	lr =	simm.s32 $0x1  }
0x2: {  	[smem:$0x3F9F] =	sst lr;
	_ =	strace $0xD0000000  }
0x3: {  	_ = 	snop  }
0x4: {  	_ = 	snop  }
0x5: {  	_ = 	snop  }
0x6: {  	_ = 	snop  }
0x7: {  	_ = 	snop  }
__scs_overlays_trampoline_lowered:
0x8: {  	[smem:$0x3FAE] =	sst s0  }
0x9: {  	[smem:$0x3FAF] =	sst s1  }
0xa: {  	[smem:$0x3FB0] =	sst s2  }
0xb: {  	[smem:$0x3FB1] =	sst s3  }
0xc: {  	[smem:$0x3FB2] =	sst s4  }
0xd: {  	[smem:$0x3FB3] =	sst s5  }
0xe: {  	[smem:$0x3FB4] =	sst s6  }
0xf: {  	[smem:$0x3FB5] =	sst s7  }
0x10: {  	[smem:$0x3FB6] =	sst s8  }
0x11: {  	[smem:$0x3FB7] =	sst s9;
	s0 =	simm.s32 @!p0 $0x0  }
0x12: {  	s1 =	sld [smem:$0x3F9D];
	s0 =	simm.s32 @p0 $0x1  }
0x13: {  	[smem:$0x3FB8] =	sst s0;
	s0 =	simm.s32 @!p1 $0x0  }
0x14: {  	s2 =	sld [smem:$0x3F9C];
	s0 =	simm.s32 @p1 $0x1  }
0x15: {  	[smem:$0x3FB9] =	sst s0;
	s0 =	simm.s32 @!p2 $0x0  }
0x16: {  	s3 =	sld [smem:$0x3FDB];
	s0 =	simm.s32 @p2 $0x1  }
0x17: {  	s4 =	simm.s32 $0x1BF5;
	[smem:$0x3FBB] =	sst s0  }
0x18: {  	s0 =	sld [smem:$0x3F9E];
	_ =	swait.ge [sflag:s4], $0x0  }
0x19: {  	s7 =	sld [smem:$0x3F9F]  }
0x1a: {  	s8 =	sadd.s32 $0xFFFFE003, lr  }
0x1b: {  	s9 =	sadd.s32 $0xFFFFFEF7, lr;
	s5 =	simm.s32 $0xFFFFFFFF;
	p2 =	slt.u32 s8, $0xFFFFF086  }
0x1c: {  	p1 =	slt.u32 s9, $0xF7A;
	s5 =	simm.s32 @!p2 $0x0  }
0x1d: {  	s5 =	simm.s32 @p1 $0x1;
	p0 =	seq.s32 s7, s2  }
0x1e: {  	s7 =	smul.u32 @!p0 $0xF7A, s2;
	p2 =	seq.s32 @!p0 s5, $0x0  }
0x1f: {  	s9 =	smul.u32 $0xF7A, s1;
	s8 =	simm.s32 @!p0 $0x1BF5;
	p2 =	por !p2, p0  }
0x20: {  	[sflag:s8] =	ssyncset.s32 @!p0 $0xFFFFF086;
	s6 =	sadd.s32 @!p0 s3, s7;
	s7 =	simm.s32 @!p0 $0x108  }
0x21: {  	s3 =	sadd.s32 s3, s9;
	s6 =	sadd.s32 @!p0 $0x88, s6;
	s7 =	simm.s32 @p2 $0x1082  }
0x22: {  	[simem:s7], [sflag:s8] =	dma.local @!p0 [hbm:s6], $0xF7A  }
0x23: {  	s9 =	sor.u32 $0xD0000000, s2;
	s6 =	simm.s32 $0x108;
	_ =	swait.ge @!p0 [sflag:s8], $0x0  }
0x24: {  	s3 =	sadd.s32 $0x88, s3;
	s6 =	simm.s32 @!p1 $0x1082;
	[sflag:s4] =	ssyncset.s32 $0xFFFFF086  }
0x25: {  	[simem:s6], [sflag:s4] =	dma.local [hbm:s3], $0xF7A  }
0x26: {  	[smem:$0x3F9F] =	sst s1;
	(tag) =	ssettag s2;
	_ =	strace s9  }
0x27: {  	s1 =	sld [smem:$0x3FAF]  }
0x28: {  	s2 =	sld [smem:$0x3FB0]  }
0x29: {  	s4 =	sld [smem:$0x3FB2]  }
0x2a: {  	p0 =	seq.s32 s5, $0x0;
	s5 =	sld [smem:$0x3FB3]  }
0x2b: {  	s6 =	sld [smem:$0x3FB4]  }
0x2c: {  	s7 =	sld [smem:$0x3FB5]  }
0x2d: {  	s3 =	simm.s32 $0x108;
	s8 =	sld [smem:$0x3FB6]  }
0x2e: {  	s3 =	simm.s32 @!p0 $0x1082;
	s9 =	sld [smem:$0x3FB7]  }
0x2f: {  	lr =	sadd.s32 s0, s3;
	s0 =	sld [smem:$0x3FAE]  }
0x30: {  	s3 =	sld [smem:$0x3FB1]  }
0x31: {  	[smem:$0x3FBA] =	sst s10  }
0x32: {  	s10 =	sld [smem:$0x3FB8];
	_ =	sdelay $0x3  }
0x33: {  	p0 =	seq.s32 s10, $0x1;
	s10 =	sld [smem:$0x3FBA];
	_ =	sdelay $0x3  }
0x34: {  	[smem:$0x3FBA] =	sst s10  }
0x35: {  	s10 =	sld [smem:$0x3FB9];
	_ =	sdelay $0x3  }
0x36: {  	p1 =	seq.s32 s10, $0x1;
	s10 =	sld [smem:$0x3FBA];
	_ =	sdelay $0x3  }
0x37: {  	[smem:$0x3FBA] =	sst s10  }
0x38: {  	s10 =	sld [smem:$0x3FBB]  }
0x39: {  	_ = 	snop;
	(pc) =	sbr.ind lr, $3  }
0x3a: {  	_ = 	snop  }
0x3b: {  	_ = 	snop  }
0x3c: {  	p2 =	seq.s32 s10, $0x1;
	s10 =	sld [smem:$0x3FBA]  }
0x3d: {  	_ =	shalt  }
0x3e: {  	_ =	shalt  }
0x3f: {  	_ =	shalt  }
0x40: {  	_ =	shalt  }
0x41: {  	_ =	shalt  }
0x42: {  	_ =	shalt  }
0x43: {  	_ =	shalt  }
0x44: {  	_ =	shalt  }
0x45: {  	_ =	shalt  }
0x46: {  	_ =	shalt  }
0x47: {  	_ =	shalt  }
0x48: {  	_ =	shalt  }
0x49: {  	_ =	shalt  }
0x4a: {  	_ =	shalt  }
0x4b: {  	_ =	shalt  }
0x4c: {  	_ =	shalt  }
0x4d: {  	_ =	shalt  }
0x4e: {  	_ =	shalt  }
0x4f: {  	_ =	shalt  }
0x50: {  	_ =	shalt  }
0x51: {  	_ =	shalt  }
0x52: {  	_ =	shalt  }
0x53: {  	_ =	shalt  }
0x54: {  	_ =	shalt  }
0x55: {  	_ =	shalt  }
0x56: {  	_ =	shalt  }
0x57: {  	_ =	shalt  }
0x58: {  	_ =	shalt  }
0x59: {  	_ =	shalt  }
0x5a: {  	_ =	shalt  }
0x5b: {  	_ =	shalt  }
0x5c: {  	_ =	shalt  }
0x5d: {  	_ =	shalt  }
0x5e: {  	_ =	shalt  }
0x5f: {  	_ =	shalt  }
0x60: {  	_ =	shalt  }
0x61: {  	_ =	shalt  }
0x62: {  	_ =	shalt  }
0x63: {  	_ =	shalt  }
0x64: {  	_ =	shalt  }
0x65: {  	_ =	shalt  }
0x66: {  	_ =	shalt  }
0x67: {  	_ =	shalt  }
0x68: {  	_ =	shalt  }
0x69: {  	_ =	shalt  }
0x6a: {  	_ =	shalt  }
0x6b: {  	_ =	shalt  }
0x6c: {  	_ =	shalt  }
0x6d: {  	_ =	shalt  }
0x6e: {  	_ =	shalt  }
0x6f: {  	_ =	shalt  }
0x70: {  	_ =	shalt  }
0x71: {  	_ =	shalt  }
0x72: {  	_ =	shalt  }
0x73: {  	_ =	shalt  }
0x74: {  	_ =	shalt  }
0x75: {  	_ =	shalt  }
0x76: {  	_ =	shalt  }
0x77: {  	_ =	shalt  }
0x78: {  	_ =	shalt  }
0x79: {  	_ =	shalt  }
0x7a: {  	_ =	shalt  }
0x7b: {  	_ =	shalt  }
0x7c: {  	_ =	shalt  }
0x7d: {  	_ =	shalt  }
0x7e: {  	_ =	shalt  }
0x7f: {  	_ =	shalt  }
0x80: {  	_ =	shalt  }
0x81: {  	_ =	shalt  }
0x82: {  	_ =	shalt  }
0x83: {  	_ =	shalt  }
0x84: {  	_ =	shalt  }
0x85: {  	_ =	shalt  }
0x86: {  	_ =	shalt  }
0x87: {  	_ =	shalt  }
.Lfunc_end0:
.L_simem_size_0:
called_computation_lowered:
.L_overlay_start_0:
0x88: {  	s2 =	sld [smem:$0x3FD9]  }
0x89: {  	s3 =	sld [smem:$0x3FFE];
	_ =	sdelay $0x1  }
0x8a: {  	s1 =	srdreg.scid  }
0x8b: {  	s0 =	sand.u32 $0x1, s1  }
0x8c: {  	s17 =	sshll.u32 s0, $0xA;
	s2 =	sadd.s32 s3, s2  }
0x8d: {  	s2 =	sadd.s32 s2, s17  }
0x8e: {  	[smem:$0x3FC6] =	sst s2  }
0x8f: {  	_ = 	snop  }
0x90: {  	s2 =	sld [smem:$0x3FD0];
	(tm) =	ssettm $0x1  }
0x91: {  	s18 =	sld [smem:$0x3FFB];
	_ =	sdelay $0x3  }
0x92: {  	_ =	strace s18  }
0x93: {  	s3 =	sld [smem:$0x3FFC];
	_ =	sdelay $0x3  }
0x94: {  	_ =	strace s3  }
0x95: {  	s3 =	sld [smem:$0x3FFD];
	_ =	sdelay $0x3  }
0x96: {  	_ =	strace s3  }
0x97: {  	_ =	strace $0x8FFFFFFF  }
0x98: {  	s19 =	sld [smem:$0x3FDB];
	_ =	sdelay $0x1  }
0x99: {  	s4 =	simm.s32 $_scs_section_size  }
0x9a: {  	s5 =	simm.s32 $_size__tile_overlayer_lowered;
	s6 =	simm.s32 $_tile_overlayer_lowered  }
0x9b: {  	s22 =	simm.s32 $0x1BFF;
	s21 =	sshll.u32 s6, $0x1;
	s3 =	sadd.s32 s4, s19  }
0x9c: {  	s7 =	simm.s32 $0x0;
	s20 =	sshll.u32 s5, $0x1;
	s5 =	sadd.s32 s21, s3  }
0x9d: {  	[timem:s7], [sflag:s22] =	dma.local [hbm:s5], s20  }
0x9e: {  	_ =	swait.ge [sflag:s22], s20  }
0x9f: {  	s4 =	ssub.s32 $0x0, s20;
	[sflag:s22] =	ssyncset.done $0x0  }
0xa0: {  	[sflag:s22] =	ssyncadd.s32 s4;
	_ =	sdelay $0x1  }
0xa1: {  	s23 =	simm.s32 $0x1B8B  }
0xa2: {  	_ =	swait.ge [sflag:s23], $0x1  }
0xa3: {  	[sflag:s23] =	ssyncset.done $0x0  }
0xa4: {  	s25 =	simm.s32 $0x1B8E;
	s24 =	sld [smem:$0x3FFE];
	[sflag:s23] =	ssyncadd.s32 $0xFFFFFFFF  }
0xa5: {  	s26 =	simm.s32 $execute0_lowered;
	[smem:$0x3FD2] =	sst s25  }
0xa6: {  	s5 =	sshll.u32 s26, $0x1;
	_ =	strace $0x80000046;
	[dreg:$0x1] =	wrdreg $0xFFFFFFFF  }
0xa7: {  	s28 =	simm.s32 $_size_execute0_lowered;
	s3 =	sadd.s32 s3, s5;
	[dreg:$0x0] =	wrdreg $0x0  }
0xa8: {  	s5 =	sshll.u32 s28, $0x1;
	[dreg:$0x2] =	wrdreg s3  }
0xa9: {  	[dreg:$0x3] =	wrdreg s5  }
0xaa: {  	[dreg:$0x4] =	wrdreg $0xC0  }
0xab: {  	_ =	task [dreg:s7], $0x5FFFF  }
0xac: {  	[dreg:$0x1] =	wrdreg $0xFFFFFFFF  }
0xad: {  	[dreg:$0x0] =	wrdreg $0x60  }
0xae: {  	[dreg:$0x2] =	wrdreg s24  }
0xaf: {  	[dreg:$0x3] =	wrdreg s2  }
0xb0: {  	[dreg:$0x4] =	wrdreg $0x9  }
0xb1: {  	_ =	task.clear_ibuf [dreg:s7], $0x5FFFF;
	_ =	strace $0x90000046  }
0xb2: {  	s29 =	simm.s32 $0x9;
	_ =	strace $0x80000048  }
0xb3: {  	_ =	swait.ge [sflag:s29], $0x1  }
0xb4: {  	[sflag:s29] =	ssyncadd.s32 $0xFFFFFFFF  }
0xb5: {  	_ =	strace $0x90000048  }
0xb6: {  	_ =	sfence  }
0xb7: {  	s30 =	sld [smem:$0x0];
	_ =	sdelay $0x2  }
0xb8: {  	s31 =	sshll.u32 s1, $0xD;
	s1 =	sshrl.u32 s1, $0x2  }
0xb9: {  	s3 =	sand.u32 $0x4000, s31;
	s1 =	sadd.s32 s1, s30  }
0xba: {  	s0 =	sor.u32 s3, s0;
	s1 =	sshll.u32 s1, $0x11  }
0xbb: {  	s0 =	sor.u32 s1, s0  }
0xbc: {  	s0 =	sadd.s32 $0x8F2B, s0  }
0xbd: {  	[sflag:s0] =	ssyncadd.remote.s32 $0x1  }
0xbe: {  	_ =	sfence.sel $0xFFFF  }
0xbf: {  	[dreg:$0x0] =	wrdreg $0xFFFFFFFF;
	(pc) =	sbr.abs _section_cstart, $3  }
0xc0: {  	[dreg:$0x1] =	wrdreg $0xFFFFFFFF  }
0xc1: {  	_ =	task.clear_ibuf [dreg:s7], $0x2FFFF;
	_ =	strace $0x9FFFFFFF  }
0xc2: {  	(tm) =	ssettm $0x7FFFFFFF  }
0xc3: {  	_ =	shalt  }
tec
execute0_lowered:
.L_overlay_start_1:
0x0: {  	(tag) =	ssettag $0x1  }
0x1: {  	v0 =	vlaneseq.u32  }
0x2: {  	v0 =	vmul.u32 $0x80, v0;
	_ =	sdelay $0x1  }
0x3: {  	v1 =	vor.u32 $0x800, v0  }
0x4: {  	v11 =	vor.u32 $0x1000, v0;
	[tilespmem:$0x1FDD0] =	vst v1  }
0x5: {  	s0 =	rddreg [dreg:$0x0];
	s3 =	simm.s32 $0x0;
	v12 =	vor.u32 $0x1800, v0;
	[tilespmem:$0x1FDE0] =	vst v11  }
0x6: {  	[smem:$0x7FF] =	sst s3;
	v13 =	vor.u32 $0x2000, v0;
	[tilespmem:$0x1FDF0] =	vst v12  }
0x7: {  	s1 =	rddreg [dreg:$0x1];
	v14 =	vor.u32 $0x2800, v0;
	_ =	strace $0x80000047;
	[tilespmem:$0x1FE00] =	vst v13  }
0x8: {  	v15 =	vor.u32 $0x3000, v0;
	[tilespmem:$0x1FE10] =	vst v14  }
0x9: {  	v16 =	vor.u32 $0x3800, v0;
	[tilespmem:$0x1FE20] =	vst v15  }
0xa: {  	v17 =	vor.u32 $0x2804, v0;
	[tilespmem:$0x1FE30] =	vst v16  }
0xb: {  	v18 =	vor.u32 $0x3004, v0;
	[tilespmem:$0x1FE40] =	vst v17  }
0xc: {  	v19 =	vor.u32 $0x3804, v0;
	[tilespmem:$0x1FE50] =	vst v18  }
0xd: {  	v20 =	vor.u32 $0x5, v0;
	[tilespmem:$0x1FE60] =	vst v19  }
0xe: {  	v21 =	vor.u32 $0x805, v0;
	[tilespmem:$0x1FE70] =	vst v20  }
0xf: {  	v22 =	vor.u32 $0x1006, v0;
	[tilespmem:$0x1FE80] =	vst v21  }
0x10: {  	v23 =	vor.u32 $0x1806, v0;
	[tilespmem:$0x1FE90] =	vst v22  }
0x11: {  	v32 =	vor.u32 $0x2006, v0;
	[tilespmem:$0x1FEA0] =	vst v23  }
0x12: {  	v55 =	vor.u32 $0x2806, v0;
	[tilespmem:$0x1FEB0] =	vst v32  }
0x13: {  	[tilespmem:$0x1FEC0] =	vst v55  }
0x14: {  	v34 =	vor.u32 $0x3801, v0;
	[tilespmem:$0x1FED0] =	vst v0  }
0x15: {  	v35 =	vor.u32 $0x2, v0;
	[tilespmem:$0x1FEF0] =	vst v34  }
0x16: {  	v36 =	vor.u32 $0x802, v0;
	[tilespmem:$0x1FF00] =	vst v35  }
0x17: {  	v37 =	vor.u32 $0x1002, v0;
	[tilespmem:$0x1FF10] =	vst v36  }
0x18: {  	v38 =	vor.u32 $0x1802, v0;
	[tilespmem:$0x1FF20] =	vst v37  }
0x19: {  	v39 =	vor.u32 $0x2002, v0;
	[tilespmem:$0x1FF30] =	vst v38  }
0x1a: {  	s2 =	srdreg.scid;
	s4 =	stileid.u32;
	v40 =	vor.u32 $0x2802, v0;
	[tilespmem:$0x1FF40] =	vst v39  }
0x1b: {  	s17 =	simm.s32 $0x80;
	s21 =	simm.s32 $0x3300;
	s23 =	simm.s32 $0x7300;
	v27 =	vor.u32 $0x801, v0;
	[tilespmem:$0x1FF50] =	vst v40  }
0x1c: {  	s25 =	simm.s32 $0xDB00;
	s28 =	simm.s32 $0xE300;
	s29 =	simm.s32 $0xE700;
	v25 =	vor.u32 $0x1, v0;
	v28 =	vor.u32 $0x1001, v0;
	v60 =	vor.u32 $0x1801, v0;
	[tilespmem:$0x1FF60] =	vst v27  }
0x1d: {  	s19 =	simm.s32 $0x5;
	s30 =	simm.s32 $0xEB00;
	s31 =	simm.s32 $0xEF00;
	v62 =	vor.u32 $0x2001, v0;
	v63 =	vor.u32 $0x2801, v0;
	v26 =	vor.u32 $0x3001, v0;
	[tilespmem:$0x1FF70] =	vst v28  }
0x1e: {  	s5 =	sshll.u32 s4, $0x1;
	s4 =	sadd.s32 $0x400, s0;
	s9 =	sadd.s32 $0x1000, s1;
	v41 =	vor.u32 $0x3002, v0;
	v42 =	vor.u32 $0x3802, v0;
	v43 =	vor.u32 $0x3, v0;
	[tilespmem:$0x1FF80] =	vst v60  }
0x1f: {  	s24 =	simm.s32 $0x1;
	s10 =	sadd.s32 $0x2000, s1;
	s11 =	sadd.s32 $0x3000, s1;
	v44 =	vor.u32 $0x803, v0;
	v45 =	vor.u32 $0x1003, v0;
	v46 =	vor.u32 $0x1803, v0;
	[tilespmem:$0x1FF90] =	vst v62  }
0x20: {  	s20 =	simm.s32 $0x2;
	s12 =	sadd.s32 $0x4000, s1;
	s13 =	sadd.s32 $0x5000, s1;
	v47 =	vor.u32 $0x2003, v0;
	v48 =	vor.u32 $0x2803, v0;
	v29 =	vor.u32 $0x3805, v0;
	[tilespmem:$0x1FFA0] =	vst v63  }
0x21: {  	s2 =	sand.u32 $0x1, s2;
	s14 =	sadd.s32 $0x6000, s1;
	s15 =	sadd.s32 $0x7000, s1;
	v49 =	vor.u32 $0x3003, v0;
	v50 =	vor.u32 $0x3803, v0;
	v30 =	vor.u32 $0x2805, v0;
	[tilespmem:$0x1FFB0] =	vst v29  }
.Ltmp0:
0x22: {  	s6 =	ssub.s32 $0x2, s2;
	s2 =	sor.u32 s2, s5;
	v51 =	vor.u32 $0x4, v0;
	v52 =	vor.u32 $0x804, v0;
	v58 =	vor.u32 $0x6, v0;
	[tilespmem:$0x1FFC0] =	vst v30;
	(pc) =	sbr.rel .LBB2_1-.Ltmp0, $4  }
0x23: {  	s5 =	sadd.s32 $0x6800, s0;
	s26 =	sshrl.u32 s6, $0x1;
	s7 =	sshll.u32 s2, $0x4;
	v53 =	vor.u32 $0x1004, v0;
	v54 =	vor.u32 $0x1804, v0;
	v56 =	vor.u32 $0x2005, v0;
	[tilespmem:$0x1FFD0] =	vst v58  }
0x24: {  	s8 =	sshll.u32 s2, $0xA;
	v61 =	vor.u32 $0x2004, v0;
	v31 =	vor.u32 $0x1005, v0;
	v33 =	vor.u32 $0x1805, v0;
	s0 =	ssub.s32 s6, s26;
	s7 =	sadd.s32 s4, s7;
	[tilespmem:$0x1FFE0] =	vst v56  }
0x25: {  	v57 =	vor.u32 $0x3005, v0;
	v59 =	vor.u32 $0x806, v0;
	s6 =	sshll.u32 s2, $0x7;
	[dreg:$0x3] =	wrdreg s7;
	s0 =	smax.u32 s0, $0x1;
	v0 =	vor.u32 $0x3006, v0;
	[tilespmem:$0x1FFF0] =	vst v31  }
0x26: {  	s26 =	simm.s32 $0xDF00;
	s7 =	simm.s32 $0x0;
	[dreg:$0x4] =	wrdreg s0;
	[tilespmem:$0x1FEE0] =	vst v0  }
.LBB2_10:
0x27: {  	s0 =	simm.s32 $0x3  }
0x28: {  	_ =	swait.ge [sflag:s0], $0x400  }
0x29: {  	[sflag:s0] =	ssyncset.done $0x0  }
0x2a: {  	[sflag:s0] =	ssyncadd.s32 $0xFFFFFC00  }
0x2b: {  	_ =	swait.ge [sflag:s0], $0x400  }
0x2c: {  	[sflag:s0] =	ssyncset.done $0x0  }
0x2d: {  	[sflag:s0] =	ssyncadd.s32 $0xFFFFFC00  }
0x2e: {  	_ =	swait.ge [sflag:s0], $0x400  }
0x2f: {  	[sflag:s0] =	ssyncset.done $0x0  }
0x30: {  	[sflag:s0] =	ssyncadd.s32 $0xFFFFFC00  }
0x31: {  	_ =	swait.ge [sflag:s0], $0x400  }
0x32: {  	[sflag:s0] =	ssyncset.done $0x0  }
0x33: {  	[sflag:s0] =	ssyncadd.s32 $0xFFFFFC00  }
0x34: {  	_ =	swait.ge [sflag:s0], $0x400  }
0x35: {  	[sflag:s0] =	ssyncset.done $0x0  }
0x36: {  	[sflag:s0] =	ssyncadd.s32 $0xFFFFFC00  }
0x37: {  	_ =	swait.ge [sflag:s0], $0x400  }
0x38: {  	[sflag:s0] =	ssyncset.done $0x0  }
0x39: {  	[sflag:s0] =	ssyncadd.s32 $0xFFFFFC00  }
0x3a: {  	_ =	swait.ge [sflag:s0], $0x400  }
0x3b: {  	[sflag:s0] =	ssyncset.done $0x0  }
0x3c: {  	[sflag:s0] =	ssyncadd.s32 $0xFFFFFC00  }
0x3d: {  	_ =	swait.ge [sflag:s0], $0x400  }
0x3e: {  	[sflag:s0] =	ssyncset.done $0x0  }
0x3f: {  	s2 =	simm.s32 $0x4;
	[sflag:s0] =	ssyncadd.s32 $0xFFFFFC00  }
0x40: {  	_ =	swait.ge [sflag:s2], $0x400  }
0x41: {  	[sflag:s2] =	ssyncset.done $0x0  }
0x42: {  	[sflag:s2] =	ssyncadd.s32 $0xFFFFFC00  }
0x43: {  	_ =	swait.ge [sflag:s2], $0x400  }
0x44: {  	[sflag:s2] =	ssyncset.done $0x0  }
0x45: {  	[sflag:s2] =	ssyncadd.s32 $0xFFFFFC00  }
0x46: {  	_ =	swait.ge [sflag:s2], $0x400  }
0x47: {  	[sflag:s2] =	ssyncset.done $0x0  }
0x48: {  	[sflag:s2] =	ssyncadd.s32 $0xFFFFFC00  }
0x49: {  	_ =	swait.ge [sflag:s2], $0x400  }
0x4a: {  	[sflag:s2] =	ssyncset.done $0x0  }
0x4b: {  	[sflag:s2] =	ssyncadd.s32 $0xFFFFFC00  }
0x4c: {  	_ =	swait.ge [sflag:s2], $0x400  }
0x4d: {  	[sflag:s2] =	ssyncset.done $0x0  }
0x4e: {  	[sflag:s2] =	ssyncadd.s32 $0xFFFFFC00  }
0x4f: {  	_ =	swait.ge [sflag:s2], $0x400  }
0x50: {  	[sflag:s2] =	ssyncset.done $0x0  }
0x51: {  	[sflag:s2] =	ssyncadd.s32 $0xFFFFFC00  }
0x52: {  	_ =	swait.ge [sflag:s2], $0x400  }
0x53: {  	[sflag:s2] =	ssyncset.done $0x0  }
0x54: {  	[sflag:s2] =	ssyncadd.s32 $0xFFFFFC00  }
0x55: {  	_ =	swait.ge [sflag:s2], $0x400  }
0x56: {  	s7 =	rddreg [dreg:$0x5]  }
0x57: {  	s22 =	rddreg [dreg:$0x4];
	v34 =	vld [tilespmem:$0x1FEF0];
	s7 =	sadd.s32 $0x1, s7  }
0x58: {  	v35 =	vld [tilespmem:$0x1FF00];
	p0 =	sne.s32 s7, s22  }
.Ltmp1:
0x59: {  	v36 =	vld [tilespmem:$0x1FF10];
	(pc) =	sbr.rel @!p0 .LBB2_11-.Ltmp1, $4  }
0x5a: {  	v26 =	vmov v32;
	v37 =	vld [tilespmem:$0x1FF20]  }
0x5b: {  	v41 =	vmovc v17;
	v42 =	vmovc v18;
	v43 =	vmov v19;
	v44 =	vmov v20;
	v45 =	vmov v21;
	v38 =	vld [tilespmem:$0x1FF30]  }
0x5c: {  	v46 =	vmovc v22;
	v47 =	vmovc v23;
	v48 =	vmov v24;
	v49 =	vmov v10;
	v50 =	vmov v11;
	[sflag:s2] =	ssyncset.done $0x0;
	v39 =	vld [tilespmem:$0x1FF40]  }
0x5d: {  	v51 =	vmovc v12;
	v52 =	vmovc v13;
	v53 =	vmov v14;
	v54 =	vmov v15;
	v61 =	vmov v16;
	v40 =	vld [tilespmem:$0x1FF50];
	[sflag:s2] =	ssyncadd.s32 $0xFFFFFC00  }
.LBB2_1:
0x5e: {  	[dreg:$0x5] =	wrdreg s7  }
0x5f: {  	s0 =	rddreg [dreg:$0x3];
	s2 =	simm.s32 $0x1000  }
0x60: {  	[tilespmem:s3], [sflag:$0x5] =	stream.strided.gather [hbm4b:s0+s17], $0x1900, s2, s17, $0x38;
	[tilespmem:$0xF300] =	vst v63  }
0x61: {  	_ =	swait.ge [sflag:s19], $0x1900  }
0x62: {  	[sflag:s19] =	ssyncset.done $0x0  }
0x63: {  	s2 =	simm.s32 $0x0;
	[sflag:s19] =	ssyncadd.s32 $0xFFFFE700  }
0x64: {  	v1 =	vld [tilespmem:s2+$0x70]  }
0x65: {  	v4 =	vld [tilespmem:s2+$0x0]  }
0x66: {  	v5 =	vld [tilespmem:s2+$0x10]  }
0x67: {  	v3 =	vld [tilespmem:s2+$0x20]  }
0x68: {  	v2 =	vld [tilespmem:s2+$0x30]  }
0x69: {  	v0 =	vld [tilespmem:s2+$0x40];
	v6 =	vshra.s32 v1, $0x1  }
0x6a: {  	v1 =	vld [tilespmem:s2+$0x50];
	v4 =	vshra.s32 v4, $0x1;
	[tilespmem:s2+$0x1970] =	vst v6  }
0x6b: {  	s7 =	simm.s32 $0x400;
	s0 =	simm.s32 $0x80;
	v5 =	vshra.s32 v5, $0x1;
	[tilespmem:s2+$0x1900] =	vst v4;
	v4 =	vld [tilespmem:s2+$0x60]  }
.LBB2_2:
0x6c: {  	p0 =	sne.s32 s7, $0x6200;
	v6 =	vld [tilespmem:s0+$0x70];
	[tilespmem:s2+$0x1910] =	vst v5;
	v3 =	vshra.s32 v3, $0x1  }
0x6d: {  	v5 =	vld [tilespmem:s0+$0x0];
	[tilespmem:s2+$0x1920] =	vst v3;
	v2 =	vshra.s32 v2, $0x1  }
0x6e: {  	v7 =	vld [tilespmem:s0+$0x10];
	[tilespmem:s2+$0x1930] =	vst v2;
	v0 =	vshra.s32 v0, $0x1  }
.Ltmp2:
0x6f: {  	v3 =	vld [tilespmem:s0+$0x20];
	[tilespmem:s2+$0x1940] =	vst v0;
	v0 =	vshra.s32 v1, $0x1;
	(pc) =	sbr.rel @p0 .LBB2_2-.Ltmp2, $4  }
0x70: {  	v2 =	vld [tilespmem:s0+$0x30];
	[tilespmem:s2+$0x1950] =	vst v0;
	v1 =	vshra.s32 v4, $0x1  }
0x71: {  	v0 =	vld [tilespmem:s0+$0x40];
	v4 =	vshra.s32 v6, $0x1;
	[tilespmem:s2+$0x1960] =	vst v1;
	s2 =	smov.u32 s0  }
0x72: {  	v5 =	vshra.s32 v5, $0x1;
	v1 =	vld [tilespmem:s2+$0x50];
	[tilespmem:s2+$0x1970] =	vst v4  }
0x73: {  	s0 =	sshra.s32 s7, $0x2;
	s7 =	sadd.s32 $0x200, s7;
	[tilespmem:s2+$0x1900] =	vst v5;
	v5 =	vshra.s32 v7, $0x1;
	v4 =	vld [tilespmem:s2+$0x60]  }
0x74: {  	v6 =	vld [tilespmem:s0+$0x70];
	[tilespmem:s2+$0x1910] =	vst v5;
	v3 =	vshra.s32 v3, $0x1  }
0x75: {  	v5 =	vld [tilespmem:s0+$0x0];
	[tilespmem:s2+$0x1920] =	vst v3;
	v2 =	vshra.s32 v2, $0x1  }
0x76: {  	v3 =	vld [tilespmem:s0+$0x10];
	[tilespmem:s2+$0x1930] =	vst v2;
	v0 =	vshra.s32 v0, $0x1  }
0x77: {  	v2 =	vld [tilespmem:s0+$0x20];
	[tilespmem:s2+$0x1940] =	vst v0;
	v15 =	vshra.s32 v1, $0x1  }
0x78: {  	v16 =	vld [tilespmem:s0+$0x30];
	[tilespmem:s2+$0x1950] =	vst v15;
	v17 =	vshra.s32 v4, $0x1  }
0x79: {  	v18 =	vld [tilespmem:s0+$0x40];
	[tilespmem:s2+$0x1960] =	vst v17;
	v19 =	vshra.s32 v6, $0x1  }
0x7a: {  	v20 =	vld [tilespmem:s0+$0x50];
	v5 =	vshra.s32 v5, $0x1;
	[tilespmem:s0+$0x1970] =	vst v19  }
0x7b: {  	v22 =	vld [tilespmem:s0+$0x60];
	[tilespmem:s0+$0x1900] =	vst v5;
	v21 =	vshra.s32 v3, $0x1  }
0x7c: {  	[tilespmem:s0+$0x1910] =	vst v21;
	v23 =	vshra.s32 v2, $0x1  }
0x7d: {  	[tilespmem:s0+$0x1920] =	vst v23;
	v32 =	vshra.s32 v16, $0x1  }
0x7e: {  	[tilespmem:s0+$0x1930] =	vst v32;
	v55 =	vshra.s32 v18, $0x1  }
0x7f: {  	[tilespmem:s0+$0x1940] =	vst v55;
	v56 =	vshra.s32 v20, $0x1  }
0x80: {  	v58 =	vshra.s32 v22, $0x1;
	[tilespmem:s0+$0x1950] =	vst v56  }
0x81: {  	s18 =	simm.s32 $0x1900;
	[tilespmem:s0+$0x1960] =	vst v58  }
0x82: {  	[tilespmem:s21], [sflag:$0x1] =	stream.indirect.gather [hbm4b:s5+s17], $0x80, s18, s17, $0xb8;
	[tilespmem:$0xF300] =	vst v63  }
0x83: {  	s22 =	simm.s32 $0x1980;
	s2 =	simm.s32 $0x0;
	s0 =	simm.s32 $0x0  }
0x84: {  	v32 =	vmov v31;
	[tilespmem:s23], [sflag:$0x2] =	stream.indirect.gather [hbm4b:s5+s17], $0x80, s22, s17, $0xb8;
	[tilespmem:$0xF300] =	vst v63  }
.LBB2_4:
0x85: {  	s7 =	sshll.u32 s2, $0xD  }
0x86: {  	_ =	swait.ge [sflag:s24], $0x4000;
	s7 =	sor.u32 s6, s7  }
0x87: {  	[sflag:s24] =	ssyncset.done $0x0;
	s7 =	sshrl.u32 s7, $0x3  }
0x88: {  	s16 =	simm.s32 $0x3200;
	[sflag:s24] =	ssyncadd.s32 $0xFFFFC000;
	s7 =	sadd.s32 s4, s7  }
0x89: {  	[tilespmem:s16], [sflag:$0x5] =	stream.linear.gather [hbm4b:s7+s3], $0x80, $0x38;
	[tilespmem:$0xF300] =	vst v63  }
0x8a: {  	_ =	swait.ge [sflag:s19], $0x80  }
0x8b: {  	p0 =	seq.s32 s2, $0x0;
	[sflag:s19] =	ssyncset.done $0x0  }
0x8c: {  	s7 =	simm.s32 @!p0 $0x3;
	[sflag:s19] =	ssyncadd.s32 $0xFFFFFF80  }
0x8d: {  	_ =	swait.ge @!p0 [sflag:s7], $0x400  }
0x8e: {  	[sflag:s7] =	ssyncset.done @!p0 $0x0  }
0x8f: {  	[sflag:s7] =	ssyncadd.s32 @!p0 $0xFFFFFC00  }
0x90: {  	_ =	swait.ge @!p0 [sflag:s7], $0x400  }
0x91: {  	[sflag:s7] =	ssyncset.done @!p0 $0x0  }
0x92: {  	[sflag:s7] =	ssyncadd.s32 @!p0 $0xFFFFFC00  }
0x93: {  	_ =	swait.ge @!p0 [sflag:s7], $0x400  }
0x94: {  	[sflag:s7] =	ssyncset.done @!p0 $0x0  }
0x95: {  	[sflag:s7] =	ssyncadd.s32 @!p0 $0xFFFFFC00  }
0x96: {  	_ =	swait.ge @!p0 [sflag:s7], $0x400  }
0x97: {  	[sflag:s7] =	ssyncset.done @!p0 $0x0  }
0x98: {  	[sflag:s7] =	ssyncadd.s32 @!p0 $0xFFFFFC00  }
0x99: {  	_ =	swait.ge @!p0 [sflag:s7], $0x400  }
0x9a: {  	[sflag:s7] =	ssyncset.done @!p0 $0x0  }
0x9b: {  	[sflag:s7] =	ssyncadd.s32 @!p0 $0xFFFFFC00  }
0x9c: {  	_ =	swait.ge @!p0 [sflag:s7], $0x400  }
0x9d: {  	[sflag:s7] =	ssyncset.done @!p0 $0x0  }
0x9e: {  	[sflag:s7] =	ssyncadd.s32 @!p0 $0xFFFFFC00  }
0x9f: {  	_ =	swait.ge @!p0 [sflag:s7], $0x400  }
0xa0: {  	[sflag:s7] =	ssyncset.done @!p0 $0x0  }
0xa1: {  	[sflag:s7] =	ssyncadd.s32 @!p0 $0xFFFFFC00  }
0xa2: {  	_ =	swait.ge @!p0 [sflag:s7], $0x400  }
0xa3: {  	[sflag:s7] =	ssyncset.done @!p0 $0x0  }
0xa4: {  	[sflag:s7] =	ssyncadd.s32 @!p0 $0xFFFFFC00  }
0xa5: {  	v0 =	vld [tilespmem:$0x3200];
	_ =	sdelay $0x1  }
0xa6: {  	v24 =	vld [tilespmem:$0x1FED0];
	_ =	sdelay $0x2  }
0xa7: {  	v1 =	vshll.u32 v0, $0x6  }
0xa8: {  	v0 =	vand.u32 $0x40, v1  }
0xa9: {  	v8 =	vor.u32 v24, v0  }
0xaa: {  	v0 =	vor.u32 s0, v8  }
0xab: {  	v6 =	vld [tilespmem:$0x1FDD0]  }
0xac: {  	v2 =	vld [tilespmem:$0x3210]  }
0xad: {  	v3 =	vld [tilespmem:$0x3220]  }
0xae: {  	v5 =	vld [tilespmem:$0x3230]  }
0xaf: {  	v0 =	vld.idx.msk [tilespmem:v0+s21+$0x0], $0xffff  }
0xb0: {  	v7 =	vld [tilespmem:$0x3250]  }
0xb1: {  	v14 =	vld [tilespmem:$0x3260];
	v2 =	vshll.u32 v2, $0x6  }
0xb2: {  	v15 =	vld [tilespmem:$0x3270];
	v4 =	vand.u32 $0x40, v2  }
0xb3: {  	s22 =	simm.s32 $0xB500;
	v9 =	vor.u32 v6, v4;
	v6 =	vld [tilespmem:$0x3240]  }
0xb4: {  	v4 =	vor.u32 s0, v9;
	[tilespmem:s22+$0xFFFFFE00] =	vst v0;
	v0 =	vld [tilespmem:$0x1FDE0];
	_ =	sdelay $0x2  }
0xb5: {  	v3 =	vshll.u32 v3, $0x6  }
0xb6: {  	v10 =	vand.u32 $0x40, v3  }
0xb7: {  	v10 =	vor.u32 v0, v10;
	v0 =	vld.idx.msk [tilespmem:v4+s21+$0x0], $0xffff;
	_ =	sdelay $0x4  }
0xb8: {  	v12 =	vor.u32 s0, v10;
	[tilespmem:s22+$0xFFFFFE10] =	vst v0;
	v0 =	vld [tilespmem:$0x1FDF0];
	_ =	sdelay $0x2  }
0xb9: {  	v4 =	vshll.u32 v5, $0x6  }
0xba: {  	v5 =	vand.u32 $0x40, v4  }
0xbb: {  	v11 =	vor.u32 v0, v5;
	v0 =	vld.idx.msk [tilespmem:v12+s21+$0x0], $0xffff;
	_ =	sdelay $0x4  }
0xbc: {  	v13 =	vor.u32 s0, v11;
	[tilespmem:s22+$0xFFFFFE20] =	vst v0;
	v0 =	vld [tilespmem:$0x1FE00];
	_ =	sdelay $0x2  }
0xbd: {  	v5 =	vshll.u32 v6, $0x6  }
0xbe: {  	v6 =	vand.u32 $0x40, v5  }
0xbf: {  	v12 =	vor.u32 v0, v6;
	v0 =	vld.idx.msk [tilespmem:v13+s21+$0x0], $0xffff;
	_ =	sdelay $0x4  }
0xc0: {  	v16 =	vor.u32 s0, v12;
	[tilespmem:s22+$0xFFFFFE30] =	vst v0;
	v0 =	vld [tilespmem:$0x1FE10];
	_ =	sdelay $0x2  }
0xc1: {  	v6 =	vshll.u32 v7, $0x6  }
0xc2: {  	v7 =	vand.u32 $0x40, v6  }
0xc3: {  	v13 =	vor.u32 v0, v7;
	v0 =	vld.idx.msk [tilespmem:v16+s21+$0x0], $0xffff  }
0xc4: {  	v16 =	vor.u32 s0, v13;
	_ =	sdelay $0x3  }
0xc5: {  	[tilespmem:s22+$0xFFFFFE40] =	vst v0;
	v0 =	vld [tilespmem:$0x1FE20]  }
0xc6: {  	v16 =	vld.idx.msk [tilespmem:v16+s21+$0x0], $0xffff;
	_ =	sdelay $0x1  }
0xc7: {  	v7 =	vshll.u32 v14, $0x6  }
0xc8: {  	v14 =	vand.u32 $0x40, v7  }
0xc9: {  	v14 =	vor.u32 v0, v14  }
0xca: {  	v17 =	vor.u32 s0, v14;
	[tilespmem:s22+$0xFFFFFE50] =	vst v16;
	v16 =	vld [tilespmem:$0x1FE30];
	_ =	sdelay $0x2  }
0xcb: {  	v0 =	vshll.u32 v15, $0x6  }
0xcc: {  	v15 =	vand.u32 $0x40, v0  }
0xcd: {  	v15 =	vor.u32 v16, v15;
	v16 =	vld.idx.msk [tilespmem:v17+s21+$0x0], $0xffff  }
0xce: {  	v17 =	vor.u32 s0, v15;
	_ =	sdelay $0x3  }
0xcf: {  	[tilespmem:s22+$0xFFFFFE60] =	vst v16;
	v16 =	vor.u32 s0, v1  }
0xd0: {  	v17 =	vld.idx.msk [tilespmem:v17+s21+$0x0], $0xffff;
	v16 =	vand.u32 $0x78, v16  }
0xd1: {  	v18 =	vor.u32 v25, v16;
	_ =	sdelay $0x3  }
0xd2: {  	[tilespmem:s22+$0xFFFFFE70] =	vst v17;
	v17 =	vor.u32 s0, v2  }
0xd3: {  	v18 =	vld.idx.msk [tilespmem:v18+s21+$0x0], $0xffff;
	v17 =	vand.u32 $0x78, v17  }
0xd4: {  	v19 =	vor.u32 v27, v17;
	_ =	sdelay $0x3  }
0xd5: {  	[tilespmem:s22+$0xFFFFFE80] =	vst v18;
	v18 =	vor.u32 s0, v3  }
0xd6: {  	v19 =	vld.idx.msk [tilespmem:v19+s21+$0x0], $0xffff;
	v18 =	vand.u32 $0x78, v18  }
0xd7: {  	v20 =	vor.u32 v28, v18;
	_ =	sdelay $0x3  }
0xd8: {  	[tilespmem:s22+$0xFFFFFE90] =	vst v19;
	v19 =	vor.u32 s0, v4  }
0xd9: {  	v20 =	vld.idx.msk [tilespmem:v20+s21+$0x0], $0xffff;
	v19 =	vand.u32 $0x78, v19  }
0xda: {  	v21 =	vor.u32 v60, v19;
	_ =	sdelay $0x3  }
0xdb: {  	v55 =	vor.u32 s0, v5;
	[tilespmem:s22+$0xFFFFFEA0] =	vst v20  }
0xdc: {  	v20 =	vand.u32 $0x78, v55;
	v21 =	vld.idx.msk [tilespmem:v21+s21+$0x0], $0xffff  }
0xdd: {  	v22 =	vor.u32 v62, v20;
	_ =	sdelay $0x3  }
0xde: {  	v56 =	vor.u32 s0, v6;
	[tilespmem:s22+$0xFFFFFEB0] =	vst v21  }
0xdf: {  	v21 =	vand.u32 $0x78, v56;
	v22 =	vld.idx.msk [tilespmem:v22+s21+$0x0], $0xffff  }
0xe0: {  	v23 =	vor.u32 v63, v21;
	_ =	sdelay $0x3  }
0xe1: {  	v58 =	vor.u32 s0, v7;
	[tilespmem:s22+$0xFFFFFEC0] =	vst v22  }
0xe2: {  	v22 =	vand.u32 $0x78, v58;
	v23 =	vld.idx.msk [tilespmem:v23+s21+$0x0], $0xffff  }
0xe3: {  	v55 =	vor.u32 v26, v22;
	_ =	sdelay $0x3  }
0xe4: {  	v60 =	vor.u32 s0, v0;
	[tilespmem:s22+$0xFFFFFED0] =	vst v23  }
0xe5: {  	v23 =	vand.u32 $0x78, v60;
	v55 =	vld.idx.msk [tilespmem:v55+s21+$0x0], $0xffff  }
0xe6: {  	v56 =	vor.u32 v34, v23;
	_ =	sdelay $0x3  }
0xe7: {  	[tilespmem:s22+$0xFFFFFEE0] =	vst v55  }
0xe8: {  	v55 =	vld.idx.msk [tilespmem:v56+s21+$0x0], $0xffff  }
0xe9: {  	v62 =	vor.u32 v35, v16;
	_ =	sdelay $0x3  }
0xea: {  	[tilespmem:s22+$0xFFFFFEF0] =	vst v55  }
0xeb: {  	v55 =	vld.idx.msk [tilespmem:v62+s21+$0x0], $0xffff  }
0xec: {  	v63 =	vor.u32 v36, v17;
	_ =	sdelay $0x3  }
0xed: {  	[tilespmem:s22+$0xFFFFFF00] =	vst v55  }
0xee: {  	v55 =	vld.idx.msk [tilespmem:v63+s21+$0x0], $0xffff  }
0xef: {  	v60 =	vor.u32 v37, v18;
	_ =	sdelay $0x3  }
0xf0: {  	[tilespmem:s22+$0xFFFFFF10] =	vst v55  }
0xf1: {  	v55 =	vld.idx.msk [tilespmem:v60+s21+$0x0], $0xffff  }
0xf2: {  	v62 =	vor.u32 v38, v19;
	_ =	sdelay $0x3  }
0xf3: {  	[tilespmem:s22+$0xFFFFFF20] =	vst v55  }
0xf4: {  	v55 =	vld.idx.msk [tilespmem:v62+s21+$0x0], $0xffff  }
0xf5: {  	v63 =	vor.u32 v39, v20;
	_ =	sdelay $0x3  }
0xf6: {  	[tilespmem:s22+$0xFFFFFF30] =	vst v55  }
0xf7: {  	v55 =	vld.idx.msk [tilespmem:v63+s21+$0x0], $0xffff  }
0xf8: {  	v60 =	vor.u32 v40, v21;
	_ =	sdelay $0x3  }
0xf9: {  	[tilespmem:s22+$0xFFFFFF40] =	vst v55  }
0xfa: {  	v55 =	vld.idx.msk [tilespmem:v60+s21+$0x0], $0xffff  }
0xfb: {  	v62 =	vor.u32 v41, v22;
	_ =	sdelay $0x3  }
0xfc: {  	[tilespmem:s22+$0xFFFFFF50] =	vst v55  }
0xfd: {  	v55 =	vld.idx.msk [tilespmem:v62+s21+$0x0], $0xffff  }
0xfe: {  	v63 =	vor.u32 v42, v23;
	_ =	sdelay $0x3  }
0xff: {  	[tilespmem:s22+$0xFFFFFF60] =	vst v55  }
0x100: {  	v55 =	vld.idx.msk [tilespmem:v63+s21+$0x0], $0xffff  }
0x101: {  	v60 =	vor.u32 v43, v16;
	_ =	sdelay $0x3  }
0x102: {  	[tilespmem:s22+$0xFFFFFF70] =	vst v55  }
0x103: {  	v55 =	vld.idx.msk [tilespmem:v60+s21+$0x0], $0xffff  }
0x104: {  	v62 =	vor.u32 v44, v17;
	_ =	sdelay $0x3  }
0x105: {  	[tilespmem:s22+$0xFFFFFF80] =	vst v55  }
0x106: {  	v55 =	vld.idx.msk [tilespmem:v62+s21+$0x0], $0xffff  }
0x107: {  	v63 =	vor.u32 v45, v18;
	_ =	sdelay $0x3  }
0x108: {  	[tilespmem:s22+$0xFFFFFF90] =	vst v55  }
0x109: {  	v55 =	vld.idx.msk [tilespmem:v63+s21+$0x0], $0xffff  }
0x10a: {  	v60 =	vor.u32 v46, v19;
	_ =	sdelay $0x3  }
0x10b: {  	[tilespmem:s22+$0xFFFFFFA0] =	vst v55  }
0x10c: {  	v55 =	vld.idx.msk [tilespmem:v60+s21+$0x0], $0xffff  }
0x10d: {  	v62 =	vor.u32 v47, v20;
	_ =	sdelay $0x3  }
0x10e: {  	[tilespmem:s22+$0xFFFFFFB0] =	vst v55  }
0x10f: {  	v55 =	vld.idx.msk [tilespmem:v62+s21+$0x0], $0xffff  }
0x110: {  	v63 =	vor.u32 v48, v21;
	_ =	sdelay $0x3  }
0x111: {  	[tilespmem:s22+$0xFFFFFFC0] =	vst v55  }
0x112: {  	v55 =	vld.idx.msk [tilespmem:v63+s21+$0x0], $0xffff  }
0x113: {  	v60 =	vor.u32 v49, v22;
	_ =	sdelay $0x3  }
0x114: {  	[tilespmem:s22+$0xFFFFFFD0] =	vst v55  }
0x115: {  	v55 =	vld.idx.msk [tilespmem:v60+s21+$0x0], $0xffff  }
0x116: {  	v62 =	vor.u32 v50, v23;
	_ =	sdelay $0x3  }
0x117: {  	[tilespmem:s22+$0xFFFFFFE0] =	vst v55  }
0x118: {  	v55 =	vld.idx.msk [tilespmem:v62+s21+$0x0], $0xffff  }
0x119: {  	v63 =	vor.u32 v51, v16;
	_ =	sdelay $0x3  }
0x11a: {  	[tilespmem:s22+$0xFFFFFFF0] =	vst v55  }
0x11b: {  	v55 =	vld.idx.msk [tilespmem:v63+s21+$0x0], $0xffff  }
0x11c: {  	v60 =	vor.u32 v52, v17;
	_ =	sdelay $0x3  }
0x11d: {  	[tilespmem:s22+$0x0] =	vst v55  }
0x11e: {  	v55 =	vld.idx.msk [tilespmem:v60+s21+$0x0], $0xffff  }
0x11f: {  	v62 =	vor.u32 v53, v18;
	_ =	sdelay $0x3  }
0x120: {  	[tilespmem:s22+$0x10] =	vst v55  }
0x121: {  	v55 =	vld.idx.msk [tilespmem:v62+s21+$0x0], $0xffff  }
0x122: {  	v63 =	vor.u32 v54, v19;
	_ =	sdelay $0x3  }
0x123: {  	[tilespmem:s22+$0x20] =	vst v55  }
0x124: {  	v55 =	vld.idx.msk [tilespmem:v63+s21+$0x0], $0xffff  }
0x125: {  	v60 =	vor.u32 v61, v20  }
0x126: {  	v27 =	vld [tilespmem:$0x1FE40];
	_ =	sdelay $0x2  }
0x127: {  	[tilespmem:s22+$0x30] =	vst v55  }
0x128: {  	v55 =	vld.idx.msk [tilespmem:v60+s21+$0x0], $0xffff  }
0x129: {  	v63 =	vmov v61;
	v61 =	vor.u32 v27, v21  }
0x12a: {  	v28 =	vmov v27;
	v27 =	vld [tilespmem:$0x1FE50];
	_ =	sdelay $0x2  }
0x12b: {  	[tilespmem:s22+$0x40] =	vst v55  }
0x12c: {  	v55 =	vld.idx.msk [tilespmem:v61+s21+$0x0], $0xffff  }
0x12d: {  	v62 =	vor.u32 v27, v22  }
0x12e: {  	v29 =	vmov v27;
	v27 =	vld [tilespmem:$0x1FE60];
	_ =	sdelay $0x2  }
0x12f: {  	[tilespmem:s22+$0x50] =	vst v55  }
0x130: {  	v55 =	vld.idx.msk [tilespmem:v62+s21+$0x0], $0xffff  }
0x131: {  	v60 =	vor.u32 v27, v23  }
0x132: {  	v30 =	vmov v27;
	v27 =	vld [tilespmem:$0x1FE70];
	_ =	sdelay $0x2  }
0x133: {  	[tilespmem:s22+$0x60] =	vst v55  }
0x134: {  	v55 =	vld.idx.msk [tilespmem:v60+s21+$0x0], $0xffff  }
0x135: {  	v61 =	vor.u32 v27, v16  }
0x136: {  	v62 =	vld [tilespmem:$0x1FE80];
	_ =	sdelay $0x2  }
0x137: {  	[tilespmem:s22+$0x70] =	vst v55  }
0x138: {  	v55 =	vld.idx.msk [tilespmem:v61+s21+$0x0], $0xffff  }
0x139: {  	v56 =	vor.u32 v62, v17;
	_ =	sdelay $0x3  }
0x13a: {  	[tilespmem:s22+$0x80] =	vst v55  }
0x13b: {  	v55 =	vld.idx.msk [tilespmem:v56+s21+$0x0], $0xffff  }
0x13c: {  	v32 =	vor.u32 v32, v18;
	_ =	sdelay $0x3  }
0x13d: {  	[tilespmem:s22+$0x90] =	vst v55  }
0x13e: {  	v55 =	vld.idx.msk [tilespmem:v32+s21+$0x0], $0xffff  }
0x13f: {  	v60 =	vor.u32 v33, v19  }
0x140: {  	v32 =	vld [tilespmem:$0x1FFE0];
	_ =	sdelay $0x2  }
0x141: {  	[tilespmem:s22+$0xA0] =	vst v55  }
0x142: {  	v55 =	vld.idx.msk [tilespmem:v60+s21+$0x0], $0xffff  }
0x143: {  	v61 =	vor.u32 v32, v20  }
0x144: {  	v58 =	vld [tilespmem:$0x1FFC0];
	_ =	sdelay $0x2  }
0x145: {  	[tilespmem:s22+$0xB0] =	vst v55  }
0x146: {  	v55 =	vld.idx.msk [tilespmem:v61+s21+$0x0], $0xffff  }
0x147: {  	v31 =	vmov v27;
	v27 =	vmov v62;
	v62 =	vor.u32 v58, v21;
	_ =	sdelay $0x3  }
0x148: {  	[tilespmem:s22+$0xC0] =	vst v55  }
0x149: {  	v55 =	vld.idx.msk [tilespmem:v62+s21+$0x0], $0xffff  }
0x14a: {  	v60 =	vor.u32 v57, v22  }
0x14b: {  	v61 =	vld [tilespmem:$0x1FFB0];
	_ =	sdelay $0x2  }
0x14c: {  	[tilespmem:s22+$0xD0] =	vst v55  }
0x14d: {  	v55 =	vld.idx.msk [tilespmem:v60+s21+$0x0], $0xffff  }
0x14e: {  	v56 =	vor.u32 v61, v23  }
0x14f: {  	v61 =	vld [tilespmem:$0x1FFD0];
	_ =	sdelay $0x2  }
0x150: {  	[tilespmem:s22+$0xE0] =	vst v55  }
0x151: {  	v55 =	vld.idx.msk [tilespmem:v56+s21+$0x0], $0xffff  }
0x152: {  	v62 =	vor.u32 v61, v16;
	_ =	sdelay $0x3  }
0x153: {  	[tilespmem:s22+$0xF0] =	vst v55  }
0x154: {  	v55 =	vld.idx.msk [tilespmem:v62+s21+$0x0], $0xffff  }
0x155: {  	v60 =	vor.u32 v59, v17  }
0x156: {  	v62 =	vld [tilespmem:$0x1FE90];
	_ =	sdelay $0x2  }
0x157: {  	[tilespmem:s22+$0x100] =	vst v55  }
0x158: {  	v55 =	vld.idx.msk [tilespmem:v60+s21+$0x0], $0xffff  }
0x159: {  	v56 =	vor.u32 v62, v18  }
0x15a: {  	v60 =	vld [tilespmem:$0x1FEA0];
	_ =	sdelay $0x2  }
0x15b: {  	[tilespmem:s22+$0x110] =	vst v55  }
0x15c: {  	v55 =	vld.idx.msk [tilespmem:v56+s21+$0x0], $0xffff  }
0x15d: {  	v56 =	vor.u32 v60, v19  }
0x15e: {  	v62 =	vld [tilespmem:$0x1FEB0];
	_ =	sdelay $0x2  }
0x15f: {  	[tilespmem:s22+$0x120] =	vst v55  }
0x160: {  	v55 =	vld.idx.msk [tilespmem:v56+s21+$0x0], $0xffff  }
0x161: {  	v56 =	vor.u32 v62, v20  }
0x162: {  	v60 =	vld [tilespmem:$0x1FEC0];
	_ =	sdelay $0x2  }
0x163: {  	[tilespmem:s22+$0x130] =	vst v55  }
0x164: {  	v55 =	vld.idx.msk [tilespmem:v56+s21+$0x0], $0xffff  }
0x165: {  	v56 =	vor.u32 v60, v21  }
0x166: {  	v62 =	vld [tilespmem:$0x1FEE0];
	_ =	sdelay $0x2  }
0x167: {  	[tilespmem:s22+$0x140] =	vst v55  }
0x168: {  	v55 =	vld.idx.msk [tilespmem:v56+s21+$0x0], $0xffff  }
0x169: {  	v56 =	vor.u32 v62, v22;
	_ =	sdelay $0x3  }
0x16a: {  	[tilespmem:s22+$0x150] =	vst v55  }
0x16b: {  	v60 =	vor.u32 $0x3806, v24;
	v55 =	vld.idx.msk [tilespmem:v56+s21+$0x0], $0xffff  }
0x16c: {  	v56 =	vmov v33;
	v33 =	vor.u32 v60, v23;
	_ =	sdelay $0x3  }
0x16d: {  	[tilespmem:s22+$0x160] =	vst v55  }
0x16e: {  	v62 =	vmov v59;
	v59 =	vmov v57;
	v55 =	vor.u32 $0x7, v24;
	v57 =	vld.idx.msk [tilespmem:v33+s21+$0x0], $0xffff  }
0x16f: {  	v16 =	vor.u32 v55, v16;
	_ =	sdelay $0x3  }
0x170: {  	[tilespmem:s22+$0x170] =	vst v57  }
0x171: {  	[tilespmem:$0x1FD40] =	vst v60;
	v60 =	vor.u32 $0x807, v24;
	v16 =	vld.idx.msk [tilespmem:v16+s21+$0x0], $0xffff  }
0x172: {  	v17 =	vor.u32 v60, v17;
	_ =	sdelay $0x3  }
0x173: {  	[tilespmem:s22+$0x180] =	vst v16  }
0x174: {  	v16 =	vld.idx.msk [tilespmem:v17+s21+$0x0], $0xffff;
	v17 =	vor.u32 $0x1007, v24  }
0x175: {  	[tilespmem:$0x1FD70] =	vst v17;
	v17 =	vor.u32 v17, v18;
	_ =	sdelay $0x3  }
0x176: {  	[tilespmem:s22+$0x190] =	vst v16  }
0x177: {  	v16 =	vld.idx.msk [tilespmem:v17+s21+$0x0], $0xffff;
	v17 =	vor.u32 $0x1807, v24  }
0x178: {  	[tilespmem:$0x1FD80] =	vst v17;
	v17 =	vor.u32 v17, v19;
	_ =	sdelay $0x3  }
0x179: {  	[tilespmem:s22+$0x1A0] =	vst v16  }
0x17a: {  	v16 =	vld.idx.msk [tilespmem:v17+s21+$0x0], $0xffff;
	v17 =	vor.u32 $0x2007, v24  }
0x17b: {  	[tilespmem:$0x1FD90] =	vst v17;
	v17 =	vor.u32 v17, v20;
	_ =	sdelay $0x3  }
0x17c: {  	[tilespmem:s22+$0x1B0] =	vst v16  }
0x17d: {  	v16 =	vld.idx.msk [tilespmem:v17+s21+$0x0], $0xffff;
	v17 =	vor.u32 $0x2807, v24  }
0x17e: {  	[tilespmem:$0x1FDA0] =	vst v17;
	v17 =	vor.u32 v17, v21;
	_ =	sdelay $0x3  }
0x17f: {  	[tilespmem:s22+$0x1C0] =	vst v16  }
0x180: {  	v16 =	vld.idx.msk [tilespmem:v17+s21+$0x0], $0xffff;
	v17 =	vor.u32 $0x3007, v24  }
0x181: {  	[tilespmem:$0x1FDB0] =	vst v17;
	v17 =	vor.u32 v17, v22;
	_ =	sdelay $0x3  }
0x182: {  	[tilespmem:s22+$0x1D0] =	vst v16  }
0x183: {  	v16 =	vld.idx.msk [tilespmem:v17+s21+$0x0], $0xffff;
	v17 =	vor.u32 $0x3807, v24  }
0x184: {  	[tilespmem:$0x1FDC0] =	vst v17;
	v17 =	vor.u32 v17, v23;
	_ =	sdelay $0x1  }
0x185: {  	[tilespmem:$0x1FD60] =	vst v60  }
0x186: {  	v60 =	vld [tilespmem:$0x1FFB0];
	[tilespmem:$0x1FD50] =	vst v55  }
0x187: {  	s7 =	simm.s32 $0x8;
	v55 =	vld [tilespmem:$0x1FFF0];
	[tilespmem:s22+$0x1E0] =	vst v16  }
0x188: {  	s18 =	sshll.u32 s2, $0x1;
	s16 =	simm.s32 $0x10;
	v57 =	vmov v32;
	v16 =	vld.idx.msk [tilespmem:v17+s21+$0x0], $0xffff;
	v17 =	vor.u32 s7, v8  }
.LBB2_5:
0x189: {  	_ =	sdelay $0x3  }
0x18a: {  	[tilespmem:s22+$0x1F0] =	vst v16  }
0x18b: {  	v16 =	vld.idx.msk [tilespmem:v17+s21+$0x0], $0xffff  }
0x18c: {  	v17 =	vor.u32 s7, v9;
	_ =	sdelay $0x2  }
0x18d: {  	s22 =	sadd.s32 $0x400, s22  }
0x18e: {  	[tilespmem:s22+$0xFFFFFE00] =	vst v16  }
0x18f: {  	v16 =	vld.idx.msk [tilespmem:v17+s21+$0x0], $0xffff  }
0x190: {  	v17 =	vor.u32 s7, v10;
	_ =	sdelay $0x3  }
0x191: {  	[tilespmem:s22+$0xFFFFFE10] =	vst v16  }
0x192: {  	v16 =	vld.idx.msk [tilespmem:v17+s21+$0x0], $0xffff  }
0x193: {  	v17 =	vor.u32 s7, v11;
	_ =	sdelay $0x3  }
0x194: {  	[tilespmem:s22+$0xFFFFFE20] =	vst v16  }
0x195: {  	v16 =	vld.idx.msk [tilespmem:v17+s21+$0x0], $0xffff  }
0x196: {  	v17 =	vor.u32 s7, v12;
	_ =	sdelay $0x3  }
0x197: {  	[tilespmem:s22+$0xFFFFFE30] =	vst v16  }
0x198: {  	v16 =	vld.idx.msk [tilespmem:v17+s21+$0x0], $0xffff  }
0x199: {  	v17 =	vor.u32 s7, v13;
	_ =	sdelay $0x3  }
0x19a: {  	[tilespmem:s22+$0xFFFFFE40] =	vst v16  }
0x19b: {  	v16 =	vld.idx.msk [tilespmem:v17+s21+$0x0], $0xffff  }
0x19c: {  	v17 =	vor.u32 s7, v14;
	_ =	sdelay $0x3  }
0x19d: {  	[tilespmem:s22+$0xFFFFFE50] =	vst v16  }
0x19e: {  	v16 =	vld.idx.msk [tilespmem:v17+s21+$0x0], $0xffff  }
0x19f: {  	v17 =	vor.u32 s7, v15;
	_ =	sdelay $0x3  }
0x1a0: {  	[tilespmem:s22+$0xFFFFFE60] =	vst v16;
	v16 =	vor.u32 s7, v1  }
0x1a1: {  	v17 =	vld.idx.msk [tilespmem:v17+s21+$0x0], $0xffff;
	v16 =	vand.u32 $0x78, v16  }
0x1a2: {  	v18 =	vor.u32 v25, v16  }
0x1a3: {  	v19 =	vld [tilespmem:$0x1FF60];
	_ =	sdelay $0x2  }
0x1a4: {  	[tilespmem:s22+$0xFFFFFE70] =	vst v17;
	v17 =	vor.u32 s7, v2  }
0x1a5: {  	v18 =	vld.idx.msk [tilespmem:v18+s21+$0x0], $0xffff;
	v17 =	vand.u32 $0x78, v17  }
0x1a6: {  	v19 =	vor.u32 v19, v17  }
0x1a7: {  	v20 =	vld [tilespmem:$0x1FF70];
	_ =	sdelay $0x2  }
0x1a8: {  	[tilespmem:s22+$0xFFFFFE80] =	vst v18;
	v18 =	vor.u32 s7, v3  }
0x1a9: {  	v19 =	vld.idx.msk [tilespmem:v19+s21+$0x0], $0xffff;
	v18 =	vand.u32 $0x78, v18  }
0x1aa: {  	v20 =	vor.u32 v20, v18  }
0x1ab: {  	v21 =	vld [tilespmem:$0x1FF80];
	_ =	sdelay $0x2  }
0x1ac: {  	[tilespmem:s22+$0xFFFFFE90] =	vst v19;
	v19 =	vor.u32 s7, v4  }
0x1ad: {  	v20 =	vld.idx.msk [tilespmem:v20+s21+$0x0], $0xffff;
	v19 =	vand.u32 $0x78, v19  }
0x1ae: {  	v21 =	vor.u32 v21, v19  }
0x1af: {  	v22 =	vld [tilespmem:$0x1FF90];
	_ =	sdelay $0x2  }
0x1b0: {  	v32 =	vor.u32 s7, v5;
	[tilespmem:s22+$0xFFFFFEA0] =	vst v20  }
0x1b1: {  	v20 =	vand.u32 $0x78, v32;
	v21 =	vld.idx.msk [tilespmem:v21+s21+$0x0], $0xffff  }
0x1b2: {  	v22 =	vor.u32 v22, v20  }
0x1b3: {  	v23 =	vld [tilespmem:$0x1FFA0];
	_ =	sdelay $0x2  }
0x1b4: {  	v33 =	vor.u32 s7, v6;
	[tilespmem:s22+$0xFFFFFEB0] =	vst v21  }
0x1b5: {  	v21 =	vand.u32 $0x78, v33;
	v22 =	vld.idx.msk [tilespmem:v22+s21+$0x0], $0xffff  }
0x1b6: {  	v23 =	vor.u32 v23, v21;
	_ =	sdelay $0x3  }
0x1b7: {  	v32 =	vor.u32 s7, v7;
	[tilespmem:s22+$0xFFFFFEC0] =	vst v22  }
0x1b8: {  	v22 =	vand.u32 $0x78, v32;
	v23 =	vld.idx.msk [tilespmem:v23+s21+$0x0], $0xffff  }
0x1b9: {  	v24 =	vor.u32 v26, v22;
	_ =	sdelay $0x3  }
0x1ba: {  	v33 =	vor.u32 s7, v0;
	[tilespmem:s22+$0xFFFFFED0] =	vst v23  }
0x1bb: {  	v23 =	vand.u32 $0x78, v33;
	v24 =	vld.idx.msk [tilespmem:v24+s21+$0x0], $0xffff  }
0x1bc: {  	v32 =	vmov v26;
	v26 =	vmov v25;
	v25 =	vor.u32 v34, v23;
	_ =	sdelay $0x3  }
0x1bd: {  	[tilespmem:s22+$0xFFFFFEE0] =	vst v24  }
0x1be: {  	v24 =	vld.idx.msk [tilespmem:v25+s21+$0x0], $0xffff  }
0x1bf: {  	v25 =	vor.u32 v35, v16;
	_ =	sdelay $0x3  }
0x1c0: {  	[tilespmem:s22+$0xFFFFFEF0] =	vst v24  }
0x1c1: {  	v24 =	vld.idx.msk [tilespmem:v25+s21+$0x0], $0xffff  }
0x1c2: {  	v25 =	vor.u32 v36, v17;
	_ =	sdelay $0x3  }
0x1c3: {  	[tilespmem:s22+$0xFFFFFF00] =	vst v24  }
0x1c4: {  	v24 =	vld.idx.msk [tilespmem:v25+s21+$0x0], $0xffff  }
0x1c5: {  	v25 =	vor.u32 v37, v18;
	_ =	sdelay $0x3  }
0x1c6: {  	[tilespmem:s22+$0xFFFFFF10] =	vst v24  }
0x1c7: {  	v24 =	vld.idx.msk [tilespmem:v25+s21+$0x0], $0xffff  }
0x1c8: {  	v25 =	vor.u32 v38, v19;
	_ =	sdelay $0x3  }
0x1c9: {  	[tilespmem:s22+$0xFFFFFF20] =	vst v24  }
0x1ca: {  	v24 =	vld.idx.msk [tilespmem:v25+s21+$0x0], $0xffff  }
0x1cb: {  	v25 =	vor.u32 v39, v20;
	_ =	sdelay $0x3  }
0x1cc: {  	[tilespmem:s22+$0xFFFFFF30] =	vst v24  }
0x1cd: {  	v24 =	vld.idx.msk [tilespmem:v25+s21+$0x0], $0xffff  }
0x1ce: {  	v25 =	vor.u32 v40, v21;
	_ =	sdelay $0x3  }
0x1cf: {  	[tilespmem:s22+$0xFFFFFF40] =	vst v24  }
0x1d0: {  	v24 =	vld.idx.msk [tilespmem:v25+s21+$0x0], $0xffff  }
0x1d1: {  	v25 =	vor.u32 v41, v22;
	_ =	sdelay $0x3  }
0x1d2: {  	[tilespmem:s22+$0xFFFFFF50] =	vst v24  }
0x1d3: {  	v24 =	vld.idx.msk [tilespmem:v25+s21+$0x0], $0xffff  }
0x1d4: {  	v25 =	vor.u32 v42, v23;
	_ =	sdelay $0x3  }
0x1d5: {  	[tilespmem:s22+$0xFFFFFF60] =	vst v24  }
0x1d6: {  	v24 =	vld.idx.msk [tilespmem:v25+s21+$0x0], $0xffff  }
0x1d7: {  	v25 =	vor.u32 v43, v16;
	_ =	sdelay $0x3  }
0x1d8: {  	[tilespmem:s22+$0xFFFFFF70] =	vst v24  }
0x1d9: {  	v24 =	vld.idx.msk [tilespmem:v25+s21+$0x0], $0xffff  }
0x1da: {  	v25 =	vor.u32 v44, v17;
	_ =	sdelay $0x3  }
0x1db: {  	[tilespmem:s22+$0xFFFFFF80] =	vst v24  }
0x1dc: {  	v24 =	vld.idx.msk [tilespmem:v25+s21+$0x0], $0xffff  }
0x1dd: {  	v25 =	vor.u32 v45, v18;
	_ =	sdelay $0x3  }
0x1de: {  	[tilespmem:s22+$0xFFFFFF90] =	vst v24  }
0x1df: {  	v24 =	vld.idx.msk [tilespmem:v25+s21+$0x0], $0xffff  }
0x1e0: {  	v25 =	vor.u32 v46, v19;
	_ =	sdelay $0x3  }
0x1e1: {  	[tilespmem:s22+$0xFFFFFFA0] =	vst v24  }
0x1e2: {  	v24 =	vld.idx.msk [tilespmem:v25+s21+$0x0], $0xffff  }
0x1e3: {  	v25 =	vor.u32 v47, v20;
	_ =	sdelay $0x3  }
0x1e4: {  	[tilespmem:s22+$0xFFFFFFB0] =	vst v24  }
0x1e5: {  	v24 =	vld.idx.msk [tilespmem:v25+s21+$0x0], $0xffff  }
0x1e6: {  	v25 =	vor.u32 v48, v21;
	_ =	sdelay $0x3  }
0x1e7: {  	[tilespmem:s22+$0xFFFFFFC0] =	vst v24  }
0x1e8: {  	v24 =	vld.idx.msk [tilespmem:v25+s21+$0x0], $0xffff  }
0x1e9: {  	v25 =	vor.u32 v49, v22;
	_ =	sdelay $0x3  }
0x1ea: {  	[tilespmem:s22+$0xFFFFFFD0] =	vst v24  }
0x1eb: {  	v24 =	vld.idx.msk [tilespmem:v25+s21+$0x0], $0xffff  }
0x1ec: {  	v25 =	vor.u32 v50, v23;
	_ =	sdelay $0x3  }
0x1ed: {  	[tilespmem:s22+$0xFFFFFFE0] =	vst v24  }
0x1ee: {  	v24 =	vld.idx.msk [tilespmem:v25+s21+$0x0], $0xffff  }
0x1ef: {  	v25 =	vor.u32 v51, v16;
	_ =	sdelay $0x3  }
0x1f0: {  	[tilespmem:s22+$0xFFFFFFF0] =	vst v24  }
0x1f1: {  	v24 =	vld.idx.msk [tilespmem:v25+s21+$0x0], $0xffff  }
0x1f2: {  	v25 =	vor.u32 v52, v17;
	_ =	sdelay $0x3  }
0x1f3: {  	[tilespmem:s22+$0x0] =	vst v24  }
0x1f4: {  	v24 =	vld.idx.msk [tilespmem:v25+s21+$0x0], $0xffff  }
0x1f5: {  	v25 =	vor.u32 v53, v18;
	_ =	sdelay $0x3  }
0x1f6: {  	[tilespmem:s22+$0x10] =	vst v24  }
0x1f7: {  	v24 =	vld.idx.msk [tilespmem:v25+s21+$0x0], $0xffff  }
0x1f8: {  	v25 =	vor.u32 v54, v19;
	_ =	sdelay $0x3  }
0x1f9: {  	[tilespmem:s22+$0x20] =	vst v24  }
0x1fa: {  	v24 =	vld.idx.msk [tilespmem:v25+s21+$0x0], $0xffff  }
0x1fb: {  	v25 =	vor.u32 v63, v20;
	_ =	sdelay $0x3  }
0x1fc: {  	[tilespmem:s22+$0x30] =	vst v24  }
0x1fd: {  	v24 =	vld.idx.msk [tilespmem:v25+s21+$0x0], $0xffff  }
0x1fe: {  	v25 =	vor.u32 v28, v21;
	_ =	sdelay $0x3  }
0x1ff: {  	[tilespmem:s22+$0x40] =	vst v24  }
0x200: {  	v24 =	vld.idx.msk [tilespmem:v25+s21+$0x0], $0xffff  }
0x201: {  	v25 =	vor.u32 v29, v22;
	_ =	sdelay $0x3  }
0x202: {  	[tilespmem:s22+$0x50] =	vst v24  }
0x203: {  	v24 =	vld.idx.msk [tilespmem:v25+s21+$0x0], $0xffff  }
0x204: {  	v25 =	vor.u32 v30, v23;
	_ =	sdelay $0x3  }
0x205: {  	[tilespmem:s22+$0x60] =	vst v24  }
0x206: {  	v24 =	vld.idx.msk [tilespmem:v25+s21+$0x0], $0xffff  }
0x207: {  	v25 =	vor.u32 v31, v16;
	_ =	sdelay $0x3  }
0x208: {  	[tilespmem:s22+$0x70] =	vst v24  }
0x209: {  	v24 =	vld.idx.msk [tilespmem:v25+s21+$0x0], $0xffff  }
0x20a: {  	v25 =	vor.u32 v27, v17;
	_ =	sdelay $0x3  }
0x20b: {  	[tilespmem:s22+$0x80] =	vst v24  }
0x20c: {  	v24 =	vld.idx.msk [tilespmem:v25+s21+$0x0], $0xffff  }
0x20d: {  	v25 =	vor.u32 v55, v18;
	_ =	sdelay $0x3  }
0x20e: {  	[tilespmem:s22+$0x90] =	vst v24  }
0x20f: {  	v24 =	vld.idx.msk [tilespmem:v25+s21+$0x0], $0xffff  }
0x210: {  	v25 =	vor.u32 v56, v19;
	_ =	sdelay $0x3  }
0x211: {  	[tilespmem:s22+$0xA0] =	vst v24  }
0x212: {  	v24 =	vld.idx.msk [tilespmem:v25+s21+$0x0], $0xffff  }
0x213: {  	v25 =	vor.u32 v57, v20;
	_ =	sdelay $0x3  }
0x214: {  	[tilespmem:s22+$0xB0] =	vst v24  }
0x215: {  	v24 =	vld.idx.msk [tilespmem:v25+s21+$0x0], $0xffff  }
0x216: {  	v25 =	vor.u32 v58, v21;
	_ =	sdelay $0x3  }
0x217: {  	[tilespmem:s22+$0xC0] =	vst v24  }
0x218: {  	v24 =	vld.idx.msk [tilespmem:v25+s21+$0x0], $0xffff  }
0x219: {  	v25 =	vor.u32 v59, v22;
	_ =	sdelay $0x3  }
0x21a: {  	[tilespmem:s22+$0xD0] =	vst v24  }
0x21b: {  	v24 =	vld.idx.msk [tilespmem:v25+s21+$0x0], $0xffff  }
0x21c: {  	v25 =	vor.u32 v60, v23;
	_ =	sdelay $0x3  }
0x21d: {  	[tilespmem:s22+$0xE0] =	vst v24  }
0x21e: {  	v24 =	vld.idx.msk [tilespmem:v25+s21+$0x0], $0xffff  }
0x21f: {  	v25 =	vor.u32 v61, v16;
	_ =	sdelay $0x3  }
0x220: {  	[tilespmem:s22+$0xF0] =	vst v24  }
0x221: {  	v24 =	vld.idx.msk [tilespmem:v25+s21+$0x0], $0xffff  }
0x222: {  	v25 =	vor.u32 v62, v17;
	_ =	sdelay $0x3  }
0x223: {  	[tilespmem:s22+$0x100] =	vst v24  }
0x224: {  	v24 =	vld.idx.msk [tilespmem:v25+s21+$0x0], $0xffff  }
0x225: {  	v25 =	vld [tilespmem:$0x1FE90];
	_ =	sdelay $0x4  }
0x226: {  	v25 =	vor.u32 v25, v18;
	_ =	sdelay $0x3  }
0x227: {  	[tilespmem:s22+$0x110] =	vst v24  }
0x228: {  	v24 =	vld.idx.msk [tilespmem:v25+s21+$0x0], $0xffff  }
0x229: {  	v25 =	vld [tilespmem:$0x1FEA0];
	_ =	sdelay $0x4  }
0x22a: {  	v25 =	vor.u32 v25, v19;
	_ =	sdelay $0x3  }
0x22b: {  	[tilespmem:s22+$0x120] =	vst v24  }
0x22c: {  	v24 =	vld.idx.msk [tilespmem:v25+s21+$0x0], $0xffff  }
0x22d: {  	v25 =	vld [tilespmem:$0x1FEB0];
	_ =	sdelay $0x4  }
0x22e: {  	v25 =	vor.u32 v25, v20;
	_ =	sdelay $0x3  }
0x22f: {  	[tilespmem:s22+$0x130] =	vst v24  }
0x230: {  	v24 =	vld.idx.msk [tilespmem:v25+s21+$0x0], $0xffff  }
0x231: {  	v25 =	vld [tilespmem:$0x1FEC0];
	_ =	sdelay $0x4  }
0x232: {  	v25 =	vor.u32 v25, v21;
	_ =	sdelay $0x3  }
0x233: {  	[tilespmem:s22+$0x140] =	vst v24  }
0x234: {  	v24 =	vld.idx.msk [tilespmem:v25+s21+$0x0], $0xffff  }
0x235: {  	v25 =	vld [tilespmem:$0x1FEE0];
	_ =	sdelay $0x4  }
0x236: {  	v25 =	vor.u32 v25, v22;
	_ =	sdelay $0x3  }
0x237: {  	[tilespmem:s22+$0x150] =	vst v24  }
0x238: {  	v24 =	vld.idx.msk [tilespmem:v25+s21+$0x0], $0xffff  }
0x239: {  	v25 =	vld [tilespmem:$0x1FD40];
	_ =	sdelay $0x4  }
0x23a: {  	v25 =	vor.u32 v25, v23;
	_ =	sdelay $0x3  }
0x23b: {  	v33 =	vld [tilespmem:$0x1FD50];
	[tilespmem:s22+$0x160] =	vst v24  }
0x23c: {  	v24 =	vld.idx.msk [tilespmem:v25+s21+$0x0], $0xffff;
	_ =	sdelay $0x3  }
0x23d: {  	v16 =	vor.u32 v33, v16  }
0x23e: {  	[tilespmem:s22+$0x170] =	vst v24;
	v24 =	vld [tilespmem:$0x1FD60];
	_ =	sdelay $0x3  }
0x23f: {  	v16 =	vld.idx.msk [tilespmem:v16+s21+$0x0], $0xffff  }
0x240: {  	v17 =	vor.u32 v24, v17;
	_ =	sdelay $0x3  }
0x241: {  	[tilespmem:s22+$0x180] =	vst v16  }
0x242: {  	v16 =	vld.idx.msk [tilespmem:v17+s21+$0x0], $0xffff  }
0x243: {  	v17 =	vld [tilespmem:$0x1FD70];
	_ =	sdelay $0x4  }
0x244: {  	v17 =	vor.u32 v17, v18;
	_ =	sdelay $0x3  }
0x245: {  	[tilespmem:s22+$0x190] =	vst v16  }
0x246: {  	v16 =	vld.idx.msk [tilespmem:v17+s21+$0x0], $0xffff  }
0x247: {  	v17 =	vld [tilespmem:$0x1FD80];
	_ =	sdelay $0x4  }
0x248: {  	v17 =	vor.u32 v17, v19;
	_ =	sdelay $0x3  }
0x249: {  	[tilespmem:s22+$0x1A0] =	vst v16  }
0x24a: {  	v16 =	vld.idx.msk [tilespmem:v17+s21+$0x0], $0xffff  }
0x24b: {  	v17 =	vld [tilespmem:$0x1FD90];
	_ =	sdelay $0x4  }
0x24c: {  	v17 =	vor.u32 v17, v20;
	_ =	sdelay $0x3  }
0x24d: {  	[tilespmem:s22+$0x1B0] =	vst v16  }
0x24e: {  	v16 =	vld.idx.msk [tilespmem:v17+s21+$0x0], $0xffff  }
0x24f: {  	v17 =	vld [tilespmem:$0x1FDA0];
	_ =	sdelay $0x4  }
0x250: {  	v17 =	vor.u32 v17, v21;
	_ =	sdelay $0x3  }
0x251: {  	[tilespmem:s22+$0x1C0] =	vst v16  }
0x252: {  	v16 =	vld.idx.msk [tilespmem:v17+s21+$0x0], $0xffff  }
0x253: {  	v17 =	vld [tilespmem:$0x1FDB0];
	_ =	sdelay $0x4  }
0x254: {  	v17 =	vor.u32 v17, v22;
	_ =	sdelay $0x3  }
0x255: {  	[tilespmem:s22+$0x1D0] =	vst v16  }
0x256: {  	v16 =	vld.idx.msk [tilespmem:v17+s21+$0x0], $0xffff  }
0x257: {  	v17 =	vld [tilespmem:$0x1FDC0];
	_ =	sdelay $0x4  }
0x258: {  	p1 =	sne.s32 s16, $0x38;
	v17 =	vor.u32 v17, v23  }
.Ltmp3:
0x259: {  	_ = 	snop;
	(pc) =	sbr.rel @p1 .LBB2_5-.Ltmp3, $3  }
0x25a: {  	_ =	sdelay $0x1  }
0x25b: {  	s7 =	smov.u32 s16;
	[tilespmem:s22+$0x1E0] =	vst v16  }
0x25c: {  	s16 =	sadd.s32 $0x8, s16;
	v25 =	vmov v26;
	v26 =	vmov v32;
	v16 =	vld.idx.msk [tilespmem:v17+s21+$0x0], $0xffff;
	v17 =	vor.u32 s7, v8  }
0x25d: {  	_ =	sdelay $0x3  }
0x25e: {  	[tilespmem:s22+$0x1F0] =	vst v16  }
0x25f: {  	v8 =	vld.idx.msk [tilespmem:v17+s21+$0x0], $0xffff  }
0x260: {  	v9 =	vor.u32 s7, v9;
	_ =	sdelay $0x2  }
0x261: {  	s16 =	sadd.s32 $0x400, s22  }
0x262: {  	[tilespmem:s16+$0xFFFFFE00] =	vst v8  }
0x263: {  	v8 =	vld.idx.msk [tilespmem:v9+s21+$0x0], $0xffff  }
0x264: {  	v9 =	vor.u32 s7, v10;
	_ =	sdelay $0x3  }
0x265: {  	[tilespmem:s16+$0xFFFFFE10] =	vst v8  }
0x266: {  	v8 =	vld.idx.msk [tilespmem:v9+s21+$0x0], $0xffff  }
0x267: {  	v9 =	vor.u32 s7, v11;
	_ =	sdelay $0x3  }
0x268: {  	[tilespmem:s16+$0xFFFFFE20] =	vst v8  }
0x269: {  	v8 =	vld.idx.msk [tilespmem:v9+s21+$0x0], $0xffff  }
0x26a: {  	v9 =	vor.u32 s7, v12;
	_ =	sdelay $0x3  }
0x26b: {  	[tilespmem:s16+$0xFFFFFE30] =	vst v8  }
0x26c: {  	v8 =	vld.idx.msk [tilespmem:v9+s21+$0x0], $0xffff  }
0x26d: {  	v9 =	vor.u32 s7, v13;
	_ =	sdelay $0x3  }
0x26e: {  	[tilespmem:s16+$0xFFFFFE40] =	vst v8  }
0x26f: {  	v8 =	vld.idx.msk [tilespmem:v9+s21+$0x0], $0xffff  }
0x270: {  	v9 =	vor.u32 s7, v14;
	_ =	sdelay $0x3  }
0x271: {  	[tilespmem:s16+$0xFFFFFE50] =	vst v8  }
0x272: {  	v8 =	vld.idx.msk [tilespmem:v9+s21+$0x0], $0xffff  }
0x273: {  	v9 =	vor.u32 s7, v15;
	_ =	sdelay $0x3  }
0x274: {  	v1 =	vor.u32 s7, v1;
	[tilespmem:s16+$0xFFFFFE60] =	vst v8  }
0x275: {  	v1 =	vand.u32 $0x78, v1;
	v8 =	vld.idx.msk [tilespmem:v9+s21+$0x0], $0xffff  }
0x276: {  	v9 =	vor.u32 v25, v1  }
0x277: {  	v19 =	vld [tilespmem:$0x1FF60];
	_ =	sdelay $0x2  }
0x278: {  	v2 =	vor.u32 s7, v2;
	[tilespmem:s16+$0xFFFFFE70] =	vst v8  }
0x279: {  	v2 =	vand.u32 $0x78, v2;
	v8 =	vld.idx.msk [tilespmem:v9+s21+$0x0], $0xffff  }
0x27a: {  	v9 =	vor.u32 v19, v2  }
0x27b: {  	v20 =	vld [tilespmem:$0x1FF70];
	_ =	sdelay $0x2  }
0x27c: {  	v3 =	vor.u32 s7, v3;
	[tilespmem:s16+$0xFFFFFE80] =	vst v8  }
0x27d: {  	v3 =	vand.u32 $0x78, v3;
	v8 =	vld.idx.msk [tilespmem:v9+s21+$0x0], $0xffff  }
0x27e: {  	v9 =	vor.u32 v20, v3  }
0x27f: {  	v21 =	vld [tilespmem:$0x1FF80];
	_ =	sdelay $0x2  }
0x280: {  	v4 =	vor.u32 s7, v4;
	[tilespmem:s16+$0xFFFFFE90] =	vst v8  }
0x281: {  	v4 =	vand.u32 $0x78, v4;
	v8 =	vld.idx.msk [tilespmem:v9+s21+$0x0], $0xffff  }
0x282: {  	v9 =	vor.u32 v21, v4  }
0x283: {  	v22 =	vld [tilespmem:$0x1FF90];
	_ =	sdelay $0x2  }
0x284: {  	v5 =	vor.u32 s7, v5;
	[tilespmem:s16+$0xFFFFFEA0] =	vst v8  }
0x285: {  	v5 =	vand.u32 $0x78, v5;
	v8 =	vld.idx.msk [tilespmem:v9+s21+$0x0], $0xffff  }
0x286: {  	v9 =	vor.u32 v22, v5  }
0x287: {  	v23 =	vld [tilespmem:$0x1FFA0];
	_ =	sdelay $0x2  }
0x288: {  	v6 =	vor.u32 s7, v6;
	[tilespmem:s16+$0xFFFFFEB0] =	vst v8  }
0x289: {  	v6 =	vand.u32 $0x78, v6;
	v8 =	vld.idx.msk [tilespmem:v9+s21+$0x0], $0xffff  }
0x28a: {  	v9 =	vor.u32 v23, v6;
	_ =	sdelay $0x3  }
0x28b: {  	v7 =	vor.u32 s7, v7;
	[tilespmem:s16+$0xFFFFFEC0] =	vst v8  }
0x28c: {  	v7 =	vand.u32 $0x78, v7;
	v8 =	vld.idx.msk [tilespmem:v9+s21+$0x0], $0xffff  }
0x28d: {  	v9 =	vor.u32 v26, v7;
	_ =	sdelay $0x3  }
0x28e: {  	v0 =	vor.u32 s7, v0;
	[tilespmem:s16+$0xFFFFFED0] =	vst v8  }
0x28f: {  	v0 =	vand.u32 $0x78, v0;
	v8 =	vld.idx.msk [tilespmem:v9+s21+$0x0], $0xffff  }
0x290: {  	v9 =	vor.u32 v34, v0;
	_ =	sdelay $0x3  }
0x291: {  	[tilespmem:s16+$0xFFFFFEE0] =	vst v8  }
0x292: {  	v8 =	vld.idx.msk [tilespmem:v9+s21+$0x0], $0xffff  }
0x293: {  	v9 =	vor.u32 v35, v1;
	_ =	sdelay $0x3  }
0x294: {  	[tilespmem:s16+$0xFFFFFEF0] =	vst v8  }
0x295: {  	v8 =	vld.idx.msk [tilespmem:v9+s21+$0x0], $0xffff  }
0x296: {  	v9 =	vor.u32 v36, v2;
	_ =	sdelay $0x3  }
0x297: {  	[tilespmem:s16+$0xFFFFFF00] =	vst v8  }
0x298: {  	v8 =	vld.idx.msk [tilespmem:v9+s21+$0x0], $0xffff  }
0x299: {  	v9 =	vor.u32 v37, v3;
	_ =	sdelay $0x3  }
0x29a: {  	[tilespmem:s16+$0xFFFFFF10] =	vst v8  }
0x29b: {  	v8 =	vld.idx.msk [tilespmem:v9+s21+$0x0], $0xffff  }
0x29c: {  	v9 =	vor.u32 v38, v4;
	_ =	sdelay $0x3  }
0x29d: {  	[tilespmem:s16+$0xFFFFFF20] =	vst v8  }
0x29e: {  	v8 =	vld.idx.msk [tilespmem:v9+s21+$0x0], $0xffff  }
0x29f: {  	v9 =	vor.u32 v39, v5;
	_ =	sdelay $0x3  }
0x2a0: {  	[tilespmem:s16+$0xFFFFFF30] =	vst v8  }
0x2a1: {  	v8 =	vld.idx.msk [tilespmem:v9+s21+$0x0], $0xffff  }
0x2a2: {  	v9 =	vor.u32 v40, v6;
	_ =	sdelay $0x3  }
0x2a3: {  	[tilespmem:s16+$0xFFFFFF40] =	vst v8  }
0x2a4: {  	v8 =	vld.idx.msk [tilespmem:v9+s21+$0x0], $0xffff  }
0x2a5: {  	v9 =	vor.u32 v41, v7;
	_ =	sdelay $0x3  }
0x2a6: {  	[tilespmem:s16+$0xFFFFFF50] =	vst v8  }
0x2a7: {  	v8 =	vld.idx.msk [tilespmem:v9+s21+$0x0], $0xffff  }
0x2a8: {  	v9 =	vor.u32 v42, v0;
	_ =	sdelay $0x3  }
0x2a9: {  	[tilespmem:s16+$0xFFFFFF60] =	vst v8  }
0x2aa: {  	v8 =	vld.idx.msk [tilespmem:v9+s21+$0x0], $0xffff  }
0x2ab: {  	v9 =	vor.u32 v43, v1;
	_ =	sdelay $0x3  }
0x2ac: {  	[tilespmem:s16+$0xFFFFFF70] =	vst v8  }
0x2ad: {  	v8 =	vld.idx.msk [tilespmem:v9+s21+$0x0], $0xffff  }
0x2ae: {  	v9 =	vor.u32 v44, v2;
	_ =	sdelay $0x3  }
0x2af: {  	[tilespmem:s16+$0xFFFFFF80] =	vst v8  }
0x2b0: {  	v8 =	vld.idx.msk [tilespmem:v9+s21+$0x0], $0xffff  }
0x2b1: {  	v9 =	vor.u32 v45, v3;
	_ =	sdelay $0x3  }
0x2b2: {  	[tilespmem:s16+$0xFFFFFF90] =	vst v8  }
0x2b3: {  	v8 =	vld.idx.msk [tilespmem:v9+s21+$0x0], $0xffff  }
0x2b4: {  	v9 =	vor.u32 v46, v4;
	_ =	sdelay $0x3  }
0x2b5: {  	[tilespmem:s16+$0xFFFFFFA0] =	vst v8  }
0x2b6: {  	v8 =	vld.idx.msk [tilespmem:v9+s21+$0x0], $0xffff  }
0x2b7: {  	v9 =	vor.u32 v47, v5;
	_ =	sdelay $0x3  }
0x2b8: {  	[tilespmem:s16+$0xFFFFFFB0] =	vst v8  }
0x2b9: {  	v8 =	vld.idx.msk [tilespmem:v9+s21+$0x0], $0xffff  }
0x2ba: {  	v9 =	vor.u32 v48, v6;
	_ =	sdelay $0x3  }
0x2bb: {  	[tilespmem:s16+$0xFFFFFFC0] =	vst v8  }
0x2bc: {  	v8 =	vld.idx.msk [tilespmem:v9+s21+$0x0], $0xffff  }
0x2bd: {  	v9 =	vor.u32 v49, v7;
	_ =	sdelay $0x3  }
0x2be: {  	[tilespmem:s16+$0xFFFFFFD0] =	vst v8  }
0x2bf: {  	v8 =	vld.idx.msk [tilespmem:v9+s21+$0x0], $0xffff  }
0x2c0: {  	v9 =	vor.u32 v50, v0;
	_ =	sdelay $0x3  }
0x2c1: {  	[tilespmem:s16+$0xFFFFFFE0] =	vst v8  }
0x2c2: {  	v8 =	vld.idx.msk [tilespmem:v9+s21+$0x0], $0xffff  }
0x2c3: {  	v9 =	vor.u32 v51, v1;
	_ =	sdelay $0x3  }
0x2c4: {  	[tilespmem:s16+$0xFFFFFFF0] =	vst v8  }
0x2c5: {  	v8 =	vld.idx.msk [tilespmem:v9+s21+$0x0], $0xffff  }
0x2c6: {  	v9 =	vor.u32 v52, v2;
	_ =	sdelay $0x3  }
0x2c7: {  	[tilespmem:s16+$0x0] =	vst v8  }
0x2c8: {  	v8 =	vld.idx.msk [tilespmem:v9+s21+$0x0], $0xffff  }
0x2c9: {  	v9 =	vor.u32 v53, v3;
	_ =	sdelay $0x3  }
0x2ca: {  	[tilespmem:s16+$0x10] =	vst v8  }
0x2cb: {  	v8 =	vld.idx.msk [tilespmem:v9+s21+$0x0], $0xffff  }
0x2cc: {  	v9 =	vor.u32 v54, v4;
	_ =	sdelay $0x3  }
0x2cd: {  	[tilespmem:s16+$0x20] =	vst v8  }
0x2ce: {  	v8 =	vld.idx.msk [tilespmem:v9+s21+$0x0], $0xffff  }
0x2cf: {  	v9 =	vor.u32 v63, v5;
	_ =	sdelay $0x3  }
0x2d0: {  	[tilespmem:s16+$0x30] =	vst v8  }
0x2d1: {  	v8 =	vld.idx.msk [tilespmem:v9+s21+$0x0], $0xffff  }
0x2d2: {  	v9 =	vor.u32 v28, v6;
	_ =	sdelay $0x3  }
0x2d3: {  	[tilespmem:s16+$0x40] =	vst v8  }
0x2d4: {  	v8 =	vld.idx.msk [tilespmem:v9+s21+$0x0], $0xffff  }
0x2d5: {  	v9 =	vor.u32 v29, v7;
	_ =	sdelay $0x3  }
0x2d6: {  	[tilespmem:s16+$0x50] =	vst v8  }
0x2d7: {  	v8 =	vld.idx.msk [tilespmem:v9+s21+$0x0], $0xffff  }
0x2d8: {  	v9 =	vor.u32 v30, v0;
	_ =	sdelay $0x3  }
0x2d9: {  	[tilespmem:s16+$0x60] =	vst v8  }
0x2da: {  	v8 =	vld.idx.msk [tilespmem:v9+s21+$0x0], $0xffff  }
0x2db: {  	v9 =	vor.u32 v31, v1;
	_ =	sdelay $0x3  }
0x2dc: {  	[tilespmem:s16+$0x70] =	vst v8  }
0x2dd: {  	v8 =	vld.idx.msk [tilespmem:v9+s21+$0x0], $0xffff  }
0x2de: {  	v9 =	vor.u32 v27, v2;
	_ =	sdelay $0x3  }
0x2df: {  	[tilespmem:s16+$0x80] =	vst v8  }
0x2e0: {  	v8 =	vld.idx.msk [tilespmem:v9+s21+$0x0], $0xffff  }
0x2e1: {  	v9 =	vor.u32 v55, v3;
	_ =	sdelay $0x3  }
0x2e2: {  	[tilespmem:s16+$0x90] =	vst v8  }
0x2e3: {  	v8 =	vld.idx.msk [tilespmem:v9+s21+$0x0], $0xffff  }
0x2e4: {  	v9 =	vor.u32 v56, v4;
	_ =	sdelay $0x3  }
0x2e5: {  	[tilespmem:s16+$0xA0] =	vst v8  }
0x2e6: {  	v8 =	vld.idx.msk [tilespmem:v9+s21+$0x0], $0xffff  }
0x2e7: {  	v9 =	vor.u32 v57, v5;
	_ =	sdelay $0x3  }
0x2e8: {  	[tilespmem:s16+$0xB0] =	vst v8  }
0x2e9: {  	v8 =	vld.idx.msk [tilespmem:v9+s21+$0x0], $0xffff  }
0x2ea: {  	v9 =	vor.u32 v58, v6;
	_ =	sdelay $0x3  }
0x2eb: {  	[tilespmem:s16+$0xC0] =	vst v8  }
0x2ec: {  	v8 =	vld.idx.msk [tilespmem:v9+s21+$0x0], $0xffff  }
0x2ed: {  	v9 =	vor.u32 v59, v7;
	_ =	sdelay $0x3  }
0x2ee: {  	[tilespmem:s16+$0xD0] =	vst v8  }
0x2ef: {  	v8 =	vld.idx.msk [tilespmem:v9+s21+$0x0], $0xffff  }
0x2f0: {  	v9 =	vor.u32 v60, v0;
	_ =	sdelay $0x3  }
0x2f1: {  	[tilespmem:s16+$0xE0] =	vst v8  }
0x2f2: {  	v8 =	vld.idx.msk [tilespmem:v9+s21+$0x0], $0xffff  }
0x2f3: {  	v9 =	vor.u32 v61, v1;
	_ =	sdelay $0x3  }
0x2f4: {  	[tilespmem:s16+$0xF0] =	vst v8  }
0x2f5: {  	v8 =	vld.idx.msk [tilespmem:v9+s21+$0x0], $0xffff  }
0x2f6: {  	v9 =	vor.u32 v62, v2;
	_ =	sdelay $0x3  }
0x2f7: {  	[tilespmem:s16+$0x100] =	vst v8  }
0x2f8: {  	v8 =	vld.idx.msk [tilespmem:v9+s21+$0x0], $0xffff  }
0x2f9: {  	v9 =	vld [tilespmem:$0x1FE90];
	_ =	sdelay $0x4  }
0x2fa: {  	v9 =	vor.u32 v9, v3;
	_ =	sdelay $0x3  }
0x2fb: {  	[tilespmem:s16+$0x110] =	vst v8  }
0x2fc: {  	v8 =	vld.idx.msk [tilespmem:v9+s21+$0x0], $0xffff  }
0x2fd: {  	v9 =	vld [tilespmem:$0x1FEA0];
	_ =	sdelay $0x4  }
0x2fe: {  	v9 =	vor.u32 v9, v4;
	_ =	sdelay $0x3  }
0x2ff: {  	[tilespmem:s16+$0x120] =	vst v8  }
0x300: {  	v8 =	vld.idx.msk [tilespmem:v9+s21+$0x0], $0xffff  }
0x301: {  	v9 =	vld [tilespmem:$0x1FEB0];
	_ =	sdelay $0x4  }
0x302: {  	v9 =	vor.u32 v9, v5;
	_ =	sdelay $0x3  }
0x303: {  	[tilespmem:s16+$0x130] =	vst v8  }
0x304: {  	v8 =	vld.idx.msk [tilespmem:v9+s21+$0x0], $0xffff  }
0x305: {  	v9 =	vld [tilespmem:$0x1FEC0];
	_ =	sdelay $0x4  }
0x306: {  	v9 =	vor.u32 v9, v6;
	_ =	sdelay $0x3  }
0x307: {  	[tilespmem:s16+$0x140] =	vst v8  }
0x308: {  	v8 =	vld.idx.msk [tilespmem:v9+s21+$0x0], $0xffff  }
0x309: {  	v9 =	vld [tilespmem:$0x1FEE0];
	_ =	sdelay $0x4  }
0x30a: {  	v9 =	vor.u32 v9, v7;
	_ =	sdelay $0x3  }
0x30b: {  	[tilespmem:s16+$0x150] =	vst v8  }
0x30c: {  	v8 =	vld.idx.msk [tilespmem:v9+s21+$0x0], $0xffff  }
0x30d: {  	v9 =	vld [tilespmem:$0x1FD40];
	_ =	sdelay $0x4  }
0x30e: {  	v9 =	vor.u32 v9, v0;
	_ =	sdelay $0x3  }
0x30f: {  	[tilespmem:s16+$0x160] =	vst v8  }
0x310: {  	v8 =	vld.idx.msk [tilespmem:v9+s21+$0x0], $0xffff  }
0x311: {  	v9 =	vld [tilespmem:$0x1FD50];
	_ =	sdelay $0x4  }
0x312: {  	v1 =	vor.u32 v9, v1  }
0x313: {  	[tilespmem:s16+$0x170] =	vst v8;
	v8 =	vld [tilespmem:$0x1FD60];
	_ =	sdelay $0x3  }
0x314: {  	v1 =	vld.idx.msk [tilespmem:v1+s21+$0x0], $0xffff  }
0x315: {  	v2 =	vor.u32 v8, v2;
	_ =	sdelay $0x3  }
0x316: {  	[tilespmem:s16+$0x180] =	vst v1  }
0x317: {  	v1 =	vld.idx.msk [tilespmem:v2+s21+$0x0], $0xffff  }
0x318: {  	v2 =	vld [tilespmem:$0x1FD70];
	_ =	sdelay $0x4  }
0x319: {  	v2 =	vor.u32 v2, v3;
	_ =	sdelay $0x3  }
0x31a: {  	[tilespmem:s16+$0x190] =	vst v1  }
0x31b: {  	v1 =	vld.idx.msk [tilespmem:v2+s21+$0x0], $0xffff  }
0x31c: {  	v2 =	vld [tilespmem:$0x1FD80];
	_ =	sdelay $0x4  }
0x31d: {  	v2 =	vor.u32 v2, v4;
	_ =	sdelay $0x3  }
0x31e: {  	[tilespmem:s16+$0x1A0] =	vst v1  }
0x31f: {  	v1 =	vld.idx.msk [tilespmem:v2+s21+$0x0], $0xffff  }
0x320: {  	v2 =	vld [tilespmem:$0x1FD90];
	_ =	sdelay $0x4  }
0x321: {  	v2 =	vor.u32 v2, v5;
	_ =	sdelay $0x3  }
0x322: {  	[tilespmem:s16+$0x1B0] =	vst v1  }
0x323: {  	v1 =	vld.idx.msk [tilespmem:v2+s21+$0x0], $0xffff  }
0x324: {  	v2 =	vld [tilespmem:$0x1FDA0];
	_ =	sdelay $0x4  }
0x325: {  	v2 =	vor.u32 v2, v6;
	_ =	sdelay $0x3  }
0x326: {  	[tilespmem:s16+$0x1C0] =	vst v1  }
0x327: {  	v1 =	vld.idx.msk [tilespmem:v2+s21+$0x0], $0xffff  }
0x328: {  	v2 =	vld [tilespmem:$0x1FDB0];
	_ =	sdelay $0x4  }
0x329: {  	v2 =	vor.u32 v2, v7;
	_ =	sdelay $0x3  }
0x32a: {  	[tilespmem:s16+$0x1D0] =	vst v1  }
0x32b: {  	v1 =	vld.idx.msk [tilespmem:v2+s21+$0x0], $0xffff  }
0x32c: {  	v2 =	vld [tilespmem:$0x1FDC0];
	_ =	sdelay $0x4  }
0x32d: {  	v0 =	vor.u32 v2, v0;
	_ =	sdelay $0x3  }
0x32e: {  	[tilespmem:s16+$0x1E0] =	vst v1  }
0x32f: {  	v0 =	vld.idx.msk [tilespmem:v0+s21+$0x0], $0xffff;
	_ =	sdelay $0x1  }
0x330: {  	s22 =	sshll.u32 s2, $0x13  }
0x331: {  	s7 =	sor.u32 s8, s22  }
0x332: {  	s7 =	sshrl.u32 s7, $0x3  }
0x333: {  	s22 =	simm.s32 $0xB300;
	[tilespmem:s16+$0x1F0] =	vst v0;
	s16 =	sadd.s32 s1, s7  }
0x334: {  	[hbm4b:s16+s3] =	stream.linear.scatter [tilespmem:s22], [sflag:$0x3], $0x400, $0x38;
	[tilespmem:$0xF300] =	vst v63  }
0x335: {  	s16 =	sadd.s32 s7, s9;
	s22 =	simm.s32 $0xB700  }
0x336: {  	[hbm4b:s16+s3] =	stream.linear.scatter [tilespmem:s22], [sflag:$0x3], $0x400, $0x38;
	[tilespmem:$0xF300] =	vst v63  }
0x337: {  	s16 =	sadd.s32 s7, s10;
	s22 =	simm.s32 $0xBB00  }
0x338: {  	[hbm4b:s16+s3] =	stream.linear.scatter [tilespmem:s22], [sflag:$0x3], $0x400, $0x38;
	[tilespmem:$0xF300] =	vst v63  }
0x339: {  	s16 =	sadd.s32 s7, s11;
	s22 =	simm.s32 $0xBF00  }
0x33a: {  	[hbm4b:s16+s3] =	stream.linear.scatter [tilespmem:s22], [sflag:$0x3], $0x400, $0x38;
	[tilespmem:$0xF300] =	vst v63  }
0x33b: {  	s16 =	sadd.s32 s7, s12;
	s22 =	simm.s32 $0xC300  }
0x33c: {  	[hbm4b:s16+s3] =	stream.linear.scatter [tilespmem:s22], [sflag:$0x3], $0x400, $0x38;
	[tilespmem:$0xF300] =	vst v63  }
0x33d: {  	s16 =	sadd.s32 s7, s13;
	s22 =	simm.s32 $0xC700  }
0x33e: {  	[hbm4b:s16+s3] =	stream.linear.scatter [tilespmem:s22], [sflag:$0x3], $0x400, $0x38;
	[tilespmem:$0xF300] =	vst v63  }
0x33f: {  	s16 =	sadd.s32 s7, s14;
	s22 =	simm.s32 $0xCB00  }
0x340: {  	[hbm4b:s16+s3] =	stream.linear.scatter [tilespmem:s22], [sflag:$0x3], $0x400, $0x38;
	[tilespmem:$0xF300] =	vst v63  }
0x341: {  	p1 =	seq.s32 s2, $0x18;
	s7 =	sadd.s32 s7, s15;
	s22 =	simm.s32 $0xCF00  }
0x342: {  	[hbm4b:s7+s3] =	stream.linear.scatter [tilespmem:s22], [sflag:$0x3], $0x400, $0x38;
	[tilespmem:$0xF300] =	vst v63  }
0x343: {  	s7 =	sshll.u32 @!p1 s2, $0x8  }
0x344: {  	s18 =	sor.u32 $0x1, s18;
	s7 =	sand.u32 @!p1 $0x3FFFFF00, s7  }
0x345: {  	s16 =	simm.s32 @!p1 $0x80;
	s22 =	simm.s32 @!p1 $0x3300;
	s7 =	sadd.s32 @!p1 $0x1A00, s7  }
0x346: {  	[tilespmem:s22], [sflag:$0x1] =	stream.indirect.gather @!p1 [hbm4b:s5+s16], $0x80, s7, s16, $0xb8;
	[tilespmem:$0xF300] =	vst v63  }
0x347: {  	s16 =	sshll.u32 s18, $0xC  }
0x348: {  	_ =	swait.ge [sflag:s20], $0x4000;
	s7 =	sor.u32 s6, s16  }
0x349: {  	[sflag:s20] =	ssyncset.done $0x0;
	s7 =	sshrl.u32 s7, $0x3  }
0x34a: {  	s22 =	simm.s32 $0x3280;
	[sflag:s20] =	ssyncadd.s32 $0xFFFFC000;
	s7 =	sadd.s32 s4, s7  }
0x34b: {  	[tilespmem:s22], [sflag:$0x5] =	stream.linear.gather [hbm4b:s7+s3], $0x80, $0x38;
	[tilespmem:$0xF300] =	vst v63  }
0x34c: {  	_ =	swait.ge [sflag:s19], $0x80  }
0x34d: {  	[sflag:s19] =	ssyncset.done $0x0  }
0x34e: {  	s7 =	simm.s32 @!p0 $0x4;
	[sflag:s19] =	ssyncadd.s32 $0xFFFFFF80  }
0x34f: {  	_ =	swait.ge @!p0 [sflag:s7], $0x400  }
0x350: {  	[sflag:s7] =	ssyncset.done @!p0 $0x0  }
0x351: {  	[sflag:s7] =	ssyncadd.s32 @!p0 $0xFFFFFC00  }
0x352: {  	_ =	swait.ge @!p0 [sflag:s7], $0x400  }
0x353: {  	[sflag:s7] =	ssyncset.done @!p0 $0x0  }
0x354: {  	[sflag:s7] =	ssyncadd.s32 @!p0 $0xFFFFFC00  }
0x355: {  	_ =	swait.ge @!p0 [sflag:s7], $0x400  }
0x356: {  	[sflag:s7] =	ssyncset.done @!p0 $0x0  }
0x357: {  	[sflag:s7] =	ssyncadd.s32 @!p0 $0xFFFFFC00  }
0x358: {  	_ =	swait.ge @!p0 [sflag:s7], $0x400  }
0x359: {  	[sflag:s7] =	ssyncset.done @!p0 $0x0  }
0x35a: {  	[sflag:s7] =	ssyncadd.s32 @!p0 $0xFFFFFC00  }
0x35b: {  	_ =	swait.ge @!p0 [sflag:s7], $0x400  }
0x35c: {  	[sflag:s7] =	ssyncset.done @!p0 $0x0  }
0x35d: {  	[sflag:s7] =	ssyncadd.s32 @!p0 $0xFFFFFC00  }
0x35e: {  	_ =	swait.ge @!p0 [sflag:s7], $0x400  }
0x35f: {  	[sflag:s7] =	ssyncset.done @!p0 $0x0  }
0x360: {  	[sflag:s7] =	ssyncadd.s32 @!p0 $0xFFFFFC00  }
0x361: {  	_ =	swait.ge @!p0 [sflag:s7], $0x400  }
0x362: {  	[sflag:s7] =	ssyncset.done @!p0 $0x0  }
0x363: {  	[sflag:s7] =	ssyncadd.s32 @!p0 $0xFFFFFC00  }
0x364: {  	_ =	swait.ge @!p0 [sflag:s7], $0x400  }
0x365: {  	[sflag:s7] =	ssyncset.done @!p0 $0x0  }
0x366: {  	[sflag:s7] =	ssyncadd.s32 @!p0 $0xFFFFFC00  }
0x367: {  	v0 =	vld [tilespmem:$0x3280];
	_ =	sdelay $0x1  }
0x368: {  	v3 =	vld [tilespmem:$0x1FED0];
	_ =	sdelay $0x2  }
0x369: {  	v1 =	vshll.u32 v0, $0x6  }
0x36a: {  	v2 =	vld [tilespmem:$0x3290];
	v0 =	vand.u32 $0x40, v1  }
0x36b: {  	s16 =	simm.s32 $0x0;
	v8 =	vor.u32 v3, v0  }
0x36c: {  	v6 =	vld [tilespmem:$0x1FDD0];
	v0 =	vor.u32 s16, v8;
	_ =	sdelay $0x2  }
0x36d: {  	v5 =	vld [tilespmem:$0x32B0];
	v2 =	vshll.u32 v2, $0x6  }
0x36e: {  	v13 =	vld [tilespmem:$0x32D0];
	v4 =	vand.u32 $0x40, v2  }
0x36f: {  	v9 =	vor.u32 v6, v4;
	v4 =	vld.idx.msk [tilespmem:v0+s23+$0x0], $0xffff  }
0x370: {  	v14 =	vld [tilespmem:$0x32E0]  }
0x371: {  	v15 =	vld [tilespmem:$0x32F0]  }
0x372: {  	v3 =	vld [tilespmem:$0x32A0]  }
0x373: {  	s22 =	simm.s32 $0xD6F0;
	v6 =	vld [tilespmem:$0x32C0]  }
0x374: {  	v7 =	vor.u32 s16, v9;
	[tilespmem:s22+$0xFFFFFC10] =	vst v4;
	v4 =	vld [tilespmem:$0x1FDE0];
	_ =	sdelay $0x2  }
0x375: {  	v0 =	vshll.u32 v3, $0x6  }
0x376: {  	v3 =	vand.u32 $0x40, v0  }
0x377: {  	v10 =	vor.u32 v4, v3;
	v4 =	vld.idx.msk [tilespmem:v7+s23+$0x0], $0xffff;
	_ =	sdelay $0x4  }
0x378: {  	v7 =	vor.u32 s16, v10;
	[tilespmem:s22+$0xFFFFFC20] =	vst v4;
	v4 =	vld [tilespmem:$0x1FDF0];
	_ =	sdelay $0x2  }
0x379: {  	v3 =	vshll.u32 v5, $0x6  }
0x37a: {  	v5 =	vand.u32 $0x40, v3  }
0x37b: {  	v11 =	vor.u32 v4, v5;
	v5 =	vld.idx.msk [tilespmem:v7+s23+$0x0], $0xffff;
	_ =	sdelay $0x4  }
0x37c: {  	v7 =	vor.u32 s16, v11;
	[tilespmem:s22+$0xFFFFFC30] =	vst v5;
	v5 =	vld [tilespmem:$0x1FE00];
	_ =	sdelay $0x2  }
0x37d: {  	v4 =	vshll.u32 v6, $0x6  }
0x37e: {  	v6 =	vand.u32 $0x40, v4  }
0x37f: {  	v12 =	vor.u32 v5, v6;
	v6 =	vld.idx.msk [tilespmem:v7+s23+$0x0], $0xffff;
	_ =	sdelay $0x4  }
0x380: {  	v7 =	vor.u32 s16, v12;
	[tilespmem:s22+$0xFFFFFC40] =	vst v6;
	v6 =	vld [tilespmem:$0x1FE10];
	_ =	sdelay $0x2  }
0x381: {  	v5 =	vshll.u32 v13, $0x6  }
0x382: {  	v13 =	vand.u32 $0x40, v5  }
0x383: {  	v7 =	vld.idx.msk [tilespmem:v7+s23+$0x0], $0xffff;
	v13 =	vor.u32 v6, v13  }
0x384: {  	v16 =	vor.u32 s16, v13;
	_ =	sdelay $0x3  }
0x385: {  	[tilespmem:s22+$0xFFFFFC50] =	vst v7;
	v7 =	vld [tilespmem:$0x1FE20]  }
0x386: {  	v16 =	vld.idx.msk [tilespmem:v16+s23+$0x0], $0xffff;
	_ =	sdelay $0x1  }
0x387: {  	v6 =	vshll.u32 v14, $0x6  }
0x388: {  	v14 =	vand.u32 $0x40, v6  }
0x389: {  	v14 =	vor.u32 v7, v14  }
0x38a: {  	v17 =	vor.u32 s16, v14;
	[tilespmem:s22+$0xFFFFFC60] =	vst v16;
	v16 =	vld [tilespmem:$0x1FE30];
	_ =	sdelay $0x2  }
0x38b: {  	v7 =	vshll.u32 v15, $0x6  }
0x38c: {  	v15 =	vand.u32 $0x40, v7  }
0x38d: {  	v15 =	vor.u32 v16, v15;
	v16 =	vld.idx.msk [tilespmem:v17+s23+$0x0], $0xffff  }
0x38e: {  	v17 =	vor.u32 s16, v15;
	_ =	sdelay $0x3  }
0x38f: {  	[tilespmem:s22+$0xFFFFFC70] =	vst v16;
	v16 =	vor.u32 s16, v1  }
0x390: {  	v17 =	vld.idx.msk [tilespmem:v17+s23+$0x0], $0xffff;
	v16 =	vand.u32 $0x78, v16  }
0x391: {  	v18 =	vor.u32 v25, v16;
	_ =	sdelay $0x3  }
0x392: {  	[tilespmem:s22+$0xFFFFFC80] =	vst v17;
	v17 =	vor.u32 s16, v2  }
0x393: {  	v18 =	vld.idx.msk [tilespmem:v18+s23+$0x0], $0xffff;
	v17 =	vand.u32 $0x78, v17  }
0x394: {  	v19 =	vor.u32 v19, v17;
	_ =	sdelay $0x3  }
0x395: {  	[tilespmem:s22+$0xFFFFFC90] =	vst v18;
	v18 =	vor.u32 s16, v0  }
0x396: {  	v19 =	vld.idx.msk [tilespmem:v19+s23+$0x0], $0xffff;
	v18 =	vand.u32 $0x78, v18  }
0x397: {  	v20 =	vor.u32 v20, v18;
	_ =	sdelay $0x3  }
0x398: {  	[tilespmem:s22+$0xFFFFFCA0] =	vst v19;
	v19 =	vor.u32 s16, v3  }
0x399: {  	v20 =	vld.idx.msk [tilespmem:v20+s23+$0x0], $0xffff;
	v19 =	vand.u32 $0x78, v19  }
0x39a: {  	v21 =	vor.u32 v21, v19;
	_ =	sdelay $0x3  }
0x39b: {  	[tilespmem:s22+$0xFFFFFCB0] =	vst v20;
	v20 =	vor.u32 s16, v4  }
0x39c: {  	v21 =	vld.idx.msk [tilespmem:v21+s23+$0x0], $0xffff;
	v20 =	vand.u32 $0x78, v20  }
0x39d: {  	v22 =	vor.u32 v22, v20;
	_ =	sdelay $0x3  }
0x39e: {  	[tilespmem:s22+$0xFFFFFCC0] =	vst v21;
	v21 =	vor.u32 s16, v5  }
0x39f: {  	v22 =	vld.idx.msk [tilespmem:v22+s23+$0x0], $0xffff;
	v21 =	vand.u32 $0x78, v21  }
0x3a0: {  	v23 =	vor.u32 v23, v21;
	_ =	sdelay $0x3  }
0x3a1: {  	[tilespmem:s22+$0xFFFFFCD0] =	vst v22;
	v22 =	vor.u32 s16, v6  }
0x3a2: {  	v33 =	vmovc v34;
	v34 =	vmovc v35;
	v35 =	vmov v36;
	v36 =	vmov v37;
	v23 =	vld.idx.msk [tilespmem:v23+s23+$0x0], $0xffff;
	v22 =	vand.u32 $0x78, v22  }
0x3a3: {  	v37 =	vmovc v38;
	v38 =	vmovc v39;
	v39 =	vmov v40;
	v40 =	vmov v41;
	v24 =	vor.u32 v26, v22  }
0x3a4: {  	v41 =	vmovc v42;
	v42 =	vmovc v43;
	v43 =	vmov v44;
	v44 =	vmov v45;
	v45 =	vmov v46  }
0x3a5: {  	v46 =	vmovc v47;
	v47 =	vmovc v48;
	v48 =	vmov v49;
	v49 =	vmov v50;
	v50 =	vmov v51  }
0x3a6: {  	v51 =	vmovc v52;
	v52 =	vmovc v53;
	v53 =	vmov v54;
	v54 =	vmov v63;
	v63 =	vmov v28  }
0x3a7: {  	[tilespmem:s22+$0xFFFFFCE0] =	vst v23;
	v23 =	vor.u32 s16, v7  }
0x3a8: {  	v28 =	vmov v29;
	v29 =	vmov v30;
	v24 =	vld.idx.msk [tilespmem:v24+s23+$0x0], $0xffff;
	v23 =	vand.u32 $0x78, v23  }
0x3a9: {  	v30 =	vmovc v31;
	v31 =	vmovc v27;
	v27 =	vmov v63;
	v63 =	vmov v25;
	v25 =	vor.u32 v33, v23;
	_ =	sdelay $0x3  }
0x3aa: {  	[tilespmem:s22+$0xFFFFFCF0] =	vst v24  }
0x3ab: {  	v24 =	vld.idx.msk [tilespmem:v25+s23+$0x0], $0xffff  }
0x3ac: {  	v25 =	vor.u32 v34, v16;
	_ =	sdelay $0x3  }
0x3ad: {  	[tilespmem:s22+$0xFFFFFD00] =	vst v24  }
0x3ae: {  	v24 =	vld.idx.msk [tilespmem:v25+s23+$0x0], $0xffff  }
0x3af: {  	v25 =	vor.u32 v35, v17;
	_ =	sdelay $0x3  }
0x3b0: {  	[tilespmem:s22+$0xFFFFFD10] =	vst v24  }
0x3b1: {  	v24 =	vld.idx.msk [tilespmem:v25+s23+$0x0], $0xffff  }
0x3b2: {  	v25 =	vor.u32 v36, v18;
	_ =	sdelay $0x3  }
0x3b3: {  	[tilespmem:s22+$0xFFFFFD20] =	vst v24  }
0x3b4: {  	v24 =	vld.idx.msk [tilespmem:v25+s23+$0x0], $0xffff  }
0x3b5: {  	v25 =	vor.u32 v37, v19;
	_ =	sdelay $0x3  }
0x3b6: {  	[tilespmem:s22+$0xFFFFFD30] =	vst v24  }
0x3b7: {  	v24 =	vld.idx.msk [tilespmem:v25+s23+$0x0], $0xffff  }
0x3b8: {  	v25 =	vor.u32 v38, v20;
	_ =	sdelay $0x3  }
0x3b9: {  	[tilespmem:s22+$0xFFFFFD40] =	vst v24  }
0x3ba: {  	v24 =	vld.idx.msk [tilespmem:v25+s23+$0x0], $0xffff  }
0x3bb: {  	v25 =	vor.u32 v39, v21;
	_ =	sdelay $0x3  }
0x3bc: {  	[tilespmem:s22+$0xFFFFFD50] =	vst v24  }
0x3bd: {  	v24 =	vld.idx.msk [tilespmem:v25+s23+$0x0], $0xffff  }
0x3be: {  	v25 =	vor.u32 v40, v22;
	_ =	sdelay $0x3  }
0x3bf: {  	[tilespmem:s22+$0xFFFFFD60] =	vst v24  }
0x3c0: {  	v24 =	vld.idx.msk [tilespmem:v25+s23+$0x0], $0xffff  }
0x3c1: {  	v25 =	vor.u32 v41, v23;
	_ =	sdelay $0x3  }
0x3c2: {  	[tilespmem:s22+$0xFFFFFD70] =	vst v24  }
0x3c3: {  	v24 =	vld.idx.msk [tilespmem:v25+s23+$0x0], $0xffff  }
0x3c4: {  	v25 =	vor.u32 v42, v16;
	_ =	sdelay $0x3  }
0x3c5: {  	[tilespmem:s22+$0xFFFFFD80] =	vst v24  }
0x3c6: {  	v24 =	vld.idx.msk [tilespmem:v25+s23+$0x0], $0xffff  }
0x3c7: {  	v25 =	vor.u32 v43, v17;
	_ =	sdelay $0x3  }
0x3c8: {  	[tilespmem:s22+$0xFFFFFD90] =	vst v24  }
0x3c9: {  	v24 =	vld.idx.msk [tilespmem:v25+s23+$0x0], $0xffff  }
0x3ca: {  	v25 =	vor.u32 v44, v18;
	_ =	sdelay $0x3  }
0x3cb: {  	[tilespmem:s22+$0xFFFFFDA0] =	vst v24  }
0x3cc: {  	v24 =	vld.idx.msk [tilespmem:v25+s23+$0x0], $0xffff  }
0x3cd: {  	v25 =	vor.u32 v45, v19;
	_ =	sdelay $0x3  }
0x3ce: {  	[tilespmem:s22+$0xFFFFFDB0] =	vst v24  }
0x3cf: {  	v24 =	vld.idx.msk [tilespmem:v25+s23+$0x0], $0xffff  }
0x3d0: {  	v25 =	vor.u32 v46, v20;
	_ =	sdelay $0x3  }
0x3d1: {  	[tilespmem:s22+$0xFFFFFDC0] =	vst v24  }
0x3d2: {  	v24 =	vld.idx.msk [tilespmem:v25+s23+$0x0], $0xffff  }
0x3d3: {  	v25 =	vor.u32 v47, v21;
	_ =	sdelay $0x3  }
0x3d4: {  	[tilespmem:s22+$0xFFFFFDD0] =	vst v24  }
0x3d5: {  	v24 =	vld.idx.msk [tilespmem:v25+s23+$0x0], $0xffff  }
0x3d6: {  	v25 =	vor.u32 v48, v22;
	_ =	sdelay $0x3  }
0x3d7: {  	[tilespmem:s22+$0xFFFFFDE0] =	vst v24  }
0x3d8: {  	v24 =	vld.idx.msk [tilespmem:v25+s23+$0x0], $0xffff  }
0x3d9: {  	v25 =	vor.u32 v49, v23;
	_ =	sdelay $0x3  }
0x3da: {  	[tilespmem:s22+$0xFFFFFDF0] =	vst v24  }
0x3db: {  	v24 =	vld.idx.msk [tilespmem:v25+s23+$0x0], $0xffff  }
0x3dc: {  	v25 =	vor.u32 v50, v16;
	_ =	sdelay $0x3  }
0x3dd: {  	[tilespmem:s22+$0xFFFFFE00] =	vst v24  }
0x3de: {  	v24 =	vld.idx.msk [tilespmem:v25+s23+$0x0], $0xffff  }
0x3df: {  	v25 =	vor.u32 v51, v17;
	_ =	sdelay $0x3  }
0x3e0: {  	[tilespmem:s22+$0xFFFFFE10] =	vst v24  }
0x3e1: {  	v24 =	vld.idx.msk [tilespmem:v25+s23+$0x0], $0xffff  }
0x3e2: {  	v25 =	vor.u32 v52, v18;
	_ =	sdelay $0x3  }
0x3e3: {  	[tilespmem:s22+$0xFFFFFE20] =	vst v24  }
0x3e4: {  	v24 =	vld.idx.msk [tilespmem:v25+s23+$0x0], $0xffff  }
0x3e5: {  	v25 =	vor.u32 v53, v19;
	_ =	sdelay $0x3  }
0x3e6: {  	[tilespmem:s22+$0xFFFFFE30] =	vst v24  }
0x3e7: {  	v24 =	vld.idx.msk [tilespmem:v25+s23+$0x0], $0xffff  }
0x3e8: {  	v25 =	vor.u32 v54, v20;
	_ =	sdelay $0x3  }
0x3e9: {  	[tilespmem:s22+$0xFFFFFE40] =	vst v24  }
0x3ea: {  	v24 =	vld.idx.msk [tilespmem:v25+s23+$0x0], $0xffff  }
0x3eb: {  	v25 =	vor.u32 v27, v21;
	_ =	sdelay $0x3  }
0x3ec: {  	[tilespmem:s22+$0xFFFFFE50] =	vst v24  }
0x3ed: {  	v24 =	vld.idx.msk [tilespmem:v25+s23+$0x0], $0xffff  }
0x3ee: {  	v25 =	vor.u32 v28, v22;
	_ =	sdelay $0x3  }
0x3ef: {  	[tilespmem:s22+$0xFFFFFE60] =	vst v24  }
0x3f0: {  	v24 =	vld.idx.msk [tilespmem:v25+s23+$0x0], $0xffff  }
0x3f1: {  	v25 =	vor.u32 v29, v23;
	_ =	sdelay $0x3  }
0x3f2: {  	[tilespmem:s22+$0xFFFFFE70] =	vst v24  }
0x3f3: {  	v24 =	vld.idx.msk [tilespmem:v25+s23+$0x0], $0xffff  }
0x3f4: {  	v25 =	vor.u32 v30, v16;
	_ =	sdelay $0x3  }
0x3f5: {  	[tilespmem:s22+$0xFFFFFE80] =	vst v24  }
0x3f6: {  	v24 =	vld.idx.msk [tilespmem:v25+s23+$0x0], $0xffff  }
0x3f7: {  	v25 =	vor.u32 v31, v17;
	_ =	sdelay $0x3  }
0x3f8: {  	[tilespmem:s22+$0xFFFFFE90] =	vst v24  }
0x3f9: {  	v24 =	vld.idx.msk [tilespmem:v25+s23+$0x0], $0xffff  }
0x3fa: {  	v25 =	vor.u32 v55, v18;
	_ =	sdelay $0x3  }
0x3fb: {  	[tilespmem:s22+$0xFFFFFEA0] =	vst v24  }
0x3fc: {  	v24 =	vld.idx.msk [tilespmem:v25+s23+$0x0], $0xffff  }
0x3fd: {  	v25 =	vor.u32 v56, v19;
	_ =	sdelay $0x3  }
0x3fe: {  	[tilespmem:s22+$0xFFFFFEB0] =	vst v24  }
0x3ff: {  	v24 =	vld.idx.msk [tilespmem:v25+s23+$0x0], $0xffff  }
0x400: {  	v25 =	vor.u32 v57, v20;
	_ =	sdelay $0x3  }
0x401: {  	[tilespmem:s22+$0xFFFFFEC0] =	vst v24  }
0x402: {  	v24 =	vld.idx.msk [tilespmem:v25+s23+$0x0], $0xffff  }
0x403: {  	v25 =	vor.u32 v58, v21;
	_ =	sdelay $0x3  }
0x404: {  	[tilespmem:s22+$0xFFFFFED0] =	vst v24  }
0x405: {  	v24 =	vld.idx.msk [tilespmem:v25+s23+$0x0], $0xffff  }
0x406: {  	v25 =	vor.u32 v59, v22;
	_ =	sdelay $0x3  }
0x407: {  	[tilespmem:s22+$0xFFFFFEE0] =	vst v24  }
0x408: {  	v24 =	vld.idx.msk [tilespmem:v25+s23+$0x0], $0xffff  }
0x409: {  	v25 =	vor.u32 v60, v23;
	_ =	sdelay $0x3  }
0x40a: {  	[tilespmem:s22+$0xFFFFFEF0] =	vst v24  }
0x40b: {  	v24 =	vld.idx.msk [tilespmem:v25+s23+$0x0], $0xffff  }
0x40c: {  	v25 =	vor.u32 v61, v16;
	_ =	sdelay $0x3  }
0x40d: {  	[tilespmem:s22+$0xFFFFFF00] =	vst v24  }
0x40e: {  	v24 =	vld.idx.msk [tilespmem:v25+s23+$0x0], $0xffff  }
0x40f: {  	v25 =	vor.u32 v62, v17;
	_ =	sdelay $0x3  }
0x410: {  	[tilespmem:s22+$0xFFFFFF10] =	vst v24  }
0x411: {  	v24 =	vld.idx.msk [tilespmem:v25+s23+$0x0], $0xffff  }
0x412: {  	v25 =	vld [tilespmem:$0x1FE90];
	_ =	sdelay $0x4  }
0x413: {  	v25 =	vor.u32 v25, v18;
	_ =	sdelay $0x3  }
0x414: {  	[tilespmem:s22+$0xFFFFFF20] =	vst v24  }
0x415: {  	v24 =	vld.idx.msk [tilespmem:v25+s23+$0x0], $0xffff  }
0x416: {  	v25 =	vld [tilespmem:$0x1FEA0];
	_ =	sdelay $0x4  }
0x417: {  	v25 =	vor.u32 v25, v19;
	_ =	sdelay $0x3  }
0x418: {  	[tilespmem:s22+$0xFFFFFF30] =	vst v24  }
0x419: {  	v24 =	vld.idx.msk [tilespmem:v25+s23+$0x0], $0xffff  }
0x41a: {  	v25 =	vld [tilespmem:$0x1FEB0];
	_ =	sdelay $0x4  }
0x41b: {  	v25 =	vor.u32 v25, v20;
	_ =	sdelay $0x3  }
0x41c: {  	[tilespmem:s22+$0xFFFFFF40] =	vst v24  }
0x41d: {  	v24 =	vld.idx.msk [tilespmem:v25+s23+$0x0], $0xffff  }
0x41e: {  	v25 =	vld [tilespmem:$0x1FEC0];
	_ =	sdelay $0x4  }
0x41f: {  	v25 =	vor.u32 v25, v21;
	_ =	sdelay $0x3  }
0x420: {  	[tilespmem:s22+$0xFFFFFF50] =	vst v24  }
0x421: {  	v24 =	vld.idx.msk [tilespmem:v25+s23+$0x0], $0xffff  }
0x422: {  	v25 =	vld [tilespmem:$0x1FEE0];
	_ =	sdelay $0x4  }
0x423: {  	v25 =	vor.u32 v25, v22;
	_ =	sdelay $0x3  }
0x424: {  	[tilespmem:s22+$0xFFFFFF60] =	vst v24  }
0x425: {  	v24 =	vld.idx.msk [tilespmem:v25+s23+$0x0], $0xffff  }
0x426: {  	v25 =	vld [tilespmem:$0x1FD40];
	_ =	sdelay $0x4  }
0x427: {  	v25 =	vor.u32 v25, v23;
	_ =	sdelay $0x3  }
0x428: {  	[tilespmem:s22+$0xFFFFFF70] =	vst v24  }
0x429: {  	v24 =	vld.idx.msk [tilespmem:v25+s23+$0x0], $0xffff  }
0x42a: {  	v25 =	vld [tilespmem:$0x1FD50];
	_ =	sdelay $0x4  }
0x42b: {  	v16 =	vor.u32 v25, v16  }
0x42c: {  	[tilespmem:s22+$0xFFFFFF80] =	vst v24;
	v24 =	vld [tilespmem:$0x1FD60];
	_ =	sdelay $0x3  }
0x42d: {  	v16 =	vld.idx.msk [tilespmem:v16+s23+$0x0], $0xffff  }
0x42e: {  	v17 =	vor.u32 v24, v17;
	_ =	sdelay $0x3  }
0x42f: {  	[tilespmem:s22+$0xFFFFFF90] =	vst v16  }
0x430: {  	v16 =	vld.idx.msk [tilespmem:v17+s23+$0x0], $0xffff  }
0x431: {  	v17 =	vld [tilespmem:$0x1FD70];
	_ =	sdelay $0x4  }
0x432: {  	v17 =	vor.u32 v17, v18;
	_ =	sdelay $0x3  }
0x433: {  	[tilespmem:s22+$0xFFFFFFA0] =	vst v16  }
0x434: {  	v16 =	vld.idx.msk [tilespmem:v17+s23+$0x0], $0xffff  }
0x435: {  	v17 =	vld [tilespmem:$0x1FD80];
	_ =	sdelay $0x4  }
0x436: {  	v17 =	vor.u32 v17, v19;
	_ =	sdelay $0x3  }
0x437: {  	[tilespmem:s22+$0xFFFFFFB0] =	vst v16  }
0x438: {  	v16 =	vld.idx.msk [tilespmem:v17+s23+$0x0], $0xffff  }
0x439: {  	v17 =	vld [tilespmem:$0x1FD90];
	_ =	sdelay $0x4  }
0x43a: {  	v17 =	vor.u32 v17, v20;
	_ =	sdelay $0x3  }
0x43b: {  	[tilespmem:s22+$0xFFFFFFC0] =	vst v16  }
0x43c: {  	v16 =	vld.idx.msk [tilespmem:v17+s23+$0x0], $0xffff  }
0x43d: {  	v17 =	vld [tilespmem:$0x1FDA0];
	_ =	sdelay $0x4  }
0x43e: {  	v17 =	vor.u32 v17, v21;
	_ =	sdelay $0x3  }
0x43f: {  	[tilespmem:s22+$0xFFFFFFD0] =	vst v16  }
0x440: {  	v16 =	vld.idx.msk [tilespmem:v17+s23+$0x0], $0xffff  }
0x441: {  	v17 =	vld [tilespmem:$0x1FDB0];
	_ =	sdelay $0x4  }
0x442: {  	v17 =	vor.u32 v17, v22;
	_ =	sdelay $0x3  }
0x443: {  	[tilespmem:s22+$0xFFFFFFE0] =	vst v16  }
0x444: {  	v16 =	vld.idx.msk [tilespmem:v17+s23+$0x0], $0xffff  }
0x445: {  	v17 =	vld [tilespmem:$0x1FDC0];
	_ =	sdelay $0x4  }
0x446: {  	v17 =	vor.u32 v17, v23;
	_ =	sdelay $0x3  }
0x447: {  	s7 =	simm.s32 $0x8;
	[tilespmem:s22+$0xFFFFFFF0] =	vst v16  }
0x448: {  	s16 =	simm.s32 $0x10;
	v16 =	vld.idx.msk [tilespmem:v17+s23+$0x0], $0xffff;
	v17 =	vor.u32 s7, v8  }
.LBB2_7:
0x449: {  	_ =	sdelay $0x3  }
0x44a: {  	[tilespmem:s22+$0x0] =	vst v16  }
0x44b: {  	v16 =	vld.idx.msk [tilespmem:v17+s23+$0x0], $0xffff  }
0x44c: {  	v17 =	vor.u32 s7, v9;
	_ =	sdelay $0x2  }
0x44d: {  	s22 =	sadd.s32 $0x400, s22  }
0x44e: {  	[tilespmem:s22+$0xFFFFFC10] =	vst v16  }
0x44f: {  	v16 =	vld.idx.msk [tilespmem:v17+s23+$0x0], $0xffff  }
0x450: {  	v17 =	vor.u32 s7, v10;
	_ =	sdelay $0x3  }
0x451: {  	[tilespmem:s22+$0xFFFFFC20] =	vst v16  }
0x452: {  	v16 =	vld.idx.msk [tilespmem:v17+s23+$0x0], $0xffff  }
0x453: {  	v17 =	vor.u32 s7, v11;
	_ =	sdelay $0x3  }
0x454: {  	[tilespmem:s22+$0xFFFFFC30] =	vst v16  }
0x455: {  	v16 =	vld.idx.msk [tilespmem:v17+s23+$0x0], $0xffff  }
0x456: {  	v17 =	vor.u32 s7, v12;
	_ =	sdelay $0x3  }
0x457: {  	[tilespmem:s22+$0xFFFFFC40] =	vst v16  }
0x458: {  	v16 =	vld.idx.msk [tilespmem:v17+s23+$0x0], $0xffff  }
0x459: {  	v17 =	vor.u32 s7, v13;
	_ =	sdelay $0x3  }
0x45a: {  	[tilespmem:s22+$0xFFFFFC50] =	vst v16  }
0x45b: {  	v16 =	vld.idx.msk [tilespmem:v17+s23+$0x0], $0xffff  }
0x45c: {  	v17 =	vor.u32 s7, v14;
	_ =	sdelay $0x3  }
0x45d: {  	[tilespmem:s22+$0xFFFFFC60] =	vst v16  }
0x45e: {  	v16 =	vld.idx.msk [tilespmem:v17+s23+$0x0], $0xffff  }
0x45f: {  	v17 =	vor.u32 s7, v15;
	_ =	sdelay $0x3  }
0x460: {  	[tilespmem:s22+$0xFFFFFC70] =	vst v16;
	v16 =	vor.u32 s7, v1  }
0x461: {  	v17 =	vld.idx.msk [tilespmem:v17+s23+$0x0], $0xffff;
	v16 =	vand.u32 $0x78, v16  }
0x462: {  	v18 =	vor.u32 v63, v16  }
0x463: {  	v19 =	vld [tilespmem:$0x1FF60];
	_ =	sdelay $0x2  }
0x464: {  	[tilespmem:s22+$0xFFFFFC80] =	vst v17;
	v17 =	vor.u32 s7, v2  }
0x465: {  	v18 =	vld.idx.msk [tilespmem:v18+s23+$0x0], $0xffff;
	v17 =	vand.u32 $0x78, v17  }
0x466: {  	v19 =	vor.u32 v19, v17  }
0x467: {  	v20 =	vld [tilespmem:$0x1FF70];
	_ =	sdelay $0x2  }
0x468: {  	[tilespmem:s22+$0xFFFFFC90] =	vst v18;
	v18 =	vor.u32 s7, v0  }
0x469: {  	v19 =	vld.idx.msk [tilespmem:v19+s23+$0x0], $0xffff;
	v18 =	vand.u32 $0x78, v18  }
0x46a: {  	v20 =	vor.u32 v20, v18  }
0x46b: {  	v21 =	vld [tilespmem:$0x1FF80];
	_ =	sdelay $0x2  }
0x46c: {  	[tilespmem:s22+$0xFFFFFCA0] =	vst v19;
	v19 =	vor.u32 s7, v3  }
0x46d: {  	v20 =	vld.idx.msk [tilespmem:v20+s23+$0x0], $0xffff;
	v19 =	vand.u32 $0x78, v19  }
0x46e: {  	v21 =	vor.u32 v21, v19  }
0x46f: {  	v22 =	vld [tilespmem:$0x1FF90];
	_ =	sdelay $0x2  }
0x470: {  	[tilespmem:s22+$0xFFFFFCB0] =	vst v20;
	v20 =	vor.u32 s7, v4  }
0x471: {  	v21 =	vld.idx.msk [tilespmem:v21+s23+$0x0], $0xffff;
	v20 =	vand.u32 $0x78, v20  }
0x472: {  	v22 =	vor.u32 v22, v20  }
0x473: {  	v23 =	vld [tilespmem:$0x1FFA0];
	_ =	sdelay $0x2  }
0x474: {  	[tilespmem:s22+$0xFFFFFCC0] =	vst v21;
	v21 =	vor.u32 s7, v5  }
0x475: {  	v22 =	vld.idx.msk [tilespmem:v22+s23+$0x0], $0xffff;
	v21 =	vand.u32 $0x78, v21  }
0x476: {  	v23 =	vor.u32 v23, v21;
	_ =	sdelay $0x3  }
0x477: {  	[tilespmem:s22+$0xFFFFFCD0] =	vst v22;
	v22 =	vor.u32 s7, v6  }
0x478: {  	v23 =	vld.idx.msk [tilespmem:v23+s23+$0x0], $0xffff;
	v22 =	vand.u32 $0x78, v22  }
0x479: {  	v24 =	vor.u32 v26, v22;
	_ =	sdelay $0x3  }
0x47a: {  	[tilespmem:s22+$0xFFFFFCE0] =	vst v23;
	v23 =	vor.u32 s7, v7  }
0x47b: {  	v24 =	vld.idx.msk [tilespmem:v24+s23+$0x0], $0xffff;
	v23 =	vand.u32 $0x78, v23  }
0x47c: {  	v25 =	vor.u32 v33, v23;
	_ =	sdelay $0x3  }
0x47d: {  	[tilespmem:s22+$0xFFFFFCF0] =	vst v24  }
0x47e: {  	v24 =	vld.idx.msk [tilespmem:v25+s23+$0x0], $0xffff  }
0x47f: {  	v25 =	vor.u32 v34, v16;
	_ =	sdelay $0x3  }
0x480: {  	[tilespmem:s22+$0xFFFFFD00] =	vst v24  }
0x481: {  	v24 =	vld.idx.msk [tilespmem:v25+s23+$0x0], $0xffff  }
0x482: {  	v25 =	vor.u32 v35, v17;
	_ =	sdelay $0x3  }
0x483: {  	[tilespmem:s22+$0xFFFFFD10] =	vst v24  }
0x484: {  	v24 =	vld.idx.msk [tilespmem:v25+s23+$0x0], $0xffff  }
0x485: {  	v25 =	vor.u32 v36, v18;
	_ =	sdelay $0x3  }
0x486: {  	[tilespmem:s22+$0xFFFFFD20] =	vst v24  }
0x487: {  	v24 =	vld.idx.msk [tilespmem:v25+s23+$0x0], $0xffff  }
0x488: {  	v25 =	vor.u32 v37, v19;
	_ =	sdelay $0x3  }
0x489: {  	[tilespmem:s22+$0xFFFFFD30] =	vst v24  }
0x48a: {  	v24 =	vld.idx.msk [tilespmem:v25+s23+$0x0], $0xffff  }
0x48b: {  	v25 =	vor.u32 v38, v20;
	_ =	sdelay $0x3  }
0x48c: {  	[tilespmem:s22+$0xFFFFFD40] =	vst v24  }
0x48d: {  	v24 =	vld.idx.msk [tilespmem:v25+s23+$0x0], $0xffff  }
0x48e: {  	v25 =	vor.u32 v39, v21;
	_ =	sdelay $0x3  }
0x48f: {  	[tilespmem:s22+$0xFFFFFD50] =	vst v24  }
0x490: {  	v24 =	vld.idx.msk [tilespmem:v25+s23+$0x0], $0xffff  }
0x491: {  	v25 =	vor.u32 v40, v22;
	_ =	sdelay $0x3  }
0x492: {  	[tilespmem:s22+$0xFFFFFD60] =	vst v24  }
0x493: {  	v24 =	vld.idx.msk [tilespmem:v25+s23+$0x0], $0xffff  }
0x494: {  	v25 =	vor.u32 v41, v23;
	_ =	sdelay $0x3  }
0x495: {  	[tilespmem:s22+$0xFFFFFD70] =	vst v24  }
0x496: {  	v24 =	vld.idx.msk [tilespmem:v25+s23+$0x0], $0xffff  }
0x497: {  	v25 =	vor.u32 v42, v16;
	_ =	sdelay $0x3  }
0x498: {  	[tilespmem:s22+$0xFFFFFD80] =	vst v24  }
0x499: {  	v24 =	vld.idx.msk [tilespmem:v25+s23+$0x0], $0xffff  }
0x49a: {  	v25 =	vor.u32 v43, v17;
	_ =	sdelay $0x3  }
0x49b: {  	[tilespmem:s22+$0xFFFFFD90] =	vst v24  }
0x49c: {  	v24 =	vld.idx.msk [tilespmem:v25+s23+$0x0], $0xffff  }
0x49d: {  	v25 =	vor.u32 v44, v18;
	_ =	sdelay $0x3  }
0x49e: {  	[tilespmem:s22+$0xFFFFFDA0] =	vst v24  }
0x49f: {  	v24 =	vld.idx.msk [tilespmem:v25+s23+$0x0], $0xffff  }
0x4a0: {  	v25 =	vor.u32 v45, v19;
	_ =	sdelay $0x3  }
0x4a1: {  	[tilespmem:s22+$0xFFFFFDB0] =	vst v24  }
0x4a2: {  	v24 =	vld.idx.msk [tilespmem:v25+s23+$0x0], $0xffff  }
0x4a3: {  	v25 =	vor.u32 v46, v20;
	_ =	sdelay $0x3  }
0x4a4: {  	[tilespmem:s22+$0xFFFFFDC0] =	vst v24  }
0x4a5: {  	v24 =	vld.idx.msk [tilespmem:v25+s23+$0x0], $0xffff  }
0x4a6: {  	v25 =	vor.u32 v47, v21;
	_ =	sdelay $0x3  }
0x4a7: {  	[tilespmem:s22+$0xFFFFFDD0] =	vst v24  }
0x4a8: {  	v24 =	vld.idx.msk [tilespmem:v25+s23+$0x0], $0xffff  }
0x4a9: {  	v25 =	vor.u32 v48, v22;
	_ =	sdelay $0x3  }
0x4aa: {  	[tilespmem:s22+$0xFFFFFDE0] =	vst v24  }
0x4ab: {  	v24 =	vld.idx.msk [tilespmem:v25+s23+$0x0], $0xffff  }
0x4ac: {  	v25 =	vor.u32 v49, v23;
	_ =	sdelay $0x3  }
0x4ad: {  	[tilespmem:s22+$0xFFFFFDF0] =	vst v24  }
0x4ae: {  	v24 =	vld.idx.msk [tilespmem:v25+s23+$0x0], $0xffff  }
0x4af: {  	v25 =	vor.u32 v50, v16;
	_ =	sdelay $0x3  }
0x4b0: {  	[tilespmem:s22+$0xFFFFFE00] =	vst v24  }
0x4b1: {  	v24 =	vld.idx.msk [tilespmem:v25+s23+$0x0], $0xffff  }
0x4b2: {  	v25 =	vor.u32 v51, v17;
	_ =	sdelay $0x3  }
0x4b3: {  	[tilespmem:s22+$0xFFFFFE10] =	vst v24  }
0x4b4: {  	v24 =	vld.idx.msk [tilespmem:v25+s23+$0x0], $0xffff  }
0x4b5: {  	v25 =	vor.u32 v52, v18;
	_ =	sdelay $0x3  }
0x4b6: {  	[tilespmem:s22+$0xFFFFFE20] =	vst v24  }
0x4b7: {  	v24 =	vld.idx.msk [tilespmem:v25+s23+$0x0], $0xffff  }
0x4b8: {  	v25 =	vor.u32 v53, v19;
	_ =	sdelay $0x3  }
0x4b9: {  	[tilespmem:s22+$0xFFFFFE30] =	vst v24  }
0x4ba: {  	v24 =	vld.idx.msk [tilespmem:v25+s23+$0x0], $0xffff  }
0x4bb: {  	v25 =	vor.u32 v54, v20;
	_ =	sdelay $0x3  }
0x4bc: {  	[tilespmem:s22+$0xFFFFFE40] =	vst v24  }
0x4bd: {  	v24 =	vld.idx.msk [tilespmem:v25+s23+$0x0], $0xffff  }
0x4be: {  	v25 =	vor.u32 v27, v21;
	_ =	sdelay $0x3  }
0x4bf: {  	[tilespmem:s22+$0xFFFFFE50] =	vst v24  }
0x4c0: {  	v24 =	vld.idx.msk [tilespmem:v25+s23+$0x0], $0xffff  }
0x4c1: {  	v25 =	vor.u32 v28, v22;
	_ =	sdelay $0x3  }
0x4c2: {  	[tilespmem:s22+$0xFFFFFE60] =	vst v24  }
0x4c3: {  	v24 =	vld.idx.msk [tilespmem:v25+s23+$0x0], $0xffff  }
0x4c4: {  	v25 =	vor.u32 v29, v23;
	_ =	sdelay $0x3  }
0x4c5: {  	[tilespmem:s22+$0xFFFFFE70] =	vst v24  }
0x4c6: {  	v24 =	vld.idx.msk [tilespmem:v25+s23+$0x0], $0xffff  }
0x4c7: {  	v25 =	vor.u32 v30, v16;
	_ =	sdelay $0x3  }
0x4c8: {  	[tilespmem:s22+$0xFFFFFE80] =	vst v24  }
0x4c9: {  	v24 =	vld.idx.msk [tilespmem:v25+s23+$0x0], $0xffff  }
0x4ca: {  	v25 =	vor.u32 v31, v17;
	_ =	sdelay $0x3  }
0x4cb: {  	[tilespmem:s22+$0xFFFFFE90] =	vst v24  }
0x4cc: {  	v24 =	vld.idx.msk [tilespmem:v25+s23+$0x0], $0xffff  }
0x4cd: {  	v25 =	vor.u32 v55, v18;
	_ =	sdelay $0x3  }
0x4ce: {  	[tilespmem:s22+$0xFFFFFEA0] =	vst v24  }
0x4cf: {  	v24 =	vld.idx.msk [tilespmem:v25+s23+$0x0], $0xffff  }
0x4d0: {  	v25 =	vor.u32 v56, v19;
	_ =	sdelay $0x3  }
0x4d1: {  	[tilespmem:s22+$0xFFFFFEB0] =	vst v24  }
0x4d2: {  	v24 =	vld.idx.msk [tilespmem:v25+s23+$0x0], $0xffff  }
0x4d3: {  	v25 =	vor.u32 v57, v20;
	_ =	sdelay $0x3  }
0x4d4: {  	[tilespmem:s22+$0xFFFFFEC0] =	vst v24  }
0x4d5: {  	v24 =	vld.idx.msk [tilespmem:v25+s23+$0x0], $0xffff  }
0x4d6: {  	v25 =	vor.u32 v58, v21;
	_ =	sdelay $0x3  }
0x4d7: {  	[tilespmem:s22+$0xFFFFFED0] =	vst v24  }
0x4d8: {  	v24 =	vld.idx.msk [tilespmem:v25+s23+$0x0], $0xffff  }
0x4d9: {  	v25 =	vor.u32 v59, v22;
	_ =	sdelay $0x3  }
0x4da: {  	[tilespmem:s22+$0xFFFFFEE0] =	vst v24  }
0x4db: {  	v24 =	vld.idx.msk [tilespmem:v25+s23+$0x0], $0xffff  }
0x4dc: {  	v25 =	vor.u32 v60, v23;
	_ =	sdelay $0x3  }
0x4dd: {  	[tilespmem:s22+$0xFFFFFEF0] =	vst v24  }
0x4de: {  	v24 =	vld.idx.msk [tilespmem:v25+s23+$0x0], $0xffff  }
0x4df: {  	v25 =	vor.u32 v61, v16;
	_ =	sdelay $0x3  }
0x4e0: {  	[tilespmem:s22+$0xFFFFFF00] =	vst v24  }
0x4e1: {  	v24 =	vld.idx.msk [tilespmem:v25+s23+$0x0], $0xffff  }
0x4e2: {  	v25 =	vor.u32 v62, v17;
	_ =	sdelay $0x3  }
0x4e3: {  	[tilespmem:s22+$0xFFFFFF10] =	vst v24  }
0x4e4: {  	v24 =	vld.idx.msk [tilespmem:v25+s23+$0x0], $0xffff  }
0x4e5: {  	v25 =	vld [tilespmem:$0x1FE90];
	_ =	sdelay $0x4  }
0x4e6: {  	v25 =	vor.u32 v25, v18;
	_ =	sdelay $0x3  }
0x4e7: {  	[tilespmem:s22+$0xFFFFFF20] =	vst v24  }
0x4e8: {  	v24 =	vld.idx.msk [tilespmem:v25+s23+$0x0], $0xffff  }
0x4e9: {  	v25 =	vld [tilespmem:$0x1FEA0];
	_ =	sdelay $0x4  }
0x4ea: {  	v25 =	vor.u32 v25, v19;
	_ =	sdelay $0x3  }
0x4eb: {  	[tilespmem:s22+$0xFFFFFF30] =	vst v24  }
0x4ec: {  	v24 =	vld.idx.msk [tilespmem:v25+s23+$0x0], $0xffff  }
0x4ed: {  	v25 =	vld [tilespmem:$0x1FEB0];
	_ =	sdelay $0x4  }
0x4ee: {  	v25 =	vor.u32 v25, v20;
	_ =	sdelay $0x3  }
0x4ef: {  	[tilespmem:s22+$0xFFFFFF40] =	vst v24  }
0x4f0: {  	v24 =	vld.idx.msk [tilespmem:v25+s23+$0x0], $0xffff  }
0x4f1: {  	v25 =	vld [tilespmem:$0x1FEC0];
	_ =	sdelay $0x4  }
0x4f2: {  	v25 =	vor.u32 v25, v21;
	_ =	sdelay $0x3  }
0x4f3: {  	[tilespmem:s22+$0xFFFFFF50] =	vst v24  }
0x4f4: {  	v24 =	vld.idx.msk [tilespmem:v25+s23+$0x0], $0xffff  }
0x4f5: {  	v25 =	vld [tilespmem:$0x1FEE0];
	_ =	sdelay $0x4  }
0x4f6: {  	v25 =	vor.u32 v25, v22;
	_ =	sdelay $0x3  }
0x4f7: {  	[tilespmem:s22+$0xFFFFFF60] =	vst v24  }
0x4f8: {  	v24 =	vld.idx.msk [tilespmem:v25+s23+$0x0], $0xffff  }
0x4f9: {  	v25 =	vld [tilespmem:$0x1FD40];
	_ =	sdelay $0x4  }
0x4fa: {  	v25 =	vor.u32 v25, v23;
	_ =	sdelay $0x3  }
0x4fb: {  	[tilespmem:s22+$0xFFFFFF70] =	vst v24  }
0x4fc: {  	v24 =	vld.idx.msk [tilespmem:v25+s23+$0x0], $0xffff  }
0x4fd: {  	v25 =	vld [tilespmem:$0x1FD50];
	_ =	sdelay $0x4  }
0x4fe: {  	v16 =	vor.u32 v25, v16  }
0x4ff: {  	[tilespmem:s22+$0xFFFFFF80] =	vst v24;
	v24 =	vld [tilespmem:$0x1FD60];
	_ =	sdelay $0x3  }
0x500: {  	v16 =	vld.idx.msk [tilespmem:v16+s23+$0x0], $0xffff  }
0x501: {  	v17 =	vor.u32 v24, v17;
	_ =	sdelay $0x3  }
0x502: {  	[tilespmem:s22+$0xFFFFFF90] =	vst v16  }
0x503: {  	v16 =	vld.idx.msk [tilespmem:v17+s23+$0x0], $0xffff  }
0x504: {  	v17 =	vld [tilespmem:$0x1FD70];
	_ =	sdelay $0x4  }
0x505: {  	v17 =	vor.u32 v17, v18;
	_ =	sdelay $0x3  }
0x506: {  	[tilespmem:s22+$0xFFFFFFA0] =	vst v16  }
0x507: {  	v16 =	vld.idx.msk [tilespmem:v17+s23+$0x0], $0xffff  }
0x508: {  	v17 =	vld [tilespmem:$0x1FD80];
	_ =	sdelay $0x4  }
0x509: {  	v17 =	vor.u32 v17, v19;
	_ =	sdelay $0x3  }
0x50a: {  	[tilespmem:s22+$0xFFFFFFB0] =	vst v16  }
0x50b: {  	v16 =	vld.idx.msk [tilespmem:v17+s23+$0x0], $0xffff  }
0x50c: {  	v17 =	vld [tilespmem:$0x1FD90];
	_ =	sdelay $0x4  }
0x50d: {  	v17 =	vor.u32 v17, v20;
	_ =	sdelay $0x3  }
0x50e: {  	[tilespmem:s22+$0xFFFFFFC0] =	vst v16  }
0x50f: {  	v16 =	vld.idx.msk [tilespmem:v17+s23+$0x0], $0xffff  }
0x510: {  	v17 =	vld [tilespmem:$0x1FDA0];
	_ =	sdelay $0x4  }
0x511: {  	v17 =	vor.u32 v17, v21;
	_ =	sdelay $0x3  }
0x512: {  	[tilespmem:s22+$0xFFFFFFD0] =	vst v16  }
0x513: {  	v16 =	vld.idx.msk [tilespmem:v17+s23+$0x0], $0xffff  }
0x514: {  	v17 =	vld [tilespmem:$0x1FDB0];
	_ =	sdelay $0x4  }
0x515: {  	v17 =	vor.u32 v17, v22;
	_ =	sdelay $0x3  }
0x516: {  	[tilespmem:s22+$0xFFFFFFE0] =	vst v16  }
0x517: {  	v16 =	vld.idx.msk [tilespmem:v17+s23+$0x0], $0xffff  }
0x518: {  	v17 =	vld [tilespmem:$0x1FDC0];
	_ =	sdelay $0x4  }
0x519: {  	p0 =	sne.s32 s16, $0x38;
	v17 =	vor.u32 v17, v23  }
.Ltmp4:
0x51a: {  	_ = 	snop;
	(pc) =	sbr.rel @p0 .LBB2_7-.Ltmp4, $3  }
0x51b: {  	_ =	sdelay $0x1  }
0x51c: {  	s7 =	smov.u32 s16;
	[tilespmem:s22+$0xFFFFFFF0] =	vst v16  }
0x51d: {  	s16 =	sadd.s32 $0x8, s16;
	v16 =	vld.idx.msk [tilespmem:v17+s23+$0x0], $0xffff;
	v17 =	vor.u32 s7, v8  }
0x51e: {  	_ =	sdelay $0x3  }
0x51f: {  	[tilespmem:s22+$0x0] =	vst v16  }
0x520: {  	v8 =	vld.idx.msk [tilespmem:v17+s23+$0x0], $0xffff  }
0x521: {  	v9 =	vor.u32 s7, v9;
	_ =	sdelay $0x2  }
0x522: {  	s16 =	sadd.s32 $0x400, s22  }
0x523: {  	[tilespmem:s16+$0xFFFFFC10] =	vst v8  }
0x524: {  	v8 =	vld.idx.msk [tilespmem:v9+s23+$0x0], $0xffff  }
0x525: {  	v9 =	vor.u32 s7, v10;
	_ =	sdelay $0x3  }
0x526: {  	[tilespmem:s16+$0xFFFFFC20] =	vst v8  }
0x527: {  	v8 =	vld.idx.msk [tilespmem:v9+s23+$0x0], $0xffff  }
0x528: {  	v9 =	vor.u32 s7, v11;
	_ =	sdelay $0x3  }
0x529: {  	[tilespmem:s16+$0xFFFFFC30] =	vst v8  }
0x52a: {  	v8 =	vld.idx.msk [tilespmem:v9+s23+$0x0], $0xffff  }
0x52b: {  	v9 =	vor.u32 s7, v12;
	_ =	sdelay $0x3  }
0x52c: {  	[tilespmem:s16+$0xFFFFFC40] =	vst v8  }
0x52d: {  	v8 =	vld.idx.msk [tilespmem:v9+s23+$0x0], $0xffff  }
0x52e: {  	v9 =	vor.u32 s7, v13;
	_ =	sdelay $0x3  }
0x52f: {  	[tilespmem:s16+$0xFFFFFC50] =	vst v8  }
0x530: {  	v8 =	vld.idx.msk [tilespmem:v9+s23+$0x0], $0xffff  }
0x531: {  	v9 =	vor.u32 s7, v14;
	_ =	sdelay $0x3  }
0x532: {  	[tilespmem:s16+$0xFFFFFC60] =	vst v8  }
0x533: {  	v8 =	vld.idx.msk [tilespmem:v9+s23+$0x0], $0xffff  }
0x534: {  	v9 =	vor.u32 s7, v15;
	_ =	sdelay $0x3  }
0x535: {  	v1 =	vor.u32 s7, v1;
	[tilespmem:s16+$0xFFFFFC70] =	vst v8  }
0x536: {  	v1 =	vand.u32 $0x78, v1;
	v8 =	vld.idx.msk [tilespmem:v9+s23+$0x0], $0xffff  }
0x537: {  	v9 =	vor.u32 v63, v1;
	_ =	sdelay $0x3  }
0x538: {  	[tilespmem:s16+$0xFFFFFC80] =	vst v8  }
0x539: {  	v8 =	vld.idx.msk [tilespmem:v9+s23+$0x0], $0xffff  }
0x53a: {  	v9 =	vld [tilespmem:$0x1FF60];
	_ =	sdelay $0x2  }
0x53b: {  	v2 =	vor.u32 s7, v2  }
0x53c: {  	v2 =	vand.u32 $0x78, v2  }
0x53d: {  	v9 =	vor.u32 v9, v2;
	_ =	sdelay $0x3  }
0x53e: {  	[tilespmem:s16+$0xFFFFFC90] =	vst v8  }
0x53f: {  	v8 =	vld.idx.msk [tilespmem:v9+s23+$0x0], $0xffff  }
0x540: {  	v9 =	vld [tilespmem:$0x1FF70];
	_ =	sdelay $0x2  }
0x541: {  	v0 =	vor.u32 s7, v0  }
0x542: {  	v0 =	vand.u32 $0x78, v0  }
0x543: {  	v9 =	vor.u32 v9, v0;
	_ =	sdelay $0x3  }
0x544: {  	[tilespmem:s16+$0xFFFFFCA0] =	vst v8  }
0x545: {  	v8 =	vld.idx.msk [tilespmem:v9+s23+$0x0], $0xffff  }
0x546: {  	v9 =	vld [tilespmem:$0x1FF80];
	_ =	sdelay $0x2  }
0x547: {  	v3 =	vor.u32 s7, v3  }
0x548: {  	v3 =	vand.u32 $0x78, v3  }
0x549: {  	v9 =	vor.u32 v9, v3;
	_ =	sdelay $0x3  }
0x54a: {  	[tilespmem:s16+$0xFFFFFCB0] =	vst v8  }
0x54b: {  	v8 =	vld.idx.msk [tilespmem:v9+s23+$0x0], $0xffff  }
0x54c: {  	v9 =	vld [tilespmem:$0x1FF90];
	_ =	sdelay $0x2  }
0x54d: {  	v4 =	vor.u32 s7, v4  }
0x54e: {  	v4 =	vand.u32 $0x78, v4  }
0x54f: {  	v9 =	vor.u32 v9, v4;
	_ =	sdelay $0x3  }
0x550: {  	[tilespmem:s16+$0xFFFFFCC0] =	vst v8  }
0x551: {  	v8 =	vld.idx.msk [tilespmem:v9+s23+$0x0], $0xffff  }
0x552: {  	v9 =	vld [tilespmem:$0x1FFA0];
	_ =	sdelay $0x2  }
0x553: {  	v5 =	vor.u32 s7, v5  }
0x554: {  	v5 =	vand.u32 $0x78, v5  }
0x555: {  	v9 =	vor.u32 v9, v5;
	_ =	sdelay $0x3  }
0x556: {  	v6 =	vor.u32 s7, v6;
	[tilespmem:s16+$0xFFFFFCD0] =	vst v8  }
0x557: {  	v6 =	vand.u32 $0x78, v6;
	v8 =	vld.idx.msk [tilespmem:v9+s23+$0x0], $0xffff  }
0x558: {  	v9 =	vor.u32 v26, v6;
	_ =	sdelay $0x3  }
0x559: {  	v7 =	vor.u32 s7, v7;
	[tilespmem:s16+$0xFFFFFCE0] =	vst v8  }
0x55a: {  	v7 =	vand.u32 $0x78, v7;
	v8 =	vld.idx.msk [tilespmem:v9+s23+$0x0], $0xffff  }
0x55b: {  	v9 =	vor.u32 v33, v7;
	_ =	sdelay $0x3  }
0x55c: {  	[tilespmem:s16+$0xFFFFFCF0] =	vst v8  }
0x55d: {  	v8 =	vld.idx.msk [tilespmem:v9+s23+$0x0], $0xffff  }
0x55e: {  	v9 =	vor.u32 v34, v1;
	_ =	sdelay $0x3  }
0x55f: {  	[tilespmem:s16+$0xFFFFFD00] =	vst v8  }
0x560: {  	v8 =	vld.idx.msk [tilespmem:v9+s23+$0x0], $0xffff  }
0x561: {  	v9 =	vor.u32 v35, v2;
	_ =	sdelay $0x3  }
0x562: {  	[tilespmem:s16+$0xFFFFFD10] =	vst v8  }
0x563: {  	v8 =	vld.idx.msk [tilespmem:v9+s23+$0x0], $0xffff  }
0x564: {  	v9 =	vor.u32 v36, v0;
	_ =	sdelay $0x3  }
0x565: {  	[tilespmem:s16+$0xFFFFFD20] =	vst v8  }
0x566: {  	v8 =	vld.idx.msk [tilespmem:v9+s23+$0x0], $0xffff  }
0x567: {  	v9 =	vor.u32 v37, v3;
	_ =	sdelay $0x3  }
0x568: {  	[tilespmem:s16+$0xFFFFFD30] =	vst v8  }
0x569: {  	v8 =	vld.idx.msk [tilespmem:v9+s23+$0x0], $0xffff  }
0x56a: {  	v9 =	vor.u32 v38, v4;
	_ =	sdelay $0x3  }
0x56b: {  	[tilespmem:s16+$0xFFFFFD40] =	vst v8  }
0x56c: {  	v8 =	vld.idx.msk [tilespmem:v9+s23+$0x0], $0xffff  }
0x56d: {  	v9 =	vor.u32 v39, v5;
	_ =	sdelay $0x3  }
0x56e: {  	[tilespmem:s16+$0xFFFFFD50] =	vst v8  }
0x56f: {  	v8 =	vld.idx.msk [tilespmem:v9+s23+$0x0], $0xffff  }
0x570: {  	v9 =	vor.u32 v40, v6;
	_ =	sdelay $0x3  }
0x571: {  	[tilespmem:s16+$0xFFFFFD60] =	vst v8  }
0x572: {  	v8 =	vld.idx.msk [tilespmem:v9+s23+$0x0], $0xffff  }
0x573: {  	v9 =	vor.u32 v41, v7;
	_ =	sdelay $0x3  }
0x574: {  	[tilespmem:s16+$0xFFFFFD70] =	vst v8  }
0x575: {  	v8 =	vld.idx.msk [tilespmem:v9+s23+$0x0], $0xffff  }
0x576: {  	v9 =	vor.u32 v42, v1;
	_ =	sdelay $0x3  }
0x577: {  	[tilespmem:s16+$0xFFFFFD80] =	vst v8  }
0x578: {  	v8 =	vld.idx.msk [tilespmem:v9+s23+$0x0], $0xffff  }
0x579: {  	v9 =	vor.u32 v43, v2;
	_ =	sdelay $0x3  }
0x57a: {  	[tilespmem:s16+$0xFFFFFD90] =	vst v8  }
0x57b: {  	v8 =	vld.idx.msk [tilespmem:v9+s23+$0x0], $0xffff  }
0x57c: {  	v9 =	vor.u32 v44, v0;
	_ =	sdelay $0x3  }
0x57d: {  	[tilespmem:s16+$0xFFFFFDA0] =	vst v8  }
0x57e: {  	v8 =	vld.idx.msk [tilespmem:v9+s23+$0x0], $0xffff  }
0x57f: {  	v9 =	vor.u32 v45, v3;
	_ =	sdelay $0x3  }
0x580: {  	[tilespmem:s16+$0xFFFFFDB0] =	vst v8  }
0x581: {  	v8 =	vld.idx.msk [tilespmem:v9+s23+$0x0], $0xffff  }
0x582: {  	v9 =	vor.u32 v46, v4;
	_ =	sdelay $0x3  }
0x583: {  	[tilespmem:s16+$0xFFFFFDC0] =	vst v8  }
0x584: {  	v8 =	vld.idx.msk [tilespmem:v9+s23+$0x0], $0xffff  }
0x585: {  	v9 =	vor.u32 v47, v5;
	_ =	sdelay $0x3  }
0x586: {  	[tilespmem:s16+$0xFFFFFDD0] =	vst v8  }
0x587: {  	v8 =	vld.idx.msk [tilespmem:v9+s23+$0x0], $0xffff  }
0x588: {  	v9 =	vor.u32 v48, v6;
	_ =	sdelay $0x3  }
0x589: {  	[tilespmem:s16+$0xFFFFFDE0] =	vst v8  }
0x58a: {  	v8 =	vld.idx.msk [tilespmem:v9+s23+$0x0], $0xffff  }
0x58b: {  	v9 =	vor.u32 v49, v7;
	_ =	sdelay $0x3  }
0x58c: {  	[tilespmem:s16+$0xFFFFFDF0] =	vst v8  }
0x58d: {  	v8 =	vld.idx.msk [tilespmem:v9+s23+$0x0], $0xffff  }
0x58e: {  	v9 =	vor.u32 v50, v1;
	_ =	sdelay $0x3  }
0x58f: {  	[tilespmem:s16+$0xFFFFFE00] =	vst v8  }
0x590: {  	v8 =	vld.idx.msk [tilespmem:v9+s23+$0x0], $0xffff  }
0x591: {  	v9 =	vor.u32 v51, v2;
	_ =	sdelay $0x3  }
0x592: {  	[tilespmem:s16+$0xFFFFFE10] =	vst v8  }
0x593: {  	v8 =	vld.idx.msk [tilespmem:v9+s23+$0x0], $0xffff  }
0x594: {  	v9 =	vor.u32 v52, v0;
	_ =	sdelay $0x3  }
0x595: {  	[tilespmem:s16+$0xFFFFFE20] =	vst v8  }
0x596: {  	v8 =	vld.idx.msk [tilespmem:v9+s23+$0x0], $0xffff  }
0x597: {  	v9 =	vor.u32 v53, v3;
	_ =	sdelay $0x3  }
0x598: {  	[tilespmem:s16+$0xFFFFFE30] =	vst v8  }
0x599: {  	v8 =	vld.idx.msk [tilespmem:v9+s23+$0x0], $0xffff  }
0x59a: {  	v9 =	vor.u32 v54, v4;
	_ =	sdelay $0x3  }
0x59b: {  	[tilespmem:s16+$0xFFFFFE40] =	vst v8  }
0x59c: {  	v8 =	vld.idx.msk [tilespmem:v9+s23+$0x0], $0xffff  }
0x59d: {  	v9 =	vor.u32 v27, v5;
	_ =	sdelay $0x3  }
0x59e: {  	[tilespmem:s16+$0xFFFFFE50] =	vst v8  }
0x59f: {  	v8 =	vld.idx.msk [tilespmem:v9+s23+$0x0], $0xffff  }
0x5a0: {  	v9 =	vor.u32 v28, v6;
	_ =	sdelay $0x3  }
0x5a1: {  	[tilespmem:s16+$0xFFFFFE60] =	vst v8  }
0x5a2: {  	v8 =	vld.idx.msk [tilespmem:v9+s23+$0x0], $0xffff  }
0x5a3: {  	v9 =	vor.u32 v29, v7;
	_ =	sdelay $0x3  }
0x5a4: {  	[tilespmem:s16+$0xFFFFFE70] =	vst v8  }
0x5a5: {  	v8 =	vld.idx.msk [tilespmem:v9+s23+$0x0], $0xffff  }
0x5a6: {  	v9 =	vor.u32 v30, v1;
	_ =	sdelay $0x3  }
0x5a7: {  	[tilespmem:s16+$0xFFFFFE80] =	vst v8  }
0x5a8: {  	v8 =	vld.idx.msk [tilespmem:v9+s23+$0x0], $0xffff  }
0x5a9: {  	v9 =	vor.u32 v31, v2;
	_ =	sdelay $0x3  }
0x5aa: {  	[tilespmem:s16+$0xFFFFFE90] =	vst v8  }
0x5ab: {  	v8 =	vld.idx.msk [tilespmem:v9+s23+$0x0], $0xffff  }
0x5ac: {  	v9 =	vor.u32 v55, v0;
	_ =	sdelay $0x3  }
0x5ad: {  	[tilespmem:s16+$0xFFFFFEA0] =	vst v8  }
0x5ae: {  	v8 =	vld.idx.msk [tilespmem:v9+s23+$0x0], $0xffff  }
0x5af: {  	v9 =	vor.u32 v56, v3;
	_ =	sdelay $0x3  }
0x5b0: {  	[tilespmem:s16+$0xFFFFFEB0] =	vst v8  }
0x5b1: {  	v8 =	vld.idx.msk [tilespmem:v9+s23+$0x0], $0xffff  }
0x5b2: {  	v9 =	vor.u32 v57, v4;
	_ =	sdelay $0x3  }
0x5b3: {  	[tilespmem:s16+$0xFFFFFEC0] =	vst v8  }
0x5b4: {  	v8 =	vld.idx.msk [tilespmem:v9+s23+$0x0], $0xffff  }
0x5b5: {  	v9 =	vor.u32 v58, v5;
	_ =	sdelay $0x3  }
0x5b6: {  	[tilespmem:s16+$0xFFFFFED0] =	vst v8  }
0x5b7: {  	v8 =	vld.idx.msk [tilespmem:v9+s23+$0x0], $0xffff  }
0x5b8: {  	v9 =	vor.u32 v59, v6;
	_ =	sdelay $0x3  }
0x5b9: {  	[tilespmem:s16+$0xFFFFFEE0] =	vst v8  }
0x5ba: {  	v8 =	vld.idx.msk [tilespmem:v9+s23+$0x0], $0xffff  }
0x5bb: {  	v9 =	vor.u32 v60, v7;
	_ =	sdelay $0x3  }
0x5bc: {  	[tilespmem:s16+$0xFFFFFEF0] =	vst v8  }
0x5bd: {  	v8 =	vld.idx.msk [tilespmem:v9+s23+$0x0], $0xffff  }
0x5be: {  	v9 =	vor.u32 v61, v1;
	_ =	sdelay $0x3  }
0x5bf: {  	[tilespmem:s16+$0xFFFFFF00] =	vst v8  }
0x5c0: {  	v8 =	vld.idx.msk [tilespmem:v9+s23+$0x0], $0xffff  }
0x5c1: {  	v9 =	vor.u32 v62, v2;
	_ =	sdelay $0x3  }
0x5c2: {  	[tilespmem:s16+$0xFFFFFF10] =	vst v8  }
0x5c3: {  	v8 =	vld.idx.msk [tilespmem:v9+s23+$0x0], $0xffff  }
0x5c4: {  	v9 =	vld [tilespmem:$0x1FE90];
	_ =	sdelay $0x4  }
0x5c5: {  	v9 =	vor.u32 v9, v0;
	_ =	sdelay $0x3  }
0x5c6: {  	[tilespmem:s16+$0xFFFFFF20] =	vst v8  }
0x5c7: {  	v8 =	vld.idx.msk [tilespmem:v9+s23+$0x0], $0xffff  }
0x5c8: {  	v9 =	vld [tilespmem:$0x1FEA0];
	_ =	sdelay $0x4  }
0x5c9: {  	v9 =	vor.u32 v9, v3;
	_ =	sdelay $0x3  }
0x5ca: {  	[tilespmem:s16+$0xFFFFFF30] =	vst v8  }
0x5cb: {  	v8 =	vld.idx.msk [tilespmem:v9+s23+$0x0], $0xffff  }
0x5cc: {  	v9 =	vld [tilespmem:$0x1FEB0];
	_ =	sdelay $0x4  }
0x5cd: {  	v9 =	vor.u32 v9, v4;
	_ =	sdelay $0x3  }
0x5ce: {  	[tilespmem:s16+$0xFFFFFF40] =	vst v8  }
0x5cf: {  	v8 =	vld.idx.msk [tilespmem:v9+s23+$0x0], $0xffff  }
0x5d0: {  	v9 =	vld [tilespmem:$0x1FEC0];
	_ =	sdelay $0x4  }
0x5d1: {  	v9 =	vor.u32 v9, v5;
	_ =	sdelay $0x3  }
0x5d2: {  	[tilespmem:s16+$0xFFFFFF50] =	vst v8  }
0x5d3: {  	v8 =	vld.idx.msk [tilespmem:v9+s23+$0x0], $0xffff  }
0x5d4: {  	v9 =	vld [tilespmem:$0x1FEE0];
	_ =	sdelay $0x4  }
0x5d5: {  	v9 =	vor.u32 v9, v6;
	_ =	sdelay $0x3  }
0x5d6: {  	[tilespmem:s16+$0xFFFFFF60] =	vst v8  }
0x5d7: {  	v8 =	vld.idx.msk [tilespmem:v9+s23+$0x0], $0xffff  }
0x5d8: {  	v9 =	vld [tilespmem:$0x1FD40];
	_ =	sdelay $0x4  }
0x5d9: {  	v9 =	vor.u32 v9, v7;
	_ =	sdelay $0x3  }
0x5da: {  	[tilespmem:s16+$0xFFFFFF70] =	vst v8  }
0x5db: {  	v8 =	vld.idx.msk [tilespmem:v9+s23+$0x0], $0xffff  }
0x5dc: {  	v9 =	vld [tilespmem:$0x1FD50];
	_ =	sdelay $0x4  }
0x5dd: {  	v1 =	vor.u32 v9, v1  }
0x5de: {  	[tilespmem:s16+$0xFFFFFF80] =	vst v8;
	v8 =	vld [tilespmem:$0x1FD60];
	_ =	sdelay $0x3  }
0x5df: {  	v1 =	vld.idx.msk [tilespmem:v1+s23+$0x0], $0xffff  }
0x5e0: {  	v2 =	vor.u32 v8, v2  }
0x5e1: {  	v31 =	vmov v55;
	v55 =	vld [tilespmem:$0x1FD70];
	_ =	sdelay $0x2  }
0x5e2: {  	[tilespmem:s16+$0xFFFFFF90] =	vst v1  }
0x5e3: {  	v1 =	vld.idx.msk [tilespmem:v2+s23+$0x0], $0xffff  }
0x5e4: {  	v0 =	vor.u32 v55, v0  }
0x5e5: {  	v33 =	vmov v56;
	v56 =	vld [tilespmem:$0x1FD80];
	_ =	sdelay $0x2  }
0x5e6: {  	[tilespmem:s16+$0xFFFFFFA0] =	vst v1  }
0x5e7: {  	v0 =	vld.idx.msk [tilespmem:v0+s23+$0x0], $0xffff  }
0x5e8: {  	v1 =	vor.u32 v56, v3  }
0x5e9: {  	v58 =	vld [tilespmem:$0x1FD90];
	_ =	sdelay $0x2  }
0x5ea: {  	[tilespmem:s16+$0xFFFFFFB0] =	vst v0  }
0x5eb: {  	v0 =	vld.idx.msk [tilespmem:v1+s23+$0x0], $0xffff  }
0x5ec: {  	v1 =	vor.u32 v58, v4  }
0x5ed: {  	v60 =	vld [tilespmem:$0x1FDA0];
	_ =	sdelay $0x2  }
0x5ee: {  	[tilespmem:s16+$0xFFFFFFC0] =	vst v0  }
0x5ef: {  	v0 =	vld.idx.msk [tilespmem:v1+s23+$0x0], $0xffff  }
0x5f0: {  	v1 =	vor.u32 v60, v5  }
0x5f1: {  	v61 =	vld [tilespmem:$0x1FDB0];
	_ =	sdelay $0x2  }
0x5f2: {  	[tilespmem:s16+$0xFFFFFFD0] =	vst v0  }
0x5f3: {  	v0 =	vld.idx.msk [tilespmem:v1+s23+$0x0], $0xffff  }
0x5f4: {  	v1 =	vor.u32 v61, v6  }
0x5f5: {  	v57 =	vmov v59;
	v59 =	vmov v62;
	v62 =	vld [tilespmem:$0x1FDC0];
	_ =	sdelay $0x2  }
0x5f6: {  	[tilespmem:s16+$0xFFFFFFE0] =	vst v0  }
0x5f7: {  	v0 =	vld.idx.msk [tilespmem:v1+s23+$0x0], $0xffff  }
0x5f8: {  	v1 =	vor.u32 v62, v7;
	_ =	sdelay $0x3  }
0x5f9: {  	[tilespmem:s16+$0xFFFFFFF0] =	vst v0  }
0x5fa: {  	v0 =	vld.idx.msk [tilespmem:v1+s23+$0x0], $0xffff;
	_ =	sdelay $0x1  }
0x5fb: {  	s22 =	sshll.u32 s18, $0x12  }
0x5fc: {  	s7 =	sor.u32 s8, s22  }
0x5fd: {  	s7 =	sshrl.u32 s7, $0x3  }
0x5fe: {  	s22 =	simm.s32 $0xD300;
	s18 =	sadd.s32 s1, s7;
	[tilespmem:s16+$0x0] =	vst v0  }
0x5ff: {  	[hbm4b:s18+s3] =	stream.linear.scatter [tilespmem:s22], [sflag:$0x4], $0x400, $0x38;
	[tilespmem:$0xF300] =	vst v63  }
0x600: {  	s18 =	sadd.s32 s7, s9;
	s22 =	simm.s32 $0xD700  }
0x601: {  	[hbm4b:s18+s3] =	stream.linear.scatter [tilespmem:s22], [sflag:$0x4], $0x400, $0x38;
	[tilespmem:$0xF300] =	vst v63  }
0x602: {  	s22 =	sadd.s32 s7, s10  }
0x603: {  	[hbm4b:s22+s3] =	stream.linear.scatter [tilespmem:s25], [sflag:$0x4], $0x400, $0x38;
	[tilespmem:$0xF300] =	vst v63  }
0x604: {  	s18 =	sadd.s32 s7, s11  }
0x605: {  	[hbm4b:s18+s3] =	stream.linear.scatter [tilespmem:s26], [sflag:$0x4], $0x400, $0x38;
	[tilespmem:$0xF300] =	vst v63  }
0x606: {  	s22 =	sadd.s32 s7, s12  }
0x607: {  	[hbm4b:s22+s3] =	stream.linear.scatter [tilespmem:s28], [sflag:$0x4], $0x400, $0x38;
	[tilespmem:$0xF300] =	vst v63  }
0x608: {  	s18 =	sadd.s32 s7, s13  }
0x609: {  	[hbm4b:s18+s3] =	stream.linear.scatter [tilespmem:s29], [sflag:$0x4], $0x400, $0x38;
	[tilespmem:$0xF300] =	vst v63  }
.Ltmp5:
0x60a: {  	v25 =	vmov v63;
	v63 =	vld [tilespmem:$0x1FFA0];
	(pc) =	sbr.rel @p1 .LBB2_10-.Ltmp5, $4  }
0x60b: {  	v27 =	vld [tilespmem:$0x1FF60];
	s22 =	sadd.s32 s7, s14  }
0x60c: {  	v18 =	vmovc v41;
	v19 =	vmovc v42;
	v20 =	vmov v43;
	v21 =	vmov v44;
	v22 =	vmov v45;
	v28 =	vld [tilespmem:$0x1FF70];
	[hbm4b:s22+s3] =	stream.linear.scatter [tilespmem:s30], [sflag:$0x4], $0x400, $0x38  }
0x60d: {  	v23 =	vmovc v46;
	v24 =	vmovc v47;
	v16 =	vmov v54;
	v17 =	vmov v40;
	v10 =	vmov v48;
	v60 =	vld [tilespmem:$0x1FF80];
	s7 =	sadd.s32 s7, s15  }
0x60e: {  	v11 =	vmovc v49;
	v12 =	vmovc v50;
	v13 =	vmov v51;
	v14 =	vmov v52;
	v15 =	vmov v53;
	v62 =	vld [tilespmem:$0x1FF90];
	[hbm4b:s7+s3] =	stream.linear.scatter [tilespmem:s31], [sflag:$0x4], $0x400, $0x38  }
0x60f: {  	v34 =	vld [tilespmem:$0x1FEF0]  }
0x610: {  	v35 =	vld [tilespmem:$0x1FF00]  }
.Ltmp6:
0x611: {  	v36 =	vld [tilespmem:$0x1FF10];
	(pc) =	sbr.rel .LBB2_4-.Ltmp6, $4  }
0x612: {  	s7 =	sshll.u32 s2, $0x8;
	v26 =	vmov v32;
	v37 =	vld [tilespmem:$0x1FF20];
	v41 =	vmov v17  }
0x613: {  	v38 =	vld [tilespmem:$0x1FF30];
	v42 =	vmovc v18;
	v43 =	vmovc v19;
	v44 =	vmov v20;
	v45 =	vmov v21;
	v46 =	vmov v22;
	s7 =	sand.u32 $0x3FFFFF00, s7  }
0x614: {  	s2 =	sadd.s32 $0x1, s2;
	v39 =	vld [tilespmem:$0x1FF40];
	v47 =	vmovc v23;
	v48 =	vmovc v24;
	v49 =	vmov v10;
	v50 =	vmov v11;
	v51 =	vmov v12;
	s7 =	sadd.s32 $0x1A80, s7  }
0x615: {  	v40 =	vld [tilespmem:$0x1FF50];
	v52 =	vmovc v13;
	v53 =	vmovc v14;
	v54 =	vmov v15;
	v61 =	vmov v16;
	v32 =	vmov v31;
	[tilespmem:s23], [sflag:$0x2] =	stream.indirect.gather [hbm4b:s5+s17], $0x80, s7, s17, $0xb8  }
.LBB2_11:
0x616: {  	_ =	sfence.sel $0x180000  }
0x617: {  	[bflag:$0x0] =	sbarrier.arrive $0xFFFF  }
0x618: {  	_ =	strace $0x90000047  }
0x619: {  	s0 =	stileid.u32;
	[bflag:$0x2] =	sbarrier.arrive $0xFFFF  }
0x61a: {  	p0 =	sne.s32 s0, $0x0;
	s0 =	rddreg [dreg:$0x2]  }
0x61b: {  	s0 =	sadd.s32 @!p0 $0x100000, s0  }
0x61c: {  	[sflag:s0] =	ssyncadd.tile.s32 @!p0 $0x1;
	_ =	shalt  }
.Lfunc_end2:
_tile_overlayer_lowered:
.L_overlay_start_2:
0x61d: {  	(tag) =	ssettag $0x2  }
0x61e: {  	s0 =	rddreg [dreg:$0x0];
	s2 =	stileid.u32  }
0x61f: {  	s1 =	rddreg [dreg:$0x1];
	p0 =	sne.s32 s2, $0x0  }
0x620: {  	s3 =	rddreg [dreg:$0x2];
	[bflag:$0x3] =	sbarrier.arrive $0xFFFF;
	s2 =	simm.s32 @!p0 $0x1C05  }
0x621: {  	[timem:s3], [sflag:s2] =	dma.local @!p0 [hbm:s0], s1  }
0x622: {  	s0 =	simm.s32 @!p0 $0x5  }
0x623: {  	_ =	swait.ge @!p0 [sflag:s0], s1  }
0x624: {  	s1 =	ssub.s32 @!p0 $0x0, s1;
	[sflag:s0] =	ssyncset.done @!p0 $0x0  }
0x625: {  	[sflag:s0] =	ssyncadd.s32 @!p0 s1  }
0x626: {  	[bflag:$0x3] =	sbarrier.arrive $0xFFFF  }
0x627: {  	_ =	shalt  }

</sc_bundles>
